<compile_context>
chip_gen: v7x
topology: tpu7x:2x2x1
jax: 0.10.2.dev20260603
libtpu: 0.0.44.dev20260713+nightly
codegen_flags: <defaults>
</compile_context>

<pallas_src>
import functools

import jax
import jax.numpy as jnp
from jax import lax
from jax.experimental import pallas as pl
from jax.experimental.pallas import tpu as pltpu
from jax.experimental.pallas import tpu_sc as plsc

_NC = 26
_UPC = 126
_NU = _NC * _UPC
_CNT = 104
_DCAP = 2080


def _iota16():
    return lax.broadcasted_iota(jnp.int32, (16,), 0)


def _scan_set(buf, vals, dirty, g, ci, half, lo):
    ones = jnp.full((16,), 1.0, jnp.float32)

    def _it(i, cnt):
        for k in range(4):
            gi = half * 128 + i * 4 + k
            v = vals[ci, pl.ds(gi * 16, 16)]
            n16 = gi * 16 + _iota16()
            u = (v - lo).astype(jnp.uint32)
            hit = u < 16
            slot = (v >> 3) & 1
            m16 = (n16 >> 7) & 15
            s16 = v & 7
            l16 = n16 & 127
            plsc.store_scatter(buf, [2 * g + slot, m16, s16, l16], ones,
                               mask=hit)
            f16 = (slot << 14) | (m16 << 10) | (s16 << 7) | l16
            plsc.store_compressed(dirty.at[g, pl.ds(cnt, 16)], f16, mask=hit)
            cnt = cnt + plsc.all_reduce_population_count(hit)[0]
        return cnt

    return lax.fori_loop(0, 32, _it, jnp.int32(0))


def _clear(buf, dirty, g, cntg):
    zf = jnp.zeros((16,), jnp.float32)

    def _it(k, _):
        fv = dirty[g, pl.ds(k * 16, 16)]
        live = (k * 16 + _iota16()) < cntg
        plsc.store_scatter(
            buf,
            [2 * g + ((fv >> 14) & 1), (fv >> 10) & 15, (fv >> 7) & 7,
             fv & 127],
            zf, mask=live)
        return 0

    lax.fori_loop(0, (cntg + 15) >> 4, _it, 0)


def _sc_body(xt_hbm, out_hbm, vals, buf, dirty, sem0, sem1, sem2, sem3):
    wid = lax.axis_index("s") * 2 + lax.axis_index("c")
    base = (wid * (_NU - _CNT)) // 31
    c0 = base // _UPC
    c1 = jnp.minimum(c0 + 1, _NC - 1)

    stage0 = pltpu.async_copy(xt_hbm.at[c0], vals.at[0], sem0)
    stage1 = pltpu.async_copy(xt_hbm.at[c1], vals.at[1], sem1)

    def _zb(u, _):
        sl, m = u >> 4, u & 15
        for s in range(8):
            for l0 in range(0, 128, 16):
                buf[sl, m, s, pl.ds(l0, 16)] = jnp.zeros((16,), jnp.float32)
        return 0

    lax.fori_loop(0, 64, _zb, 0)
    stage0.wait()
    stage1.wait()

    def _zd(u, _):
        for g in range(2):
            dirty[g, pl.ds(u * 16, 16)] = jnp.zeros((16,), jnp.int32)
        return 0

    lax.fori_loop(0, _DCAP // 16, _zd, 0)

    sems = ((sem0, sem1), (sem2, sem3))

    def _locate(u):
        q = base + u
        c = q // _UPC
        r = q - c * _UPC
        tp = r >> 1
        return c, tp, r & 1

    def _fire(g, u):
        c, tp, half = _locate(u)
        cnt = _scan_set(buf, vals, dirty, g, c - c0, half, tp * 16)
        t0 = 2 * tp
        nt = 16 * half
        pltpu.async_copy(buf.at[2 * g], out_hbm.at[c, t0, pl.ds(nt, 16)],
                         sems[g][0])
        dummy = tp == 62
        @pl.when(jnp.logical_not(dummy))
        def _():
            pltpu.async_copy(buf.at[2 * g + 1],
                             out_hbm.at[c, t0 + 1, pl.ds(nt, 16)], sems[g][1])
        @pl.when(dummy)
        def _():
            pltpu.async_copy(buf.at[2 * g],
                             out_hbm.at[c, t0, pl.ds(nt, 16)], sems[g][1])
        return cnt

    cnt0 = _fire(0, 0)
    cnt1 = _fire(1, 1)

    def _dummy_win():
        return out_hbm.at[0, 0, pl.ds(0, 16)]

    def _pair(p, carry):
        new = list(carry)
        for g in range(2):
            u = 2 * p + g
            for s in range(2):
                pltpu.make_async_copy(
                    buf.at[2 * g + s], _dummy_win(), sems[g][s]).wait()
            _clear(buf, dirty, g, new[g])
            new[g] = _fire(g, u)
        return tuple(new)

    lax.fori_loop(1, _CNT // 2, _pair, (cnt0, cnt1))

    for g in range(2):
        for s in range(2):
            pltpu.make_async_copy(
                buf.at[2 * g + s], _dummy_win(), sems[g][s]).wait()


_sc_one_hot = functools.partial(
    pl.kernel,
    out_type=jax.ShapeDtypeStruct((_NC, 125, 32, 8, 128), jnp.float32),
    mesh=plsc.VectorSubcoreMesh(core_axis_name="c", subcore_axis_name="s"),
    scratch_types=[
        pltpu.VMEM((2, 4096), jnp.int32),
        pltpu.VMEM((4, 16, 8, 128), jnp.float32),
        pltpu.VMEM((2, _DCAP), jnp.int32),
        pltpu.SemaphoreType.DMA,
        pltpu.SemaphoreType.DMA,
        pltpu.SemaphoreType.DMA,
        pltpu.SemaphoreType.DMA,
    ],
    compiler_params=pltpu.CompilerParams(needs_layout_passes=False),
)(_sc_body)


def kernel(inputs):
    xt = inputs.astype(jnp.int32).T
    out5 = _sc_one_hot(xt)
    return out5.transpose(2, 4, 0, 1, 3).reshape(4096, 26, 1000)

# --- scband reference (transcript-rebuilt; emitter-appended) ---
"""Pipeline reference for scband-one-hot-encoder-19808389169744 (READ-ONLY COPY).

The authoritative reference and input builder live on the scoring server;
editing this copy changes nothing except your own understanding.
"""

import jax, jax.numpy as jnp
import numpy as np


def setup_inputs(seed: int = 0) -> dict:
    key = jax.random.key(seed)
    inputs = jax.random.randint(key, (4096, 26), 0, 1000, dtype=jnp.int64)
    return {"inputs": inputs}


def reference(inputs) -> jnp.ndarray:
    # Faithful translation of tf.one_hot(inputs, depth) with depth=1000.
    depth = 1000
    inputs = inputs.astype(jnp.int64)
    outputs = jax.nn.one_hot(inputs, depth, dtype=jnp.float32)
    return outputs

if __name__ == "__main__":
    import jax
    _d = setup_inputs()
    print(jax.jit(kernel)(*tuple(_d.values())))

</pallas_src>

<mosaic_0001>
#map = affine_map<(d0, d1) -> (0, 0)>
#map1 = affine_map<(d0, d1) -> (0, 0, 0, 0, 0)>
module attributes {stable_mosaic.version = 14 : i64} {
  func.func @_sc_body(%arg0: i32, %arg1: i32, %arg2: memref<26x4096xi32, #tpu.memory_space<hbm>>, %arg3: memref<26x125x32x8x128xf32, #tpu.memory_space<hbm>>, %arg4: memref<2x4096xi32, #tpu.memory_space<vmem>>, %arg5: memref<4x16x8x128xf32, #tpu.memory_space<vmem>>, %arg6: memref<2x2080xi32, #tpu.memory_space<vmem>>, %arg7: memref<!tpu.dma_semaphore, #tpu.memory_space<semaphore_mem>>, %arg8: memref<!tpu.dma_semaphore, #tpu.memory_space<semaphore_mem>>, %arg9: memref<!tpu.dma_semaphore, #tpu.memory_space<semaphore_mem>>, %arg10: memref<!tpu.dma_semaphore, #tpu.memory_space<semaphore_mem>>) attributes {dimension_semantics = [#tpu.dimension_semantics<core_parallel>, #tpu.dimension_semantics<subcore_parallel>], iteration_bounds = array<i64: 2, 16>, scalar_prefetch = 0 : i64, scratch_operands = 7 : i64, tpu.core_type = #tpu.core_type<sc_vector_subcore>, window_params = [{transform_indices = #map}, {transform_indices = #map1}]} {
    %mul3A = arith.constant 2 : i32
    %mul3A_0 = arith.muli %arg1, %mul3A : i32
    %add3A = arith.addi %mul3A_0, %arg0 : i32
    %mul3A_1 = arith.constant 3172 : i32
    %mul3A_2 = arith.muli %add3A, %mul3A_1 : i32
    %jit3A = arith.constant 31 : i32
    %div3A = arith.divsi %mul3A_2, %jit3A : i32
    %sign3A = arith.constant 0 : i32
    %sign3A_3 = arith.cmpi sgt, %mul3A_2, %sign3A : i32
    %sign3A_4 = arith.extui %sign3A_3 : i1 to i32
    %sign3A_5 = arith.constant 0 : i32
    %sign3A_6 = arith.cmpi slt, %mul3A_2, %sign3A_5 : i32
    %sign3A_7 = arith.extui %sign3A_6 : i1 to i32
    %sign3A_8 = arith.subi %sign3A_4, %sign3A_7 : i32
    %sign3A_9 = arith.constant 0 : i32
    %sign3A_10 = arith.cmpi sgt, %jit3A, %sign3A_9 : i32
    %sign3A_11 = arith.extui %sign3A_10 : i1 to i32
    %sign3A_12 = arith.constant 0 : i32
    %sign3A_13 = arith.cmpi slt, %jit3A, %sign3A_12 : i32
    %sign3A_14 = arith.extui %sign3A_13 : i1 to i32
    %sign3A_15 = arith.subi %sign3A_11, %sign3A_14 : i32
    %ne3A = arith.cmpi ne, %sign3A_8, %sign3A_15 : i32
    %rem3A = arith.remsi %mul3A_2, %jit3A : i32
    %ne3A_16 = arith.constant 0 : i32
    %ne3A_17 = arith.cmpi ne, %rem3A, %ne3A_16 : i32
    %and3A = arith.andi %ne3A, %ne3A_17 : i1
    %sub3A = arith.constant 1 : i32
    %sub3A_18 = arith.subi %div3A, %sub3A : i32
    %select_n3A = arith.select %and3A, %sub3A_18, %div3A : i32
    %jit3A_19 = arith.constant 126 : i32
    %div3A_20 = arith.divsi %select_n3A, %jit3A_19 : i32
    %sign3A_21 = arith.constant 0 : i32
    %sign3A_22 = arith.cmpi sgt, %select_n3A, %sign3A_21 : i32
    %sign3A_23 = arith.extui %sign3A_22 : i1 to i32
    %sign3A_24 = arith.constant 0 : i32
    %sign3A_25 = arith.cmpi slt, %select_n3A, %sign3A_24 : i32
    %sign3A_26 = arith.extui %sign3A_25 : i1 to i32
    %sign3A_27 = arith.subi %sign3A_23, %sign3A_26 : i32
    %sign3A_28 = arith.constant 0 : i32
    %sign3A_29 = arith.cmpi sgt, %jit3A_19, %sign3A_28 : i32
    %sign3A_30 = arith.extui %sign3A_29 : i1 to i32
    %sign3A_31 = arith.constant 0 : i32
    %sign3A_32 = arith.cmpi slt, %jit3A_19, %sign3A_31 : i32
    %sign3A_33 = arith.extui %sign3A_32 : i1 to i32
    %sign3A_34 = arith.subi %sign3A_30, %sign3A_33 : i32
    %ne3A_35 = arith.cmpi ne, %sign3A_27, %sign3A_34 : i32
    %rem3A_36 = arith.remsi %select_n3A, %jit3A_19 : i32
    %ne3A_37 = arith.constant 0 : i32
    %ne3A_38 = arith.cmpi ne, %rem3A_36, %ne3A_37 : i32
    %and3A_39 = arith.andi %ne3A_35, %ne3A_38 : i1
    %sub3A_40 = arith.constant 1 : i32
    %sub3A_41 = arith.subi %div3A_20, %sub3A_40 : i32
    %select_n3A_42 = arith.select %and3A_39, %sub3A_41, %div3A_20 : i32
    %add3A_43 = arith.constant 1 : i32
    %add3A_44 = arith.addi %select_n3A_42, %add3A_43 : i32
    %min3A = arith.constant 25 : i32
    %min3A_45 = arith.minsi %add3A_44, %min3A : i32
    %dma_start3A = arith.constant 0 : i32
    %dma_start3A_46 = arith.constant 0 : i32
    %dma_start3A_47 = tpu.memref_slice %arg4[%dma_start3A, %dma_start3A_46] : memref<2x4096xi32, #tpu.memory_space<vmem>> -> memref<1x4096xi32, #tpu.memory_space<vmem>>
    %dma_start3A_48 = tpu.memref_squeeze %dma_start3A_47 : memref<1x4096xi32, #tpu.memory_space<vmem>> -> memref<4096xi32, #tpu.memory_space<vmem>>
    %dma_start3A_49 = arith.constant 0 : i32
    %dma_start3A_50 = tpu.memref_slice %arg2[%select_n3A_42, %dma_start3A_49] : memref<26x4096xi32, #tpu.memory_space<hbm>> -> memref<1x4096xi32, #tpu.memory_space<hbm>>
    %dma_start3A_51 = tpu.memref_squeeze %dma_start3A_50 : memref<1x4096xi32, #tpu.memory_space<hbm>> -> memref<4096xi32, #tpu.memory_space<hbm>>
    %dma_start3A_52 = arith.constant 0 : i32
    %dma_start3A_53 = tpu.memref_slice %arg4[%dma_start3A, %dma_start3A_52] : memref<2x4096xi32, #tpu.memory_space<vmem>> -> memref<1x4096xi32, #tpu.memory_space<vmem>>
    %dma_start3A_54 = tpu.memref_squeeze %dma_start3A_53 : memref<1x4096xi32, #tpu.memory_space<vmem>> -> memref<4096xi32, #tpu.memory_space<vmem>>
    %dma_start3A_55 = arith.constant 0 : i32
    %dma_start3A_56 = tpu.memref_slice %arg2[%select_n3A_42, %dma_start3A_55] : memref<26x4096xi32, #tpu.memory_space<hbm>> -> memref<1x4096xi32, #tpu.memory_space<hbm>>
    %dma_start3A_57 = tpu.memref_squeeze %dma_start3A_56 : memref<1x4096xi32, #tpu.memory_space<hbm>> -> memref<4096xi32, #tpu.memory_space<hbm>>
    tpu.enqueue_dma source(%dma_start3A_57 : memref<4096xi32, #tpu.memory_space<hbm>>) target(%dma_start3A_54 : memref<4096xi32, #tpu.memory_space<vmem>>) target_semaphore(%arg7 : memref<!tpu.dma_semaphore, #tpu.memory_space<semaphore_mem>>)
    %dma_start3A_58 = arith.constant 1 : i32
    %dma_start3A_59 = arith.constant 0 : i32
    %dma_start3A_60 = tpu.memref_slice %arg4[%dma_start3A_58, %dma_start3A_59] : memref<2x4096xi32, #tpu.memory_space<vmem>> -> memref<1x4096xi32, #tpu.memory_space<vmem>>
    %dma_start3A_61 = tpu.memref_squeeze %dma_start3A_60 : memref<1x4096xi32, #tpu.memory_space<vmem>> -> memref<4096xi32, #tpu.memory_space<vmem>>
    %dma_start3A_62 = arith.constant 0 : i32
    %dma_start3A_63 = tpu.memref_slice %arg2[%min3A_45, %dma_start3A_62] : memref<26x4096xi32, #tpu.memory_space<hbm>> -> memref<1x4096xi32, #tpu.memory_space<hbm>>
    %dma_start3A_64 = tpu.memref_squeeze %dma_start3A_63 : memref<1x4096xi32, #tpu.memory_space<hbm>> -> memref<4096xi32, #tpu.memory_space<hbm>>
    %dma_start3A_65 = arith.constant 0 : i32
    %dma_start3A_66 = tpu.memref_slice %arg4[%dma_start3A_58, %dma_start3A_65] : memref<2x4096xi32, #tpu.memory_space<vmem>> -> memref<1x4096xi32, #tpu.memory_space<vmem>>
    %dma_start3A_67 = tpu.memref_squeeze %dma_start3A_66 : memref<1x4096xi32, #tpu.memory_space<vmem>> -> memref<4096xi32, #tpu.memory_space<vmem>>
    %dma_start3A_68 = arith.constant 0 : i32
    %dma_start3A_69 = tpu.memref_slice %arg2[%min3A_45, %dma_start3A_68] : memref<26x4096xi32, #tpu.memory_space<hbm>> -> memref<1x4096xi32, #tpu.memory_space<hbm>>
    %dma_start3A_70 = tpu.memref_squeeze %dma_start3A_69 : memref<1x4096xi32, #tpu.memory_space<hbm>> -> memref<4096xi32, #tpu.memory_space<hbm>>
    tpu.enqueue_dma source(%dma_start3A_70 : memref<4096xi32, #tpu.memory_space<hbm>>) target(%dma_start3A_67 : memref<4096xi32, #tpu.memory_space<vmem>>) target_semaphore(%arg8 : memref<!tpu.dma_semaphore, #tpu.memory_space<semaphore_mem>>)
    %scan3A = arith.constant 0 : i32
    %scan3A_71 = arith.constant 0 : i32
    %scan3A_72 = arith.constant 64 : i32
    %scan3A_73 = arith.addi %scan3A_71, %scan3A_72 : i32
    %scan3A_74 = arith.constant 1 : i32
    %scan3A_75 = scf.for %scan3A_357 = %scan3A_71 to %scan3A_73 step %scan3A_74 iter_args(%scan3A_358 = %scan3A) -> (i32)  : i32 {
      %shift_right_arithmetic3A_359 = arith.constant 4 : i32
      %shift_right_arithmetic3A_360 = arith.shrsi %scan3A_357, %shift_right_arithmetic3A_359 : i32
      %and3A_361 = arith.constant 15 : i32
      %and3A_362 = arith.andi %scan3A_357, %and3A_361 : i32
      %broadcast_in_dim3A_363 = arith.constant 0.000000e+00 : f32
      %broadcast_in_dim3A_364 = vector.broadcast %broadcast_in_dim3A_363 : f32 to vector<16xf32>
      %swap3A = arith.constant 0 : i32
      %swap3A_365 = arith.index_cast %shift_right_arithmetic3A_360 : i32 to index
      %swap3A_366 = arith.index_cast %and3A_362 : i32 to index
      %swap3A_367 = arith.index_cast %swap3A : i32 to index
      %swap3A_368 = arith.constant 0 : index
      %swap3A_369 = tpu.vector_load %arg5[%swap3A_365, %swap3A_366, %swap3A_367, %swap3A_368] {strides = array<i32>} : memref<4x16x8x128xf32, #tpu.memory_space<vmem>>, vector<16xf32>,
      tpu.vector_store %arg5[%swap3A_365, %swap3A_366, %swap3A_367, %swap3A_368], %broadcast_in_dim3A_364 {strides = array<i32>} : memref<4x16x8x128xf32, #tpu.memory_space<vmem>>, vector<16xf32>,
      %broadcast_in_dim3A_370 = arith.constant 0.000000e+00 : f32
      %broadcast_in_dim3A_371 = vector.broadcast %broadcast_in_dim3A_370 : f32 to vector<16xf32>
      %swap3A_372 = arith.constant 0 : i32
      %swap3A_373 = arith.index_cast %shift_right_arithmetic3A_360 : i32 to index
      %swap3A_374 = arith.index_cast %and3A_362 : i32 to index
      %swap3A_375 = arith.index_cast %swap3A_372 : i32 to index
      %swap3A_376 = arith.constant 16 : index
      %swap3A_377 = tpu.vector_load %arg5[%swap3A_373, %swap3A_374, %swap3A_375, %swap3A_376] {strides = array<i32>} : memref<4x16x8x128xf32, #tpu.memory_space<vmem>>, vector<16xf32>,
      tpu.vector_store %arg5[%swap3A_373, %swap3A_374, %swap3A_375, %swap3A_376], %broadcast_in_dim3A_371 {strides = array<i32>} : memref<4x16x8x128xf32, #tpu.memory_space<vmem>>, vector<16xf32>,
      %broadcast_in_dim3A_378 = arith.constant 0.000000e+00 : f32
      %broadcast_in_dim3A_379 = vector.broadcast %broadcast_in_dim3A_378 : f32 to vector<16xf32>
      %swap3A_380 = arith.constant 0 : i32
      %swap3A_381 = arith.index_cast %shift_right_arithmetic3A_360 : i32 to index
      %swap3A_382 = arith.index_cast %and3A_362 : i32 to index
      %swap3A_383 = arith.index_cast %swap3A_380 : i32 to index
      %swap3A_384 = arith.constant 32 : index
      %swap3A_385 = tpu.vector_load %arg5[%swap3A_381, %swap3A_382, %swap3A_383, %swap3A_384] {strides = array<i32>} : memref<4x16x8x128xf32, #tpu.memory_space<vmem>>, vector<16xf32>,
      tpu.vector_store %arg5[%swap3A_381, %swap3A_382, %swap3A_383, %swap3A_384], %broadcast_in_dim3A_379 {strides = array<i32>} : memref<4x16x8x128xf32, #tpu.memory_space<vmem>>, vector<16xf32>,
      %broadcast_in_dim3A_386 = arith.constant 0.000000e+00 : f32
      %broadcast_in_dim3A_387 = vector.broadcast %broadcast_in_dim3A_386 : f32 to vector<16xf32>
      %swap3A_388 = arith.constant 0 : i32
      %swap3A_389 = arith.index_cast %shift_right_arithmetic3A_360 : i32 to index
      %swap3A_390 = arith.index_cast %and3A_362 : i32 to index
      %swap3A_391 = arith.index_cast %swap3A_388 : i32 to index
      %swap3A_392 = arith.constant 48 : index
      %swap3A_393 = tpu.vector_load %arg5[%swap3A_389, %swap3A_390, %swap3A_391, %swap3A_392] {strides = array<i32>} : memref<4x16x8x128xf32, #tpu.memory_space<vmem>>, vector<16xf32>,
      tpu.vector_store %arg5[%swap3A_389, %swap3A_390, %swap3A_391, %swap3A_392], %broadcast_in_dim3A_387 {strides = array<i32>} : memref<4x16x8x128xf32, #tpu.memory_space<vmem>>, vector<16xf32>,
      %broadcast_in_dim3A_394 = arith.constant 0.000000e+00 : f32
      %broadcast_in_dim3A_395 = vector.broadcast %broadcast_in_dim3A_394 : f32 to vector<16xf32>
      %swap3A_396 = arith.constant 0 : i32
      %swap3A_397 = arith.index_cast %shift_right_arithmetic3A_360 : i32 to index
      %swap3A_398 = arith.index_cast %and3A_362 : i32 to index
      %swap3A_399 = arith.index_cast %swap3A_396 : i32 to index
      %swap3A_400 = arith.constant 64 : index
      %swap3A_401 = tpu.vector_load %arg5[%swap3A_397, %swap3A_398, %swap3A_399, %swap3A_400] {strides = array<i32>} : memref<4x16x8x128xf32, #tpu.memory_space<vmem>>, vector<16xf32>,
      tpu.vector_store %arg5[%swap3A_397, %swap3A_398, %swap3A_399, %swap3A_400], %broadcast_in_dim3A_395 {strides = array<i32>} : memref<4x16x8x128xf32, #tpu.memory_space<vmem>>, vector<16xf32>,
      %broadcast_in_dim3A_402 = arith.constant 0.000000e+00 : f32
      %broadcast_in_dim3A_403 = vector.broadcast %broadcast_in_dim3A_402 : f32 to vector<16xf32>
      %swap3A_404 = arith.constant 0 : i32
      %swap3A_405 = arith.index_cast %shift_right_arithmetic3A_360 : i32 to index
      %swap3A_406 = arith.index_cast %and3A_362 : i32 to index
      %swap3A_407 = arith.index_cast %swap3A_404 : i32 to index
      %swap3A_408 = arith.constant 80 : index
      %swap3A_409 = tpu.vector_load %arg5[%swap3A_405, %swap3A_406, %swap3A_407, %swap3A_408] {strides = array<i32>} : memref<4x16x8x128xf32, #tpu.memory_space<vmem>>, vector<16xf32>,
      tpu.vector_store %arg5[%swap3A_405, %swap3A_406, %swap3A_407, %swap3A_408], %broadcast_in_dim3A_403 {strides = array<i32>} : memref<4x16x8x128xf32, #tpu.memory_space<vmem>>, vector<16xf32>,
      %broadcast_in_dim3A_410 = arith.constant 0.000000e+00 : f32
      %broadcast_in_dim3A_411 = vector.broadcast %broadcast_in_dim3A_410 : f32 to vector<16xf32>
      %swap3A_412 = arith.constant 0 : i32
      %swap3A_413 = arith.index_cast %shift_right_arithmetic3A_360 : i32 to index
      %swap3A_414 = arith.index_cast %and3A_362 : i32 to index
      %swap3A_415 = arith.index_cast %swap3A_412 : i32 to index
      %swap3A_416 = arith.constant 96 : index
      %swap3A_417 = tpu.vector_load %arg5[%swap3A_413, %swap3A_414, %swap3A_415, %swap3A_416] {strides = array<i32>} : memref<4x16x8x128xf32, #tpu.memory_space<vmem>>, vector<16xf32>,
      tpu.vector_store %arg5[%swap3A_413, %swap3A_414, %swap3A_415, %swap3A_416], %broadcast_in_dim3A_411 {strides = array<i32>} : memref<4x16x8x128xf32, #tpu.memory_space<vmem>>, vector<16xf32>,
      %broadcast_in_dim3A_418 = arith.constant 0.000000e+00 : f32
      %broadcast_in_dim3A_419 = vector.broadcast %broadcast_in_dim3A_418 : f32 to vector<16xf32>
      %swap3A_420 = arith.constant 0 : i32
      %swap3A_421 = arith.index_cast %shift_right_arithmetic3A_360 : i32 to index
      %swap3A_422 = arith.index_cast %and3A_362 : i32 to index
      %swap3A_423 = arith.index_cast %swap3A_420 : i32 to index
      %swap3A_424 = arith.constant 112 : index
      %swap3A_425 = tpu.vector_load %arg5[%swap3A_421, %swap3A_422, %swap3A_423, %swap3A_424] {strides = array<i32>} : memref<4x16x8x128xf32, #tpu.memory_space<vmem>>, vector<16xf32>,
      tpu.vector_store %arg5[%swap3A_421, %swap3A_422, %swap3A_423, %swap3A_424], %broadcast_in_dim3A_419 {strides = array<i32>} : memref<4x16x8x128xf32, #tpu.memory_space<vmem>>, vector<16xf32>,
      %broadcast_in_dim3A_426 = arith.constant 0.000000e+00 : f32
      %broadcast_in_dim3A_427 = vector.broadcast %broadcast_in_dim3A_426 : f32 to vector<16xf32>
      %swap3A_428 = arith.constant 1 : i32
      %swap3A_429 = arith.index_cast %shift_right_arithmetic3A_360 : i32 to index
      %swap3A_430 = arith.index_cast %and3A_362 : i32 to index
      %swap3A_431 = arith.index_cast %swap3A_428 : i32 to index
      %swap3A_432 = arith.constant 0 : index
      %swap3A_433 = tpu.vector_load %arg5[%swap3A_429, %swap3A_430, %swap3A_431, %swap3A_432] {strides = array<i32>} : memref<4x16x8x128xf32, #tpu.memory_space<vmem>>, vector<16xf32>,
      tpu.vector_store %arg5[%swap3A_429, %swap3A_430, %swap3A_431, %swap3A_432], %broadcast_in_dim3A_427 {strides = array<i32>} : memref<4x16x8x128xf32, #tpu.memory_space<vmem>>, vector<16xf32>,
      %broadcast_in_dim3A_434 = arith.constant 0.000000e+00 : f32
      %broadcast_in_dim3A_435 = vector.broadcast %broadcast_in_dim3A_434 : f32 to vector<16xf32>
      %swap3A_436 = arith.constant 1 : i32
      %swap3A_437 = arith.index_cast %shift_right_arithmetic3A_360 : i32 to index
      %swap3A_438 = arith.index_cast %and3A_362 : i32 to index
      %swap3A_439 = arith.index_cast %swap3A_436 : i32 to index
      %swap3A_440 = arith.constant 16 : index
      %swap3A_441 = tpu.vector_load %arg5[%swap3A_437, %swap3A_438, %swap3A_439, %swap3A_440] {strides = array<i32>} : memref<4x16x8x128xf32, #tpu.memory_space<vmem>>, vector<16xf32>,
      tpu.vector_store %arg5[%swap3A_437, %swap3A_438, %swap3A_439, %swap3A_440], %broadcast_in_dim3A_435 {strides = array<i32>} : memref<4x16x8x128xf32, #tpu.memory_space<vmem>>, vector<16xf32>,
      %broadcast_in_dim3A_442 = arith.constant 0.000000e+00 : f32
      %broadcast_in_dim3A_443 = vector.broadcast %broadcast_in_dim3A_442 : f32 to vector<16xf32>
      %swap3A_444 = arith.constant 1 : i32
      %swap3A_445 = arith.index_cast %shift_right_arithmetic3A_360 : i32 to index
      %swap3A_446 = arith.index_cast %and3A_362 : i32 to index
      %swap3A_447 = arith.index_cast %swap3A_444 : i32 to index
      %swap3A_448 = arith.constant 32 : index
      %swap3A_449 = tpu.vector_load %arg5[%swap3A_445, %swap3A_446, %swap3A_447, %swap3A_448] {strides = array<i32>} : memref<4x16x8x128xf32, #tpu.memory_space<vmem>>, vector<16xf32>,
      tpu.vector_store %arg5[%swap3A_445, %swap3A_446, %swap3A_447, %swap3A_448], %broadcast_in_dim3A_443 {strides = array<i32>} : memref<4x16x8x128xf32, #tpu.memory_space<vmem>>, vector<16xf32>,
      %broadcast_in_dim3A_450 = arith.constant 0.000000e+00 : f32
      %broadcast_in_dim3A_451 = vector.broadcast %broadcast_in_dim3A_450 : f32 to vector<16xf32>
      %swap3A_452 = arith.constant 1 : i32
      %swap3A_453 = arith.index_cast %shift_right_arithmetic3A_360 : i32 to index
      %swap3A_454 = arith.index_cast %and3A_362 : i32 to index
      %swap3A_455 = arith.index_cast %swap3A_452 : i32 to index
      %swap3A_456 = arith.constant 48 : index
      %swap3A_457 = tpu.vector_load %arg5[%swap3A_453, %swap3A_454, %swap3A_455, %swap3A_456] {strides = array<i32>} : memref<4x16x8x128xf32, #tpu.memory_space<vmem>>, vector<16xf32>,
      tpu.vector_store %arg5[%swap3A_453, %swap3A_454, %swap3A_455, %swap3A_456], %broadcast_in_dim3A_451 {strides = array<i32>} : memref<4x16x8x128xf32, #tpu.memory_space<vmem>>, vector<16xf32>,
      %broadcast_in_dim3A_458 = arith.constant 0.000000e+00 : f32
      %broadcast_in_dim3A_459 = vector.broadcast %broadcast_in_dim3A_458 : f32 to vector<16xf32>
      %swap3A_460 = arith.constant 1 : i32
      %swap3A_461 = arith.index_cast %shift_right_arithmetic3A_360 : i32 to index
      %swap3A_462 = arith.index_cast %and3A_362 : i32 to index
      %swap3A_463 = arith.index_cast %swap3A_460 : i32 to index
      %swap3A_464 = arith.constant 64 : index
      %swap3A_465 = tpu.vector_load %arg5[%swap3A_461, %swap3A_462, %swap3A_463, %swap3A_464] {strides = array<i32>} : memref<4x16x8x128xf32, #tpu.memory_space<vmem>>, vector<16xf32>,
      tpu.vector_store %arg5[%swap3A_461, %swap3A_462, %swap3A_463, %swap3A_464], %broadcast_in_dim3A_459 {strides = array<i32>} : memref<4x16x8x128xf32, #tpu.memory_space<vmem>>, vector<16xf32>,
      %broadcast_in_dim3A_466 = arith.constant 0.000000e+00 : f32
      %broadcast_in_dim3A_467 = vector.broadcast %broadcast_in_dim3A_466 : f32 to vector<16xf32>
      %swap3A_468 = arith.constant 1 : i32
      %swap3A_469 = arith.index_cast %shift_right_arithmetic3A_360 : i32 to index
      %swap3A_470 = arith.index_cast %and3A_362 : i32 to index
      %swap3A_471 = arith.index_cast %swap3A_468 : i32 to index
      %swap3A_472 = arith.constant 80 : index
      %swap3A_473 = tpu.vector_load %arg5[%swap3A_469, %swap3A_470, %swap3A_471, %swap3A_472] {strides = array<i32>} : memref<4x16x8x128xf32, #tpu.memory_space<vmem>>, vector<16xf32>,
      tpu.vector_store %arg5[%swap3A_469, %swap3A_470, %swap3A_471, %swap3A_472], %broadcast_in_dim3A_467 {strides = array<i32>} : memref<4x16x8x128xf32, #tpu.memory_space<vmem>>, vector<16xf32>,
      %broadcast_in_dim3A_474 = arith.constant 0.000000e+00 : f32
      %broadcast_in_dim3A_475 = vector.broadcast %broadcast_in_dim3A_474 : f32 to vector<16xf32>
      %swap3A_476 = arith.constant 1 : i32
      %swap3A_477 = arith.index_cast %shift_right_arithmetic3A_360 : i32 to index
      %swap3A_478 = arith.index_cast %and3A_362 : i32 to index
      %swap3A_479 = arith.index_cast %swap3A_476 : i32 to index
      %swap3A_480 = arith.constant 96 : index
      %swap3A_481 = tpu.vector_load %arg5[%swap3A_477, %swap3A_478, %swap3A_479, %swap3A_480] {strides = array<i32>} : memref<4x16x8x128xf32, #tpu.memory_space<vmem>>, vector<16xf32>,
      tpu.vector_store %arg5[%swap3A_477, %swap3A_478, %swap3A_479, %swap3A_480], %broadcast_in_dim3A_475 {strides = array<i32>} : memref<4x16x8x128xf32, #tpu.memory_space<vmem>>, vector<16xf32>,
      %broadcast_in_dim3A_482 = arith.constant 0.000000e+00 : f32
      %broadcast_in_dim3A_483 = vector.broadcast %broadcast_in_dim3A_482 : f32 to vector<16xf32>
      %swap3A_484 = arith.constant 1 : i32
      %swap3A_485 = arith.index_cast %shift_right_arithmetic3A_360 : i32 to index
      %swap3A_486 = arith.index_cast %and3A_362 : i32 to index
      %swap3A_487 = arith.index_cast %swap3A_484 : i32 to index
      %swap3A_488 = arith.constant 112 : index
      %swap3A_489 = tpu.vector_load %arg5[%swap3A_485, %swap3A_486, %swap3A_487, %swap3A_488] {strides = array<i32>} : memref<4x16x8x128xf32, #tpu.memory_space<vmem>>, vector<16xf32>,
      tpu.vector_store %arg5[%swap3A_485, %swap3A_486, %swap3A_487, %swap3A_488], %broadcast_in_dim3A_483 {strides = array<i32>} : memref<4x16x8x128xf32, #tpu.memory_space<vmem>>, vector<16xf32>,
      %broadcast_in_dim3A_490 = arith.constant 0.000000e+00 : f32
      %broadcast_in_dim3A_491 = vector.broadcast %broadcast_in_dim3A_490 : f32 to vector<16xf32>
      %swap3A_492 = arith.constant 2 : i32
      %swap3A_493 = arith.index_cast %shift_right_arithmetic3A_360 : i32 to index
      %swap3A_494 = arith.index_cast %and3A_362 : i32 to index
      %swap3A_495 = arith.index_cast %swap3A_492 : i32 to index
      %swap3A_496 = arith.constant 0 : index
      %swap3A_497 = tpu.vector_load %arg5[%swap3A_493, %swap3A_494, %swap3A_495, %swap3A_496] {strides = array<i32>} : memref<4x16x8x128xf32, #tpu.memory_space<vmem>>, vector<16xf32>,
      tpu.vector_store %arg5[%swap3A_493, %swap3A_494, %swap3A_495, %swap3A_496], %broadcast_in_dim3A_491 {strides = array<i32>} : memref<4x16x8x128xf32, #tpu.memory_space<vmem>>, vector<16xf32>,
      %broadcast_in_dim3A_498 = arith.constant 0.000000e+00 : f32
      %broadcast_in_dim3A_499 = vector.broadcast %broadcast_in_dim3A_498 : f32 to vector<16xf32>
      %swap3A_500 = arith.constant 2 : i32
      %swap3A_501 = arith.index_cast %shift_right_arithmetic3A_360 : i32 to index
      %swap3A_502 = arith.index_cast %and3A_362 : i32 to index
      %swap3A_503 = arith.index_cast %swap3A_500 : i32 to index
      %swap3A_504 = arith.constant 16 : index
      %swap3A_505 = tpu.vector_load %arg5[%swap3A_501, %swap3A_502, %swap3A_503, %swap3A_504] {strides = array<i32>} : memref<4x16x8x128xf32, #tpu.memory_space<vmem>>, vector<16xf32>,
      tpu.vector_store %arg5[%swap3A_501, %swap3A_502, %swap3A_503, %swap3A_504], %broadcast_in_dim3A_499 {strides = array<i32>} : memref<4x16x8x128xf32, #tpu.memory_space<vmem>>, vector<16xf32>,
      %broadcast_in_dim3A_506 = arith.constant 0.000000e+00 : f32
      %broadcast_in_dim3A_507 = vector.broadcast %broadcast_in_dim3A_506 : f32 to vector<16xf32>
      %swap3A_508 = arith.constant 2 : i32
      %swap3A_509 = arith.index_cast %shift_right_arithmetic3A_360 : i32 to index
      %swap3A_510 = arith.index_cast %and3A_362 : i32 to index
      %swap3A_511 = arith.index_cast %swap3A_508 : i32 to index
      %swap3A_512 = arith.constant 32 : index
      %swap3A_513 = tpu.vector_load %arg5[%swap3A_509, %swap3A_510, %swap3A_511, %swap3A_512] {strides = array<i32>} : memref<4x16x8x128xf32, #tpu.memory_space<vmem>>, vector<16xf32>,
      tpu.vector_store %arg5[%swap3A_509, %swap3A_510, %swap3A_511, %swap3A_512], %broadcast_in_dim3A_507 {strides = array<i32>} : memref<4x16x8x128xf32, #tpu.memory_space<vmem>>, vector<16xf32>,
      %broadcast_in_dim3A_514 = arith.constant 0.000000e+00 : f32
      %broadcast_in_dim3A_515 = vector.broadcast %broadcast_in_dim3A_514 : f32 to vector<16xf32>
      %swap3A_516 = arith.constant 2 : i32
      %swap3A_517 = arith.index_cast %shift_right_arithmetic3A_360 : i32 to index
      %swap3A_518 = arith.index_cast %and3A_362 : i32 to index
      %swap3A_519 = arith.index_cast %swap3A_516 : i32 to index
      %swap3A_520 = arith.constant 48 : index
      %swap3A_521 = tpu.vector_load %arg5[%swap3A_517, %swap3A_518, %swap3A_519, %swap3A_520] {strides = array<i32>} : memref<4x16x8x128xf32, #tpu.memory_space<vmem>>, vector<16xf32>,
      tpu.vector_store %arg5[%swap3A_517, %swap3A_518, %swap3A_519, %swap3A_520], %broadcast_in_dim3A_515 {strides = array<i32>} : memref<4x16x8x128xf32, #tpu.memory_space<vmem>>, vector<16xf32>,
      %broadcast_in_dim3A_522 = arith.constant 0.000000e+00 : f32
      %broadcast_in_dim3A_523 = vector.broadcast %broadcast_in_dim3A_522 : f32 to vector<16xf32>
      %swap3A_524 = arith.constant 2 : i32
      %swap3A_525 = arith.index_cast %shift_right_arithmetic3A_360 : i32 to index
      %swap3A_526 = arith.index_cast %and3A_362 : i32 to index
      %swap3A_527 = arith.index_cast %swap3A_524 : i32 to index
      %swap3A_528 = arith.constant 64 : index
      %swap3A_529 = tpu.vector_load %arg5[%swap3A_525, %swap3A_526, %swap3A_527, %swap3A_528] {strides = array<i32>} : memref<4x16x8x128xf32, #tpu.memory_space<vmem>>, vector<16xf32>,
      tpu.vector_store %arg5[%swap3A_525, %swap3A_526, %swap3A_527, %swap3A_528], %broadcast_in_dim3A_523 {strides = array<i32>} : memref<4x16x8x128xf32, #tpu.memory_space<vmem>>, vector<16xf32>,
      %broadcast_in_dim3A_530 = arith.constant 0.000000e+00 : f32
      %broadcast_in_dim3A_531 = vector.broadcast %broadcast_in_dim3A_530 : f32 to vector<16xf32>
      %swap3A_532 = arith.constant 2 : i32
      %swap3A_533 = arith.index_cast %shift_right_arithmetic3A_360 : i32 to index
      %swap3A_534 = arith.index_cast %and3A_362 : i32 to index
      %swap3A_535 = arith.index_cast %swap3A_532 : i32 to index
      %swap3A_536 = arith.constant 80 : index
      %swap3A_537 = tpu.vector_load %arg5[%swap3A_533, %swap3A_534, %swap3A_535, %swap3A_536] {strides = array<i32>} : memref<4x16x8x128xf32, #tpu.memory_space<vmem>>, vector<16xf32>,
      tpu.vector_store %arg5[%swap3A_533, %swap3A_534, %swap3A_535, %swap3A_536], %broadcast_in_dim3A_531 {strides = array<i32>} : memref<4x16x8x128xf32, #tpu.memory_space<vmem>>, vector<16xf32>,
      %broadcast_in_dim3A_538 = arith.constant 0.000000e+00 : f32
      %broadcast_in_dim3A_539 = vector.broadcast %broadcast_in_dim3A_538 : f32 to vector<16xf32>
      %swap3A_540 = arith.constant 2 : i32
      %swap3A_541 = arith.index_cast %shift_right_arithmetic3A_360 : i32 to index
      %swap3A_542 = arith.index_cast %and3A_362 : i32 to index
      %swap3A_543 = arith.index_cast %swap3A_540 : i32 to index
      %swap3A_544 = arith.constant 96 : index
      %swap3A_545 = tpu.vector_load %arg5[%swap3A_541, %swap3A_542, %swap3A_543, %swap3A_544] {strides = array<i32>} : memref<4x16x8x128xf32, #tpu.memory_space<vmem>>, vector<16xf32>,
      tpu.vector_store %arg5[%swap3A_541, %swap3A_542, %swap3A_543, %swap3A_544], %broadcast_in_dim3A_539 {strides = array<i32>} : memref<4x16x8x128xf32, #tpu.memory_space<vmem>>, vector<16xf32>,
      %broadcast_in_dim3A_546 = arith.constant 0.000000e+00 : f32
      %broadcast_in_dim3A_547 = vector.broadcast %broadcast_in_dim3A_546 : f32 to vector<16xf32>
      %swap3A_548 = arith.constant 2 : i32
      %swap3A_549 = arith.index_cast %shift_right_arithmetic3A_360 : i32 to index
      %swap3A_550 = arith.index_cast %and3A_362 : i32 to index
      %swap3A_551 = arith.index_cast %swap3A_548 : i32 to index
      %swap3A_552 = arith.constant 112 : index
      %swap3A_553 = tpu.vector_load %arg5[%swap3A_549, %swap3A_550, %swap3A_551, %swap3A_552] {strides = array<i32>} : memref<4x16x8x128xf32, #tpu.memory_space<vmem>>, vector<16xf32>,
      tpu.vector_store %arg5[%swap3A_549, %swap3A_550, %swap3A_551, %swap3A_552], %broadcast_in_dim3A_547 {strides = array<i32>} : memref<4x16x8x128xf32, #tpu.memory_space<vmem>>, vector<16xf32>,
      %broadcast_in_dim3A_554 = arith.constant 0.000000e+00 : f32
      %broadcast_in_dim3A_555 = vector.broadcast %broadcast_in_dim3A_554 : f32 to vector<16xf32>
      %swap3A_556 = arith.constant 3 : i32
      %swap3A_557 = arith.index_cast %shift_right_arithmetic3A_360 : i32 to index
      %swap3A_558 = arith.index_cast %and3A_362 : i32 to index
      %swap3A_559 = arith.index_cast %swap3A_556 : i32 to index
      %swap3A_560 = arith.constant 0 : index
      %swap3A_561 = tpu.vector_load %arg5[%swap3A_557, %swap3A_558, %swap3A_559, %swap3A_560] {strides = array<i32>} : memref<4x16x8x128xf32, #tpu.memory_space<vmem>>, vector<16xf32>,
      tpu.vector_store %arg5[%swap3A_557, %swap3A_558, %swap3A_559, %swap3A_560], %broadcast_in_dim3A_555 {strides = array<i32>} : memref<4x16x8x128xf32, #tpu.memory_space<vmem>>, vector<16xf32>,
      %broadcast_in_dim3A_562 = arith.constant 0.000000e+00 : f32
      %broadcast_in_dim3A_563 = vector.broadcast %broadcast_in_dim3A_562 : f32 to vector<16xf32>
      %swap3A_564 = arith.constant 3 : i32
      %swap3A_565 = arith.index_cast %shift_right_arithmetic3A_360 : i32 to index
      %swap3A_566 = arith.index_cast %and3A_362 : i32 to index
      %swap3A_567 = arith.index_cast %swap3A_564 : i32 to index
      %swap3A_568 = arith.constant 16 : index
      %swap3A_569 = tpu.vector_load %arg5[%swap3A_565, %swap3A_566, %swap3A_567, %swap3A_568] {strides = array<i32>} : memref<4x16x8x128xf32, #tpu.memory_space<vmem>>, vector<16xf32>,
      tpu.vector_store %arg5[%swap3A_565, %swap3A_566, %swap3A_567, %swap3A_568], %broadcast_in_dim3A_563 {strides = array<i32>} : memref<4x16x8x128xf32, #tpu.memory_space<vmem>>, vector<16xf32>,
      %broadcast_in_dim3A_570 = arith.constant 0.000000e+00 : f32
      %broadcast_in_dim3A_571 = vector.broadcast %broadcast_in_dim3A_570 : f32 to vector<16xf32>
      %swap3A_572 = arith.constant 3 : i32
      %swap3A_573 = arith.index_cast %shift_right_arithmetic3A_360 : i32 to index
      %swap3A_574 = arith.index_cast %and3A_362 : i32 to index
      %swap3A_575 = arith.index_cast %swap3A_572 : i32 to index
      %swap3A_576 = arith.constant 32 : index
      %swap3A_577 = tpu.vector_load %arg5[%swap3A_573, %swap3A_574, %swap3A_575, %swap3A_576] {strides = array<i32>} : memref<4x16x8x128xf32, #tpu.memory_space<vmem>>, vector<16xf32>,
      tpu.vector_store %arg5[%swap3A_573, %swap3A_574, %swap3A_575, %swap3A_576], %broadcast_in_dim3A_571 {strides = array<i32>} : memref<4x16x8x128xf32, #tpu.memory_space<vmem>>, vector<16xf32>,
      %broadcast_in_dim3A_578 = arith.constant 0.000000e+00 : f32
      %broadcast_in_dim3A_579 = vector.broadcast %broadcast_in_dim3A_578 : f32 to vector<16xf32>
      %swap3A_580 = arith.constant 3 : i32
      %swap3A_581 = arith.index_cast %shift_right_arithmetic3A_360 : i32 to index
      %swap3A_582 = arith.index_cast %and3A_362 : i32 to index
      %swap3A_583 = arith.index_cast %swap3A_580 : i32 to index
      %swap3A_584 = arith.constant 48 : index
      %swap3A_585 = tpu.vector_load %arg5[%swap3A_581, %swap3A_582, %swap3A_583, %swap3A_584] {strides = array<i32>} : memref<4x16x8x128xf32, #tpu.memory_space<vmem>>, vector<16xf32>,
      tpu.vector_store %arg5[%swap3A_581, %swap3A_582, %swap3A_583, %swap3A_584], %broadcast_in_dim3A_579 {strides = array<i32>} : memref<4x16x8x128xf32, #tpu.memory_space<vmem>>, vector<16xf32>,
      %broadcast_in_dim3A_586 = arith.constant 0.000000e+00 : f32
      %broadcast_in_dim3A_587 = vector.broadcast %broadcast_in_dim3A_586 : f32 to vector<16xf32>
      %swap3A_588 = arith.constant 3 : i32
      %swap3A_589 = arith.index_cast %shift_right_arithmetic3A_360 : i32 to index
      %swap3A_590 = arith.index_cast %and3A_362 : i32 to index
      %swap3A_591 = arith.index_cast %swap3A_588 : i32 to index
      %swap3A_592 = arith.constant 64 : index
      %swap3A_593 = tpu.vector_load %arg5[%swap3A_589, %swap3A_590, %swap3A_591, %swap3A_592] {strides = array<i32>} : memref<4x16x8x128xf32, #tpu.memory_space<vmem>>, vector<16xf32>,
      tpu.vector_store %arg5[%swap3A_589, %swap3A_590, %swap3A_591, %swap3A_592], %broadcast_in_dim3A_587 {strides = array<i32>} : memref<4x16x8x128xf32, #tpu.memory_space<vmem>>, vector<16xf32>,
      %broadcast_in_dim3A_594 = arith.constant 0.000000e+00 : f32
      %broadcast_in_dim3A_595 = vector.broadcast %broadcast_in_dim3A_594 : f32 to vector<16xf32>
      %swap3A_596 = arith.constant 3 : i32
      %swap3A_597 = arith.index_cast %shift_right_arithmetic3A_360 : i32 to index
      %swap3A_598 = arith.index_cast %and3A_362 : i32 to index
      %swap3A_599 = arith.index_cast %swap3A_596 : i32 to index
      %swap3A_600 = arith.constant 80 : index
      %swap3A_601 = tpu.vector_load %arg5[%swap3A_597, %swap3A_598, %swap3A_599, %swap3A_600] {strides = array<i32>} : memref<4x16x8x128xf32, #tpu.memory_space<vmem>>, vector<16xf32>,
      tpu.vector_store %arg5[%swap3A_597, %swap3A_598, %swap3A_599, %swap3A_600], %broadcast_in_dim3A_595 {strides = array<i32>} : memref<4x16x8x128xf32, #tpu.memory_space<vmem>>, vector<16xf32>,
      %broadcast_in_dim3A_602 = arith.constant 0.000000e+00 : f32
      %broadcast_in_dim3A_603 = vector.broadcast %broadcast_in_dim3A_602 : f32 to vector<16xf32>
      %swap3A_604 = arith.constant 3 : i32
      %swap3A_605 = arith.index_cast %shift_right_arithmetic3A_360 : i32 to index
      %swap3A_606 = arith.index_cast %and3A_362 : i32 to index
      %swap3A_607 = arith.index_cast %swap3A_604 : i32 to index
      %swap3A_608 = arith.constant 96 : index
      %swap3A_609 = tpu.vector_load %arg5[%swap3A_605, %swap3A_606, %swap3A_607, %swap3A_608] {strides = array<i32>} : memref<4x16x8x128xf32, #tpu.memory_space<vmem>>, vector<16xf32>,
      tpu.vector_store %arg5[%swap3A_605, %swap3A_606, %swap3A_607, %swap3A_608], %broadcast_in_dim3A_603 {strides = array<i32>} : memref<4x16x8x128xf32, #tpu.memory_space<vmem>>, vector<16xf32>,
      %broadcast_in_dim3A_610 = arith.constant 0.000000e+00 : f32
      %broadcast_in_dim3A_611 = vector.broadcast %broadcast_in_dim3A_610 : f32 to vector<16xf32>
      %swap3A_612 = arith.constant 3 : i32
      %swap3A_613 = arith.index_cast %shift_right_arithmetic3A_360 : i32 to index
      %swap3A_614 = arith.index_cast %and3A_362 : i32 to index
      %swap3A_615 = arith.index_cast %swap3A_612 : i32 to index
      %swap3A_616 = arith.constant 112 : index
      %swap3A_617 = tpu.vector_load %arg5[%swap3A_613, %swap3A_614, %swap3A_615, %swap3A_616] {strides = array<i32>} : memref<4x16x8x128xf32, #tpu.memory_space<vmem>>, vector<16xf32>,
      tpu.vector_store %arg5[%swap3A_613, %swap3A_614, %swap3A_615, %swap3A_616], %broadcast_in_dim3A_611 {strides = array<i32>} : memref<4x16x8x128xf32, #tpu.memory_space<vmem>>, vector<16xf32>,
      %broadcast_in_dim3A_618 = arith.constant 0.000000e+00 : f32
      %broadcast_in_dim3A_619 = vector.broadcast %broadcast_in_dim3A_618 : f32 to vector<16xf32>
      %swap3A_620 = arith.constant 4 : i32
      %swap3A_621 = arith.index_cast %shift_right_arithmetic3A_360 : i32 to index
      %swap3A_622 = arith.index_cast %and3A_362 : i32 to index
      %swap3A_623 = arith.index_cast %swap3A_620 : i32 to index
      %swap3A_624 = arith.constant 0 : index
      %swap3A_625 = tpu.vector_load %arg5[%swap3A_621, %swap3A_622, %swap3A_623, %swap3A_624] {strides = array<i32>} : memref<4x16x8x128xf32, #tpu.memory_space<vmem>>, vector<16xf32>,
      tpu.vector_store %arg5[%swap3A_621, %swap3A_622, %swap3A_623, %swap3A_624], %broadcast_in_dim3A_619 {strides = array<i32>} : memref<4x16x8x128xf32, #tpu.memory_space<vmem>>, vector<16xf32>,
      %broadcast_in_dim3A_626 = arith.constant 0.000000e+00 : f32
      %broadcast_in_dim3A_627 = vector.broadcast %broadcast_in_dim3A_626 : f32 to vector<16xf32>
      %swap3A_628 = arith.constant 4 : i32
      %swap3A_629 = arith.index_cast %shift_right_arithmetic3A_360 : i32 to index
      %swap3A_630 = arith.index_cast %and3A_362 : i32 to index
      %swap3A_631 = arith.index_cast %swap3A_628 : i32 to index
      %swap3A_632 = arith.constant 16 : index
      %swap3A_633 = tpu.vector_load %arg5[%swap3A_629, %swap3A_630, %swap3A_631, %swap3A_632] {strides = array<i32>} : memref<4x16x8x128xf32, #tpu.memory_space<vmem>>, vector<16xf32>,
      tpu.vector_store %arg5[%swap3A_629, %swap3A_630, %swap3A_631, %swap3A_632], %broadcast_in_dim3A_627 {strides = array<i32>} : memref<4x16x8x128xf32, #tpu.memory_space<vmem>>, vector<16xf32>,
      %broadcast_in_dim3A_634 = arith.constant 0.000000e+00 : f32
      %broadcast_in_dim3A_635 = vector.broadcast %broadcast_in_dim3A_634 : f32 to vector<16xf32>
      %swap3A_636 = arith.constant 4 : i32
      %swap3A_637 = arith.index_cast %shift_right_arithmetic3A_360 : i32 to index
      %swap3A_638 = arith.index_cast %and3A_362 : i32 to index
      %swap3A_639 = arith.index_cast %swap3A_636 : i32 to index
      %swap3A_640 = arith.constant 32 : index
      %swap3A_641 = tpu.vector_load %arg5[%swap3A_637, %swap3A_638, %swap3A_639, %swap3A_640] {strides = array<i32>} : memref<4x16x8x128xf32, #tpu.memory_space<vmem>>, vector<16xf32>,
      tpu.vector_store %arg5[%swap3A_637, %swap3A_638, %swap3A_639, %swap3A_640], %broadcast_in_dim3A_635 {strides = array<i32>} : memref<4x16x8x128xf32, #tpu.memory_space<vmem>>, vector<16xf32>,
      %broadcast_in_dim3A_642 = arith.constant 0.000000e+00 : f32
      %broadcast_in_dim3A_643 = vector.broadcast %broadcast_in_dim3A_642 : f32 to vector<16xf32>
      %swap3A_644 = arith.constant 4 : i32
      %swap3A_645 = arith.index_cast %shift_right_arithmetic3A_360 : i32 to index
      %swap3A_646 = arith.index_cast %and3A_362 : i32 to index
      %swap3A_647 = arith.index_cast %swap3A_644 : i32 to index
      %swap3A_648 = arith.constant 48 : index
      %swap3A_649 = tpu.vector_load %arg5[%swap3A_645, %swap3A_646, %swap3A_647, %swap3A_648] {strides = array<i32>} : memref<4x16x8x128xf32, #tpu.memory_space<vmem>>, vector<16xf32>,
      tpu.vector_store %arg5[%swap3A_645, %swap3A_646, %swap3A_647, %swap3A_648], %broadcast_in_dim3A_643 {strides = array<i32>} : memref<4x16x8x128xf32, #tpu.memory_space<vmem>>, vector<16xf32>,
      %broadcast_in_dim3A_650 = arith.constant 0.000000e+00 : f32
      %broadcast_in_dim3A_651 = vector.broadcast %broadcast_in_dim3A_650 : f32 to vector<16xf32>
      %swap3A_652 = arith.constant 4 : i32
      %swap3A_653 = arith.index_cast %shift_right_arithmetic3A_360 : i32 to index
      %swap3A_654 = arith.index_cast %and3A_362 : i32 to index
      %swap3A_655 = arith.index_cast %swap3A_652 : i32 to index
      %swap3A_656 = arith.constant 64 : index
      %swap3A_657 = tpu.vector_load %arg5[%swap3A_653, %swap3A_654, %swap3A_655, %swap3A_656] {strides = array<i32>} : memref<4x16x8x128xf32, #tpu.memory_space<vmem>>, vector<16xf32>,
      tpu.vector_store %arg5[%swap3A_653, %swap3A_654, %swap3A_655, %swap3A_656], %broadcast_in_dim3A_651 {strides = array<i32>} : memref<4x16x8x128xf32, #tpu.memory_space<vmem>>, vector<16xf32>,
      %broadcast_in_dim3A_658 = arith.constant 0.000000e+00 : f32
      %broadcast_in_dim3A_659 = vector.broadcast %broadcast_in_dim3A_658 : f32 to vector<16xf32>
      %swap3A_660 = arith.constant 4 : i32
      %swap3A_661 = arith.index_cast %shift_right_arithmetic3A_360 : i32 to index
      %swap3A_662 = arith.index_cast %and3A_362 : i32 to index
      %swap3A_663 = arith.index_cast %swap3A_660 : i32 to index
      %swap3A_664 = arith.constant 80 : index
      %swap3A_665 = tpu.vector_load %arg5[%swap3A_661, %swap3A_662, %swap3A_663, %swap3A_664] {strides = array<i32>} : memref<4x16x8x128xf32, #tpu.memory_space<vmem>>, vector<16xf32>,
      tpu.vector_store %arg5[%swap3A_661, %swap3A_662, %swap3A_663, %swap3A_664], %broadcast_in_dim3A_659 {strides = array<i32>} : memref<4x16x8x128xf32, #tpu.memory_space<vmem>>, vector<16xf32>,
      %broadcast_in_dim3A_666 = arith.constant 0.000000e+00 : f32
      %broadcast_in_dim3A_667 = vector.broadcast %broadcast_in_dim3A_666 : f32 to vector<16xf32>
      %swap3A_668 = arith.constant 4 : i32
      %swap3A_669 = arith.index_cast %shift_right_arithmetic3A_360 : i32 to index
      %swap3A_670 = arith.index_cast %and3A_362 : i32 to index
      %swap3A_671 = arith.index_cast %swap3A_668 : i32 to index
      %swap3A_672 = arith.constant 96 : index
      %swap3A_673 = tpu.vector_load %arg5[%swap3A_669, %swap3A_670, %swap3A_671, %swap3A_672] {strides = array<i32>} : memref<4x16x8x128xf32, #tpu.memory_space<vmem>>, vector<16xf32>,
      tpu.vector_store %arg5[%swap3A_669, %swap3A_670, %swap3A_671, %swap3A_672], %broadcast_in_dim3A_667 {strides = array<i32>} : memref<4x16x8x128xf32, #tpu.memory_space<vmem>>, vector<16xf32>,
      %broadcast_in_dim3A_674 = arith.constant 0.000000e+00 : f32
      %broadcast_in_dim3A_675 = vector.broadcast %broadcast_in_dim3A_674 : f32 to vector<16xf32>
      %swap3A_676 = arith.constant 4 : i32
      %swap3A_677 = arith.index_cast %shift_right_arithmetic3A_360 : i32 to index
      %swap3A_678 = arith.index_cast %and3A_362 : i32 to index
      %swap3A_679 = arith.index_cast %swap3A_676 : i32 to index
      %swap3A_680 = arith.constant 112 : index
      %swap3A_681 = tpu.vector_load %arg5[%swap3A_677, %swap3A_678, %swap3A_679, %swap3A_680] {strides = array<i32>} : memref<4x16x8x128xf32, #tpu.memory_space<vmem>>, vector<16xf32>,
      tpu.vector_store %arg5[%swap3A_677, %swap3A_678, %swap3A_679, %swap3A_680], %broadcast_in_dim3A_675 {strides = array<i32>} : memref<4x16x8x128xf32, #tpu.memory_space<vmem>>, vector<16xf32>,
      %broadcast_in_dim3A_682 = arith.constant 0.000000e+00 : f32
      %broadcast_in_dim3A_683 = vector.broadcast %broadcast_in_dim3A_682 : f32 to vector<16xf32>
      %swap3A_684 = arith.constant 5 : i32
      %swap3A_685 = arith.index_cast %shift_right_arithmetic3A_360 : i32 to index
      %swap3A_686 = arith.index_cast %and3A_362 : i32 to index
      %swap3A_687 = arith.index_cast %swap3A_684 : i32 to index
      %swap3A_688 = arith.constant 0 : index
      %swap3A_689 = tpu.vector_load %arg5[%swap3A_685, %swap3A_686, %swap3A_687, %swap3A_688] {strides = array<i32>} : memref<4x16x8x128xf32, #tpu.memory_space<vmem>>, vector<16xf32>,
      tpu.vector_store %arg5[%swap3A_685, %swap3A_686, %swap3A_687, %swap3A_688], %broadcast_in_dim3A_683 {strides = array<i32>} : memref<4x16x8x128xf32, #tpu.memory_space<vmem>>, vector<16xf32>,
      %broadcast_in_dim3A_690 = arith.constant 0.000000e+00 : f32
      %broadcast_in_dim3A_691 = vector.broadcast %broadcast_in_dim3A_690 : f32 to vector<16xf32>
      %swap3A_692 = arith.constant 5 : i32
      %swap3A_693 = arith.index_cast %shift_right_arithmetic3A_360 : i32 to index
      %swap3A_694 = arith.index_cast %and3A_362 : i32 to index
      %swap3A_695 = arith.index_cast %swap3A_692 : i32 to index
      %swap3A_696 = arith.constant 16 : index
      %swap3A_697 = tpu.vector_load %arg5[%swap3A_693, %swap3A_694, %swap3A_695, %swap3A_696] {strides = array<i32>} : memref<4x16x8x128xf32, #tpu.memory_space<vmem>>, vector<16xf32>,
      tpu.vector_store %arg5[%swap3A_693, %swap3A_694, %swap3A_695, %swap3A_696], %broadcast_in_dim3A_691 {strides = array<i32>} : memref<4x16x8x128xf32, #tpu.memory_space<vmem>>, vector<16xf32>,
      %broadcast_in_dim3A_698 = arith.constant 0.000000e+00 : f32
      %broadcast_in_dim3A_699 = vector.broadcast %broadcast_in_dim3A_698 : f32 to vector<16xf32>
      %swap3A_700 = arith.constant 5 : i32
      %swap3A_701 = arith.index_cast %shift_right_arithmetic3A_360 : i32 to index
      %swap3A_702 = arith.index_cast %and3A_362 : i32 to index
      %swap3A_703 = arith.index_cast %swap3A_700 : i32 to index
      %swap3A_704 = arith.constant 32 : index
      %swap3A_705 = tpu.vector_load %arg5[%swap3A_701, %swap3A_702, %swap3A_703, %swap3A_704] {strides = array<i32>} : memref<4x16x8x128xf32, #tpu.memory_space<vmem>>, vector<16xf32>,
      tpu.vector_store %arg5[%swap3A_701, %swap3A_702, %swap3A_703, %swap3A_704], %broadcast_in_dim3A_699 {strides = array<i32>} : memref<4x16x8x128xf32, #tpu.memory_space<vmem>>, vector<16xf32>,
      %broadcast_in_dim3A_706 = arith.constant 0.000000e+00 : f32
      %broadcast_in_dim3A_707 = vector.broadcast %broadcast_in_dim3A_706 : f32 to vector<16xf32>
      %swap3A_708 = arith.constant 5 : i32
      %swap3A_709 = arith.index_cast %shift_right_arithmetic3A_360 : i32 to index
      %swap3A_710 = arith.index_cast %and3A_362 : i32 to index
      %swap3A_711 = arith.index_cast %swap3A_708 : i32 to index
      %swap3A_712 = arith.constant 48 : index
      %swap3A_713 = tpu.vector_load %arg5[%swap3A_709, %swap3A_710, %swap3A_711, %swap3A_712] {strides = array<i32>} : memref<4x16x8x128xf32, #tpu.memory_space<vmem>>, vector<16xf32>,
      tpu.vector_store %arg5[%swap3A_709, %swap3A_710, %swap3A_711, %swap3A_712], %broadcast_in_dim3A_707 {strides = array<i32>} : memref<4x16x8x128xf32, #tpu.memory_space<vmem>>, vector<16xf32>,
      %broadcast_in_dim3A_714 = arith.constant 0.000000e+00 : f32
      %broadcast_in_dim3A_715 = vector.broadcast %broadcast_in_dim3A_714 : f32 to vector<16xf32>
      %swap3A_716 = arith.constant 5 : i32
      %swap3A_717 = arith.index_cast %shift_right_arithmetic3A_360 : i32 to index
      %swap3A_718 = arith.index_cast %and3A_362 : i32 to index
      %swap3A_719 = arith.index_cast %swap3A_716 : i32 to index
      %swap3A_720 = arith.constant 64 : index
      %swap3A_721 = tpu.vector_load %arg5[%swap3A_717, %swap3A_718, %swap3A_719, %swap3A_720] {strides = array<i32>} : memref<4x16x8x128xf32, #tpu.memory_space<vmem>>, vector<16xf32>,
      tpu.vector_store %arg5[%swap3A_717, %swap3A_718, %swap3A_719, %swap3A_720], %broadcast_in_dim3A_715 {strides = array<i32>} : memref<4x16x8x128xf32, #tpu.memory_space<vmem>>, vector<16xf32>,
      %broadcast_in_dim3A_722 = arith.constant 0.000000e+00 : f32
      %broadcast_in_dim3A_723 = vector.broadcast %broadcast_in_dim3A_722 : f32 to vector<16xf32>
      %swap3A_724 = arith.constant 5 : i32
      %swap3A_725 = arith.index_cast %shift_right_arithmetic3A_360 : i32 to index
      %swap3A_726 = arith.index_cast %and3A_362 : i32 to index
      %swap3A_727 = arith.index_cast %swap3A_724 : i32 to index
      %swap3A_728 = arith.constant 80 : index
      %swap3A_729 = tpu.vector_load %arg5[%swap3A_725, %swap3A_726, %swap3A_727, %swap3A_728] {strides = array<i32>} : memref<4x16x8x128xf32, #tpu.memory_space<vmem>>, vector<16xf32>,
      tpu.vector_store %arg5[%swap3A_725, %swap3A_726, %swap3A_727, %swap3A_728], %broadcast_in_dim3A_723 {strides = array<i32>} : memref<4x16x8x128xf32, #tpu.memory_space<vmem>>, vector<16xf32>,
      %broadcast_in_dim3A_730 = arith.constant 0.000000e+00 : f32
      %broadcast_in_dim3A_731 = vector.broadcast %broadcast_in_dim3A_730 : f32 to vector<16xf32>
      %swap3A_732 = arith.constant 5 : i32
      %swap3A_733 = arith.index_cast %shift_right_arithmetic3A_360 : i32 to index
      %swap3A_734 = arith.index_cast %and3A_362 : i32 to index
      %swap3A_735 = arith.index_cast %swap3A_732 : i32 to index
      %swap3A_736 = arith.constant 96 : index
      %swap3A_737 = tpu.vector_load %arg5[%swap3A_733, %swap3A_734, %swap3A_735, %swap3A_736] {strides = array<i32>} : memref<4x16x8x128xf32, #tpu.memory_space<vmem>>, vector<16xf32>,
      tpu.vector_store %arg5[%swap3A_733, %swap3A_734, %swap3A_735, %swap3A_736], %broadcast_in_dim3A_731 {strides = array<i32>} : memref<4x16x8x128xf32, #tpu.memory_space<vmem>>, vector<16xf32>,
      %broadcast_in_dim3A_738 = arith.constant 0.000000e+00 : f32
      %broadcast_in_dim3A_739 = vector.broadcast %broadcast_in_dim3A_738 : f32 to vector<16xf32>
      %swap3A_740 = arith.constant 5 : i32
      %swap3A_741 = arith.index_cast %shift_right_arithmetic3A_360 : i32 to index
      %swap3A_742 = arith.index_cast %and3A_362 : i32 to index
      %swap3A_743 = arith.index_cast %swap3A_740 : i32 to index
      %swap3A_744 = arith.constant 112 : index
      %swap3A_745 = tpu.vector_load %arg5[%swap3A_741, %swap3A_742, %swap3A_743, %swap3A_744] {strides = array<i32>} : memref<4x16x8x128xf32, #tpu.memory_space<vmem>>, vector<16xf32>,
      tpu.vector_store %arg5[%swap3A_741, %swap3A_742, %swap3A_743, %swap3A_744], %broadcast_in_dim3A_739 {strides = array<i32>} : memref<4x16x8x128xf32, #tpu.memory_space<vmem>>, vector<16xf32>,
      %broadcast_in_dim3A_746 = arith.constant 0.000000e+00 : f32
      %broadcast_in_dim3A_747 = vector.broadcast %broadcast_in_dim3A_746 : f32 to vector<16xf32>
      %swap3A_748 = arith.constant 6 : i32
      %swap3A_749 = arith.index_cast %shift_right_arithmetic3A_360 : i32 to index
      %swap3A_750 = arith.index_cast %and3A_362 : i32 to index
      %swap3A_751 = arith.index_cast %swap3A_748 : i32 to index
      %swap3A_752 = arith.constant 0 : index
      %swap3A_753 = tpu.vector_load %arg5[%swap3A_749, %swap3A_750, %swap3A_751, %swap3A_752] {strides = array<i32>} : memref<4x16x8x128xf32, #tpu.memory_space<vmem>>, vector<16xf32>,
      tpu.vector_store %arg5[%swap3A_749, %swap3A_750, %swap3A_751, %swap3A_752], %broadcast_in_dim3A_747 {strides = array<i32>} : memref<4x16x8x128xf32, #tpu.memory_space<vmem>>, vector<16xf32>,
      %broadcast_in_dim3A_754 = arith.constant 0.000000e+00 : f32
      %broadcast_in_dim3A_755 = vector.broadcast %broadcast_in_dim3A_754 : f32 to vector<16xf32>
      %swap3A_756 = arith.constant 6 : i32
      %swap3A_757 = arith.index_cast %shift_right_arithmetic3A_360 : i32 to index
      %swap3A_758 = arith.index_cast %and3A_362 : i32 to index
      %swap3A_759 = arith.index_cast %swap3A_756 : i32 to index
      %swap3A_760 = arith.constant 16 : index
      %swap3A_761 = tpu.vector_load %arg5[%swap3A_757, %swap3A_758, %swap3A_759, %swap3A_760] {strides = array<i32>} : memref<4x16x8x128xf32, #tpu.memory_space<vmem>>, vector<16xf32>,
      tpu.vector_store %arg5[%swap3A_757, %swap3A_758, %swap3A_759, %swap3A_760], %broadcast_in_dim3A_755 {strides = array<i32>} : memref<4x16x8x128xf32, #tpu.memory_space<vmem>>, vector<16xf32>,
      %broadcast_in_dim3A_762 = arith.constant 0.000000e+00 : f32
      %broadcast_in_dim3A_763 = vector.broadcast %broadcast_in_dim3A_762 : f32 to vector<16xf32>
      %swap3A_764 = arith.constant 6 : i32
      %swap3A_765 = arith.index_cast %shift_right_arithmetic3A_360 : i32 to index
      %swap3A_766 = arith.index_cast %and3A_362 : i32 to index
      %swap3A_767 = arith.index_cast %swap3A_764 : i32 to index
      %swap3A_768 = arith.constant 32 : index
      %swap3A_769 = tpu.vector_load %arg5[%swap3A_765, %swap3A_766, %swap3A_767, %swap3A_768] {strides = array<i32>} : memref<4x16x8x128xf32, #tpu.memory_space<vmem>>, vector<16xf32>,
      tpu.vector_store %arg5[%swap3A_765, %swap3A_766, %swap3A_767, %swap3A_768], %broadcast_in_dim3A_763 {strides = array<i32>} : memref<4x16x8x128xf32, #tpu.memory_space<vmem>>, vector<16xf32>,
      %broadcast_in_dim3A_770 = arith.constant 0.000000e+00 : f32
      %broadcast_in_dim3A_771 = vector.broadcast %broadcast_in_dim3A_770 : f32 to vector<16xf32>
      %swap3A_772 = arith.constant 6 : i32
      %swap3A_773 = arith.index_cast %shift_right_arithmetic3A_360 : i32 to index
      %swap3A_774 = arith.index_cast %and3A_362 : i32 to index
      %swap3A_775 = arith.index_cast %swap3A_772 : i32 to index
      %swap3A_776 = arith.constant 48 : index
      %swap3A_777 = tpu.vector_load %arg5[%swap3A_773, %swap3A_774, %swap3A_775, %swap3A_776] {strides = array<i32>} : memref<4x16x8x128xf32, #tpu.memory_space<vmem>>, vector<16xf32>,
      tpu.vector_store %arg5[%swap3A_773, %swap3A_774, %swap3A_775, %swap3A_776], %broadcast_in_dim3A_771 {strides = array<i32>} : memref<4x16x8x128xf32, #tpu.memory_space<vmem>>, vector<16xf32>,
      %broadcast_in_dim3A_778 = arith.constant 0.000000e+00 : f32
      %broadcast_in_dim3A_779 = vector.broadcast %broadcast_in_dim3A_778 : f32 to vector<16xf32>
      %swap3A_780 = arith.constant 6 : i32
      %swap3A_781 = arith.index_cast %shift_right_arithmetic3A_360 : i32 to index
      %swap3A_782 = arith.index_cast %and3A_362 : i32 to index
      %swap3A_783 = arith.index_cast %swap3A_780 : i32 to index
      %swap3A_784 = arith.constant 64 : index
      %swap3A_785 = tpu.vector_load %arg5[%swap3A_781, %swap3A_782, %swap3A_783, %swap3A_784] {strides = array<i32>} : memref<4x16x8x128xf32, #tpu.memory_space<vmem>>, vector<16xf32>,
      tpu.vector_store %arg5[%swap3A_781, %swap3A_782, %swap3A_783, %swap3A_784], %broadcast_in_dim3A_779 {strides = array<i32>} : memref<4x16x8x128xf32, #tpu.memory_space<vmem>>, vector<16xf32>,
      %broadcast_in_dim3A_786 = arith.constant 0.000000e+00 : f32
      %broadcast_in_dim3A_787 = vector.broadcast %broadcast_in_dim3A_786 : f32 to vector<16xf32>
      %swap3A_788 = arith.constant 6 : i32
      %swap3A_789 = arith.index_cast %shift_right_arithmetic3A_360 : i32 to index
      %swap3A_790 = arith.index_cast %and3A_362 : i32 to index
      %swap3A_791 = arith.index_cast %swap3A_788 : i32 to index
      %swap3A_792 = arith.constant 80 : index
      %swap3A_793 = tpu.vector_load %arg5[%swap3A_789, %swap3A_790, %swap3A_791, %swap3A_792] {strides = array<i32>} : memref<4x16x8x128xf32, #tpu.memory_space<vmem>>, vector<16xf32>,
      tpu.vector_store %arg5[%swap3A_789, %swap3A_790, %swap3A_791, %swap3A_792], %broadcast_in_dim3A_787 {strides = array<i32>} : memref<4x16x8x128xf32, #tpu.memory_space<vmem>>, vector<16xf32>,
      %broadcast_in_dim3A_794 = arith.constant 0.000000e+00 : f32
      %broadcast_in_dim3A_795 = vector.broadcast %broadcast_in_dim3A_794 : f32 to vector<16xf32>
      %swap3A_796 = arith.constant 6 : i32
      %swap3A_797 = arith.index_cast %shift_right_arithmetic3A_360 : i32 to index
      %swap3A_798 = arith.index_cast %and3A_362 : i32 to index
      %swap3A_799 = arith.index_cast %swap3A_796 : i32 to index
      %swap3A_800 = arith.constant 96 : index
      %swap3A_801 = tpu.vector_load %arg5[%swap3A_797, %swap3A_798, %swap3A_799, %swap3A_800] {strides = array<i32>} : memref<4x16x8x128xf32, #tpu.memory_space<vmem>>, vector<16xf32>,
      tpu.vector_store %arg5[%swap3A_797, %swap3A_798, %swap3A_799, %swap3A_800], %broadcast_in_dim3A_795 {strides = array<i32>} : memref<4x16x8x128xf32, #tpu.memory_space<vmem>>, vector<16xf32>,
      %broadcast_in_dim3A_802 = arith.constant 0.000000e+00 : f32
      %broadcast_in_dim3A_803 = vector.broadcast %broadcast_in_dim3A_802 : f32 to vector<16xf32>
      %swap3A_804 = arith.constant 6 : i32
      %swap3A_805 = arith.index_cast %shift_right_arithmetic3A_360 : i32 to index
      %swap3A_806 = arith.index_cast %and3A_362 : i32 to index
      %swap3A_807 = arith.index_cast %swap3A_804 : i32 to index
      %swap3A_808 = arith.constant 112 : index
      %swap3A_809 = tpu.vector_load %arg5[%swap3A_805, %swap3A_806, %swap3A_807, %swap3A_808] {strides = array<i32>} : memref<4x16x8x128xf32, #tpu.memory_space<vmem>>, vector<16xf32>,
      tpu.vector_store %arg5[%swap3A_805, %swap3A_806, %swap3A_807, %swap3A_808], %broadcast_in_dim3A_803 {strides = array<i32>} : memref<4x16x8x128xf32, #tpu.memory_space<vmem>>, vector<16xf32>,
      %broadcast_in_dim3A_810 = arith.constant 0.000000e+00 : f32
      %broadcast_in_dim3A_811 = vector.broadcast %broadcast_in_dim3A_810 : f32 to vector<16xf32>
      %swap3A_812 = arith.constant 7 : i32
      %swap3A_813 = arith.index_cast %shift_right_arithmetic3A_360 : i32 to index
      %swap3A_814 = arith.index_cast %and3A_362 : i32 to index
      %swap3A_815 = arith.index_cast %swap3A_812 : i32 to index
      %swap3A_816 = arith.constant 0 : index
      %swap3A_817 = tpu.vector_load %arg5[%swap3A_813, %swap3A_814, %swap3A_815, %swap3A_816] {strides = array<i32>} : memref<4x16x8x128xf32, #tpu.memory_space<vmem>>, vector<16xf32>,
      tpu.vector_store %arg5[%swap3A_813, %swap3A_814, %swap3A_815, %swap3A_816], %broadcast_in_dim3A_811 {strides = array<i32>} : memref<4x16x8x128xf32, #tpu.memory_space<vmem>>, vector<16xf32>,
      %broadcast_in_dim3A_818 = arith.constant 0.000000e+00 : f32
      %broadcast_in_dim3A_819 = vector.broadcast %broadcast_in_dim3A_818 : f32 to vector<16xf32>
      %swap3A_820 = arith.constant 7 : i32
      %swap3A_821 = arith.index_cast %shift_right_arithmetic3A_360 : i32 to index
      %swap3A_822 = arith.index_cast %and3A_362 : i32 to index
      %swap3A_823 = arith.index_cast %swap3A_820 : i32 to index
      %swap3A_824 = arith.constant 16 : index
      %swap3A_825 = tpu.vector_load %arg5[%swap3A_821, %swap3A_822, %swap3A_823, %swap3A_824] {strides = array<i32>} : memref<4x16x8x128xf32, #tpu.memory_space<vmem>>, vector<16xf32>,
      tpu.vector_store %arg5[%swap3A_821, %swap3A_822, %swap3A_823, %swap3A_824], %broadcast_in_dim3A_819 {strides = array<i32>} : memref<4x16x8x128xf32, #tpu.memory_space<vmem>>, vector<16xf32>,
      %broadcast_in_dim3A_826 = arith.constant 0.000000e+00 : f32
      %broadcast_in_dim3A_827 = vector.broadcast %broadcast_in_dim3A_826 : f32 to vector<16xf32>
      %swap3A_828 = arith.constant 7 : i32
      %swap3A_829 = arith.index_cast %shift_right_arithmetic3A_360 : i32 to index
      %swap3A_830 = arith.index_cast %and3A_362 : i32 to index
      %swap3A_831 = arith.index_cast %swap3A_828 : i32 to index
      %swap3A_832 = arith.constant 32 : index
      %swap3A_833 = tpu.vector_load %arg5[%swap3A_829, %swap3A_830, %swap3A_831, %swap3A_832] {strides = array<i32>} : memref<4x16x8x128xf32, #tpu.memory_space<vmem>>, vector<16xf32>,
      tpu.vector_store %arg5[%swap3A_829, %swap3A_830, %swap3A_831, %swap3A_832], %broadcast_in_dim3A_827 {strides = array<i32>} : memref<4x16x8x128xf32, #tpu.memory_space<vmem>>, vector<16xf32>,
      %broadcast_in_dim3A_834 = arith.constant 0.000000e+00 : f32
      %broadcast_in_dim3A_835 = vector.broadcast %broadcast_in_dim3A_834 : f32 to vector<16xf32>
      %swap3A_836 = arith.constant 7 : i32
      %swap3A_837 = arith.index_cast %shift_right_arithmetic3A_360 : i32 to index
      %swap3A_838 = arith.index_cast %and3A_362 : i32 to index
      %swap3A_839 = arith.index_cast %swap3A_836 : i32 to index
      %swap3A_840 = arith.constant 48 : index
      %swap3A_841 = tpu.vector_load %arg5[%swap3A_837, %swap3A_838, %swap3A_839, %swap3A_840] {strides = array<i32>} : memref<4x16x8x128xf32, #tpu.memory_space<vmem>>, vector<16xf32>,
      tpu.vector_store %arg5[%swap3A_837, %swap3A_838, %swap3A_839, %swap3A_840], %broadcast_in_dim3A_835 {strides = array<i32>} : memref<4x16x8x128xf32, #tpu.memory_space<vmem>>, vector<16xf32>,
      %broadcast_in_dim3A_842 = arith.constant 0.000000e+00 : f32
      %broadcast_in_dim3A_843 = vector.broadcast %broadcast_in_dim3A_842 : f32 to vector<16xf32>
      %swap3A_844 = arith.constant 7 : i32
      %swap3A_845 = arith.index_cast %shift_right_arithmetic3A_360 : i32 to index
      %swap3A_846 = arith.index_cast %and3A_362 : i32 to index
      %swap3A_847 = arith.index_cast %swap3A_844 : i32 to index
      %swap3A_848 = arith.constant 64 : index
      %swap3A_849 = tpu.vector_load %arg5[%swap3A_845, %swap3A_846, %swap3A_847, %swap3A_848] {strides = array<i32>} : memref<4x16x8x128xf32, #tpu.memory_space<vmem>>, vector<16xf32>,
      tpu.vector_store %arg5[%swap3A_845, %swap3A_846, %swap3A_847, %swap3A_848], %broadcast_in_dim3A_843 {strides = array<i32>} : memref<4x16x8x128xf32, #tpu.memory_space<vmem>>, vector<16xf32>,
      %broadcast_in_dim3A_850 = arith.constant 0.000000e+00 : f32
      %broadcast_in_dim3A_851 = vector.broadcast %broadcast_in_dim3A_850 : f32 to vector<16xf32>
      %swap3A_852 = arith.constant 7 : i32
      %swap3A_853 = arith.index_cast %shift_right_arithmetic3A_360 : i32 to index
      %swap3A_854 = arith.index_cast %and3A_362 : i32 to index
      %swap3A_855 = arith.index_cast %swap3A_852 : i32 to index
      %swap3A_856 = arith.constant 80 : index
      %swap3A_857 = tpu.vector_load %arg5[%swap3A_853, %swap3A_854, %swap3A_855, %swap3A_856] {strides = array<i32>} : memref<4x16x8x128xf32, #tpu.memory_space<vmem>>, vector<16xf32>,
      tpu.vector_store %arg5[%swap3A_853, %swap3A_854, %swap3A_855, %swap3A_856], %broadcast_in_dim3A_851 {strides = array<i32>} : memref<4x16x8x128xf32, #tpu.memory_space<vmem>>, vector<16xf32>,
      %broadcast_in_dim3A_858 = arith.constant 0.000000e+00 : f32
      %broadcast_in_dim3A_859 = vector.broadcast %broadcast_in_dim3A_858 : f32 to vector<16xf32>
      %swap3A_860 = arith.constant 7 : i32
      %swap3A_861 = arith.index_cast %shift_right_arithmetic3A_360 : i32 to index
      %swap3A_862 = arith.index_cast %and3A_362 : i32 to index
      %swap3A_863 = arith.index_cast %swap3A_860 : i32 to index
      %swap3A_864 = arith.constant 96 : index
      %swap3A_865 = tpu.vector_load %arg5[%swap3A_861, %swap3A_862, %swap3A_863, %swap3A_864] {strides = array<i32>} : memref<4x16x8x128xf32, #tpu.memory_space<vmem>>, vector<16xf32>,
      tpu.vector_store %arg5[%swap3A_861, %swap3A_862, %swap3A_863, %swap3A_864], %broadcast_in_dim3A_859 {strides = array<i32>} : memref<4x16x8x128xf32, #tpu.memory_space<vmem>>, vector<16xf32>,
      %broadcast_in_dim3A_866 = arith.constant 0.000000e+00 : f32
      %broadcast_in_dim3A_867 = vector.broadcast %broadcast_in_dim3A_866 : f32 to vector<16xf32>
      %swap3A_868 = arith.constant 7 : i32
      %swap3A_869 = arith.index_cast %shift_right_arithmetic3A_360 : i32 to index
      %swap3A_870 = arith.index_cast %and3A_362 : i32 to index
      %swap3A_871 = arith.index_cast %swap3A_868 : i32 to index
      %swap3A_872 = arith.constant 112 : index
      %swap3A_873 = tpu.vector_load %arg5[%swap3A_869, %swap3A_870, %swap3A_871, %swap3A_872] {strides = array<i32>} : memref<4x16x8x128xf32, #tpu.memory_space<vmem>>, vector<16xf32>,
      tpu.vector_store %arg5[%swap3A_869, %swap3A_870, %swap3A_871, %swap3A_872], %broadcast_in_dim3A_867 {strides = array<i32>} : memref<4x16x8x128xf32, #tpu.memory_space<vmem>>, vector<16xf32>,
      %scan3A_874 = arith.constant 0 : i32
      scf.yield %scan3A_874 : i32
    }
    %scan3A_76 = arith.constant 64 : i32
    %dma_wait3A = arith.constant 0 : i32
    %dma_wait3A_77 = arith.constant 0 : i32
    %dma_wait3A_78 = tpu.memref_slice %arg4[%dma_wait3A, %dma_wait3A_77] : memref<2x4096xi32, #tpu.memory_space<vmem>> -> memref<1x4096xi32, #tpu.memory_space<vmem>>
    %dma_wait3A_79 = tpu.memref_squeeze %dma_wait3A_78 : memref<1x4096xi32, #tpu.memory_space<vmem>> -> memref<4096xi32, #tpu.memory_space<vmem>>
    %dma_wait3A_80 = arith.constant 0 : i32
    %dma_wait3A_81 = tpu.memref_slice %arg2[%select_n3A_42, %dma_wait3A_80] : memref<26x4096xi32, #tpu.memory_space<hbm>> -> memref<1x4096xi32, #tpu.memory_space<hbm>>
    %dma_wait3A_82 = tpu.memref_squeeze %dma_wait3A_81 : memref<1x4096xi32, #tpu.memory_space<hbm>> -> memref<4096xi32, #tpu.memory_space<hbm>>
    %dma_wait3A_83 = arith.constant 0 : i32
    %dma_wait3A_84 = tpu.memref_slice %arg4[%dma_wait3A, %dma_wait3A_83] : memref<2x4096xi32, #tpu.memory_space<vmem>> -> memref<1x4096xi32, #tpu.memory_space<vmem>>
    %dma_wait3A_85 = tpu.memref_squeeze %dma_wait3A_84 : memref<1x4096xi32, #tpu.memory_space<vmem>> -> memref<4096xi32, #tpu.memory_space<vmem>>
    %dma_wait3A_86 = arith.constant 0 : i32
    %dma_wait3A_87 = tpu.memref_slice %arg2[%select_n3A_42, %dma_wait3A_86] : memref<26x4096xi32, #tpu.memory_space<hbm>> -> memref<1x4096xi32, #tpu.memory_space<hbm>>
    %dma_wait3A_88 = tpu.memref_squeeze %dma_wait3A_87 : memref<1x4096xi32, #tpu.memory_space<hbm>> -> memref<4096xi32, #tpu.memory_space<hbm>>
    tpu.wait_dma2 semaphore(%arg7 : memref<!tpu.dma_semaphore, #tpu.memory_space<semaphore_mem>>) src(%dma_wait3A_88 : memref<4096xi32, #tpu.memory_space<hbm>>) dst(%dma_wait3A_85 : memref<4096xi32, #tpu.memory_space<vmem>>)
    %dma_wait3A_89 = arith.constant 1 : i32
    %dma_wait3A_90 = arith.constant 0 : i32
    %dma_wait3A_91 = tpu.memref_slice %arg4[%dma_wait3A_89, %dma_wait3A_90] : memref<2x4096xi32, #tpu.memory_space<vmem>> -> memref<1x4096xi32, #tpu.memory_space<vmem>>
    %dma_wait3A_92 = tpu.memref_squeeze %dma_wait3A_91 : memref<1x4096xi32, #tpu.memory_space<vmem>> -> memref<4096xi32, #tpu.memory_space<vmem>>
    %dma_wait3A_93 = arith.constant 0 : i32
    %dma_wait3A_94 = tpu.memref_slice %arg2[%min3A_45, %dma_wait3A_93] : memref<26x4096xi32, #tpu.memory_space<hbm>> -> memref<1x4096xi32, #tpu.memory_space<hbm>>
    %dma_wait3A_95 = tpu.memref_squeeze %dma_wait3A_94 : memref<1x4096xi32, #tpu.memory_space<hbm>> -> memref<4096xi32, #tpu.memory_space<hbm>>
    %dma_wait3A_96 = arith.constant 0 : i32
    %dma_wait3A_97 = tpu.memref_slice %arg4[%dma_wait3A_89, %dma_wait3A_96] : memref<2x4096xi32, #tpu.memory_space<vmem>> -> memref<1x4096xi32, #tpu.memory_space<vmem>>
    %dma_wait3A_98 = tpu.memref_squeeze %dma_wait3A_97 : memref<1x4096xi32, #tpu.memory_space<vmem>> -> memref<4096xi32, #tpu.memory_space<vmem>>
    %dma_wait3A_99 = arith.constant 0 : i32
    %dma_wait3A_100 = tpu.memref_slice %arg2[%min3A_45, %dma_wait3A_99] : memref<26x4096xi32, #tpu.memory_space<hbm>> -> memref<1x4096xi32, #tpu.memory_space<hbm>>
    %dma_wait3A_101 = tpu.memref_squeeze %dma_wait3A_100 : memref<1x4096xi32, #tpu.memory_space<hbm>> -> memref<4096xi32, #tpu.memory_space<hbm>>
    tpu.wait_dma2 semaphore(%arg8 : memref<!tpu.dma_semaphore, #tpu.memory_space<semaphore_mem>>) src(%dma_wait3A_101 : memref<4096xi32, #tpu.memory_space<hbm>>) dst(%dma_wait3A_98 : memref<4096xi32, #tpu.memory_space<vmem>>)
    %scan3A_102 = arith.constant 0 : i32
    %scan3A_103 = arith.constant 0 : i32
    %scan3A_104 = arith.constant 130 : i32
    %scan3A_105 = arith.addi %scan3A_103, %scan3A_104 : i32
    %scan3A_106 = arith.constant 1 : i32
    %scan3A_107 = scf.for %scan3A_357 = %scan3A_103 to %scan3A_105 step %scan3A_106 iter_args(%scan3A_358 = %scan3A_102) -> (i32)  : i32 {
      %broadcast_in_dim3A_359 = arith.constant 0 : i32
      %broadcast_in_dim3A_360 = vector.broadcast %broadcast_in_dim3A_359 : i32 to vector<16xi32>
      %mul3A_361 = arith.constant 16 : i32
      %mul3A_362 = arith.muli %scan3A_357, %mul3A_361 : i32
      %swap3A = arith.constant 0 : i32
      %swap3A_363 = arith.index_cast %swap3A : i32 to index
      %swap3A_364 = arith.index_cast %mul3A_362 : i32 to index
      %swap3A_365 = tpu.vector_load %arg6[%swap3A_363, %swap3A_364] {strides = array<i32>} : memref<2x2080xi32, #tpu.memory_space<vmem>>, vector<16xi32>,
      tpu.vector_store %arg6[%swap3A_363, %swap3A_364], %broadcast_in_dim3A_360 {strides = array<i32>} : memref<2x2080xi32, #tpu.memory_space<vmem>>, vector<16xi32>,
      %broadcast_in_dim3A_366 = arith.constant 0 : i32
      %broadcast_in_dim3A_367 = vector.broadcast %broadcast_in_dim3A_366 : i32 to vector<16xi32>
      %mul3A_368 = arith.constant 16 : i32
      %mul3A_369 = arith.muli %scan3A_357, %mul3A_368 : i32
      %swap3A_370 = arith.constant 1 : i32
      %swap3A_371 = arith.index_cast %swap3A_370 : i32 to index
      %swap3A_372 = arith.index_cast %mul3A_369 : i32 to index
      %swap3A_373 = tpu.vector_load %arg6[%swap3A_371, %swap3A_372] {strides = array<i32>} : memref<2x2080xi32, #tpu.memory_space<vmem>>, vector<16xi32>,
      tpu.vector_store %arg6[%swap3A_371, %swap3A_372], %broadcast_in_dim3A_367 {strides = array<i32>} : memref<2x2080xi32, #tpu.memory_space<vmem>>, vector<16xi32>,
      %scan3A_374 = arith.constant 0 : i32
      scf.yield %scan3A_374 : i32
    }
    %scan3A_108 = arith.constant 130 : i32
    %add3A_109 = arith.constant 0 : i32
    %add3A_110 = arith.addi %select_n3A, %add3A_109 : i32
    %jit3A_111 = arith.constant 126 : i32
    %div3A_112 = arith.divsi %add3A_110, %jit3A_111 : i32
    %sign3A_113 = arith.constant 0 : i32
    %sign3A_114 = arith.cmpi sgt, %add3A_110, %sign3A_113 : i32
    %sign3A_115 = arith.extui %sign3A_114 : i1 to i32
    %sign3A_116 = arith.constant 0 : i32
    %sign3A_117 = arith.cmpi slt, %add3A_110, %sign3A_116 : i32
    %sign3A_118 = arith.extui %sign3A_117 : i1 to i32
    %sign3A_119 = arith.subi %sign3A_115, %sign3A_118 : i32
    %sign3A_120 = arith.constant 0 : i32
    %sign3A_121 = arith.cmpi sgt, %jit3A_111, %sign3A_120 : i32
    %sign3A_122 = arith.extui %sign3A_121 : i1 to i32
    %sign3A_123 = arith.constant 0 : i32
    %sign3A_124 = arith.cmpi slt, %jit3A_111, %sign3A_123 : i32
    %sign3A_125 = arith.extui %sign3A_124 : i1 to i32
    %sign3A_126 = arith.subi %sign3A_122, %sign3A_125 : i32
    %ne3A_127 = arith.cmpi ne, %sign3A_119, %sign3A_126 : i32
    %rem3A_128 = arith.remsi %add3A_110, %jit3A_111 : i32
    %ne3A_129 = arith.constant 0 : i32
    %ne3A_130 = arith.cmpi ne, %rem3A_128, %ne3A_129 : i32
    %and3A_131 = arith.andi %ne3A_127, %ne3A_130 : i1
    %sub3A_132 = arith.constant 1 : i32
    %sub3A_133 = arith.subi %div3A_112, %sub3A_132 : i32
    %select_n3A_134 = arith.select %and3A_131, %sub3A_133, %div3A_112 : i32
    %mul3A_135 = arith.constant 126 : i32
    %mul3A_136 = arith.muli %select_n3A_134, %mul3A_135 : i32
    %sub3A_137 = arith.subi %add3A_110, %mul3A_136 : i32
    %shift_right_arithmetic3A = arith.constant 1 : i32
    %shift_right_arithmetic3A_138 = arith.shrsi %sub3A_137, %shift_right_arithmetic3A : i32
    %and3A_139 = arith.constant 1 : i32
    %and3A_140 = arith.andi %sub3A_137, %and3A_139 : i32
    %sub3A_141 = arith.subi %select_n3A_134, %select_n3A_42 : i32
    %mul3A_142 = arith.constant 16 : i32
    %mul3A_143 = arith.muli %shift_right_arithmetic3A_138, %mul3A_142 : i32
    %broadcast_in_dim3A = arith.constant 1.000000e+00 : f32
    %broadcast_in_dim3A_144 = vector.broadcast %broadcast_in_dim3A : f32 to vector<16xf32>
    %scan3A_145 = arith.constant 0 : i32
    %scan3A_146 = arith.constant 0 : i32
    %scan3A_147 = arith.constant 32 : i32
    %scan3A_148 = arith.addi %scan3A_146, %scan3A_147 : i32
    %scan3A_149 = arith.constant 1 : i32
    %scan3A_150 = scf.for %scan3A_357 = %scan3A_146 to %scan3A_148 step %scan3A_149 iter_args(%scan3A_358 = %scan3A_145) -> (i32)  : i32 {
      %mul3A_359 = arith.constant 128 : i32
      %mul3A_360 = arith.muli %and3A_140, %mul3A_359 : i32
      %mul3A_361 = arith.constant 4 : i32
      %mul3A_362 = arith.muli %scan3A_357, %mul3A_361 : i32
      %add3A_363 = arith.addi %mul3A_360, %mul3A_362 : i32
      %add3A_364 = arith.constant 0 : i32
      %add3A_365 = arith.addi %add3A_363, %add3A_364 : i32
      %mul3A_366 = arith.constant 16 : i32
      %mul3A_367 = arith.muli %add3A_365, %mul3A_366 : i32
      %get3A = arith.index_cast %sub3A_141 : i32 to index
      %get3A_368 = arith.index_cast %mul3A_367 : i32 to index
      %get3A_369 = tpu.vector_load %arg4[%get3A, %get3A_368] {strides = array<i32>} : memref<2x4096xi32, #tpu.memory_space<vmem>>, vector<16xi32>,
      %mul3A_370 = arith.constant 16 : i32
      %mul3A_371 = arith.muli %add3A_365, %mul3A_370 : i32
      %iota3A = tpu.iota {dimensions = array<i32: 0>} : vector<16xi32>
      %add3A_372 = vector.broadcast %mul3A_371 : i32 to vector<16xi32>
      %add3A_373 = arith.addi %add3A_372, %iota3A : vector<16xi32>
      %sub3A_374 = vector.broadcast %mul3A_143 : i32 to vector<16xi32>
      %sub3A_375 = arith.subi %get3A_369, %sub3A_374 : vector<16xi32>
      %lt3A = arith.constant 16 : i32
      %lt3A_376 = vector.broadcast %lt3A : i32 to vector<16xi32>
      %lt3A_377 = arith.cmpi ult, %sub3A_375, %lt3A_376 : vector<16xi32>
      %shift_right_arithmetic3A_378 = arith.constant 3 : i32
      %shift_right_arithmetic3A_379 = vector.broadcast %shift_right_arithmetic3A_378 : i32 to vector<16xi32>
      %shift_right_arithmetic3A_380 = arith.shrsi %get3A_369, %shift_right_arithmetic3A_379 : vector<16xi32>
      %and3A_381 = arith.constant 1 : i32
      %and3A_382 = vector.broadcast %and3A_381 : i32 to vector<16xi32>
      %and3A_383 = arith.andi %shift_right_arithmetic3A_380, %and3A_382 : vector<16xi32>
      %shift_right_arithmetic3A_384 = arith.constant 7 : i32
      %shift_right_arithmetic3A_385 = vector.broadcast %shift_right_arithmetic3A_384 : i32 to vector<16xi32>
      %shift_right_arithmetic3A_386 = arith.shrsi %add3A_373, %shift_right_arithmetic3A_385 : vector<16xi32>
      %and3A_387 = arith.constant 15 : i32
      %and3A_388 = vector.broadcast %and3A_387 : i32 to vector<16xi32>
      %and3A_389 = arith.andi %shift_right_arithmetic3A_386, %and3A_388 : vector<16xi32>
      %and3A_390 = arith.constant 7 : i32
      %and3A_391 = vector.broadcast %and3A_390 : i32 to vector<16xi32>
      %and3A_392 = arith.andi %get3A_369, %and3A_391 : vector<16xi32>
      %and3A_393 = arith.constant 127 : i32
      %and3A_394 = vector.broadcast %and3A_393 : i32 to vector<16xi32>
      %and3A_395 = arith.andi %add3A_373, %and3A_394 : vector<16xi32>
      %add3A_396 = arith.constant 0 : i32
      %add3A_397 = vector.broadcast %add3A_396 : i32 to vector<16xi32>
      %add3A_398 = arith.addi %add3A_397, %and3A_383 : vector<16xi32>
      tpu.vector_store_idx %arg5[%add3A_398, %and3A_389, %and3A_392, %and3A_395], %broadcast_in_dim3A_144 masked %lt3A_377 : memref<4x16x8x128xf32, #tpu.memory_space<vmem>>[vector<16xi32>, vector<16xi32>, vector<16xi32>, vector<16xi32>], vector<16xf32>, vector<16xi1>
      %shift_left3A = arith.constant 14 : i32
      %shift_left3A_399 = vector.broadcast %shift_left3A : i32 to vector<16xi32>
      %shift_left3A_400 = arith.shli %and3A_383, %shift_left3A_399 : vector<16xi32>
      %shift_left3A_401 = arith.constant 10 : i32
      %shift_left3A_402 = vector.broadcast %shift_left3A_401 : i32 to vector<16xi32>
      %shift_left3A_403 = arith.shli %and3A_389, %shift_left3A_402 : vector<16xi32>
      %or3A = arith.ori %shift_left3A_400, %shift_left3A_403 : vector<16xi32>
      %shift_left3A_404 = arith.constant 7 : i32
      %shift_left3A_405 = vector.broadcast %shift_left3A_404 : i32 to vector<16xi32>
      %shift_left3A_406 = arith.shli %and3A_392, %shift_left3A_405 : vector<16xi32>
      %or3A_407 = arith.ori %or3A, %shift_left3A_406 : vector<16xi32>
      %or3A_408 = arith.ori %or3A_407, %and3A_395 : vector<16xi32>
      %swap3A = arith.constant 0 : i32
      %swap3A_409 = arith.index_cast %swap3A : i32 to index
      %swap3A_410 = arith.index_cast %scan3A_358 : i32 to index
      %swap3A_411 = tpu.vector_load %arg6[%swap3A_409, %swap3A_410] masked %lt3A_377 {strides = array<i32>} : memref<2x2080xi32, #tpu.memory_space<vmem>>, vector<16xi32>, vector<16xi1>
      tpu.vector_store %arg6[%swap3A_409, %swap3A_410], %or3A_408 masked %lt3A_377 {strides = array<i32>} : memref<2x2080xi32, #tpu.memory_space<vmem>>, vector<16xi32>, vector<16xi1>
      %all_reduce_population_count3A = tpu.all_reduce %lt3A_377 {dim = 0 : i64, kind = #tpu.reduction_kind<sum>} : vector<16xi1> -> vector<16xi32>
      %slice3A = vector.extract_strided_slice %all_reduce_population_count3A {offsets = [0], sizes = [1], strides = [1]} : vector<16xi32> to vector<1xi32>
      %squeeze3A = vector.extract %slice3A[0] : i32 from vector<1xi32>
      %add3A_412 = arith.addi %scan3A_358, %squeeze3A : i32
      %mul3A_413 = arith.constant 128 : i32
      %mul3A_414 = arith.muli %and3A_140, %mul3A_413 : i32
      %mul3A_415 = arith.constant 4 : i32
      %mul3A_416 = arith.muli %scan3A_357, %mul3A_415 : i32
      %add3A_417 = arith.addi %mul3A_414, %mul3A_416 : i32
      %add3A_418 = arith.constant 1 : i32
      %add3A_419 = arith.addi %add3A_417, %add3A_418 : i32
      %mul3A_420 = arith.constant 16 : i32
      %mul3A_421 = arith.muli %add3A_419, %mul3A_420 : i32
      %get3A_422 = arith.index_cast %sub3A_141 : i32 to index
      %get3A_423 = arith.index_cast %mul3A_421 : i32 to index
      %get3A_424 = tpu.vector_load %arg4[%get3A_422, %get3A_423] {strides = array<i32>} : memref<2x4096xi32, #tpu.memory_space<vmem>>, vector<16xi32>,
      %mul3A_425 = arith.constant 16 : i32
      %mul3A_426 = arith.muli %add3A_419, %mul3A_425 : i32
      %iota3A_427 = tpu.iota {dimensions = array<i32: 0>} : vector<16xi32>
      %add3A_428 = vector.broadcast %mul3A_426 : i32 to vector<16xi32>
      %add3A_429 = arith.addi %add3A_428, %iota3A_427 : vector<16xi32>
      %sub3A_430 = vector.broadcast %mul3A_143 : i32 to vector<16xi32>
      %sub3A_431 = arith.subi %get3A_424, %sub3A_430 : vector<16xi32>
      %lt3A_432 = arith.constant 16 : i32
      %lt3A_433 = vector.broadcast %lt3A_432 : i32 to vector<16xi32>
      %lt3A_434 = arith.cmpi ult, %sub3A_431, %lt3A_433 : vector<16xi32>
      %shift_right_arithmetic3A_435 = arith.constant 3 : i32
      %shift_right_arithmetic3A_436 = vector.broadcast %shift_right_arithmetic3A_435 : i32 to vector<16xi32>
      %shift_right_arithmetic3A_437 = arith.shrsi %get3A_424, %shift_right_arithmetic3A_436 : vector<16xi32>
      %and3A_438 = arith.constant 1 : i32
      %and3A_439 = vector.broadcast %and3A_438 : i32 to vector<16xi32>
      %and3A_440 = arith.andi %shift_right_arithmetic3A_437, %and3A_439 : vector<16xi32>
      %shift_right_arithmetic3A_441 = arith.constant 7 : i32
      %shift_right_arithmetic3A_442 = vector.broadcast %shift_right_arithmetic3A_441 : i32 to vector<16xi32>
      %shift_right_arithmetic3A_443 = arith.shrsi %add3A_429, %shift_right_arithmetic3A_442 : vector<16xi32>
      %and3A_444 = arith.constant 15 : i32
      %and3A_445 = vector.broadcast %and3A_444 : i32 to vector<16xi32>
      %and3A_446 = arith.andi %shift_right_arithmetic3A_443, %and3A_445 : vector<16xi32>
      %and3A_447 = arith.constant 7 : i32
      %and3A_448 = vector.broadcast %and3A_447 : i32 to vector<16xi32>
      %and3A_449 = arith.andi %get3A_424, %and3A_448 : vector<16xi32>
      %and3A_450 = arith.constant 127 : i32
      %and3A_451 = vector.broadcast %and3A_450 : i32 to vector<16xi32>
      %and3A_452 = arith.andi %add3A_429, %and3A_451 : vector<16xi32>
      %add3A_453 = arith.constant 0 : i32
      %add3A_454 = vector.broadcast %add3A_453 : i32 to vector<16xi32>
      %add3A_455 = arith.addi %add3A_454, %and3A_440 : vector<16xi32>
      tpu.vector_store_idx %arg5[%add3A_455, %and3A_446, %and3A_449, %and3A_452], %broadcast_in_dim3A_144 masked %lt3A_434 : memref<4x16x8x128xf32, #tpu.memory_space<vmem>>[vector<16xi32>, vector<16xi32>, vector<16xi32>, vector<16xi32>], vector<16xf32>, vector<16xi1>
      %shift_left3A_456 = arith.constant 14 : i32
      %shift_left3A_457 = vector.broadcast %shift_left3A_456 : i32 to vector<16xi32>
      %shift_left3A_458 = arith.shli %and3A_440, %shift_left3A_457 : vector<16xi32>
      %shift_left3A_459 = arith.constant 10 : i32
      %shift_left3A_460 = vector.broadcast %shift_left3A_459 : i32 to vector<16xi32>
      %shift_left3A_461 = arith.shli %and3A_446, %shift_left3A_460 : vector<16xi32>
      %or3A_462 = arith.ori %shift_left3A_458, %shift_left3A_461 : vector<16xi32>
      %shift_left3A_463 = arith.constant 7 : i32
      %shift_left3A_464 = vector.broadcast %shift_left3A_463 : i32 to vector<16xi32>
      %shift_left3A_465 = arith.shli %and3A_449, %shift_left3A_464 : vector<16xi32>
      %or3A_466 = arith.ori %or3A_462, %shift_left3A_465 : vector<16xi32>
      %or3A_467 = arith.ori %or3A_466, %and3A_452 : vector<16xi32>
      %swap3A_468 = arith.constant 0 : i32
      %swap3A_469 = arith.index_cast %swap3A_468 : i32 to index
      %swap3A_470 = arith.index_cast %add3A_412 : i32 to index
      %swap3A_471 = tpu.vector_load %arg6[%swap3A_469, %swap3A_470] masked %lt3A_434 {strides = array<i32>} : memref<2x2080xi32, #tpu.memory_space<vmem>>, vector<16xi32>, vector<16xi1>
      tpu.vector_store %arg6[%swap3A_469, %swap3A_470], %or3A_467 masked %lt3A_434 {strides = array<i32>} : memref<2x2080xi32, #tpu.memory_space<vmem>>, vector<16xi32>, vector<16xi1>
      %all_reduce_population_count3A_472 = tpu.all_reduce %lt3A_434 {dim = 0 : i64, kind = #tpu.reduction_kind<sum>} : vector<16xi1> -> vector<16xi32>
      %slice3A_473 = vector.extract_strided_slice %all_reduce_population_count3A_472 {offsets = [0], sizes = [1], strides = [1]} : vector<16xi32> to vector<1xi32>
      %squeeze3A_474 = vector.extract %slice3A_473[0] : i32 from vector<1xi32>
      %add3A_475 = arith.addi %add3A_412, %squeeze3A_474 : i32
      %mul3A_476 = arith.constant 128 : i32
      %mul3A_477 = arith.muli %and3A_140, %mul3A_476 : i32
      %mul3A_478 = arith.constant 4 : i32
      %mul3A_479 = arith.muli %scan3A_357, %mul3A_478 : i32
      %add3A_480 = arith.addi %mul3A_477, %mul3A_479 : i32
      %add3A_481 = arith.constant 2 : i32
      %add3A_482 = arith.addi %add3A_480, %add3A_481 : i32
      %mul3A_483 = arith.constant 16 : i32
      %mul3A_484 = arith.muli %add3A_482, %mul3A_483 : i32
      %get3A_485 = arith.index_cast %sub3A_141 : i32 to index
      %get3A_486 = arith.index_cast %mul3A_484 : i32 to index
      %get3A_487 = tpu.vector_load %arg4[%get3A_485, %get3A_486] {strides = array<i32>} : memref<2x4096xi32, #tpu.memory_space<vmem>>, vector<16xi32>,
      %mul3A_488 = arith.constant 16 : i32
      %mul3A_489 = arith.muli %add3A_482, %mul3A_488 : i32
      %iota3A_490 = tpu.iota {dimensions = array<i32: 0>} : vector<16xi32>
      %add3A_491 = vector.broadcast %mul3A_489 : i32 to vector<16xi32>
      %add3A_492 = arith.addi %add3A_491, %iota3A_490 : vector<16xi32>
      %sub3A_493 = vector.broadcast %mul3A_143 : i32 to vector<16xi32>
      %sub3A_494 = arith.subi %get3A_487, %sub3A_493 : vector<16xi32>
      %lt3A_495 = arith.constant 16 : i32
      %lt3A_496 = vector.broadcast %lt3A_495 : i32 to vector<16xi32>
      %lt3A_497 = arith.cmpi ult, %sub3A_494, %lt3A_496 : vector<16xi32>
      %shift_right_arithmetic3A_498 = arith.constant 3 : i32
      %shift_right_arithmetic3A_499 = vector.broadcast %shift_right_arithmetic3A_498 : i32 to vector<16xi32>
      %shift_right_arithmetic3A_500 = arith.shrsi %get3A_487, %shift_right_arithmetic3A_499 : vector<16xi32>
      %and3A_501 = arith.constant 1 : i32
      %and3A_502 = vector.broadcast %and3A_501 : i32 to vector<16xi32>
      %and3A_503 = arith.andi %shift_right_arithmetic3A_500, %and3A_502 : vector<16xi32>
      %shift_right_arithmetic3A_504 = arith.constant 7 : i32
      %shift_right_arithmetic3A_505 = vector.broadcast %shift_right_arithmetic3A_504 : i32 to vector<16xi32>
      %shift_right_arithmetic3A_506 = arith.shrsi %add3A_492, %shift_right_arithmetic3A_505 : vector<16xi32>
      %and3A_507 = arith.constant 15 : i32
      %and3A_508 = vector.broadcast %and3A_507 : i32 to vector<16xi32>
      %and3A_509 = arith.andi %shift_right_arithmetic3A_506, %and3A_508 : vector<16xi32>
      %and3A_510 = arith.constant 7 : i32
      %and3A_511 = vector.broadcast %and3A_510 : i32 to vector<16xi32>
      %and3A_512 = arith.andi %get3A_487, %and3A_511 : vector<16xi32>
      %and3A_513 = arith.constant 127 : i32
      %and3A_514 = vector.broadcast %and3A_513 : i32 to vector<16xi32>
      %and3A_515 = arith.andi %add3A_492, %and3A_514 : vector<16xi32>
      %add3A_516 = arith.constant 0 : i32
      %add3A_517 = vector.broadcast %add3A_516 : i32 to vector<16xi32>
      %add3A_518 = arith.addi %add3A_517, %and3A_503 : vector<16xi32>
      tpu.vector_store_idx %arg5[%add3A_518, %and3A_509, %and3A_512, %and3A_515], %broadcast_in_dim3A_144 masked %lt3A_497 : memref<4x16x8x128xf32, #tpu.memory_space<vmem>>[vector<16xi32>, vector<16xi32>, vector<16xi32>, vector<16xi32>], vector<16xf32>, vector<16xi1>
      %shift_left3A_519 = arith.constant 14 : i32
      %shift_left3A_520 = vector.broadcast %shift_left3A_519 : i32 to vector<16xi32>
      %shift_left3A_521 = arith.shli %and3A_503, %shift_left3A_520 : vector<16xi32>
      %shift_left3A_522 = arith.constant 10 : i32
      %shift_left3A_523 = vector.broadcast %shift_left3A_522 : i32 to vector<16xi32>
      %shift_left3A_524 = arith.shli %and3A_509, %shift_left3A_523 : vector<16xi32>
      %or3A_525 = arith.ori %shift_left3A_521, %shift_left3A_524 : vector<16xi32>
      %shift_left3A_526 = arith.constant 7 : i32
      %shift_left3A_527 = vector.broadcast %shift_left3A_526 : i32 to vector<16xi32>
      %shift_left3A_528 = arith.shli %and3A_512, %shift_left3A_527 : vector<16xi32>
      %or3A_529 = arith.ori %or3A_525, %shift_left3A_528 : vector<16xi32>
      %or3A_530 = arith.ori %or3A_529, %and3A_515 : vector<16xi32>
      %swap3A_531 = arith.constant 0 : i32
      %swap3A_532 = arith.index_cast %swap3A_531 : i32 to index
      %swap3A_533 = arith.index_cast %add3A_475 : i32 to index
      %swap3A_534 = tpu.vector_load %arg6[%swap3A_532, %swap3A_533] masked %lt3A_497 {strides = array<i32>} : memref<2x2080xi32, #tpu.memory_space<vmem>>, vector<16xi32>, vector<16xi1>
      tpu.vector_store %arg6[%swap3A_532, %swap3A_533], %or3A_530 masked %lt3A_497 {strides = array<i32>} : memref<2x2080xi32, #tpu.memory_space<vmem>>, vector<16xi32>, vector<16xi1>
      %all_reduce_population_count3A_535 = tpu.all_reduce %lt3A_497 {dim = 0 : i64, kind = #tpu.reduction_kind<sum>} : vector<16xi1> -> vector<16xi32>
      %slice3A_536 = vector.extract_strided_slice %all_reduce_population_count3A_535 {offsets = [0], sizes = [1], strides = [1]} : vector<16xi32> to vector<1xi32>
      %squeeze3A_537 = vector.extract %slice3A_536[0] : i32 from vector<1xi32>
      %add3A_538 = arith.addi %add3A_475, %squeeze3A_537 : i32
      %mul3A_539 = arith.constant 128 : i32
      %mul3A_540 = arith.muli %and3A_140, %mul3A_539 : i32
      %mul3A_541 = arith.constant 4 : i32
      %mul3A_542 = arith.muli %scan3A_357, %mul3A_541 : i32
      %add3A_543 = arith.addi %mul3A_540, %mul3A_542 : i32
      %add3A_544 = arith.constant 3 : i32
      %add3A_545 = arith.addi %add3A_543, %add3A_544 : i32
      %mul3A_546 = arith.constant 16 : i32
      %mul3A_547 = arith.muli %add3A_545, %mul3A_546 : i32
      %get3A_548 = arith.index_cast %sub3A_141 : i32 to index
      %get3A_549 = arith.index_cast %mul3A_547 : i32 to index
      %get3A_550 = tpu.vector_load %arg4[%get3A_548, %get3A_549] {strides = array<i32>} : memref<2x4096xi32, #tpu.memory_space<vmem>>, vector<16xi32>,
      %mul3A_551 = arith.constant 16 : i32
      %mul3A_552 = arith.muli %add3A_545, %mul3A_551 : i32
      %iota3A_553 = tpu.iota {dimensions = array<i32: 0>} : vector<16xi32>
      %add3A_554 = vector.broadcast %mul3A_552 : i32 to vector<16xi32>
      %add3A_555 = arith.addi %add3A_554, %iota3A_553 : vector<16xi32>
      %sub3A_556 = vector.broadcast %mul3A_143 : i32 to vector<16xi32>
      %sub3A_557 = arith.subi %get3A_550, %sub3A_556 : vector<16xi32>
      %lt3A_558 = arith.constant 16 : i32
      %lt3A_559 = vector.broadcast %lt3A_558 : i32 to vector<16xi32>
      %lt3A_560 = arith.cmpi ult, %sub3A_557, %lt3A_559 : vector<16xi32>
      %shift_right_arithmetic3A_561 = arith.constant 3 : i32
      %shift_right_arithmetic3A_562 = vector.broadcast %shift_right_arithmetic3A_561 : i32 to vector<16xi32>
      %shift_right_arithmetic3A_563 = arith.shrsi %get3A_550, %shift_right_arithmetic3A_562 : vector<16xi32>
      %and3A_564 = arith.constant 1 : i32
      %and3A_565 = vector.broadcast %and3A_564 : i32 to vector<16xi32>
      %and3A_566 = arith.andi %shift_right_arithmetic3A_563, %and3A_565 : vector<16xi32>
      %shift_right_arithmetic3A_567 = arith.constant 7 : i32
      %shift_right_arithmetic3A_568 = vector.broadcast %shift_right_arithmetic3A_567 : i32 to vector<16xi32>
      %shift_right_arithmetic3A_569 = arith.shrsi %add3A_555, %shift_right_arithmetic3A_568 : vector<16xi32>
      %and3A_570 = arith.constant 15 : i32
      %and3A_571 = vector.broadcast %and3A_570 : i32 to vector<16xi32>
      %and3A_572 = arith.andi %shift_right_arithmetic3A_569, %and3A_571 : vector<16xi32>
      %and3A_573 = arith.constant 7 : i32
      %and3A_574 = vector.broadcast %and3A_573 : i32 to vector<16xi32>
      %and3A_575 = arith.andi %get3A_550, %and3A_574 : vector<16xi32>
      %and3A_576 = arith.constant 127 : i32
      %and3A_577 = vector.broadcast %and3A_576 : i32 to vector<16xi32>
      %and3A_578 = arith.andi %add3A_555, %and3A_577 : vector<16xi32>
      %add3A_579 = arith.constant 0 : i32
      %add3A_580 = vector.broadcast %add3A_579 : i32 to vector<16xi32>
      %add3A_581 = arith.addi %add3A_580, %and3A_566 : vector<16xi32>
      tpu.vector_store_idx %arg5[%add3A_581, %and3A_572, %and3A_575, %and3A_578], %broadcast_in_dim3A_144 masked %lt3A_560 : memref<4x16x8x128xf32, #tpu.memory_space<vmem>>[vector<16xi32>, vector<16xi32>, vector<16xi32>, vector<16xi32>], vector<16xf32>, vector<16xi1>
      %shift_left3A_582 = arith.constant 14 : i32
      %shift_left3A_583 = vector.broadcast %shift_left3A_582 : i32 to vector<16xi32>
      %shift_left3A_584 = arith.shli %and3A_566, %shift_left3A_583 : vector<16xi32>
      %shift_left3A_585 = arith.constant 10 : i32
      %shift_left3A_586 = vector.broadcast %shift_left3A_585 : i32 to vector<16xi32>
      %shift_left3A_587 = arith.shli %and3A_572, %shift_left3A_586 : vector<16xi32>
      %or3A_588 = arith.ori %shift_left3A_584, %shift_left3A_587 : vector<16xi32>
      %shift_left3A_589 = arith.constant 7 : i32
      %shift_left3A_590 = vector.broadcast %shift_left3A_589 : i32 to vector<16xi32>
      %shift_left3A_591 = arith.shli %and3A_575, %shift_left3A_590 : vector<16xi32>
      %or3A_592 = arith.ori %or3A_588, %shift_left3A_591 : vector<16xi32>
      %or3A_593 = arith.ori %or3A_592, %and3A_578 : vector<16xi32>
      %swap3A_594 = arith.constant 0 : i32
      %swap3A_595 = arith.index_cast %swap3A_594 : i32 to index
      %swap3A_596 = arith.index_cast %add3A_538 : i32 to index
      %swap3A_597 = tpu.vector_load %arg6[%swap3A_595, %swap3A_596] masked %lt3A_560 {strides = array<i32>} : memref<2x2080xi32, #tpu.memory_space<vmem>>, vector<16xi32>, vector<16xi1>
      tpu.vector_store %arg6[%swap3A_595, %swap3A_596], %or3A_593 masked %lt3A_560 {strides = array<i32>} : memref<2x2080xi32, #tpu.memory_space<vmem>>, vector<16xi32>, vector<16xi1>
      %all_reduce_population_count3A_598 = tpu.all_reduce %lt3A_560 {dim = 0 : i64, kind = #tpu.reduction_kind<sum>} : vector<16xi1> -> vector<16xi32>
      %slice3A_599 = vector.extract_strided_slice %all_reduce_population_count3A_598 {offsets = [0], sizes = [1], strides = [1]} : vector<16xi32> to vector<1xi32>
      %squeeze3A_600 = vector.extract %slice3A_599[0] : i32 from vector<1xi32>
      %add3A_601 = arith.addi %add3A_538, %squeeze3A_600 : i32
      scf.yield %add3A_601 : i32
    }
    %scan3A_151 = arith.constant 32 : i32
    %mul3A_152 = arith.constant 2 : i32
    %mul3A_153 = arith.muli %mul3A_152, %shift_right_arithmetic3A_138 : i32
    %mul3A_154 = arith.constant 16 : i32
    %mul3A_155 = arith.muli %mul3A_154, %and3A_140 : i32
    %dma_start3A_156 = arith.constant 0 : i32
    %dma_start3A_157 = arith.constant 0 : i32
    %dma_start3A_158 = arith.constant 0 : i32
    %dma_start3A_159 = arith.constant 0 : i32
    %dma_start3A_160 = tpu.memref_slice %arg5[%dma_start3A_156, %dma_start3A_157, %dma_start3A_158, %dma_start3A_159] : memref<4x16x8x128xf32, #tpu.memory_space<vmem>> -> memref<1x16x8x128xf32, #tpu.memory_space<vmem>>
    %dma_start3A_161 = tpu.memref_squeeze %dma_start3A_160 : memref<1x16x8x128xf32, #tpu.memory_space<vmem>> -> memref<16x8x128xf32, #tpu.memory_space<vmem>>
    %dma_start3A_162 = arith.constant 0 : i32
    %dma_start3A_163 = arith.constant 0 : i32
    %dma_start3A_164 = tpu.memref_slice %arg3[%select_n3A_134, %mul3A_153, %mul3A_155, %dma_start3A_162, %dma_start3A_163] : memref<26x125x32x8x128xf32, #tpu.memory_space<hbm>> -> memref<1x1x16x8x128xf32, #tpu.memory_space<hbm>>
    %dma_start3A_165 = tpu.memref_squeeze %dma_start3A_164 : memref<1x1x16x8x128xf32, #tpu.memory_space<hbm>> -> memref<16x8x128xf32, #tpu.memory_space<hbm>>
    %dma_start3A_166 = arith.constant 0 : i32
    %dma_start3A_167 = arith.constant 0 : i32
    %dma_start3A_168 = tpu.memref_slice %arg3[%select_n3A_134, %mul3A_153, %mul3A_155, %dma_start3A_166, %dma_start3A_167] : memref<26x125x32x8x128xf32, #tpu.memory_space<hbm>> -> memref<1x1x16x8x128xf32, #tpu.memory_space<hbm>>
    %dma_start3A_169 = tpu.memref_squeeze %dma_start3A_168 : memref<1x1x16x8x128xf32, #tpu.memory_space<hbm>> -> memref<16x8x128xf32, #tpu.memory_space<hbm>>
    %dma_start3A_170 = arith.constant 0 : i32
    %dma_start3A_171 = arith.constant 0 : i32
    %dma_start3A_172 = arith.constant 0 : i32
    %dma_start3A_173 = tpu.memref_slice %arg5[%dma_start3A_156, %dma_start3A_170, %dma_start3A_171, %dma_start3A_172] : memref<4x16x8x128xf32, #tpu.memory_space<vmem>> -> memref<1x16x8x128xf32, #tpu.memory_space<vmem>>
    %dma_start3A_174 = tpu.memref_squeeze %dma_start3A_173 : memref<1x16x8x128xf32, #tpu.memory_space<vmem>> -> memref<16x8x128xf32, #tpu.memory_space<vmem>>
    tpu.enqueue_dma source(%dma_start3A_174 : memref<16x8x128xf32, #tpu.memory_space<vmem>>) target(%dma_start3A_169 : memref<16x8x128xf32, #tpu.memory_space<hbm>>) target_semaphore(%arg7 : memref<!tpu.dma_semaphore, #tpu.memory_space<semaphore_mem>>)
    %eq3A = arith.constant 62 : i32
    %eq3A_175 = arith.cmpi eq, %shift_right_arithmetic3A_138, %eq3A : i32
    %not3A = arith.constant true
    %not3A_176 = arith.xori %eq3A_175, %not3A : i1
    %convert_element_type3A = arith.extui %not3A_176 : i1 to i32
    %cond3A = arith.constant 0 : i32
    %cond3A_177 = arith.cmpi ne, %convert_element_type3A, %cond3A : i32
    scf.if %cond3A_177 {
      %add3A_357 = arith.constant 1 : i32
      %add3A_358 = arith.addi %mul3A_153, %add3A_357 : i32
      %dma_start3A_359 = arith.constant 1 : i32
      %dma_start3A_360 = arith.constant 0 : i32
      %dma_start3A_361 = arith.constant 0 : i32
      %dma_start3A_362 = arith.constant 0 : i32
      %dma_start3A_363 = tpu.memref_slice %arg5[%dma_start3A_359, %dma_start3A_360, %dma_start3A_361, %dma_start3A_362] : memref<4x16x8x128xf32, #tpu.memory_space<vmem>> -> memref<1x16x8x128xf32, #tpu.memory_space<vmem>>
      %dma_start3A_364 = tpu.memref_squeeze %dma_start3A_363 : memref<1x16x8x128xf32, #tpu.memory_space<vmem>> -> memref<16x8x128xf32, #tpu.memory_space<vmem>>
      %dma_start3A_365 = arith.constant 0 : i32
      %dma_start3A_366 = arith.constant 0 : i32
      %dma_start3A_367 = tpu.memref_slice %arg3[%select_n3A_134, %add3A_358, %mul3A_155, %dma_start3A_365, %dma_start3A_366] : memref<26x125x32x8x128xf32, #tpu.memory_space<hbm>> -> memref<1x1x16x8x128xf32, #tpu.memory_space<hbm>>
      %dma_start3A_368 = tpu.memref_squeeze %dma_start3A_367 : memref<1x1x16x8x128xf32, #tpu.memory_space<hbm>> -> memref<16x8x128xf32, #tpu.memory_space<hbm>>
      %dma_start3A_369 = arith.constant 0 : i32
      %dma_start3A_370 = arith.constant 0 : i32
      %dma_start3A_371 = tpu.memref_slice %arg3[%select_n3A_134, %add3A_358, %mul3A_155, %dma_start3A_369, %dma_start3A_370] : memref<26x125x32x8x128xf32, #tpu.memory_space<hbm>> -> memref<1x1x16x8x128xf32, #tpu.memory_space<hbm>>
      %dma_start3A_372 = tpu.memref_squeeze %dma_start3A_371 : memref<1x1x16x8x128xf32, #tpu.memory_space<hbm>> -> memref<16x8x128xf32, #tpu.memory_space<hbm>>
      %dma_start3A_373 = arith.constant 0 : i32
      %dma_start3A_374 = arith.constant 0 : i32
      %dma_start3A_375 = arith.constant 0 : i32
      %dma_start3A_376 = tpu.memref_slice %arg5[%dma_start3A_359, %dma_start3A_373, %dma_start3A_374, %dma_start3A_375] : memref<4x16x8x128xf32, #tpu.memory_space<vmem>> -> memref<1x16x8x128xf32, #tpu.memory_space<vmem>>
      %dma_start3A_377 = tpu.memref_squeeze %dma_start3A_376 : memref<1x16x8x128xf32, #tpu.memory_space<vmem>> -> memref<16x8x128xf32, #tpu.memory_space<vmem>>
      tpu.enqueue_dma source(%dma_start3A_377 : memref<16x8x128xf32, #tpu.memory_space<vmem>>) target(%dma_start3A_372 : memref<16x8x128xf32, #tpu.memory_space<hbm>>) target_semaphore(%arg8 : memref<!tpu.dma_semaphore, #tpu.memory_space<semaphore_mem>>)
    } else {
    }
    %convert_element_type3A_178 = arith.extui %eq3A_175 : i1 to i32
    %cond3A_179 = arith.constant 0 : i32
    %cond3A_180 = arith.cmpi ne, %convert_element_type3A_178, %cond3A_179 : i32
    scf.if %cond3A_180 {
      %dma_start3A_357 = arith.constant 0 : i32
      %dma_start3A_358 = arith.constant 0 : i32
      %dma_start3A_359 = arith.constant 0 : i32
      %dma_start3A_360 = arith.constant 0 : i32
      %dma_start3A_361 = tpu.memref_slice %arg5[%dma_start3A_357, %dma_start3A_358, %dma_start3A_359, %dma_start3A_360] : memref<4x16x8x128xf32, #tpu.memory_space<vmem>> -> memref<1x16x8x128xf32, #tpu.memory_space<vmem>>
      %dma_start3A_362 = tpu.memref_squeeze %dma_start3A_361 : memref<1x16x8x128xf32, #tpu.memory_space<vmem>> -> memref<16x8x128xf32, #tpu.memory_space<vmem>>
      %dma_start3A_363 = arith.constant 0 : i32
      %dma_start3A_364 = arith.constant 0 : i32
      %dma_start3A_365 = tpu.memref_slice %arg3[%select_n3A_134, %mul3A_153, %mul3A_155, %dma_start3A_363, %dma_start3A_364] : memref<26x125x32x8x128xf32, #tpu.memory_space<hbm>> -> memref<1x1x16x8x128xf32, #tpu.memory_space<hbm>>
      %dma_start3A_366 = tpu.memref_squeeze %dma_start3A_365 : memref<1x1x16x8x128xf32, #tpu.memory_space<hbm>> -> memref<16x8x128xf32, #tpu.memory_space<hbm>>
      %dma_start3A_367 = arith.constant 0 : i32
      %dma_start3A_368 = arith.constant 0 : i32
      %dma_start3A_369 = tpu.memref_slice %arg3[%select_n3A_134, %mul3A_153, %mul3A_155, %dma_start3A_367, %dma_start3A_368] : memref<26x125x32x8x128xf32, #tpu.memory_space<hbm>> -> memref<1x1x16x8x128xf32, #tpu.memory_space<hbm>>
      %dma_start3A_370 = tpu.memref_squeeze %dma_start3A_369 : memref<1x1x16x8x128xf32, #tpu.memory_space<hbm>> -> memref<16x8x128xf32, #tpu.memory_space<hbm>>
      %dma_start3A_371 = arith.constant 0 : i32
      %dma_start3A_372 = arith.constant 0 : i32
      %dma_start3A_373 = arith.constant 0 : i32
      %dma_start3A_374 = tpu.memref_slice %arg5[%dma_start3A_357, %dma_start3A_371, %dma_start3A_372, %dma_start3A_373] : memref<4x16x8x128xf32, #tpu.memory_space<vmem>> -> memref<1x16x8x128xf32, #tpu.memory_space<vmem>>
      %dma_start3A_375 = tpu.memref_squeeze %dma_start3A_374 : memref<1x16x8x128xf32, #tpu.memory_space<vmem>> -> memref<16x8x128xf32, #tpu.memory_space<vmem>>
      tpu.enqueue_dma source(%dma_start3A_375 : memref<16x8x128xf32, #tpu.memory_space<vmem>>) target(%dma_start3A_370 : memref<16x8x128xf32, #tpu.memory_space<hbm>>) target_semaphore(%arg8 : memref<!tpu.dma_semaphore, #tpu.memory_space<semaphore_mem>>)
    } else {
    }
    %add3A_181 = arith.constant 1 : i32
    %add3A_182 = arith.addi %select_n3A, %add3A_181 : i32
    %jit3A_183 = arith.constant 126 : i32
    %div3A_184 = arith.divsi %add3A_182, %jit3A_183 : i32
    %sign3A_185 = arith.constant 0 : i32
    %sign3A_186 = arith.cmpi sgt, %add3A_182, %sign3A_185 : i32
    %sign3A_187 = arith.extui %sign3A_186 : i1 to i32
    %sign3A_188 = arith.constant 0 : i32
    %sign3A_189 = arith.cmpi slt, %add3A_182, %sign3A_188 : i32
    %sign3A_190 = arith.extui %sign3A_189 : i1 to i32
    %sign3A_191 = arith.subi %sign3A_187, %sign3A_190 : i32
    %sign3A_192 = arith.constant 0 : i32
    %sign3A_193 = arith.cmpi sgt, %jit3A_183, %sign3A_192 : i32
    %sign3A_194 = arith.extui %sign3A_193 : i1 to i32
    %sign3A_195 = arith.constant 0 : i32
    %sign3A_196 = arith.cmpi slt, %jit3A_183, %sign3A_195 : i32
    %sign3A_197 = arith.extui %sign3A_196 : i1 to i32
    %sign3A_198 = arith.subi %sign3A_194, %sign3A_197 : i32
    %ne3A_199 = arith.cmpi ne, %sign3A_191, %sign3A_198 : i32
    %rem3A_200 = arith.remsi %add3A_182, %jit3A_183 : i32
    %ne3A_201 = arith.constant 0 : i32
    %ne3A_202 = arith.cmpi ne, %rem3A_200, %ne3A_201 : i32
    %and3A_203 = arith.andi %ne3A_199, %ne3A_202 : i1
    %sub3A_204 = arith.constant 1 : i32
    %sub3A_205 = arith.subi %div3A_184, %sub3A_204 : i32
    %select_n3A_206 = arith.select %and3A_203, %sub3A_205, %div3A_184 : i32
    %mul3A_207 = arith.constant 126 : i32
    %mul3A_208 = arith.muli %select_n3A_206, %mul3A_207 : i32
    %sub3A_209 = arith.subi %add3A_182, %mul3A_208 : i32
    %shift_right_arithmetic3A_210 = arith.constant 1 : i32
    %shift_right_arithmetic3A_211 = arith.shrsi %sub3A_209, %shift_right_arithmetic3A_210 : i32
    %and3A_212 = arith.constant 1 : i32
    %and3A_213 = arith.andi %sub3A_209, %and3A_212 : i32
    %sub3A_214 = arith.subi %select_n3A_206, %select_n3A_42 : i32
    %mul3A_215 = arith.constant 16 : i32
    %mul3A_216 = arith.muli %shift_right_arithmetic3A_211, %mul3A_215 : i32
    %broadcast_in_dim3A_217 = arith.constant 1.000000e+00 : f32
    %broadcast_in_dim3A_218 = vector.broadcast %broadcast_in_dim3A_217 : f32 to vector<16xf32>
    %scan3A_219 = arith.constant 0 : i32
    %scan3A_220 = arith.constant 0 : i32
    %scan3A_221 = arith.constant 32 : i32
    %scan3A_222 = arith.addi %scan3A_220, %scan3A_221 : i32
    %scan3A_223 = arith.constant 1 : i32
    %scan3A_224 = scf.for %scan3A_357 = %scan3A_220 to %scan3A_222 step %scan3A_223 iter_args(%scan3A_358 = %scan3A_219) -> (i32)  : i32 {
      %mul3A_359 = arith.constant 128 : i32
      %mul3A_360 = arith.muli %and3A_213, %mul3A_359 : i32
      %mul3A_361 = arith.constant 4 : i32
      %mul3A_362 = arith.muli %scan3A_357, %mul3A_361 : i32
      %add3A_363 = arith.addi %mul3A_360, %mul3A_362 : i32
      %add3A_364 = arith.constant 0 : i32
      %add3A_365 = arith.addi %add3A_363, %add3A_364 : i32
      %mul3A_366 = arith.constant 16 : i32
      %mul3A_367 = arith.muli %add3A_365, %mul3A_366 : i32
      %get3A = arith.index_cast %sub3A_214 : i32 to index
      %get3A_368 = arith.index_cast %mul3A_367 : i32 to index
      %get3A_369 = tpu.vector_load %arg4[%get3A, %get3A_368] {strides = array<i32>} : memref<2x4096xi32, #tpu.memory_space<vmem>>, vector<16xi32>,
      %mul3A_370 = arith.constant 16 : i32
      %mul3A_371 = arith.muli %add3A_365, %mul3A_370 : i32
      %iota3A = tpu.iota {dimensions = array<i32: 0>} : vector<16xi32>
      %add3A_372 = vector.broadcast %mul3A_371 : i32 to vector<16xi32>
      %add3A_373 = arith.addi %add3A_372, %iota3A : vector<16xi32>
      %sub3A_374 = vector.broadcast %mul3A_216 : i32 to vector<16xi32>
      %sub3A_375 = arith.subi %get3A_369, %sub3A_374 : vector<16xi32>
      %lt3A = arith.constant 16 : i32
      %lt3A_376 = vector.broadcast %lt3A : i32 to vector<16xi32>
      %lt3A_377 = arith.cmpi ult, %sub3A_375, %lt3A_376 : vector<16xi32>
      %shift_right_arithmetic3A_378 = arith.constant 3 : i32
      %shift_right_arithmetic3A_379 = vector.broadcast %shift_right_arithmetic3A_378 : i32 to vector<16xi32>
      %shift_right_arithmetic3A_380 = arith.shrsi %get3A_369, %shift_right_arithmetic3A_379 : vector<16xi32>
      %and3A_381 = arith.constant 1 : i32
      %and3A_382 = vector.broadcast %and3A_381 : i32 to vector<16xi32>
      %and3A_383 = arith.andi %shift_right_arithmetic3A_380, %and3A_382 : vector<16xi32>
      %shift_right_arithmetic3A_384 = arith.constant 7 : i32
      %shift_right_arithmetic3A_385 = vector.broadcast %shift_right_arithmetic3A_384 : i32 to vector<16xi32>
      %shift_right_arithmetic3A_386 = arith.shrsi %add3A_373, %shift_right_arithmetic3A_385 : vector<16xi32>
      %and3A_387 = arith.constant 15 : i32
      %and3A_388 = vector.broadcast %and3A_387 : i32 to vector<16xi32>
      %and3A_389 = arith.andi %shift_right_arithmetic3A_386, %and3A_388 : vector<16xi32>
      %and3A_390 = arith.constant 7 : i32
      %and3A_391 = vector.broadcast %and3A_390 : i32 to vector<16xi32>
      %and3A_392 = arith.andi %get3A_369, %and3A_391 : vector<16xi32>
      %and3A_393 = arith.constant 127 : i32
      %and3A_394 = vector.broadcast %and3A_393 : i32 to vector<16xi32>
      %and3A_395 = arith.andi %add3A_373, %and3A_394 : vector<16xi32>
      %add3A_396 = arith.constant 2 : i32
      %add3A_397 = vector.broadcast %add3A_396 : i32 to vector<16xi32>
      %add3A_398 = arith.addi %add3A_397, %and3A_383 : vector<16xi32>
      tpu.vector_store_idx %arg5[%add3A_398, %and3A_389, %and3A_392, %and3A_395], %broadcast_in_dim3A_218 masked %lt3A_377 : memref<4x16x8x128xf32, #tpu.memory_space<vmem>>[vector<16xi32>, vector<16xi32>, vector<16xi32>, vector<16xi32>], vector<16xf32>, vector<16xi1>
      %shift_left3A = arith.constant 14 : i32
      %shift_left3A_399 = vector.broadcast %shift_left3A : i32 to vector<16xi32>
      %shift_left3A_400 = arith.shli %and3A_383, %shift_left3A_399 : vector<16xi32>
      %shift_left3A_401 = arith.constant 10 : i32
      %shift_left3A_402 = vector.broadcast %shift_left3A_401 : i32 to vector<16xi32>
      %shift_left3A_403 = arith.shli %and3A_389, %shift_left3A_402 : vector<16xi32>
      %or3A = arith.ori %shift_left3A_400, %shift_left3A_403 : vector<16xi32>
      %shift_left3A_404 = arith.constant 7 : i32
      %shift_left3A_405 = vector.broadcast %shift_left3A_404 : i32 to vector<16xi32>
      %shift_left3A_406 = arith.shli %and3A_392, %shift_left3A_405 : vector<16xi32>
      %or3A_407 = arith.ori %or3A, %shift_left3A_406 : vector<16xi32>
      %or3A_408 = arith.ori %or3A_407, %and3A_395 : vector<16xi32>
      %swap3A = arith.constant 1 : i32
      %swap3A_409 = arith.index_cast %swap3A : i32 to index
      %swap3A_410 = arith.index_cast %scan3A_358 : i32 to index
      %swap3A_411 = tpu.vector_load %arg6[%swap3A_409, %swap3A_410] masked %lt3A_377 {strides = array<i32>} : memref<2x2080xi32, #tpu.memory_space<vmem>>, vector<16xi32>, vector<16xi1>
      tpu.vector_store %arg6[%swap3A_409, %swap3A_410], %or3A_408 masked %lt3A_377 {strides = array<i32>} : memref<2x2080xi32, #tpu.memory_space<vmem>>, vector<16xi32>, vector<16xi1>
      %all_reduce_population_count3A = tpu.all_reduce %lt3A_377 {dim = 0 : i64, kind = #tpu.reduction_kind<sum>} : vector<16xi1> -> vector<16xi32>
      %slice3A = vector.extract_strided_slice %all_reduce_population_count3A {offsets = [0], sizes = [1], strides = [1]} : vector<16xi32> to vector<1xi32>
      %squeeze3A = vector.extract %slice3A[0] : i32 from vector<1xi32>
      %add3A_412 = arith.addi %scan3A_358, %squeeze3A : i32
      %mul3A_413 = arith.constant 128 : i32
      %mul3A_414 = arith.muli %and3A_213, %mul3A_413 : i32
      %mul3A_415 = arith.constant 4 : i32
      %mul3A_416 = arith.muli %scan3A_357, %mul3A_415 : i32
      %add3A_417 = arith.addi %mul3A_414, %mul3A_416 : i32
      %add3A_418 = arith.constant 1 : i32
      %add3A_419 = arith.addi %add3A_417, %add3A_418 : i32
      %mul3A_420 = arith.constant 16 : i32
      %mul3A_421 = arith.muli %add3A_419, %mul3A_420 : i32
      %get3A_422 = arith.index_cast %sub3A_214 : i32 to index
      %get3A_423 = arith.index_cast %mul3A_421 : i32 to index
      %get3A_424 = tpu.vector_load %arg4[%get3A_422, %get3A_423] {strides = array<i32>} : memref<2x4096xi32, #tpu.memory_space<vmem>>, vector<16xi32>,
      %mul3A_425 = arith.constant 16 : i32
      %mul3A_426 = arith.muli %add3A_419, %mul3A_425 : i32
      %iota3A_427 = tpu.iota {dimensions = array<i32: 0>} : vector<16xi32>
      %add3A_428 = vector.broadcast %mul3A_426 : i32 to vector<16xi32>
      %add3A_429 = arith.addi %add3A_428, %iota3A_427 : vector<16xi32>
      %sub3A_430 = vector.broadcast %mul3A_216 : i32 to vector<16xi32>
      %sub3A_431 = arith.subi %get3A_424, %sub3A_430 : vector<16xi32>
      %lt3A_432 = arith.constant 16 : i32
      %lt3A_433 = vector.broadcast %lt3A_432 : i32 to vector<16xi32>
      %lt3A_434 = arith.cmpi ult, %sub3A_431, %lt3A_433 : vector<16xi32>
      %shift_right_arithmetic3A_435 = arith.constant 3 : i32
      %shift_right_arithmetic3A_436 = vector.broadcast %shift_right_arithmetic3A_435 : i32 to vector<16xi32>
      %shift_right_arithmetic3A_437 = arith.shrsi %get3A_424, %shift_right_arithmetic3A_436 : vector<16xi32>
      %and3A_438 = arith.constant 1 : i32
      %and3A_439 = vector.broadcast %and3A_438 : i32 to vector<16xi32>
      %and3A_440 = arith.andi %shift_right_arithmetic3A_437, %and3A_439 : vector<16xi32>
      %shift_right_arithmetic3A_441 = arith.constant 7 : i32
      %shift_right_arithmetic3A_442 = vector.broadcast %shift_right_arithmetic3A_441 : i32 to vector<16xi32>
      %shift_right_arithmetic3A_443 = arith.shrsi %add3A_429, %shift_right_arithmetic3A_442 : vector<16xi32>
      %and3A_444 = arith.constant 15 : i32
      %and3A_445 = vector.broadcast %and3A_444 : i32 to vector<16xi32>
      %and3A_446 = arith.andi %shift_right_arithmetic3A_443, %and3A_445 : vector<16xi32>
      %and3A_447 = arith.constant 7 : i32
      %and3A_448 = vector.broadcast %and3A_447 : i32 to vector<16xi32>
      %and3A_449 = arith.andi %get3A_424, %and3A_448 : vector<16xi32>
      %and3A_450 = arith.constant 127 : i32
      %and3A_451 = vector.broadcast %and3A_450 : i32 to vector<16xi32>
      %and3A_452 = arith.andi %add3A_429, %and3A_451 : vector<16xi32>
      %add3A_453 = arith.constant 2 : i32
      %add3A_454 = vector.broadcast %add3A_453 : i32 to vector<16xi32>
      %add3A_455 = arith.addi %add3A_454, %and3A_440 : vector<16xi32>
      tpu.vector_store_idx %arg5[%add3A_455, %and3A_446, %and3A_449, %and3A_452], %broadcast_in_dim3A_218 masked %lt3A_434 : memref<4x16x8x128xf32, #tpu.memory_space<vmem>>[vector<16xi32>, vector<16xi32>, vector<16xi32>, vector<16xi32>], vector<16xf32>, vector<16xi1>
      %shift_left3A_456 = arith.constant 14 : i32
      %shift_left3A_457 = vector.broadcast %shift_left3A_456 : i32 to vector<16xi32>
      %shift_left3A_458 = arith.shli %and3A_440, %shift_left3A_457 : vector<16xi32>
      %shift_left3A_459 = arith.constant 10 : i32
      %shift_left3A_460 = vector.broadcast %shift_left3A_459 : i32 to vector<16xi32>
      %shift_left3A_461 = arith.shli %and3A_446, %shift_left3A_460 : vector<16xi32>
      %or3A_462 = arith.ori %shift_left3A_458, %shift_left3A_461 : vector<16xi32>
      %shift_left3A_463 = arith.constant 7 : i32
      %shift_left3A_464 = vector.broadcast %shift_left3A_463 : i32 to vector<16xi32>
      %shift_left3A_465 = arith.shli %and3A_449, %shift_left3A_464 : vector<16xi32>
      %or3A_466 = arith.ori %or3A_462, %shift_left3A_465 : vector<16xi32>
      %or3A_467 = arith.ori %or3A_466, %and3A_452 : vector<16xi32>
      %swap3A_468 = arith.constant 1 : i32
      %swap3A_469 = arith.index_cast %swap3A_468 : i32 to index
      %swap3A_470 = arith.index_cast %add3A_412 : i32 to index
      %swap3A_471 = tpu.vector_load %arg6[%swap3A_469, %swap3A_470] masked %lt3A_434 {strides = array<i32>} : memref<2x2080xi32, #tpu.memory_space<vmem>>, vector<16xi32>, vector<16xi1>
      tpu.vector_store %arg6[%swap3A_469, %swap3A_470], %or3A_467 masked %lt3A_434 {strides = array<i32>} : memref<2x2080xi32, #tpu.memory_space<vmem>>, vector<16xi32>, vector<16xi1>
      %all_reduce_population_count3A_472 = tpu.all_reduce %lt3A_434 {dim = 0 : i64, kind = #tpu.reduction_kind<sum>} : vector<16xi1> -> vector<16xi32>
      %slice3A_473 = vector.extract_strided_slice %all_reduce_population_count3A_472 {offsets = [0], sizes = [1], strides = [1]} : vector<16xi32> to vector<1xi32>
      %squeeze3A_474 = vector.extract %slice3A_473[0] : i32 from vector<1xi32>
      %add3A_475 = arith.addi %add3A_412, %squeeze3A_474 : i32
      %mul3A_476 = arith.constant 128 : i32
      %mul3A_477 = arith.muli %and3A_213, %mul3A_476 : i32
      %mul3A_478 = arith.constant 4 : i32
      %mul3A_479 = arith.muli %scan3A_357, %mul3A_478 : i32
      %add3A_480 = arith.addi %mul3A_477, %mul3A_479 : i32
      %add3A_481 = arith.constant 2 : i32
      %add3A_482 = arith.addi %add3A_480, %add3A_481 : i32
      %mul3A_483 = arith.constant 16 : i32
      %mul3A_484 = arith.muli %add3A_482, %mul3A_483 : i32
      %get3A_485 = arith.index_cast %sub3A_214 : i32 to index
      %get3A_486 = arith.index_cast %mul3A_484 : i32 to index
      %get3A_487 = tpu.vector_load %arg4[%get3A_485, %get3A_486] {strides = array<i32>} : memref<2x4096xi32, #tpu.memory_space<vmem>>, vector<16xi32>,
      %mul3A_488 = arith.constant 16 : i32
      %mul3A_489 = arith.muli %add3A_482, %mul3A_488 : i32
      %iota3A_490 = tpu.iota {dimensions = array<i32: 0>} : vector<16xi32>
      %add3A_491 = vector.broadcast %mul3A_489 : i32 to vector<16xi32>
      %add3A_492 = arith.addi %add3A_491, %iota3A_490 : vector<16xi32>
      %sub3A_493 = vector.broadcast %mul3A_216 : i32 to vector<16xi32>
      %sub3A_494 = arith.subi %get3A_487, %sub3A_493 : vector<16xi32>
      %lt3A_495 = arith.constant 16 : i32
      %lt3A_496 = vector.broadcast %lt3A_495 : i32 to vector<16xi32>
      %lt3A_497 = arith.cmpi ult, %sub3A_494, %lt3A_496 : vector<16xi32>
      %shift_right_arithmetic3A_498 = arith.constant 3 : i32
      %shift_right_arithmetic3A_499 = vector.broadcast %shift_right_arithmetic3A_498 : i32 to vector<16xi32>
      %shift_right_arithmetic3A_500 = arith.shrsi %get3A_487, %shift_right_arithmetic3A_499 : vector<16xi32>
      %and3A_501 = arith.constant 1 : i32
      %and3A_502 = vector.broadcast %and3A_501 : i32 to vector<16xi32>
      %and3A_503 = arith.andi %shift_right_arithmetic3A_500, %and3A_502 : vector<16xi32>
      %shift_right_arithmetic3A_504 = arith.constant 7 : i32
      %shift_right_arithmetic3A_505 = vector.broadcast %shift_right_arithmetic3A_504 : i32 to vector<16xi32>
      %shift_right_arithmetic3A_506 = arith.shrsi %add3A_492, %shift_right_arithmetic3A_505 : vector<16xi32>
      %and3A_507 = arith.constant 15 : i32
      %and3A_508 = vector.broadcast %and3A_507 : i32 to vector<16xi32>
      %and3A_509 = arith.andi %shift_right_arithmetic3A_506, %and3A_508 : vector<16xi32>
      %and3A_510 = arith.constant 7 : i32
      %and3A_511 = vector.broadcast %and3A_510 : i32 to vector<16xi32>
      %and3A_512 = arith.andi %get3A_487, %and3A_511 : vector<16xi32>
      %and3A_513 = arith.constant 127 : i32
      %and3A_514 = vector.broadcast %and3A_513 : i32 to vector<16xi32>
      %and3A_515 = arith.andi %add3A_492, %and3A_514 : vector<16xi32>
      %add3A_516 = arith.constant 2 : i32
      %add3A_517 = vector.broadcast %add3A_516 : i32 to vector<16xi32>
      %add3A_518 = arith.addi %add3A_517, %and3A_503 : vector<16xi32>
      tpu.vector_store_idx %arg5[%add3A_518, %and3A_509, %and3A_512, %and3A_515], %broadcast_in_dim3A_218 masked %lt3A_497 : memref<4x16x8x128xf32, #tpu.memory_space<vmem>>[vector<16xi32>, vector<16xi32>, vector<16xi32>, vector<16xi32>], vector<16xf32>, vector<16xi1>
      %shift_left3A_519 = arith.constant 14 : i32
      %shift_left3A_520 = vector.broadcast %shift_left3A_519 : i32 to vector<16xi32>
      %shift_left3A_521 = arith.shli %and3A_503, %shift_left3A_520 : vector<16xi32>
      %shift_left3A_522 = arith.constant 10 : i32
      %shift_left3A_523 = vector.broadcast %shift_left3A_522 : i32 to vector<16xi32>
      %shift_left3A_524 = arith.shli %and3A_509, %shift_left3A_523 : vector<16xi32>
      %or3A_525 = arith.ori %shift_left3A_521, %shift_left3A_524 : vector<16xi32>
      %shift_left3A_526 = arith.constant 7 : i32
      %shift_left3A_527 = vector.broadcast %shift_left3A_526 : i32 to vector<16xi32>
      %shift_left3A_528 = arith.shli %and3A_512, %shift_left3A_527 : vector<16xi32>
      %or3A_529 = arith.ori %or3A_525, %shift_left3A_528 : vector<16xi32>
      %or3A_530 = arith.ori %or3A_529, %and3A_515 : vector<16xi32>
      %swap3A_531 = arith.constant 1 : i32
      %swap3A_532 = arith.index_cast %swap3A_531 : i32 to index
      %swap3A_533 = arith.index_cast %add3A_475 : i32 to index
      %swap3A_534 = tpu.vector_load %arg6[%swap3A_532, %swap3A_533] masked %lt3A_497 {strides = array<i32>} : memref<2x2080xi32, #tpu.memory_space<vmem>>, vector<16xi32>, vector<16xi1>
      tpu.vector_store %arg6[%swap3A_532, %swap3A_533], %or3A_530 masked %lt3A_497 {strides = array<i32>} : memref<2x2080xi32, #tpu.memory_space<vmem>>, vector<16xi32>, vector<16xi1>
      %all_reduce_population_count3A_535 = tpu.all_reduce %lt3A_497 {dim = 0 : i64, kind = #tpu.reduction_kind<sum>} : vector<16xi1> -> vector<16xi32>
      %slice3A_536 = vector.extract_strided_slice %all_reduce_population_count3A_535 {offsets = [0], sizes = [1], strides = [1]} : vector<16xi32> to vector<1xi32>
      %squeeze3A_537 = vector.extract %slice3A_536[0] : i32 from vector<1xi32>
      %add3A_538 = arith.addi %add3A_475, %squeeze3A_537 : i32
      %mul3A_539 = arith.constant 128 : i32
      %mul3A_540 = arith.muli %and3A_213, %mul3A_539 : i32
      %mul3A_541 = arith.constant 4 : i32
      %mul3A_542 = arith.muli %scan3A_357, %mul3A_541 : i32
      %add3A_543 = arith.addi %mul3A_540, %mul3A_542 : i32
      %add3A_544 = arith.constant 3 : i32
      %add3A_545 = arith.addi %add3A_543, %add3A_544 : i32
      %mul3A_546 = arith.constant 16 : i32
      %mul3A_547 = arith.muli %add3A_545, %mul3A_546 : i32
      %get3A_548 = arith.index_cast %sub3A_214 : i32 to index
      %get3A_549 = arith.index_cast %mul3A_547 : i32 to index
      %get3A_550 = tpu.vector_load %arg4[%get3A_548, %get3A_549] {strides = array<i32>} : memref<2x4096xi32, #tpu.memory_space<vmem>>, vector<16xi32>,
      %mul3A_551 = arith.constant 16 : i32
      %mul3A_552 = arith.muli %add3A_545, %mul3A_551 : i32
      %iota3A_553 = tpu.iota {dimensions = array<i32: 0>} : vector<16xi32>
      %add3A_554 = vector.broadcast %mul3A_552 : i32 to vector<16xi32>
      %add3A_555 = arith.addi %add3A_554, %iota3A_553 : vector<16xi32>
      %sub3A_556 = vector.broadcast %mul3A_216 : i32 to vector<16xi32>
      %sub3A_557 = arith.subi %get3A_550, %sub3A_556 : vector<16xi32>
      %lt3A_558 = arith.constant 16 : i32
      %lt3A_559 = vector.broadcast %lt3A_558 : i32 to vector<16xi32>
      %lt3A_560 = arith.cmpi ult, %sub3A_557, %lt3A_559 : vector<16xi32>
      %shift_right_arithmetic3A_561 = arith.constant 3 : i32
      %shift_right_arithmetic3A_562 = vector.broadcast %shift_right_arithmetic3A_561 : i32 to vector<16xi32>
      %shift_right_arithmetic3A_563 = arith.shrsi %get3A_550, %shift_right_arithmetic3A_562 : vector<16xi32>
      %and3A_564 = arith.constant 1 : i32
      %and3A_565 = vector.broadcast %and3A_564 : i32 to vector<16xi32>
      %and3A_566 = arith.andi %shift_right_arithmetic3A_563, %and3A_565 : vector<16xi32>
      %shift_right_arithmetic3A_567 = arith.constant 7 : i32
      %shift_right_arithmetic3A_568 = vector.broadcast %shift_right_arithmetic3A_567 : i32 to vector<16xi32>
      %shift_right_arithmetic3A_569 = arith.shrsi %add3A_555, %shift_right_arithmetic3A_568 : vector<16xi32>
      %and3A_570 = arith.constant 15 : i32
      %and3A_571 = vector.broadcast %and3A_570 : i32 to vector<16xi32>
      %and3A_572 = arith.andi %shift_right_arithmetic3A_569, %and3A_571 : vector<16xi32>
      %and3A_573 = arith.constant 7 : i32
      %and3A_574 = vector.broadcast %and3A_573 : i32 to vector<16xi32>
      %and3A_575 = arith.andi %get3A_550, %and3A_574 : vector<16xi32>
      %and3A_576 = arith.constant 127 : i32
      %and3A_577 = vector.broadcast %and3A_576 : i32 to vector<16xi32>
      %and3A_578 = arith.andi %add3A_555, %and3A_577 : vector<16xi32>
      %add3A_579 = arith.constant 2 : i32
      %add3A_580 = vector.broadcast %add3A_579 : i32 to vector<16xi32>
      %add3A_581 = arith.addi %add3A_580, %and3A_566 : vector<16xi32>
      tpu.vector_store_idx %arg5[%add3A_581, %and3A_572, %and3A_575, %and3A_578], %broadcast_in_dim3A_218 masked %lt3A_560 : memref<4x16x8x128xf32, #tpu.memory_space<vmem>>[vector<16xi32>, vector<16xi32>, vector<16xi32>, vector<16xi32>], vector<16xf32>, vector<16xi1>
      %shift_left3A_582 = arith.constant 14 : i32
      %shift_left3A_583 = vector.broadcast %shift_left3A_582 : i32 to vector<16xi32>
      %shift_left3A_584 = arith.shli %and3A_566, %shift_left3A_583 : vector<16xi32>
      %shift_left3A_585 = arith.constant 10 : i32
      %shift_left3A_586 = vector.broadcast %shift_left3A_585 : i32 to vector<16xi32>
      %shift_left3A_587 = arith.shli %and3A_572, %shift_left3A_586 : vector<16xi32>
      %or3A_588 = arith.ori %shift_left3A_584, %shift_left3A_587 : vector<16xi32>
      %shift_left3A_589 = arith.constant 7 : i32
      %shift_left3A_590 = vector.broadcast %shift_left3A_589 : i32 to vector<16xi32>
      %shift_left3A_591 = arith.shli %and3A_575, %shift_left3A_590 : vector<16xi32>
      %or3A_592 = arith.ori %or3A_588, %shift_left3A_591 : vector<16xi32>
      %or3A_593 = arith.ori %or3A_592, %and3A_578 : vector<16xi32>
      %swap3A_594 = arith.constant 1 : i32
      %swap3A_595 = arith.index_cast %swap3A_594 : i32 to index
      %swap3A_596 = arith.index_cast %add3A_538 : i32 to index
      %swap3A_597 = tpu.vector_load %arg6[%swap3A_595, %swap3A_596] masked %lt3A_560 {strides = array<i32>} : memref<2x2080xi32, #tpu.memory_space<vmem>>, vector<16xi32>, vector<16xi1>
      tpu.vector_store %arg6[%swap3A_595, %swap3A_596], %or3A_593 masked %lt3A_560 {strides = array<i32>} : memref<2x2080xi32, #tpu.memory_space<vmem>>, vector<16xi32>, vector<16xi1>
      %all_reduce_population_count3A_598 = tpu.all_reduce %lt3A_560 {dim = 0 : i64, kind = #tpu.reduction_kind<sum>} : vector<16xi1> -> vector<16xi32>
      %slice3A_599 = vector.extract_strided_slice %all_reduce_population_count3A_598 {offsets = [0], sizes = [1], strides = [1]} : vector<16xi32> to vector<1xi32>
      %squeeze3A_600 = vector.extract %slice3A_599[0] : i32 from vector<1xi32>
      %add3A_601 = arith.addi %add3A_538, %squeeze3A_600 : i32
      scf.yield %add3A_601 : i32
    }
    %scan3A_225 = arith.constant 32 : i32
    %mul3A_226 = arith.constant 2 : i32
    %mul3A_227 = arith.muli %mul3A_226, %shift_right_arithmetic3A_211 : i32
    %mul3A_228 = arith.constant 16 : i32
    %mul3A_229 = arith.muli %mul3A_228, %and3A_213 : i32
    %dma_start3A_230 = arith.constant 2 : i32
    %dma_start3A_231 = arith.constant 0 : i32
    %dma_start3A_232 = arith.constant 0 : i32
    %dma_start3A_233 = arith.constant 0 : i32
    %dma_start3A_234 = tpu.memref_slice %arg5[%dma_start3A_230, %dma_start3A_231, %dma_start3A_232, %dma_start3A_233] : memref<4x16x8x128xf32, #tpu.memory_space<vmem>> -> memref<1x16x8x128xf32, #tpu.memory_space<vmem>>
    %dma_start3A_235 = tpu.memref_squeeze %dma_start3A_234 : memref<1x16x8x128xf32, #tpu.memory_space<vmem>> -> memref<16x8x128xf32, #tpu.memory_space<vmem>>
    %dma_start3A_236 = arith.constant 0 : i32
    %dma_start3A_237 = arith.constant 0 : i32
    %dma_start3A_238 = tpu.memref_slice %arg3[%select_n3A_206, %mul3A_227, %mul3A_229, %dma_start3A_236, %dma_start3A_237] : memref<26x125x32x8x128xf32, #tpu.memory_space<hbm>> -> memref<1x1x16x8x128xf32, #tpu.memory_space<hbm>>
    %dma_start3A_239 = tpu.memref_squeeze %dma_start3A_238 : memref<1x1x16x8x128xf32, #tpu.memory_space<hbm>> -> memref<16x8x128xf32, #tpu.memory_space<hbm>>
    %dma_start3A_240 = arith.constant 0 : i32
    %dma_start3A_241 = arith.constant 0 : i32
    %dma_start3A_242 = tpu.memref_slice %arg3[%select_n3A_206, %mul3A_227, %mul3A_229, %dma_start3A_240, %dma_start3A_241] : memref<26x125x32x8x128xf32, #tpu.memory_space<hbm>> -> memref<1x1x16x8x128xf32, #tpu.memory_space<hbm>>
    %dma_start3A_243 = tpu.memref_squeeze %dma_start3A_242 : memref<1x1x16x8x128xf32, #tpu.memory_space<hbm>> -> memref<16x8x128xf32, #tpu.memory_space<hbm>>
    %dma_start3A_244 = arith.constant 0 : i32
    %dma_start3A_245 = arith.constant 0 : i32
    %dma_start3A_246 = arith.constant 0 : i32
    %dma_start3A_247 = tpu.memref_slice %arg5[%dma_start3A_230, %dma_start3A_244, %dma_start3A_245, %dma_start3A_246] : memref<4x16x8x128xf32, #tpu.memory_space<vmem>> -> memref<1x16x8x128xf32, #tpu.memory_space<vmem>>
    %dma_start3A_248 = tpu.memref_squeeze %dma_start3A_247 : memref<1x16x8x128xf32, #tpu.memory_space<vmem>> -> memref<16x8x128xf32, #tpu.memory_space<vmem>>
    tpu.enqueue_dma source(%dma_start3A_248 : memref<16x8x128xf32, #tpu.memory_space<vmem>>) target(%dma_start3A_243 : memref<16x8x128xf32, #tpu.memory_space<hbm>>) target_semaphore(%arg9 : memref<!tpu.dma_semaphore, #tpu.memory_space<semaphore_mem>>)
    %eq3A_249 = arith.constant 62 : i32
    %eq3A_250 = arith.cmpi eq, %shift_right_arithmetic3A_211, %eq3A_249 : i32
    %not3A_251 = arith.constant true
    %not3A_252 = arith.xori %eq3A_250, %not3A_251 : i1
    %convert_element_type3A_253 = arith.extui %not3A_252 : i1 to i32
    %cond3A_254 = arith.constant 0 : i32
    %cond3A_255 = arith.cmpi ne, %convert_element_type3A_253, %cond3A_254 : i32
    scf.if %cond3A_255 {
      %add3A_357 = arith.constant 1 : i32
      %add3A_358 = arith.addi %mul3A_227, %add3A_357 : i32
      %dma_start3A_359 = arith.constant 3 : i32
      %dma_start3A_360 = arith.constant 0 : i32
      %dma_start3A_361 = arith.constant 0 : i32
      %dma_start3A_362 = arith.constant 0 : i32
      %dma_start3A_363 = tpu.memref_slice %arg5[%dma_start3A_359, %dma_start3A_360, %dma_start3A_361, %dma_start3A_362] : memref<4x16x8x128xf32, #tpu.memory_space<vmem>> -> memref<1x16x8x128xf32, #tpu.memory_space<vmem>>
      %dma_start3A_364 = tpu.memref_squeeze %dma_start3A_363 : memref<1x16x8x128xf32, #tpu.memory_space<vmem>> -> memref<16x8x128xf32, #tpu.memory_space<vmem>>
      %dma_start3A_365 = arith.constant 0 : i32
      %dma_start3A_366 = arith.constant 0 : i32
      %dma_start3A_367 = tpu.memref_slice %arg3[%select_n3A_206, %add3A_358, %mul3A_229, %dma_start3A_365, %dma_start3A_366] : memref<26x125x32x8x128xf32, #tpu.memory_space<hbm>> -> memref<1x1x16x8x128xf32, #tpu.memory_space<hbm>>
      %dma_start3A_368 = tpu.memref_squeeze %dma_start3A_367 : memref<1x1x16x8x128xf32, #tpu.memory_space<hbm>> -> memref<16x8x128xf32, #tpu.memory_space<hbm>>
      %dma_start3A_369 = arith.constant 0 : i32
      %dma_start3A_370 = arith.constant 0 : i32
      %dma_start3A_371 = tpu.memref_slice %arg3[%select_n3A_206, %add3A_358, %mul3A_229, %dma_start3A_369, %dma_start3A_370] : memref<26x125x32x8x128xf32, #tpu.memory_space<hbm>> -> memref<1x1x16x8x128xf32, #tpu.memory_space<hbm>>
      %dma_start3A_372 = tpu.memref_squeeze %dma_start3A_371 : memref<1x1x16x8x128xf32, #tpu.memory_space<hbm>> -> memref<16x8x128xf32, #tpu.memory_space<hbm>>
      %dma_start3A_373 = arith.constant 0 : i32
      %dma_start3A_374 = arith.constant 0 : i32
      %dma_start3A_375 = arith.constant 0 : i32
      %dma_start3A_376 = tpu.memref_slice %arg5[%dma_start3A_359, %dma_start3A_373, %dma_start3A_374, %dma_start3A_375] : memref<4x16x8x128xf32, #tpu.memory_space<vmem>> -> memref<1x16x8x128xf32, #tpu.memory_space<vmem>>
      %dma_start3A_377 = tpu.memref_squeeze %dma_start3A_376 : memref<1x16x8x128xf32, #tpu.memory_space<vmem>> -> memref<16x8x128xf32, #tpu.memory_space<vmem>>
      tpu.enqueue_dma source(%dma_start3A_377 : memref<16x8x128xf32, #tpu.memory_space<vmem>>) target(%dma_start3A_372 : memref<16x8x128xf32, #tpu.memory_space<hbm>>) target_semaphore(%arg10 : memref<!tpu.dma_semaphore, #tpu.memory_space<semaphore_mem>>)
    } else {
    }
    %convert_element_type3A_256 = arith.extui %eq3A_250 : i1 to i32
    %cond3A_257 = arith.constant 0 : i32
    %cond3A_258 = arith.cmpi ne, %convert_element_type3A_256, %cond3A_257 : i32
    scf.if %cond3A_258 {
      %dma_start3A_357 = arith.constant 2 : i32
      %dma_start3A_358 = arith.constant 0 : i32
      %dma_start3A_359 = arith.constant 0 : i32
      %dma_start3A_360 = arith.constant 0 : i32
      %dma_start3A_361 = tpu.memref_slice %arg5[%dma_start3A_357, %dma_start3A_358, %dma_start3A_359, %dma_start3A_360] : memref<4x16x8x128xf32, #tpu.memory_space<vmem>> -> memref<1x16x8x128xf32, #tpu.memory_space<vmem>>
      %dma_start3A_362 = tpu.memref_squeeze %dma_start3A_361 : memref<1x16x8x128xf32, #tpu.memory_space<vmem>> -> memref<16x8x128xf32, #tpu.memory_space<vmem>>
      %dma_start3A_363 = arith.constant 0 : i32
      %dma_start3A_364 = arith.constant 0 : i32
      %dma_start3A_365 = tpu.memref_slice %arg3[%select_n3A_206, %mul3A_227, %mul3A_229, %dma_start3A_363, %dma_start3A_364] : memref<26x125x32x8x128xf32, #tpu.memory_space<hbm>> -> memref<1x1x16x8x128xf32, #tpu.memory_space<hbm>>
      %dma_start3A_366 = tpu.memref_squeeze %dma_start3A_365 : memref<1x1x16x8x128xf32, #tpu.memory_space<hbm>> -> memref<16x8x128xf32, #tpu.memory_space<hbm>>
      %dma_start3A_367 = arith.constant 0 : i32
      %dma_start3A_368 = arith.constant 0 : i32
      %dma_start3A_369 = tpu.memref_slice %arg3[%select_n3A_206, %mul3A_227, %mul3A_229, %dma_start3A_367, %dma_start3A_368] : memref<26x125x32x8x128xf32, #tpu.memory_space<hbm>> -> memref<1x1x16x8x128xf32, #tpu.memory_space<hbm>>
      %dma_start3A_370 = tpu.memref_squeeze %dma_start3A_369 : memref<1x1x16x8x128xf32, #tpu.memory_space<hbm>> -> memref<16x8x128xf32, #tpu.memory_space<hbm>>
      %dma_start3A_371 = arith.constant 0 : i32
      %dma_start3A_372 = arith.constant 0 : i32
      %dma_start3A_373 = arith.constant 0 : i32
      %dma_start3A_374 = tpu.memref_slice %arg5[%dma_start3A_357, %dma_start3A_371, %dma_start3A_372, %dma_start3A_373] : memref<4x16x8x128xf32, #tpu.memory_space<vmem>> -> memref<1x16x8x128xf32, #tpu.memory_space<vmem>>
      %dma_start3A_375 = tpu.memref_squeeze %dma_start3A_374 : memref<1x16x8x128xf32, #tpu.memory_space<vmem>> -> memref<16x8x128xf32, #tpu.memory_space<vmem>>
      tpu.enqueue_dma source(%dma_start3A_375 : memref<16x8x128xf32, #tpu.memory_space<vmem>>) target(%dma_start3A_370 : memref<16x8x128xf32, #tpu.memory_space<hbm>>) target_semaphore(%arg10 : memref<!tpu.dma_semaphore, #tpu.memory_space<semaphore_mem>>)
    } else {
    }
    %scan3A_259 = arith.constant 1 : i32
    %scan3A_260 = arith.constant 51 : i32
    %scan3A_261 = arith.addi %scan3A_259, %scan3A_260 : i32
    %scan3A_262 = arith.constant 1 : i32
    %scan3A_263:2 = scf.for %scan3A_357 = %scan3A_259 to %scan3A_261 step %scan3A_262 iter_args(%scan3A_358 = %scan3A_150, %scan3A_359 = %scan3A_224) -> (i32, i32)  : i32 {
      %mul3A_360 = arith.constant 2 : i32
      %mul3A_361 = arith.muli %mul3A_360, %scan3A_357 : i32
      %add3A_362 = arith.constant 0 : i32
      %add3A_363 = arith.addi %mul3A_361, %add3A_362 : i32
      %dma_wait3A_364 = arith.constant 0 : i32
      %dma_wait3A_365 = arith.constant 0 : i32
      %dma_wait3A_366 = arith.constant 0 : i32
      %dma_wait3A_367 = arith.constant 0 : i32
      %dma_wait3A_368 = arith.constant 0 : i32
      %dma_wait3A_369 = arith.constant 0 : i32
      %dma_wait3A_370 = tpu.memref_slice %arg5[%dma_wait3A_364, %dma_wait3A_367, %dma_wait3A_368, %dma_wait3A_369] : memref<4x16x8x128xf32, #tpu.memory_space<vmem>> -> memref<1x16x8x128xf32, #tpu.memory_space<vmem>>
      %dma_wait3A_371 = tpu.memref_squeeze %dma_wait3A_370 : memref<1x16x8x128xf32, #tpu.memory_space<vmem>> -> memref<16x8x128xf32, #tpu.memory_space<vmem>>
      %dma_wait3A_372 = arith.constant 0 : i32
      %dma_wait3A_373 = arith.constant 0 : i32
      %dma_wait3A_374 = arith.constant 0 : i32
      %dma_wait3A_375 = tpu.memref_slice %arg3[%dma_wait3A_365, %dma_wait3A_366, %dma_wait3A_372, %dma_wait3A_373, %dma_wait3A_374] : memref<26x125x32x8x128xf32, #tpu.memory_space<hbm>> -> memref<1x1x16x8x128xf32, #tpu.memory_space<hbm>>
      %dma_wait3A_376 = tpu.memref_squeeze %dma_wait3A_375 : memref<1x1x16x8x128xf32, #tpu.memory_space<hbm>> -> memref<16x8x128xf32, #tpu.memory_space<hbm>>
      %dma_wait3A_377 = arith.constant 0 : i32
      %dma_wait3A_378 = arith.constant 0 : i32
      %dma_wait3A_379 = arith.constant 0 : i32
      %dma_wait3A_380 = tpu.memref_slice %arg3[%dma_wait3A_365, %dma_wait3A_366, %dma_wait3A_377, %dma_wait3A_378, %dma_wait3A_379] : memref<26x125x32x8x128xf32, #tpu.memory_space<hbm>> -> memref<1x1x16x8x128xf32, #tpu.memory_space<hbm>>
      %dma_wait3A_381 = tpu.memref_squeeze %dma_wait3A_380 : memref<1x1x16x8x128xf32, #tpu.memory_space<hbm>> -> memref<16x8x128xf32, #tpu.memory_space<hbm>>
      %dma_wait3A_382 = arith.constant 0 : i32
      %dma_wait3A_383 = arith.constant 0 : i32
      %dma_wait3A_384 = arith.constant 0 : i32
      %dma_wait3A_385 = tpu.memref_slice %arg5[%dma_wait3A_364, %dma_wait3A_382, %dma_wait3A_383, %dma_wait3A_384] : memref<4x16x8x128xf32, #tpu.memory_space<vmem>> -> memref<1x16x8x128xf32, #tpu.memory_space<vmem>>
      %dma_wait3A_386 = tpu.memref_squeeze %dma_wait3A_385 : memref<1x16x8x128xf32, #tpu.memory_space<vmem>> -> memref<16x8x128xf32, #tpu.memory_space<vmem>>
      tpu.wait_dma2 semaphore(%arg7 : memref<!tpu.dma_semaphore, #tpu.memory_space<semaphore_mem>>) src(%dma_wait3A_386 : memref<16x8x128xf32, #tpu.memory_space<vmem>>) dst(%dma_wait3A_381 : memref<16x8x128xf32, #tpu.memory_space<hbm>>)
      %dma_wait3A_387 = arith.constant 1 : i32
      %dma_wait3A_388 = arith.constant 0 : i32
      %dma_wait3A_389 = arith.constant 0 : i32
      %dma_wait3A_390 = arith.constant 0 : i32
      %dma_wait3A_391 = arith.constant 0 : i32
      %dma_wait3A_392 = arith.constant 0 : i32
      %dma_wait3A_393 = tpu.memref_slice %arg5[%dma_wait3A_387, %dma_wait3A_390, %dma_wait3A_391, %dma_wait3A_392] : memref<4x16x8x128xf32, #tpu.memory_space<vmem>> -> memref<1x16x8x128xf32, #tpu.memory_space<vmem>>
      %dma_wait3A_394 = tpu.memref_squeeze %dma_wait3A_393 : memref<1x16x8x128xf32, #tpu.memory_space<vmem>> -> memref<16x8x128xf32, #tpu.memory_space<vmem>>
      %dma_wait3A_395 = arith.constant 0 : i32
      %dma_wait3A_396 = arith.constant 0 : i32
      %dma_wait3A_397 = arith.constant 0 : i32
      %dma_wait3A_398 = tpu.memref_slice %arg3[%dma_wait3A_388, %dma_wait3A_389, %dma_wait3A_395, %dma_wait3A_396, %dma_wait3A_397] : memref<26x125x32x8x128xf32, #tpu.memory_space<hbm>> -> memref<1x1x16x8x128xf32, #tpu.memory_space<hbm>>
      %dma_wait3A_399 = tpu.memref_squeeze %dma_wait3A_398 : memref<1x1x16x8x128xf32, #tpu.memory_space<hbm>> -> memref<16x8x128xf32, #tpu.memory_space<hbm>>
      %dma_wait3A_400 = arith.constant 0 : i32
      %dma_wait3A_401 = arith.constant 0 : i32
      %dma_wait3A_402 = arith.constant 0 : i32
      %dma_wait3A_403 = tpu.memref_slice %arg3[%dma_wait3A_388, %dma_wait3A_389, %dma_wait3A_400, %dma_wait3A_401, %dma_wait3A_402] : memref<26x125x32x8x128xf32, #tpu.memory_space<hbm>> -> memref<1x1x16x8x128xf32, #tpu.memory_space<hbm>>
      %dma_wait3A_404 = tpu.memref_squeeze %dma_wait3A_403 : memref<1x1x16x8x128xf32, #tpu.memory_space<hbm>> -> memref<16x8x128xf32, #tpu.memory_space<hbm>>
      %dma_wait3A_405 = arith.constant 0 : i32
      %dma_wait3A_406 = arith.constant 0 : i32
      %dma_wait3A_407 = arith.constant 0 : i32
      %dma_wait3A_408 = tpu.memref_slice %arg5[%dma_wait3A_387, %dma_wait3A_405, %dma_wait3A_406, %dma_wait3A_407] : memref<4x16x8x128xf32, #tpu.memory_space<vmem>> -> memref<1x16x8x128xf32, #tpu.memory_space<vmem>>
      %dma_wait3A_409 = tpu.memref_squeeze %dma_wait3A_408 : memref<1x16x8x128xf32, #tpu.memory_space<vmem>> -> memref<16x8x128xf32, #tpu.memory_space<vmem>>
      tpu.wait_dma2 semaphore(%arg8 : memref<!tpu.dma_semaphore, #tpu.memory_space<semaphore_mem>>) src(%dma_wait3A_409 : memref<16x8x128xf32, #tpu.memory_space<vmem>>) dst(%dma_wait3A_404 : memref<16x8x128xf32, #tpu.memory_space<hbm>>)
      %broadcast_in_dim3A_410 = arith.constant 0.000000e+00 : f32
      %broadcast_in_dim3A_411 = vector.broadcast %broadcast_in_dim3A_410 : f32 to vector<16xf32>
      %add3A_412 = arith.constant 15 : i32
      %add3A_413 = arith.addi %scan3A_358, %add3A_412 : i32
      %shift_right_arithmetic3A_414 = arith.constant 4 : i32
      %shift_right_arithmetic3A_415 = arith.shrsi %add3A_413, %shift_right_arithmetic3A_414 : i32
      %while3A = arith.constant 0 : i32
      %while3A_416 = arith.constant 0 : i32
      %while3A_417 = arith.subi %shift_right_arithmetic3A_415, %while3A : i32
      %while3A_418 = arith.addi %while3A, %while3A_417 : i32
      %while3A_419 = arith.constant 1 : i32
      %while3A_420 = arith.divsi %while3A_417, %while3A_419 : i32
      %while3A_421 = arith.muli %while3A_420, %while3A_419 : i32
      %while3A_422 = arith.addi %while3A, %while3A_421 : i32
      %while3A_423 = arith.constant 1 : i32
      %while3A_424 = scf.for %while3A_649 = %while3A to %while3A_422 step %while3A_423 iter_args(%while3A_650 = %while3A_416) -> (i32)  : i32 {
        %mul3A_651 = arith.constant 16 : i32
        %mul3A_652 = arith.muli %while3A_649, %mul3A_651 : i32
        %get3A = arith.constant 0 : i32
        %get3A_653 = arith.index_cast %get3A : i32 to index
        %get3A_654 = arith.index_cast %mul3A_652 : i32 to index
        %get3A_655 = tpu.vector_load %arg6[%get3A_653, %get3A_654] {strides = array<i32>} : memref<2x2080xi32, #tpu.memory_space<vmem>>, vector<16xi32>,
        %mul3A_656 = arith.constant 16 : i32
        %mul3A_657 = arith.muli %while3A_649, %mul3A_656 : i32
        %iota3A = tpu.iota {dimensions = array<i32: 0>} : vector<16xi32>
        %add3A_658 = vector.broadcast %mul3A_657 : i32 to vector<16xi32>
        %add3A_659 = arith.addi %add3A_658, %iota3A : vector<16xi32>
        %lt3A = vector.broadcast %scan3A_358 : i32 to vector<16xi32>
        %lt3A_660 = arith.cmpi slt, %add3A_659, %lt3A : vector<16xi32>
        %shift_right_arithmetic3A_661 = arith.constant 14 : i32
        %shift_right_arithmetic3A_662 = vector.broadcast %shift_right_arithmetic3A_661 : i32 to vector<16xi32>
        %shift_right_arithmetic3A_663 = arith.shrsi %get3A_655, %shift_right_arithmetic3A_662 : vector<16xi32>
        %and3A_664 = arith.constant 1 : i32
        %and3A_665 = vector.broadcast %and3A_664 : i32 to vector<16xi32>
        %and3A_666 = arith.andi %shift_right_arithmetic3A_663, %and3A_665 : vector<16xi32>
        %add3A_667 = arith.constant 0 : i32
        %add3A_668 = vector.broadcast %add3A_667 : i32 to vector<16xi32>
        %add3A_669 = arith.addi %add3A_668, %and3A_666 : vector<16xi32>
        %shift_right_arithmetic3A_670 = arith.constant 10 : i32
        %shift_right_arithmetic3A_671 = vector.broadcast %shift_right_arithmetic3A_670 : i32 to vector<16xi32>
        %shift_right_arithmetic3A_672 = arith.shrsi %get3A_655, %shift_right_arithmetic3A_671 : vector<16xi32>
        %and3A_673 = arith.constant 15 : i32
        %and3A_674 = vector.broadcast %and3A_673 : i32 to vector<16xi32>
        %and3A_675 = arith.andi %shift_right_arithmetic3A_672, %and3A_674 : vector<16xi32>
        %shift_right_arithmetic3A_676 = arith.constant 7 : i32
        %shift_right_arithmetic3A_677 = vector.broadcast %shift_right_arithmetic3A_676 : i32 to vector<16xi32>
        %shift_right_arithmetic3A_678 = arith.shrsi %get3A_655, %shift_right_arithmetic3A_677 : vector<16xi32>
        %and3A_679 = arith.constant 7 : i32
        %and3A_680 = vector.broadcast %and3A_679 : i32 to vector<16xi32>
        %and3A_681 = arith.andi %shift_right_arithmetic3A_678, %and3A_680 : vector<16xi32>
        %and3A_682 = arith.constant 127 : i32
        %and3A_683 = vector.broadcast %and3A_682 : i32 to vector<16xi32>
        %and3A_684 = arith.andi %get3A_655, %and3A_683 : vector<16xi32>
        tpu.vector_store_idx %arg5[%add3A_669, %and3A_675, %and3A_681, %and3A_684], %broadcast_in_dim3A_411 masked %lt3A_660 : memref<4x16x8x128xf32, #tpu.memory_space<vmem>>[vector<16xi32>, vector<16xi32>, vector<16xi32>, vector<16xi32>], vector<16xf32>, vector<16xi1>
        %while3A_685 = arith.constant 0 : i32
        scf.yield %while3A_685 : i32
      }
      %while3A_425 = arith.constant 1 : i32
      %while3A_426 = scf.for %while3A_649 = %while3A_422 to %while3A_418 step %while3A_425 iter_args(%while3A_650 = %while3A_424) -> (i32)  : i32 {
        %mul3A_651 = arith.constant 16 : i32
        %mul3A_652 = arith.muli %while3A_649, %mul3A_651 : i32
        %get3A = arith.constant 0 : i32
        %get3A_653 = arith.index_cast %get3A : i32 to index
        %get3A_654 = arith.index_cast %mul3A_652 : i32 to index
        %get3A_655 = tpu.vector_load %arg6[%get3A_653, %get3A_654] {strides = array<i32>} : memref<2x2080xi32, #tpu.memory_space<vmem>>, vector<16xi32>,
        %mul3A_656 = arith.constant 16 : i32
        %mul3A_657 = arith.muli %while3A_649, %mul3A_656 : i32
        %iota3A = tpu.iota {dimensions = array<i32: 0>} : vector<16xi32>
        %add3A_658 = vector.broadcast %mul3A_657 : i32 to vector<16xi32>
        %add3A_659 = arith.addi %add3A_658, %iota3A : vector<16xi32>
        %lt3A = vector.broadcast %scan3A_358 : i32 to vector<16xi32>
        %lt3A_660 = arith.cmpi slt, %add3A_659, %lt3A : vector<16xi32>
        %shift_right_arithmetic3A_661 = arith.constant 14 : i32
        %shift_right_arithmetic3A_662 = vector.broadcast %shift_right_arithmetic3A_661 : i32 to vector<16xi32>
        %shift_right_arithmetic3A_663 = arith.shrsi %get3A_655, %shift_right_arithmetic3A_662 : vector<16xi32>
        %and3A_664 = arith.constant 1 : i32
        %and3A_665 = vector.broadcast %and3A_664 : i32 to vector<16xi32>
        %and3A_666 = arith.andi %shift_right_arithmetic3A_663, %and3A_665 : vector<16xi32>
        %add3A_667 = arith.constant 0 : i32
        %add3A_668 = vector.broadcast %add3A_667 : i32 to vector<16xi32>
        %add3A_669 = arith.addi %add3A_668, %and3A_666 : vector<16xi32>
        %shift_right_arithmetic3A_670 = arith.constant 10 : i32
        %shift_right_arithmetic3A_671 = vector.broadcast %shift_right_arithmetic3A_670 : i32 to vector<16xi32>
        %shift_right_arithmetic3A_672 = arith.shrsi %get3A_655, %shift_right_arithmetic3A_671 : vector<16xi32>
        %and3A_673 = arith.constant 15 : i32
        %and3A_674 = vector.broadcast %and3A_673 : i32 to vector<16xi32>
        %and3A_675 = arith.andi %shift_right_arithmetic3A_672, %and3A_674 : vector<16xi32>
        %shift_right_arithmetic3A_676 = arith.constant 7 : i32
        %shift_right_arithmetic3A_677 = vector.broadcast %shift_right_arithmetic3A_676 : i32 to vector<16xi32>
        %shift_right_arithmetic3A_678 = arith.shrsi %get3A_655, %shift_right_arithmetic3A_677 : vector<16xi32>
        %and3A_679 = arith.constant 7 : i32
        %and3A_680 = vector.broadcast %and3A_679 : i32 to vector<16xi32>
        %and3A_681 = arith.andi %shift_right_arithmetic3A_678, %and3A_680 : vector<16xi32>
        %and3A_682 = arith.constant 127 : i32
        %and3A_683 = vector.broadcast %and3A_682 : i32 to vector<16xi32>
        %and3A_684 = arith.andi %get3A_655, %and3A_683 : vector<16xi32>
        tpu.vector_store_idx %arg5[%add3A_669, %and3A_675, %and3A_681, %and3A_684], %broadcast_in_dim3A_411 masked %lt3A_660 : memref<4x16x8x128xf32, #tpu.memory_space<vmem>>[vector<16xi32>, vector<16xi32>, vector<16xi32>, vector<16xi32>], vector<16xf32>, vector<16xi1>
        %while3A_685 = arith.constant 0 : i32
        scf.yield %while3A_685 : i32
      }
      %add3A_427 = arith.addi %select_n3A, %add3A_363 : i32
      %jit3A_428 = arith.constant 126 : i32
      %div3A_429 = arith.divsi %add3A_427, %jit3A_428 : i32
      %sign3A_430 = arith.constant 0 : i32
      %sign3A_431 = arith.cmpi sgt, %add3A_427, %sign3A_430 : i32
      %sign3A_432 = arith.extui %sign3A_431 : i1 to i32
      %sign3A_433 = arith.constant 0 : i32
      %sign3A_434 = arith.cmpi slt, %add3A_427, %sign3A_433 : i32
      %sign3A_435 = arith.extui %sign3A_434 : i1 to i32
      %sign3A_436 = arith.subi %sign3A_432, %sign3A_435 : i32
      %sign3A_437 = arith.constant 0 : i32
      %sign3A_438 = arith.cmpi sgt, %jit3A_428, %sign3A_437 : i32
      %sign3A_439 = arith.extui %sign3A_438 : i1 to i32
      %sign3A_440 = arith.constant 0 : i32
      %sign3A_441 = arith.cmpi slt, %jit3A_428, %sign3A_440 : i32
      %sign3A_442 = arith.extui %sign3A_441 : i1 to i32
      %sign3A_443 = arith.subi %sign3A_439, %sign3A_442 : i32
      %ne3A_444 = arith.cmpi ne, %sign3A_436, %sign3A_443 : i32
      %rem3A_445 = arith.remsi %add3A_427, %jit3A_428 : i32
      %ne3A_446 = arith.constant 0 : i32
      %ne3A_447 = arith.cmpi ne, %rem3A_445, %ne3A_446 : i32
      %and3A_448 = arith.andi %ne3A_444, %ne3A_447 : i1
      %sub3A_449 = arith.constant 1 : i32
      %sub3A_450 = arith.subi %div3A_429, %sub3A_449 : i32
      %select_n3A_451 = arith.select %and3A_448, %sub3A_450, %div3A_429 : i32
      %mul3A_452 = arith.constant 126 : i32
      %mul3A_453 = arith.muli %select_n3A_451, %mul3A_452 : i32
      %sub3A_454 = arith.subi %add3A_427, %mul3A_453 : i32
      %shift_right_arithmetic3A_455 = arith.constant 1 : i32
      %shift_right_arithmetic3A_456 = arith.shrsi %sub3A_454, %shift_right_arithmetic3A_455 : i32
      %and3A_457 = arith.constant 1 : i32
      %and3A_458 = arith.andi %sub3A_454, %and3A_457 : i32
      %sub3A_459 = arith.subi %select_n3A_451, %select_n3A_42 : i32
      %mul3A_460 = arith.constant 16 : i32
      %mul3A_461 = arith.muli %shift_right_arithmetic3A_456, %mul3A_460 : i32
      %broadcast_in_dim3A_462 = arith.constant 1.000000e+00 : f32
      %broadcast_in_dim3A_463 = vector.broadcast %broadcast_in_dim3A_462 : f32 to vector<16xf32>
      %scan3A_464 = arith.constant 0 : i32
      %scan3A_465 = arith.constant 0 : i32
      %scan3A_466 = arith.constant 32 : i32
      %scan3A_467 = arith.addi %scan3A_465, %scan3A_466 : i32
      %scan3A_468 = arith.constant 1 : i32
      %scan3A_469 = scf.for %scan3A_649 = %scan3A_465 to %scan3A_467 step %scan3A_468 iter_args(%scan3A_650 = %scan3A_464) -> (i32)  : i32 {
        %mul3A_651 = arith.constant 128 : i32
        %mul3A_652 = arith.muli %and3A_458, %mul3A_651 : i32
        %mul3A_653 = arith.constant 4 : i32
        %mul3A_654 = arith.muli %scan3A_649, %mul3A_653 : i32
        %add3A_655 = arith.addi %mul3A_652, %mul3A_654 : i32
        %add3A_656 = arith.constant 0 : i32
        %add3A_657 = arith.addi %add3A_655, %add3A_656 : i32
        %mul3A_658 = arith.constant 16 : i32
        %mul3A_659 = arith.muli %add3A_657, %mul3A_658 : i32
        %get3A = arith.index_cast %sub3A_459 : i32 to index
        %get3A_660 = arith.index_cast %mul3A_659 : i32 to index
        %get3A_661 = tpu.vector_load %arg4[%get3A, %get3A_660] {strides = array<i32>} : memref<2x4096xi32, #tpu.memory_space<vmem>>, vector<16xi32>,
        %mul3A_662 = arith.constant 16 : i32
        %mul3A_663 = arith.muli %add3A_657, %mul3A_662 : i32
        %iota3A = tpu.iota {dimensions = array<i32: 0>} : vector<16xi32>
        %add3A_664 = vector.broadcast %mul3A_663 : i32 to vector<16xi32>
        %add3A_665 = arith.addi %add3A_664, %iota3A : vector<16xi32>
        %sub3A_666 = vector.broadcast %mul3A_461 : i32 to vector<16xi32>
        %sub3A_667 = arith.subi %get3A_661, %sub3A_666 : vector<16xi32>
        %lt3A = arith.constant 16 : i32
        %lt3A_668 = vector.broadcast %lt3A : i32 to vector<16xi32>
        %lt3A_669 = arith.cmpi ult, %sub3A_667, %lt3A_668 : vector<16xi32>
        %shift_right_arithmetic3A_670 = arith.constant 3 : i32
        %shift_right_arithmetic3A_671 = vector.broadcast %shift_right_arithmetic3A_670 : i32 to vector<16xi32>
        %shift_right_arithmetic3A_672 = arith.shrsi %get3A_661, %shift_right_arithmetic3A_671 : vector<16xi32>
        %and3A_673 = arith.constant 1 : i32
        %and3A_674 = vector.broadcast %and3A_673 : i32 to vector<16xi32>
        %and3A_675 = arith.andi %shift_right_arithmetic3A_672, %and3A_674 : vector<16xi32>
        %shift_right_arithmetic3A_676 = arith.constant 7 : i32
        %shift_right_arithmetic3A_677 = vector.broadcast %shift_right_arithmetic3A_676 : i32 to vector<16xi32>
        %shift_right_arithmetic3A_678 = arith.shrsi %add3A_665, %shift_right_arithmetic3A_677 : vector<16xi32>
        %and3A_679 = arith.constant 15 : i32
        %and3A_680 = vector.broadcast %and3A_679 : i32 to vector<16xi32>
        %and3A_681 = arith.andi %shift_right_arithmetic3A_678, %and3A_680 : vector<16xi32>
        %and3A_682 = arith.constant 7 : i32
        %and3A_683 = vector.broadcast %and3A_682 : i32 to vector<16xi32>
        %and3A_684 = arith.andi %get3A_661, %and3A_683 : vector<16xi32>
        %and3A_685 = arith.constant 127 : i32
        %and3A_686 = vector.broadcast %and3A_685 : i32 to vector<16xi32>
        %and3A_687 = arith.andi %add3A_665, %and3A_686 : vector<16xi32>
        %add3A_688 = arith.constant 0 : i32
        %add3A_689 = vector.broadcast %add3A_688 : i32 to vector<16xi32>
        %add3A_690 = arith.addi %add3A_689, %and3A_675 : vector<16xi32>
        tpu.vector_store_idx %arg5[%add3A_690, %and3A_681, %and3A_684, %and3A_687], %broadcast_in_dim3A_463 masked %lt3A_669 : memref<4x16x8x128xf32, #tpu.memory_space<vmem>>[vector<16xi32>, vector<16xi32>, vector<16xi32>, vector<16xi32>], vector<16xf32>, vector<16xi1>
        %shift_left3A = arith.constant 14 : i32
        %shift_left3A_691 = vector.broadcast %shift_left3A : i32 to vector<16xi32>
        %shift_left3A_692 = arith.shli %and3A_675, %shift_left3A_691 : vector<16xi32>
        %shift_left3A_693 = arith.constant 10 : i32
        %shift_left3A_694 = vector.broadcast %shift_left3A_693 : i32 to vector<16xi32>
        %shift_left3A_695 = arith.shli %and3A_681, %shift_left3A_694 : vector<16xi32>
        %or3A = arith.ori %shift_left3A_692, %shift_left3A_695 : vector<16xi32>
        %shift_left3A_696 = arith.constant 7 : i32
        %shift_left3A_697 = vector.broadcast %shift_left3A_696 : i32 to vector<16xi32>
        %shift_left3A_698 = arith.shli %and3A_684, %shift_left3A_697 : vector<16xi32>
        %or3A_699 = arith.ori %or3A, %shift_left3A_698 : vector<16xi32>
        %or3A_700 = arith.ori %or3A_699, %and3A_687 : vector<16xi32>
        %swap3A = arith.constant 0 : i32
        %swap3A_701 = arith.index_cast %swap3A : i32 to index
        %swap3A_702 = arith.index_cast %scan3A_650 : i32 to index
        %swap3A_703 = tpu.vector_load %arg6[%swap3A_701, %swap3A_702] masked %lt3A_669 {strides = array<i32>} : memref<2x2080xi32, #tpu.memory_space<vmem>>, vector<16xi32>, vector<16xi1>
        tpu.vector_store %arg6[%swap3A_701, %swap3A_702], %or3A_700 masked %lt3A_669 {strides = array<i32>} : memref<2x2080xi32, #tpu.memory_space<vmem>>, vector<16xi32>, vector<16xi1>
        %all_reduce_population_count3A = tpu.all_reduce %lt3A_669 {dim = 0 : i64, kind = #tpu.reduction_kind<sum>} : vector<16xi1> -> vector<16xi32>
        %slice3A = vector.extract_strided_slice %all_reduce_population_count3A {offsets = [0], sizes = [1], strides = [1]} : vector<16xi32> to vector<1xi32>
        %squeeze3A = vector.extract %slice3A[0] : i32 from vector<1xi32>
        %add3A_704 = arith.addi %scan3A_650, %squeeze3A : i32
        %mul3A_705 = arith.constant 128 : i32
        %mul3A_706 = arith.muli %and3A_458, %mul3A_705 : i32
        %mul3A_707 = arith.constant 4 : i32
        %mul3A_708 = arith.muli %scan3A_649, %mul3A_707 : i32
        %add3A_709 = arith.addi %mul3A_706, %mul3A_708 : i32
        %add3A_710 = arith.constant 1 : i32
        %add3A_711 = arith.addi %add3A_709, %add3A_710 : i32
        %mul3A_712 = arith.constant 16 : i32
        %mul3A_713 = arith.muli %add3A_711, %mul3A_712 : i32
        %get3A_714 = arith.index_cast %sub3A_459 : i32 to index
        %get3A_715 = arith.index_cast %mul3A_713 : i32 to index
        %get3A_716 = tpu.vector_load %arg4[%get3A_714, %get3A_715] {strides = array<i32>} : memref<2x4096xi32, #tpu.memory_space<vmem>>, vector<16xi32>,
        %mul3A_717 = arith.constant 16 : i32
        %mul3A_718 = arith.muli %add3A_711, %mul3A_717 : i32
        %iota3A_719 = tpu.iota {dimensions = array<i32: 0>} : vector<16xi32>
        %add3A_720 = vector.broadcast %mul3A_718 : i32 to vector<16xi32>
        %add3A_721 = arith.addi %add3A_720, %iota3A_719 : vector<16xi32>
        %sub3A_722 = vector.broadcast %mul3A_461 : i32 to vector<16xi32>
        %sub3A_723 = arith.subi %get3A_716, %sub3A_722 : vector<16xi32>
        %lt3A_724 = arith.constant 16 : i32
        %lt3A_725 = vector.broadcast %lt3A_724 : i32 to vector<16xi32>
        %lt3A_726 = arith.cmpi ult, %sub3A_723, %lt3A_725 : vector<16xi32>
        %shift_right_arithmetic3A_727 = arith.constant 3 : i32
        %shift_right_arithmetic3A_728 = vector.broadcast %shift_right_arithmetic3A_727 : i32 to vector<16xi32>
        %shift_right_arithmetic3A_729 = arith.shrsi %get3A_716, %shift_right_arithmetic3A_728 : vector<16xi32>
        %and3A_730 = arith.constant 1 : i32
        %and3A_731 = vector.broadcast %and3A_730 : i32 to vector<16xi32>
        %and3A_732 = arith.andi %shift_right_arithmetic3A_729, %and3A_731 : vector<16xi32>
        %shift_right_arithmetic3A_733 = arith.constant 7 : i32
        %shift_right_arithmetic3A_734 = vector.broadcast %shift_right_arithmetic3A_733 : i32 to vector<16xi32>
        %shift_right_arithmetic3A_735 = arith.shrsi %add3A_721, %shift_right_arithmetic3A_734 : vector<16xi32>
        %and3A_736 = arith.constant 15 : i32
        %and3A_737 = vector.broadcast %and3A_736 : i32 to vector<16xi32>
        %and3A_738 = arith.andi %shift_right_arithmetic3A_735, %and3A_737 : vector<16xi32>
        %and3A_739 = arith.constant 7 : i32
        %and3A_740 = vector.broadcast %and3A_739 : i32 to vector<16xi32>
        %and3A_741 = arith.andi %get3A_716, %and3A_740 : vector<16xi32>
        %and3A_742 = arith.constant 127 : i32
        %and3A_743 = vector.broadcast %and3A_742 : i32 to vector<16xi32>
        %and3A_744 = arith.andi %add3A_721, %and3A_743 : vector<16xi32>
        %add3A_745 = arith.constant 0 : i32
        %add3A_746 = vector.broadcast %add3A_745 : i32 to vector<16xi32>
        %add3A_747 = arith.addi %add3A_746, %and3A_732 : vector<16xi32>
        tpu.vector_store_idx %arg5[%add3A_747, %and3A_738, %and3A_741, %and3A_744], %broadcast_in_dim3A_463 masked %lt3A_726 : memref<4x16x8x128xf32, #tpu.memory_space<vmem>>[vector<16xi32>, vector<16xi32>, vector<16xi32>, vector<16xi32>], vector<16xf32>, vector<16xi1>
        %shift_left3A_748 = arith.constant 14 : i32
        %shift_left3A_749 = vector.broadcast %shift_left3A_748 : i32 to vector<16xi32>
        %shift_left3A_750 = arith.shli %and3A_732, %shift_left3A_749 : vector<16xi32>
        %shift_left3A_751 = arith.constant 10 : i32
        %shift_left3A_752 = vector.broadcast %shift_left3A_751 : i32 to vector<16xi32>
        %shift_left3A_753 = arith.shli %and3A_738, %shift_left3A_752 : vector<16xi32>
        %or3A_754 = arith.ori %shift_left3A_750, %shift_left3A_753 : vector<16xi32>
        %shift_left3A_755 = arith.constant 7 : i32
        %shift_left3A_756 = vector.broadcast %shift_left3A_755 : i32 to vector<16xi32>
        %shift_left3A_757 = arith.shli %and3A_741, %shift_left3A_756 : vector<16xi32>
        %or3A_758 = arith.ori %or3A_754, %shift_left3A_757 : vector<16xi32>
        %or3A_759 = arith.ori %or3A_758, %and3A_744 : vector<16xi32>
        %swap3A_760 = arith.constant 0 : i32
        %swap3A_761 = arith.index_cast %swap3A_760 : i32 to index
        %swap3A_762 = arith.index_cast %add3A_704 : i32 to index
        %swap3A_763 = tpu.vector_load %arg6[%swap3A_761, %swap3A_762] masked %lt3A_726 {strides = array<i32>} : memref<2x2080xi32, #tpu.memory_space<vmem>>, vector<16xi32>, vector<16xi1>
        tpu.vector_store %arg6[%swap3A_761, %swap3A_762], %or3A_759 masked %lt3A_726 {strides = array<i32>} : memref<2x2080xi32, #tpu.memory_space<vmem>>, vector<16xi32>, vector<16xi1>
        %all_reduce_population_count3A_764 = tpu.all_reduce %lt3A_726 {dim = 0 : i64, kind = #tpu.reduction_kind<sum>} : vector<16xi1> -> vector<16xi32>
        %slice3A_765 = vector.extract_strided_slice %all_reduce_population_count3A_764 {offsets = [0], sizes = [1], strides = [1]} : vector<16xi32> to vector<1xi32>
        %squeeze3A_766 = vector.extract %slice3A_765[0] : i32 from vector<1xi32>
        %add3A_767 = arith.addi %add3A_704, %squeeze3A_766 : i32
        %mul3A_768 = arith.constant 128 : i32
        %mul3A_769 = arith.muli %and3A_458, %mul3A_768 : i32
        %mul3A_770 = arith.constant 4 : i32
        %mul3A_771 = arith.muli %scan3A_649, %mul3A_770 : i32
        %add3A_772 = arith.addi %mul3A_769, %mul3A_771 : i32
        %add3A_773 = arith.constant 2 : i32
        %add3A_774 = arith.addi %add3A_772, %add3A_773 : i32
        %mul3A_775 = arith.constant 16 : i32
        %mul3A_776 = arith.muli %add3A_774, %mul3A_775 : i32
        %get3A_777 = arith.index_cast %sub3A_459 : i32 to index
        %get3A_778 = arith.index_cast %mul3A_776 : i32 to index
        %get3A_779 = tpu.vector_load %arg4[%get3A_777, %get3A_778] {strides = array<i32>} : memref<2x4096xi32, #tpu.memory_space<vmem>>, vector<16xi32>,
        %mul3A_780 = arith.constant 16 : i32
        %mul3A_781 = arith.muli %add3A_774, %mul3A_780 : i32
        %iota3A_782 = tpu.iota {dimensions = array<i32: 0>} : vector<16xi32>
        %add3A_783 = vector.broadcast %mul3A_781 : i32 to vector<16xi32>
        %add3A_784 = arith.addi %add3A_783, %iota3A_782 : vector<16xi32>
        %sub3A_785 = vector.broadcast %mul3A_461 : i32 to vector<16xi32>
        %sub3A_786 = arith.subi %get3A_779, %sub3A_785 : vector<16xi32>
        %lt3A_787 = arith.constant 16 : i32
        %lt3A_788 = vector.broadcast %lt3A_787 : i32 to vector<16xi32>
        %lt3A_789 = arith.cmpi ult, %sub3A_786, %lt3A_788 : vector<16xi32>
        %shift_right_arithmetic3A_790 = arith.constant 3 : i32
        %shift_right_arithmetic3A_791 = vector.broadcast %shift_right_arithmetic3A_790 : i32 to vector<16xi32>
        %shift_right_arithmetic3A_792 = arith.shrsi %get3A_779, %shift_right_arithmetic3A_791 : vector<16xi32>
        %and3A_793 = arith.constant 1 : i32
        %and3A_794 = vector.broadcast %and3A_793 : i32 to vector<16xi32>
        %and3A_795 = arith.andi %shift_right_arithmetic3A_792, %and3A_794 : vector<16xi32>
        %shift_right_arithmetic3A_796 = arith.constant 7 : i32
        %shift_right_arithmetic3A_797 = vector.broadcast %shift_right_arithmetic3A_796 : i32 to vector<16xi32>
        %shift_right_arithmetic3A_798 = arith.shrsi %add3A_784, %shift_right_arithmetic3A_797 : vector<16xi32>
        %and3A_799 = arith.constant 15 : i32
        %and3A_800 = vector.broadcast %and3A_799 : i32 to vector<16xi32>
        %and3A_801 = arith.andi %shift_right_arithmetic3A_798, %and3A_800 : vector<16xi32>
        %and3A_802 = arith.constant 7 : i32
        %and3A_803 = vector.broadcast %and3A_802 : i32 to vector<16xi32>
        %and3A_804 = arith.andi %get3A_779, %and3A_803 : vector<16xi32>
        %and3A_805 = arith.constant 127 : i32
        %and3A_806 = vector.broadcast %and3A_805 : i32 to vector<16xi32>
        %and3A_807 = arith.andi %add3A_784, %and3A_806 : vector<16xi32>
        %add3A_808 = arith.constant 0 : i32
        %add3A_809 = vector.broadcast %add3A_808 : i32 to vector<16xi32>
        %add3A_810 = arith.addi %add3A_809, %and3A_795 : vector<16xi32>
        tpu.vector_store_idx %arg5[%add3A_810, %and3A_801, %and3A_804, %and3A_807], %broadcast_in_dim3A_463 masked %lt3A_789 : memref<4x16x8x128xf32, #tpu.memory_space<vmem>>[vector<16xi32>, vector<16xi32>, vector<16xi32>, vector<16xi32>], vector<16xf32>, vector<16xi1>
        %shift_left3A_811 = arith.constant 14 : i32
        %shift_left3A_812 = vector.broadcast %shift_left3A_811 : i32 to vector<16xi32>
        %shift_left3A_813 = arith.shli %and3A_795, %shift_left3A_812 : vector<16xi32>
        %shift_left3A_814 = arith.constant 10 : i32
        %shift_left3A_815 = vector.broadcast %shift_left3A_814 : i32 to vector<16xi32>
        %shift_left3A_816 = arith.shli %and3A_801, %shift_left3A_815 : vector<16xi32>
        %or3A_817 = arith.ori %shift_left3A_813, %shift_left3A_816 : vector<16xi32>
        %shift_left3A_818 = arith.constant 7 : i32
        %shift_left3A_819 = vector.broadcast %shift_left3A_818 : i32 to vector<16xi32>
        %shift_left3A_820 = arith.shli %and3A_804, %shift_left3A_819 : vector<16xi32>
        %or3A_821 = arith.ori %or3A_817, %shift_left3A_820 : vector<16xi32>
        %or3A_822 = arith.ori %or3A_821, %and3A_807 : vector<16xi32>
        %swap3A_823 = arith.constant 0 : i32
        %swap3A_824 = arith.index_cast %swap3A_823 : i32 to index
        %swap3A_825 = arith.index_cast %add3A_767 : i32 to index
        %swap3A_826 = tpu.vector_load %arg6[%swap3A_824, %swap3A_825] masked %lt3A_789 {strides = array<i32>} : memref<2x2080xi32, #tpu.memory_space<vmem>>, vector<16xi32>, vector<16xi1>
        tpu.vector_store %arg6[%swap3A_824, %swap3A_825], %or3A_822 masked %lt3A_789 {strides = array<i32>} : memref<2x2080xi32, #tpu.memory_space<vmem>>, vector<16xi32>, vector<16xi1>
        %all_reduce_population_count3A_827 = tpu.all_reduce %lt3A_789 {dim = 0 : i64, kind = #tpu.reduction_kind<sum>} : vector<16xi1> -> vector<16xi32>
        %slice3A_828 = vector.extract_strided_slice %all_reduce_population_count3A_827 {offsets = [0], sizes = [1], strides = [1]} : vector<16xi32> to vector<1xi32>
        %squeeze3A_829 = vector.extract %slice3A_828[0] : i32 from vector<1xi32>
        %add3A_830 = arith.addi %add3A_767, %squeeze3A_829 : i32
        %mul3A_831 = arith.constant 128 : i32
        %mul3A_832 = arith.muli %and3A_458, %mul3A_831 : i32
        %mul3A_833 = arith.constant 4 : i32
        %mul3A_834 = arith.muli %scan3A_649, %mul3A_833 : i32
        %add3A_835 = arith.addi %mul3A_832, %mul3A_834 : i32
        %add3A_836 = arith.constant 3 : i32
        %add3A_837 = arith.addi %add3A_835, %add3A_836 : i32
        %mul3A_838 = arith.constant 16 : i32
        %mul3A_839 = arith.muli %add3A_837, %mul3A_838 : i32
        %get3A_840 = arith.index_cast %sub3A_459 : i32 to index
        %get3A_841 = arith.index_cast %mul3A_839 : i32 to index
        %get3A_842 = tpu.vector_load %arg4[%get3A_840, %get3A_841] {strides = array<i32>} : memref<2x4096xi32, #tpu.memory_space<vmem>>, vector<16xi32>,
        %mul3A_843 = arith.constant 16 : i32
        %mul3A_844 = arith.muli %add3A_837, %mul3A_843 : i32
        %iota3A_845 = tpu.iota {dimensions = array<i32: 0>} : vector<16xi32>
        %add3A_846 = vector.broadcast %mul3A_844 : i32 to vector<16xi32>
        %add3A_847 = arith.addi %add3A_846, %iota3A_845 : vector<16xi32>
        %sub3A_848 = vector.broadcast %mul3A_461 : i32 to vector<16xi32>
        %sub3A_849 = arith.subi %get3A_842, %sub3A_848 : vector<16xi32>
        %lt3A_850 = arith.constant 16 : i32
        %lt3A_851 = vector.broadcast %lt3A_850 : i32 to vector<16xi32>
        %lt3A_852 = arith.cmpi ult, %sub3A_849, %lt3A_851 : vector<16xi32>
        %shift_right_arithmetic3A_853 = arith.constant 3 : i32
        %shift_right_arithmetic3A_854 = vector.broadcast %shift_right_arithmetic3A_853 : i32 to vector<16xi32>
        %shift_right_arithmetic3A_855 = arith.shrsi %get3A_842, %shift_right_arithmetic3A_854 : vector<16xi32>
        %and3A_856 = arith.constant 1 : i32
        %and3A_857 = vector.broadcast %and3A_856 : i32 to vector<16xi32>
        %and3A_858 = arith.andi %shift_right_arithmetic3A_855, %and3A_857 : vector<16xi32>
        %shift_right_arithmetic3A_859 = arith.constant 7 : i32
        %shift_right_arithmetic3A_860 = vector.broadcast %shift_right_arithmetic3A_859 : i32 to vector<16xi32>
        %shift_right_arithmetic3A_861 = arith.shrsi %add3A_847, %shift_right_arithmetic3A_860 : vector<16xi32>
        %and3A_862 = arith.constant 15 : i32
        %and3A_863 = vector.broadcast %and3A_862 : i32 to vector<16xi32>
        %and3A_864 = arith.andi %shift_right_arithmetic3A_861, %and3A_863 : vector<16xi32>
        %and3A_865 = arith.constant 7 : i32
        %and3A_866 = vector.broadcast %and3A_865 : i32 to vector<16xi32>
        %and3A_867 = arith.andi %get3A_842, %and3A_866 : vector<16xi32>
        %and3A_868 = arith.constant 127 : i32
        %and3A_869 = vector.broadcast %and3A_868 : i32 to vector<16xi32>
        %and3A_870 = arith.andi %add3A_847, %and3A_869 : vector<16xi32>
        %add3A_871 = arith.constant 0 : i32
        %add3A_872 = vector.broadcast %add3A_871 : i32 to vector<16xi32>
        %add3A_873 = arith.addi %add3A_872, %and3A_858 : vector<16xi32>
        tpu.vector_store_idx %arg5[%add3A_873, %and3A_864, %and3A_867, %and3A_870], %broadcast_in_dim3A_463 masked %lt3A_852 : memref<4x16x8x128xf32, #tpu.memory_space<vmem>>[vector<16xi32>, vector<16xi32>, vector<16xi32>, vector<16xi32>], vector<16xf32>, vector<16xi1>
        %shift_left3A_874 = arith.constant 14 : i32
        %shift_left3A_875 = vector.broadcast %shift_left3A_874 : i32 to vector<16xi32>
        %shift_left3A_876 = arith.shli %and3A_858, %shift_left3A_875 : vector<16xi32>
        %shift_left3A_877 = arith.constant 10 : i32
        %shift_left3A_878 = vector.broadcast %shift_left3A_877 : i32 to vector<16xi32>
        %shift_left3A_879 = arith.shli %and3A_864, %shift_left3A_878 : vector<16xi32>
        %or3A_880 = arith.ori %shift_left3A_876, %shift_left3A_879 : vector<16xi32>
        %shift_left3A_881 = arith.constant 7 : i32
        %shift_left3A_882 = vector.broadcast %shift_left3A_881 : i32 to vector<16xi32>
        %shift_left3A_883 = arith.shli %and3A_867, %shift_left3A_882 : vector<16xi32>
        %or3A_884 = arith.ori %or3A_880, %shift_left3A_883 : vector<16xi32>
        %or3A_885 = arith.ori %or3A_884, %and3A_870 : vector<16xi32>
        %swap3A_886 = arith.constant 0 : i32
        %swap3A_887 = arith.index_cast %swap3A_886 : i32 to index
        %swap3A_888 = arith.index_cast %add3A_830 : i32 to index
        %swap3A_889 = tpu.vector_load %arg6[%swap3A_887, %swap3A_888] masked %lt3A_852 {strides = array<i32>} : memref<2x2080xi32, #tpu.memory_space<vmem>>, vector<16xi32>, vector<16xi1>
        tpu.vector_store %arg6[%swap3A_887, %swap3A_888], %or3A_885 masked %lt3A_852 {strides = array<i32>} : memref<2x2080xi32, #tpu.memory_space<vmem>>, vector<16xi32>, vector<16xi1>
        %all_reduce_population_count3A_890 = tpu.all_reduce %lt3A_852 {dim = 0 : i64, kind = #tpu.reduction_kind<sum>} : vector<16xi1> -> vector<16xi32>
        %slice3A_891 = vector.extract_strided_slice %all_reduce_population_count3A_890 {offsets = [0], sizes = [1], strides = [1]} : vector<16xi32> to vector<1xi32>
        %squeeze3A_892 = vector.extract %slice3A_891[0] : i32 from vector<1xi32>
        %add3A_893 = arith.addi %add3A_830, %squeeze3A_892 : i32
        scf.yield %add3A_893 : i32
      }
      %scan3A_470 = arith.constant 32 : i32
      %mul3A_471 = arith.constant 2 : i32
      %mul3A_472 = arith.muli %mul3A_471, %shift_right_arithmetic3A_456 : i32
      %mul3A_473 = arith.constant 16 : i32
      %mul3A_474 = arith.muli %mul3A_473, %and3A_458 : i32
      %dma_start3A_475 = arith.constant 0 : i32
      %dma_start3A_476 = arith.constant 0 : i32
      %dma_start3A_477 = arith.constant 0 : i32
      %dma_start3A_478 = arith.constant 0 : i32
      %dma_start3A_479 = tpu.memref_slice %arg5[%dma_start3A_475, %dma_start3A_476, %dma_start3A_477, %dma_start3A_478] : memref<4x16x8x128xf32, #tpu.memory_space<vmem>> -> memref<1x16x8x128xf32, #tpu.memory_space<vmem>>
      %dma_start3A_480 = tpu.memref_squeeze %dma_start3A_479 : memref<1x16x8x128xf32, #tpu.memory_space<vmem>> -> memref<16x8x128xf32, #tpu.memory_space<vmem>>
      %dma_start3A_481 = arith.constant 0 : i32
      %dma_start3A_482 = arith.constant 0 : i32
      %dma_start3A_483 = tpu.memref_slice %arg3[%select_n3A_451, %mul3A_472, %mul3A_474, %dma_start3A_481, %dma_start3A_482] : memref<26x125x32x8x128xf32, #tpu.memory_space<hbm>> -> memref<1x1x16x8x128xf32, #tpu.memory_space<hbm>>
      %dma_start3A_484 = tpu.memref_squeeze %dma_start3A_483 : memref<1x1x16x8x128xf32, #tpu.memory_space<hbm>> -> memref<16x8x128xf32, #tpu.memory_space<hbm>>
      %dma_start3A_485 = arith.constant 0 : i32
      %dma_start3A_486 = arith.constant 0 : i32
      %dma_start3A_487 = tpu.memref_slice %arg3[%select_n3A_451, %mul3A_472, %mul3A_474, %dma_start3A_485, %dma_start3A_486] : memref<26x125x32x8x128xf32, #tpu.memory_space<hbm>> -> memref<1x1x16x8x128xf32, #tpu.memory_space<hbm>>
      %dma_start3A_488 = tpu.memref_squeeze %dma_start3A_487 : memref<1x1x16x8x128xf32, #tpu.memory_space<hbm>> -> memref<16x8x128xf32, #tpu.memory_space<hbm>>
      %dma_start3A_489 = arith.constant 0 : i32
      %dma_start3A_490 = arith.constant 0 : i32
      %dma_start3A_491 = arith.constant 0 : i32
      %dma_start3A_492 = tpu.memref_slice %arg5[%dma_start3A_475, %dma_start3A_489, %dma_start3A_490, %dma_start3A_491] : memref<4x16x8x128xf32, #tpu.memory_space<vmem>> -> memref<1x16x8x128xf32, #tpu.memory_space<vmem>>
      %dma_start3A_493 = tpu.memref_squeeze %dma_start3A_492 : memref<1x16x8x128xf32, #tpu.memory_space<vmem>> -> memref<16x8x128xf32, #tpu.memory_space<vmem>>
      tpu.enqueue_dma source(%dma_start3A_493 : memref<16x8x128xf32, #tpu.memory_space<vmem>>) target(%dma_start3A_488 : memref<16x8x128xf32, #tpu.memory_space<hbm>>) target_semaphore(%arg7 : memref<!tpu.dma_semaphore, #tpu.memory_space<semaphore_mem>>)
      %eq3A_494 = arith.constant 62 : i32
      %eq3A_495 = arith.cmpi eq, %shift_right_arithmetic3A_456, %eq3A_494 : i32
      %not3A_496 = arith.constant true
      %not3A_497 = arith.xori %eq3A_495, %not3A_496 : i1
      %convert_element_type3A_498 = arith.extui %not3A_497 : i1 to i32
      %cond3A_499 = arith.constant 0 : i32
      %cond3A_500 = arith.cmpi ne, %convert_element_type3A_498, %cond3A_499 : i32
      scf.if %cond3A_500 {
        %add3A_649 = arith.constant 1 : i32
        %add3A_650 = arith.addi %mul3A_472, %add3A_649 : i32
        %dma_start3A_651 = arith.constant 1 : i32
        %dma_start3A_652 = arith.constant 0 : i32
        %dma_start3A_653 = arith.constant 0 : i32
        %dma_start3A_654 = arith.constant 0 : i32
        %dma_start3A_655 = tpu.memref_slice %arg5[%dma_start3A_651, %dma_start3A_652, %dma_start3A_653, %dma_start3A_654] : memref<4x16x8x128xf32, #tpu.memory_space<vmem>> -> memref<1x16x8x128xf32, #tpu.memory_space<vmem>>
        %dma_start3A_656 = tpu.memref_squeeze %dma_start3A_655 : memref<1x16x8x128xf32, #tpu.memory_space<vmem>> -> memref<16x8x128xf32, #tpu.memory_space<vmem>>
        %dma_start3A_657 = arith.constant 0 : i32
        %dma_start3A_658 = arith.constant 0 : i32
        %dma_start3A_659 = tpu.memref_slice %arg3[%select_n3A_451, %add3A_650, %mul3A_474, %dma_start3A_657, %dma_start3A_658] : memref<26x125x32x8x128xf32, #tpu.memory_space<hbm>> -> memref<1x1x16x8x128xf32, #tpu.memory_space<hbm>>
        %dma_start3A_660 = tpu.memref_squeeze %dma_start3A_659 : memref<1x1x16x8x128xf32, #tpu.memory_space<hbm>> -> memref<16x8x128xf32, #tpu.memory_space<hbm>>
        %dma_start3A_661 = arith.constant 0 : i32
        %dma_start3A_662 = arith.constant 0 : i32
        %dma_start3A_663 = tpu.memref_slice %arg3[%select_n3A_451, %add3A_650, %mul3A_474, %dma_start3A_661, %dma_start3A_662] : memref<26x125x32x8x128xf32, #tpu.memory_space<hbm>> -> memref<1x1x16x8x128xf32, #tpu.memory_space<hbm>>
        %dma_start3A_664 = tpu.memref_squeeze %dma_start3A_663 : memref<1x1x16x8x128xf32, #tpu.memory_space<hbm>> -> memref<16x8x128xf32, #tpu.memory_space<hbm>>
        %dma_start3A_665 = arith.constant 0 : i32
        %dma_start3A_666 = arith.constant 0 : i32
        %dma_start3A_667 = arith.constant 0 : i32
        %dma_start3A_668 = tpu.memref_slice %arg5[%dma_start3A_651, %dma_start3A_665, %dma_start3A_666, %dma_start3A_667] : memref<4x16x8x128xf32, #tpu.memory_space<vmem>> -> memref<1x16x8x128xf32, #tpu.memory_space<vmem>>
        %dma_start3A_669 = tpu.memref_squeeze %dma_start3A_668 : memref<1x16x8x128xf32, #tpu.memory_space<vmem>> -> memref<16x8x128xf32, #tpu.memory_space<vmem>>
        tpu.enqueue_dma source(%dma_start3A_669 : memref<16x8x128xf32, #tpu.memory_space<vmem>>) target(%dma_start3A_664 : memref<16x8x128xf32, #tpu.memory_space<hbm>>) target_semaphore(%arg8 : memref<!tpu.dma_semaphore, #tpu.memory_space<semaphore_mem>>)
      } else {
      }
      %convert_element_type3A_501 = arith.extui %eq3A_495 : i1 to i32
      %cond3A_502 = arith.constant 0 : i32
      %cond3A_503 = arith.cmpi ne, %convert_element_type3A_501, %cond3A_502 : i32
      scf.if %cond3A_503 {
        %dma_start3A_649 = arith.constant 0 : i32
        %dma_start3A_650 = arith.constant 0 : i32
        %dma_start3A_651 = arith.constant 0 : i32
        %dma_start3A_652 = arith.constant 0 : i32
        %dma_start3A_653 = tpu.memref_slice %arg5[%dma_start3A_649, %dma_start3A_650, %dma_start3A_651, %dma_start3A_652] : memref<4x16x8x128xf32, #tpu.memory_space<vmem>> -> memref<1x16x8x128xf32, #tpu.memory_space<vmem>>
        %dma_start3A_654 = tpu.memref_squeeze %dma_start3A_653 : memref<1x16x8x128xf32, #tpu.memory_space<vmem>> -> memref<16x8x128xf32, #tpu.memory_space<vmem>>
        %dma_start3A_655 = arith.constant 0 : i32
        %dma_start3A_656 = arith.constant 0 : i32
        %dma_start3A_657 = tpu.memref_slice %arg3[%select_n3A_451, %mul3A_472, %mul3A_474, %dma_start3A_655, %dma_start3A_656] : memref<26x125x32x8x128xf32, #tpu.memory_space<hbm>> -> memref<1x1x16x8x128xf32, #tpu.memory_space<hbm>>
        %dma_start3A_658 = tpu.memref_squeeze %dma_start3A_657 : memref<1x1x16x8x128xf32, #tpu.memory_space<hbm>> -> memref<16x8x128xf32, #tpu.memory_space<hbm>>
        %dma_start3A_659 = arith.constant 0 : i32
        %dma_start3A_660 = arith.constant 0 : i32
        %dma_start3A_661 = tpu.memref_slice %arg3[%select_n3A_451, %mul3A_472, %mul3A_474, %dma_start3A_659, %dma_start3A_660] : memref<26x125x32x8x128xf32, #tpu.memory_space<hbm>> -> memref<1x1x16x8x128xf32, #tpu.memory_space<hbm>>
        %dma_start3A_662 = tpu.memref_squeeze %dma_start3A_661 : memref<1x1x16x8x128xf32, #tpu.memory_space<hbm>> -> memref<16x8x128xf32, #tpu.memory_space<hbm>>
        %dma_start3A_663 = arith.constant 0 : i32
        %dma_start3A_664 = arith.constant 0 : i32
        %dma_start3A_665 = arith.constant 0 : i32
        %dma_start3A_666 = tpu.memref_slice %arg5[%dma_start3A_649, %dma_start3A_663, %dma_start3A_664, %dma_start3A_665] : memref<4x16x8x128xf32, #tpu.memory_space<vmem>> -> memref<1x16x8x128xf32, #tpu.memory_space<vmem>>
        %dma_start3A_667 = tpu.memref_squeeze %dma_start3A_666 : memref<1x16x8x128xf32, #tpu.memory_space<vmem>> -> memref<16x8x128xf32, #tpu.memory_space<vmem>>
        tpu.enqueue_dma source(%dma_start3A_667 : memref<16x8x128xf32, #tpu.memory_space<vmem>>) target(%dma_start3A_662 : memref<16x8x128xf32, #tpu.memory_space<hbm>>) target_semaphore(%arg8 : memref<!tpu.dma_semaphore, #tpu.memory_space<semaphore_mem>>)
      } else {
      }
      %mul3A_504 = arith.constant 2 : i32
      %mul3A_505 = arith.muli %mul3A_504, %scan3A_357 : i32
      %add3A_506 = arith.constant 1 : i32
      %add3A_507 = arith.addi %mul3A_505, %add3A_506 : i32
      %dma_wait3A_508 = arith.constant 2 : i32
      %dma_wait3A_509 = arith.constant 0 : i32
      %dma_wait3A_510 = arith.constant 0 : i32
      %dma_wait3A_511 = arith.constant 0 : i32
      %dma_wait3A_512 = arith.constant 0 : i32
      %dma_wait3A_513 = arith.constant 0 : i32
      %dma_wait3A_514 = tpu.memref_slice %arg5[%dma_wait3A_508, %dma_wait3A_511, %dma_wait3A_512, %dma_wait3A_513] : memref<4x16x8x128xf32, #tpu.memory_space<vmem>> -> memref<1x16x8x128xf32, #tpu.memory_space<vmem>>
      %dma_wait3A_515 = tpu.memref_squeeze %dma_wait3A_514 : memref<1x16x8x128xf32, #tpu.memory_space<vmem>> -> memref<16x8x128xf32, #tpu.memory_space<vmem>>
      %dma_wait3A_516 = arith.constant 0 : i32
      %dma_wait3A_517 = arith.constant 0 : i32
      %dma_wait3A_518 = arith.constant 0 : i32
      %dma_wait3A_519 = tpu.memref_slice %arg3[%dma_wait3A_509, %dma_wait3A_510, %dma_wait3A_516, %dma_wait3A_517, %dma_wait3A_518] : memref<26x125x32x8x128xf32, #tpu.memory_space<hbm>> -> memref<1x1x16x8x128xf32, #tpu.memory_space<hbm>>
      %dma_wait3A_520 = tpu.memref_squeeze %dma_wait3A_519 : memref<1x1x16x8x128xf32, #tpu.memory_space<hbm>> -> memref<16x8x128xf32, #tpu.memory_space<hbm>>
      %dma_wait3A_521 = arith.constant 0 : i32
      %dma_wait3A_522 = arith.constant 0 : i32
      %dma_wait3A_523 = arith.constant 0 : i32
      %dma_wait3A_524 = tpu.memref_slice %arg3[%dma_wait3A_509, %dma_wait3A_510, %dma_wait3A_521, %dma_wait3A_522, %dma_wait3A_523] : memref<26x125x32x8x128xf32, #tpu.memory_space<hbm>> -> memref<1x1x16x8x128xf32, #tpu.memory_space<hbm>>
      %dma_wait3A_525 = tpu.memref_squeeze %dma_wait3A_524 : memref<1x1x16x8x128xf32, #tpu.memory_space<hbm>> -> memref<16x8x128xf32, #tpu.memory_space<hbm>>
      %dma_wait3A_526 = arith.constant 0 : i32
      %dma_wait3A_527 = arith.constant 0 : i32
      %dma_wait3A_528 = arith.constant 0 : i32
      %dma_wait3A_529 = tpu.memref_slice %arg5[%dma_wait3A_508, %dma_wait3A_526, %dma_wait3A_527, %dma_wait3A_528] : memref<4x16x8x128xf32, #tpu.memory_space<vmem>> -> memref<1x16x8x128xf32, #tpu.memory_space<vmem>>
      %dma_wait3A_530 = tpu.memref_squeeze %dma_wait3A_529 : memref<1x16x8x128xf32, #tpu.memory_space<vmem>> -> memref<16x8x128xf32, #tpu.memory_space<vmem>>
      tpu.wait_dma2 semaphore(%arg9 : memref<!tpu.dma_semaphore, #tpu.memory_space<semaphore_mem>>) src(%dma_wait3A_530 : memref<16x8x128xf32, #tpu.memory_space<vmem>>) dst(%dma_wait3A_525 : memref<16x8x128xf32, #tpu.memory_space<hbm>>)
      %dma_wait3A_531 = arith.constant 3 : i32
      %dma_wait3A_532 = arith.constant 0 : i32
      %dma_wait3A_533 = arith.constant 0 : i32
      %dma_wait3A_534 = arith.constant 0 : i32
      %dma_wait3A_535 = arith.constant 0 : i32
      %dma_wait3A_536 = arith.constant 0 : i32
      %dma_wait3A_537 = tpu.memref_slice %arg5[%dma_wait3A_531, %dma_wait3A_534, %dma_wait3A_535, %dma_wait3A_536] : memref<4x16x8x128xf32, #tpu.memory_space<vmem>> -> memref<1x16x8x128xf32, #tpu.memory_space<vmem>>
      %dma_wait3A_538 = tpu.memref_squeeze %dma_wait3A_537 : memref<1x16x8x128xf32, #tpu.memory_space<vmem>> -> memref<16x8x128xf32, #tpu.memory_space<vmem>>
      %dma_wait3A_539 = arith.constant 0 : i32
      %dma_wait3A_540 = arith.constant 0 : i32
      %dma_wait3A_541 = arith.constant 0 : i32
      %dma_wait3A_542 = tpu.memref_slice %arg3[%dma_wait3A_532, %dma_wait3A_533, %dma_wait3A_539, %dma_wait3A_540, %dma_wait3A_541] : memref<26x125x32x8x128xf32, #tpu.memory_space<hbm>> -> memref<1x1x16x8x128xf32, #tpu.memory_space<hbm>>
      %dma_wait3A_543 = tpu.memref_squeeze %dma_wait3A_542 : memref<1x1x16x8x128xf32, #tpu.memory_space<hbm>> -> memref<16x8x128xf32, #tpu.memory_space<hbm>>
      %dma_wait3A_544 = arith.constant 0 : i32
      %dma_wait3A_545 = arith.constant 0 : i32
      %dma_wait3A_546 = arith.constant 0 : i32
      %dma_wait3A_547 = tpu.memref_slice %arg3[%dma_wait3A_532, %dma_wait3A_533, %dma_wait3A_544, %dma_wait3A_545, %dma_wait3A_546] : memref<26x125x32x8x128xf32, #tpu.memory_space<hbm>> -> memref<1x1x16x8x128xf32, #tpu.memory_space<hbm>>
      %dma_wait3A_548 = tpu.memref_squeeze %dma_wait3A_547 : memref<1x1x16x8x128xf32, #tpu.memory_space<hbm>> -> memref<16x8x128xf32, #tpu.memory_space<hbm>>
      %dma_wait3A_549 = arith.constant 0 : i32
      %dma_wait3A_550 = arith.constant 0 : i32
      %dma_wait3A_551 = arith.constant 0 : i32
      %dma_wait3A_552 = tpu.memref_slice %arg5[%dma_wait3A_531, %dma_wait3A_549, %dma_wait3A_550, %dma_wait3A_551] : memref<4x16x8x128xf32, #tpu.memory_space<vmem>> -> memref<1x16x8x128xf32, #tpu.memory_space<vmem>>
      %dma_wait3A_553 = tpu.memref_squeeze %dma_wait3A_552 : memref<1x16x8x128xf32, #tpu.memory_space<vmem>> -> memref<16x8x128xf32, #tpu.memory_space<vmem>>
      tpu.wait_dma2 semaphore(%arg10 : memref<!tpu.dma_semaphore, #tpu.memory_space<semaphore_mem>>) src(%dma_wait3A_553 : memref<16x8x128xf32, #tpu.memory_space<vmem>>) dst(%dma_wait3A_548 : memref<16x8x128xf32, #tpu.memory_space<hbm>>)
      %broadcast_in_dim3A_554 = arith.constant 0.000000e+00 : f32
      %broadcast_in_dim3A_555 = vector.broadcast %broadcast_in_dim3A_554 : f32 to vector<16xf32>
      %add3A_556 = arith.constant 15 : i32
      %add3A_557 = arith.addi %scan3A_359, %add3A_556 : i32
      %shift_right_arithmetic3A_558 = arith.constant 4 : i32
      %shift_right_arithmetic3A_559 = arith.shrsi %add3A_557, %shift_right_arithmetic3A_558 : i32
      %while3A_560 = arith.constant 0 : i32
      %while3A_561 = arith.constant 0 : i32
      %while3A_562 = arith.subi %shift_right_arithmetic3A_559, %while3A_560 : i32
      %while3A_563 = arith.addi %while3A_560, %while3A_562 : i32
      %while3A_564 = arith.constant 1 : i32
      %while3A_565 = arith.divsi %while3A_562, %while3A_564 : i32
      %while3A_566 = arith.muli %while3A_565, %while3A_564 : i32
      %while3A_567 = arith.addi %while3A_560, %while3A_566 : i32
      %while3A_568 = arith.constant 1 : i32
      %while3A_569 = scf.for %while3A_649 = %while3A_560 to %while3A_567 step %while3A_568 iter_args(%while3A_650 = %while3A_561) -> (i32)  : i32 {
        %mul3A_651 = arith.constant 16 : i32
        %mul3A_652 = arith.muli %while3A_649, %mul3A_651 : i32
        %get3A = arith.constant 1 : i32
        %get3A_653 = arith.index_cast %get3A : i32 to index
        %get3A_654 = arith.index_cast %mul3A_652 : i32 to index
        %get3A_655 = tpu.vector_load %arg6[%get3A_653, %get3A_654] {strides = array<i32>} : memref<2x2080xi32, #tpu.memory_space<vmem>>, vector<16xi32>,
        %mul3A_656 = arith.constant 16 : i32
        %mul3A_657 = arith.muli %while3A_649, %mul3A_656 : i32
        %iota3A = tpu.iota {dimensions = array<i32: 0>} : vector<16xi32>
        %add3A_658 = vector.broadcast %mul3A_657 : i32 to vector<16xi32>
        %add3A_659 = arith.addi %add3A_658, %iota3A : vector<16xi32>
        %lt3A = vector.broadcast %scan3A_359 : i32 to vector<16xi32>
        %lt3A_660 = arith.cmpi slt, %add3A_659, %lt3A : vector<16xi32>
        %shift_right_arithmetic3A_661 = arith.constant 14 : i32
        %shift_right_arithmetic3A_662 = vector.broadcast %shift_right_arithmetic3A_661 : i32 to vector<16xi32>
        %shift_right_arithmetic3A_663 = arith.shrsi %get3A_655, %shift_right_arithmetic3A_662 : vector<16xi32>
        %and3A_664 = arith.constant 1 : i32
        %and3A_665 = vector.broadcast %and3A_664 : i32 to vector<16xi32>
        %and3A_666 = arith.andi %shift_right_arithmetic3A_663, %and3A_665 : vector<16xi32>
        %add3A_667 = arith.constant 2 : i32
        %add3A_668 = vector.broadcast %add3A_667 : i32 to vector<16xi32>
        %add3A_669 = arith.addi %add3A_668, %and3A_666 : vector<16xi32>
        %shift_right_arithmetic3A_670 = arith.constant 10 : i32
        %shift_right_arithmetic3A_671 = vector.broadcast %shift_right_arithmetic3A_670 : i32 to vector<16xi32>
        %shift_right_arithmetic3A_672 = arith.shrsi %get3A_655, %shift_right_arithmetic3A_671 : vector<16xi32>
        %and3A_673 = arith.constant 15 : i32
        %and3A_674 = vector.broadcast %and3A_673 : i32 to vector<16xi32>
        %and3A_675 = arith.andi %shift_right_arithmetic3A_672, %and3A_674 : vector<16xi32>
        %shift_right_arithmetic3A_676 = arith.constant 7 : i32
        %shift_right_arithmetic3A_677 = vector.broadcast %shift_right_arithmetic3A_676 : i32 to vector<16xi32>
        %shift_right_arithmetic3A_678 = arith.shrsi %get3A_655, %shift_right_arithmetic3A_677 : vector<16xi32>
        %and3A_679 = arith.constant 7 : i32
        %and3A_680 = vector.broadcast %and3A_679 : i32 to vector<16xi32>
        %and3A_681 = arith.andi %shift_right_arithmetic3A_678, %and3A_680 : vector<16xi32>
        %and3A_682 = arith.constant 127 : i32
        %and3A_683 = vector.broadcast %and3A_682 : i32 to vector<16xi32>
        %and3A_684 = arith.andi %get3A_655, %and3A_683 : vector<16xi32>
        tpu.vector_store_idx %arg5[%add3A_669, %and3A_675, %and3A_681, %and3A_684], %broadcast_in_dim3A_555 masked %lt3A_660 : memref<4x16x8x128xf32, #tpu.memory_space<vmem>>[vector<16xi32>, vector<16xi32>, vector<16xi32>, vector<16xi32>], vector<16xf32>, vector<16xi1>
        %while3A_685 = arith.constant 0 : i32
        scf.yield %while3A_685 : i32
      }
      %while3A_570 = arith.constant 1 : i32
      %while3A_571 = scf.for %while3A_649 = %while3A_567 to %while3A_563 step %while3A_570 iter_args(%while3A_650 = %while3A_569) -> (i32)  : i32 {
        %mul3A_651 = arith.constant 16 : i32
        %mul3A_652 = arith.muli %while3A_649, %mul3A_651 : i32
        %get3A = arith.constant 1 : i32
        %get3A_653 = arith.index_cast %get3A : i32 to index
        %get3A_654 = arith.index_cast %mul3A_652 : i32 to index
        %get3A_655 = tpu.vector_load %arg6[%get3A_653, %get3A_654] {strides = array<i32>} : memref<2x2080xi32, #tpu.memory_space<vmem>>, vector<16xi32>,
        %mul3A_656 = arith.constant 16 : i32
        %mul3A_657 = arith.muli %while3A_649, %mul3A_656 : i32
        %iota3A = tpu.iota {dimensions = array<i32: 0>} : vector<16xi32>
        %add3A_658 = vector.broadcast %mul3A_657 : i32 to vector<16xi32>
        %add3A_659 = arith.addi %add3A_658, %iota3A : vector<16xi32>
        %lt3A = vector.broadcast %scan3A_359 : i32 to vector<16xi32>
        %lt3A_660 = arith.cmpi slt, %add3A_659, %lt3A : vector<16xi32>
        %shift_right_arithmetic3A_661 = arith.constant 14 : i32
        %shift_right_arithmetic3A_662 = vector.broadcast %shift_right_arithmetic3A_661 : i32 to vector<16xi32>
        %shift_right_arithmetic3A_663 = arith.shrsi %get3A_655, %shift_right_arithmetic3A_662 : vector<16xi32>
        %and3A_664 = arith.constant 1 : i32
        %and3A_665 = vector.broadcast %and3A_664 : i32 to vector<16xi32>
        %and3A_666 = arith.andi %shift_right_arithmetic3A_663, %and3A_665 : vector<16xi32>
        %add3A_667 = arith.constant 2 : i32
        %add3A_668 = vector.broadcast %add3A_667 : i32 to vector<16xi32>
        %add3A_669 = arith.addi %add3A_668, %and3A_666 : vector<16xi32>
        %shift_right_arithmetic3A_670 = arith.constant 10 : i32
        %shift_right_arithmetic3A_671 = vector.broadcast %shift_right_arithmetic3A_670 : i32 to vector<16xi32>
        %shift_right_arithmetic3A_672 = arith.shrsi %get3A_655, %shift_right_arithmetic3A_671 : vector<16xi32>
        %and3A_673 = arith.constant 15 : i32
        %and3A_674 = vector.broadcast %and3A_673 : i32 to vector<16xi32>
        %and3A_675 = arith.andi %shift_right_arithmetic3A_672, %and3A_674 : vector<16xi32>
        %shift_right_arithmetic3A_676 = arith.constant 7 : i32
        %shift_right_arithmetic3A_677 = vector.broadcast %shift_right_arithmetic3A_676 : i32 to vector<16xi32>
        %shift_right_arithmetic3A_678 = arith.shrsi %get3A_655, %shift_right_arithmetic3A_677 : vector<16xi32>
        %and3A_679 = arith.constant 7 : i32
        %and3A_680 = vector.broadcast %and3A_679 : i32 to vector<16xi32>
        %and3A_681 = arith.andi %shift_right_arithmetic3A_678, %and3A_680 : vector<16xi32>
        %and3A_682 = arith.constant 127 : i32
        %and3A_683 = vector.broadcast %and3A_682 : i32 to vector<16xi32>
        %and3A_684 = arith.andi %get3A_655, %and3A_683 : vector<16xi32>
        tpu.vector_store_idx %arg5[%add3A_669, %and3A_675, %and3A_681, %and3A_684], %broadcast_in_dim3A_555 masked %lt3A_660 : memref<4x16x8x128xf32, #tpu.memory_space<vmem>>[vector<16xi32>, vector<16xi32>, vector<16xi32>, vector<16xi32>], vector<16xf32>, vector<16xi1>
        %while3A_685 = arith.constant 0 : i32
        scf.yield %while3A_685 : i32
      }
      %add3A_572 = arith.addi %select_n3A, %add3A_507 : i32
      %jit3A_573 = arith.constant 126 : i32
      %div3A_574 = arith.divsi %add3A_572, %jit3A_573 : i32
      %sign3A_575 = arith.constant 0 : i32
      %sign3A_576 = arith.cmpi sgt, %add3A_572, %sign3A_575 : i32
      %sign3A_577 = arith.extui %sign3A_576 : i1 to i32
      %sign3A_578 = arith.constant 0 : i32
      %sign3A_579 = arith.cmpi slt, %add3A_572, %sign3A_578 : i32
      %sign3A_580 = arith.extui %sign3A_579 : i1 to i32
      %sign3A_581 = arith.subi %sign3A_577, %sign3A_580 : i32
      %sign3A_582 = arith.constant 0 : i32
      %sign3A_583 = arith.cmpi sgt, %jit3A_573, %sign3A_582 : i32
      %sign3A_584 = arith.extui %sign3A_583 : i1 to i32
      %sign3A_585 = arith.constant 0 : i32
      %sign3A_586 = arith.cmpi slt, %jit3A_573, %sign3A_585 : i32
      %sign3A_587 = arith.extui %sign3A_586 : i1 to i32
      %sign3A_588 = arith.subi %sign3A_584, %sign3A_587 : i32
      %ne3A_589 = arith.cmpi ne, %sign3A_581, %sign3A_588 : i32
      %rem3A_590 = arith.remsi %add3A_572, %jit3A_573 : i32
      %ne3A_591 = arith.constant 0 : i32
      %ne3A_592 = arith.cmpi ne, %rem3A_590, %ne3A_591 : i32
      %and3A_593 = arith.andi %ne3A_589, %ne3A_592 : i1
      %sub3A_594 = arith.constant 1 : i32
      %sub3A_595 = arith.subi %div3A_574, %sub3A_594 : i32
      %select_n3A_596 = arith.select %and3A_593, %sub3A_595, %div3A_574 : i32
      %mul3A_597 = arith.constant 126 : i32
      %mul3A_598 = arith.muli %select_n3A_596, %mul3A_597 : i32
      %sub3A_599 = arith.subi %add3A_572, %mul3A_598 : i32
      %shift_right_arithmetic3A_600 = arith.constant 1 : i32
      %shift_right_arithmetic3A_601 = arith.shrsi %sub3A_599, %shift_right_arithmetic3A_600 : i32
      %and3A_602 = arith.constant 1 : i32
      %and3A_603 = arith.andi %sub3A_599, %and3A_602 : i32
      %sub3A_604 = arith.subi %select_n3A_596, %select_n3A_42 : i32
      %mul3A_605 = arith.constant 16 : i32
      %mul3A_606 = arith.muli %shift_right_arithmetic3A_601, %mul3A_605 : i32
      %broadcast_in_dim3A_607 = arith.constant 1.000000e+00 : f32
      %broadcast_in_dim3A_608 = vector.broadcast %broadcast_in_dim3A_607 : f32 to vector<16xf32>
      %scan3A_609 = arith.constant 0 : i32
      %scan3A_610 = arith.constant 0 : i32
      %scan3A_611 = arith.constant 32 : i32
      %scan3A_612 = arith.addi %scan3A_610, %scan3A_611 : i32
      %scan3A_613 = arith.constant 1 : i32
      %scan3A_614 = scf.for %scan3A_649 = %scan3A_610 to %scan3A_612 step %scan3A_613 iter_args(%scan3A_650 = %scan3A_609) -> (i32)  : i32 {
        %mul3A_651 = arith.constant 128 : i32
        %mul3A_652 = arith.muli %and3A_603, %mul3A_651 : i32
        %mul3A_653 = arith.constant 4 : i32
        %mul3A_654 = arith.muli %scan3A_649, %mul3A_653 : i32
        %add3A_655 = arith.addi %mul3A_652, %mul3A_654 : i32
        %add3A_656 = arith.constant 0 : i32
        %add3A_657 = arith.addi %add3A_655, %add3A_656 : i32
        %mul3A_658 = arith.constant 16 : i32
        %mul3A_659 = arith.muli %add3A_657, %mul3A_658 : i32
        %get3A = arith.index_cast %sub3A_604 : i32 to index
        %get3A_660 = arith.index_cast %mul3A_659 : i32 to index
        %get3A_661 = tpu.vector_load %arg4[%get3A, %get3A_660] {strides = array<i32>} : memref<2x4096xi32, #tpu.memory_space<vmem>>, vector<16xi32>,
        %mul3A_662 = arith.constant 16 : i32
        %mul3A_663 = arith.muli %add3A_657, %mul3A_662 : i32
        %iota3A = tpu.iota {dimensions = array<i32: 0>} : vector<16xi32>
        %add3A_664 = vector.broadcast %mul3A_663 : i32 to vector<16xi32>
        %add3A_665 = arith.addi %add3A_664, %iota3A : vector<16xi32>
        %sub3A_666 = vector.broadcast %mul3A_606 : i32 to vector<16xi32>
        %sub3A_667 = arith.subi %get3A_661, %sub3A_666 : vector<16xi32>
        %lt3A = arith.constant 16 : i32
        %lt3A_668 = vector.broadcast %lt3A : i32 to vector<16xi32>
        %lt3A_669 = arith.cmpi ult, %sub3A_667, %lt3A_668 : vector<16xi32>
        %shift_right_arithmetic3A_670 = arith.constant 3 : i32
        %shift_right_arithmetic3A_671 = vector.broadcast %shift_right_arithmetic3A_670 : i32 to vector<16xi32>
        %shift_right_arithmetic3A_672 = arith.shrsi %get3A_661, %shift_right_arithmetic3A_671 : vector<16xi32>
        %and3A_673 = arith.constant 1 : i32
        %and3A_674 = vector.broadcast %and3A_673 : i32 to vector<16xi32>
        %and3A_675 = arith.andi %shift_right_arithmetic3A_672, %and3A_674 : vector<16xi32>
        %shift_right_arithmetic3A_676 = arith.constant 7 : i32
        %shift_right_arithmetic3A_677 = vector.broadcast %shift_right_arithmetic3A_676 : i32 to vector<16xi32>
        %shift_right_arithmetic3A_678 = arith.shrsi %add3A_665, %shift_right_arithmetic3A_677 : vector<16xi32>
        %and3A_679 = arith.constant 15 : i32
        %and3A_680 = vector.broadcast %and3A_679 : i32 to vector<16xi32>
        %and3A_681 = arith.andi %shift_right_arithmetic3A_678, %and3A_680 : vector<16xi32>
        %and3A_682 = arith.constant 7 : i32
        %and3A_683 = vector.broadcast %and3A_682 : i32 to vector<16xi32>
        %and3A_684 = arith.andi %get3A_661, %and3A_683 : vector<16xi32>
        %and3A_685 = arith.constant 127 : i32
        %and3A_686 = vector.broadcast %and3A_685 : i32 to vector<16xi32>
        %and3A_687 = arith.andi %add3A_665, %and3A_686 : vector<16xi32>
        %add3A_688 = arith.constant 2 : i32
        %add3A_689 = vector.broadcast %add3A_688 : i32 to vector<16xi32>
        %add3A_690 = arith.addi %add3A_689, %and3A_675 : vector<16xi32>
        tpu.vector_store_idx %arg5[%add3A_690, %and3A_681, %and3A_684, %and3A_687], %broadcast_in_dim3A_608 masked %lt3A_669 : memref<4x16x8x128xf32, #tpu.memory_space<vmem>>[vector<16xi32>, vector<16xi32>, vector<16xi32>, vector<16xi32>], vector<16xf32>, vector<16xi1>
        %shift_left3A = arith.constant 14 : i32
        %shift_left3A_691 = vector.broadcast %shift_left3A : i32 to vector<16xi32>
        %shift_left3A_692 = arith.shli %and3A_675, %shift_left3A_691 : vector<16xi32>
        %shift_left3A_693 = arith.constant 10 : i32
        %shift_left3A_694 = vector.broadcast %shift_left3A_693 : i32 to vector<16xi32>
        %shift_left3A_695 = arith.shli %and3A_681, %shift_left3A_694 : vector<16xi32>
        %or3A = arith.ori %shift_left3A_692, %shift_left3A_695 : vector<16xi32>
        %shift_left3A_696 = arith.constant 7 : i32
        %shift_left3A_697 = vector.broadcast %shift_left3A_696 : i32 to vector<16xi32>
        %shift_left3A_698 = arith.shli %and3A_684, %shift_left3A_697 : vector<16xi32>
        %or3A_699 = arith.ori %or3A, %shift_left3A_698 : vector<16xi32>
        %or3A_700 = arith.ori %or3A_699, %and3A_687 : vector<16xi32>
        %swap3A = arith.constant 1 : i32
        %swap3A_701 = arith.index_cast %swap3A : i32 to index
        %swap3A_702 = arith.index_cast %scan3A_650 : i32 to index
        %swap3A_703 = tpu.vector_load %arg6[%swap3A_701, %swap3A_702] masked %lt3A_669 {strides = array<i32>} : memref<2x2080xi32, #tpu.memory_space<vmem>>, vector<16xi32>, vector<16xi1>
        tpu.vector_store %arg6[%swap3A_701, %swap3A_702], %or3A_700 masked %lt3A_669 {strides = array<i32>} : memref<2x2080xi32, #tpu.memory_space<vmem>>, vector<16xi32>, vector<16xi1>
        %all_reduce_population_count3A = tpu.all_reduce %lt3A_669 {dim = 0 : i64, kind = #tpu.reduction_kind<sum>} : vector<16xi1> -> vector<16xi32>
        %slice3A = vector.extract_strided_slice %all_reduce_population_count3A {offsets = [0], sizes = [1], strides = [1]} : vector<16xi32> to vector<1xi32>
        %squeeze3A = vector.extract %slice3A[0] : i32 from vector<1xi32>
        %add3A_704 = arith.addi %scan3A_650, %squeeze3A : i32
        %mul3A_705 = arith.constant 128 : i32
        %mul3A_706 = arith.muli %and3A_603, %mul3A_705 : i32
        %mul3A_707 = arith.constant 4 : i32
        %mul3A_708 = arith.muli %scan3A_649, %mul3A_707 : i32
        %add3A_709 = arith.addi %mul3A_706, %mul3A_708 : i32
        %add3A_710 = arith.constant 1 : i32
        %add3A_711 = arith.addi %add3A_709, %add3A_710 : i32
        %mul3A_712 = arith.constant 16 : i32
        %mul3A_713 = arith.muli %add3A_711, %mul3A_712 : i32
        %get3A_714 = arith.index_cast %sub3A_604 : i32 to index
        %get3A_715 = arith.index_cast %mul3A_713 : i32 to index
        %get3A_716 = tpu.vector_load %arg4[%get3A_714, %get3A_715] {strides = array<i32>} : memref<2x4096xi32, #tpu.memory_space<vmem>>, vector<16xi32>,
        %mul3A_717 = arith.constant 16 : i32
        %mul3A_718 = arith.muli %add3A_711, %mul3A_717 : i32
        %iota3A_719 = tpu.iota {dimensions = array<i32: 0>} : vector<16xi32>
        %add3A_720 = vector.broadcast %mul3A_718 : i32 to vector<16xi32>
        %add3A_721 = arith.addi %add3A_720, %iota3A_719 : vector<16xi32>
        %sub3A_722 = vector.broadcast %mul3A_606 : i32 to vector<16xi32>
        %sub3A_723 = arith.subi %get3A_716, %sub3A_722 : vector<16xi32>
        %lt3A_724 = arith.constant 16 : i32
        %lt3A_725 = vector.broadcast %lt3A_724 : i32 to vector<16xi32>
        %lt3A_726 = arith.cmpi ult, %sub3A_723, %lt3A_725 : vector<16xi32>
        %shift_right_arithmetic3A_727 = arith.constant 3 : i32
        %shift_right_arithmetic3A_728 = vector.broadcast %shift_right_arithmetic3A_727 : i32 to vector<16xi32>
        %shift_right_arithmetic3A_729 = arith.shrsi %get3A_716, %shift_right_arithmetic3A_728 : vector<16xi32>
        %and3A_730 = arith.constant 1 : i32
        %and3A_731 = vector.broadcast %and3A_730 : i32 to vector<16xi32>
        %and3A_732 = arith.andi %shift_right_arithmetic3A_729, %and3A_731 : vector<16xi32>
        %shift_right_arithmetic3A_733 = arith.constant 7 : i32
        %shift_right_arithmetic3A_734 = vector.broadcast %shift_right_arithmetic3A_733 : i32 to vector<16xi32>
        %shift_right_arithmetic3A_735 = arith.shrsi %add3A_721, %shift_right_arithmetic3A_734 : vector<16xi32>
        %and3A_736 = arith.constant 15 : i32
        %and3A_737 = vector.broadcast %and3A_736 : i32 to vector<16xi32>
        %and3A_738 = arith.andi %shift_right_arithmetic3A_735, %and3A_737 : vector<16xi32>
        %and3A_739 = arith.constant 7 : i32
        %and3A_740 = vector.broadcast %and3A_739 : i32 to vector<16xi32>
        %and3A_741 = arith.andi %get3A_716, %and3A_740 : vector<16xi32>
        %and3A_742 = arith.constant 127 : i32
        %and3A_743 = vector.broadcast %and3A_742 : i32 to vector<16xi32>
        %and3A_744 = arith.andi %add3A_721, %and3A_743 : vector<16xi32>
        %add3A_745 = arith.constant 2 : i32
        %add3A_746 = vector.broadcast %add3A_745 : i32 to vector<16xi32>
        %add3A_747 = arith.addi %add3A_746, %and3A_732 : vector<16xi32>
        tpu.vector_store_idx %arg5[%add3A_747, %and3A_738, %and3A_741, %and3A_744], %broadcast_in_dim3A_608 masked %lt3A_726 : memref<4x16x8x128xf32, #tpu.memory_space<vmem>>[vector<16xi32>, vector<16xi32>, vector<16xi32>, vector<16xi32>], vector<16xf32>, vector<16xi1>
        %shift_left3A_748 = arith.constant 14 : i32
        %shift_left3A_749 = vector.broadcast %shift_left3A_748 : i32 to vector<16xi32>
        %shift_left3A_750 = arith.shli %and3A_732, %shift_left3A_749 : vector<16xi32>
        %shift_left3A_751 = arith.constant 10 : i32
        %shift_left3A_752 = vector.broadcast %shift_left3A_751 : i32 to vector<16xi32>
        %shift_left3A_753 = arith.shli %and3A_738, %shift_left3A_752 : vector<16xi32>
        %or3A_754 = arith.ori %shift_left3A_750, %shift_left3A_753 : vector<16xi32>
        %shift_left3A_755 = arith.constant 7 : i32
        %shift_left3A_756 = vector.broadcast %shift_left3A_755 : i32 to vector<16xi32>
        %shift_left3A_757 = arith.shli %and3A_741, %shift_left3A_756 : vector<16xi32>
        %or3A_758 = arith.ori %or3A_754, %shift_left3A_757 : vector<16xi32>
        %or3A_759 = arith.ori %or3A_758, %and3A_744 : vector<16xi32>
        %swap3A_760 = arith.constant 1 : i32
        %swap3A_761 = arith.index_cast %swap3A_760 : i32 to index
        %swap3A_762 = arith.index_cast %add3A_704 : i32 to index
        %swap3A_763 = tpu.vector_load %arg6[%swap3A_761, %swap3A_762] masked %lt3A_726 {strides = array<i32>} : memref<2x2080xi32, #tpu.memory_space<vmem>>, vector<16xi32>, vector<16xi1>
        tpu.vector_store %arg6[%swap3A_761, %swap3A_762], %or3A_759 masked %lt3A_726 {strides = array<i32>} : memref<2x2080xi32, #tpu.memory_space<vmem>>, vector<16xi32>, vector<16xi1>
        %all_reduce_population_count3A_764 = tpu.all_reduce %lt3A_726 {dim = 0 : i64, kind = #tpu.reduction_kind<sum>} : vector<16xi1> -> vector<16xi32>
        %slice3A_765 = vector.extract_strided_slice %all_reduce_population_count3A_764 {offsets = [0], sizes = [1], strides = [1]} : vector<16xi32> to vector<1xi32>
        %squeeze3A_766 = vector.extract %slice3A_765[0] : i32 from vector<1xi32>
        %add3A_767 = arith.addi %add3A_704, %squeeze3A_766 : i32
        %mul3A_768 = arith.constant 128 : i32
        %mul3A_769 = arith.muli %and3A_603, %mul3A_768 : i32
        %mul3A_770 = arith.constant 4 : i32
        %mul3A_771 = arith.muli %scan3A_649, %mul3A_770 : i32
        %add3A_772 = arith.addi %mul3A_769, %mul3A_771 : i32
        %add3A_773 = arith.constant 2 : i32
        %add3A_774 = arith.addi %add3A_772, %add3A_773 : i32
        %mul3A_775 = arith.constant 16 : i32
        %mul3A_776 = arith.muli %add3A_774, %mul3A_775 : i32
        %get3A_777 = arith.index_cast %sub3A_604 : i32 to index
        %get3A_778 = arith.index_cast %mul3A_776 : i32 to index
        %get3A_779 = tpu.vector_load %arg4[%get3A_777, %get3A_778] {strides = array<i32>} : memref<2x4096xi32, #tpu.memory_space<vmem>>, vector<16xi32>,
        %mul3A_780 = arith.constant 16 : i32
        %mul3A_781 = arith.muli %add3A_774, %mul3A_780 : i32
        %iota3A_782 = tpu.iota {dimensions = array<i32: 0>} : vector<16xi32>
        %add3A_783 = vector.broadcast %mul3A_781 : i32 to vector<16xi32>
        %add3A_784 = arith.addi %add3A_783, %iota3A_782 : vector<16xi32>
        %sub3A_785 = vector.broadcast %mul3A_606 : i32 to vector<16xi32>
        %sub3A_786 = arith.subi %get3A_779, %sub3A_785 : vector<16xi32>
        %lt3A_787 = arith.constant 16 : i32
        %lt3A_788 = vector.broadcast %lt3A_787 : i32 to vector<16xi32>
        %lt3A_789 = arith.cmpi ult, %sub3A_786, %lt3A_788 : vector<16xi32>
        %shift_right_arithmetic3A_790 = arith.constant 3 : i32
        %shift_right_arithmetic3A_791 = vector.broadcast %shift_right_arithmetic3A_790 : i32 to vector<16xi32>
        %shift_right_arithmetic3A_792 = arith.shrsi %get3A_779, %shift_right_arithmetic3A_791 : vector<16xi32>
        %and3A_793 = arith.constant 1 : i32
        %and3A_794 = vector.broadcast %and3A_793 : i32 to vector<16xi32>
        %and3A_795 = arith.andi %shift_right_arithmetic3A_792, %and3A_794 : vector<16xi32>
        %shift_right_arithmetic3A_796 = arith.constant 7 : i32
        %shift_right_arithmetic3A_797 = vector.broadcast %shift_right_arithmetic3A_796 : i32 to vector<16xi32>
        %shift_right_arithmetic3A_798 = arith.shrsi %add3A_784, %shift_right_arithmetic3A_797 : vector<16xi32>
        %and3A_799 = arith.constant 15 : i32
        %and3A_800 = vector.broadcast %and3A_799 : i32 to vector<16xi32>
        %and3A_801 = arith.andi %shift_right_arithmetic3A_798, %and3A_800 : vector<16xi32>
        %and3A_802 = arith.constant 7 : i32
        %and3A_803 = vector.broadcast %and3A_802 : i32 to vector<16xi32>
        %and3A_804 = arith.andi %get3A_779, %and3A_803 : vector<16xi32>
        %and3A_805 = arith.constant 127 : i32
        %and3A_806 = vector.broadcast %and3A_805 : i32 to vector<16xi32>
        %and3A_807 = arith.andi %add3A_784, %and3A_806 : vector<16xi32>
        %add3A_808 = arith.constant 2 : i32
        %add3A_809 = vector.broadcast %add3A_808 : i32 to vector<16xi32>
        %add3A_810 = arith.addi %add3A_809, %and3A_795 : vector<16xi32>
        tpu.vector_store_idx %arg5[%add3A_810, %and3A_801, %and3A_804, %and3A_807], %broadcast_in_dim3A_608 masked %lt3A_789 : memref<4x16x8x128xf32, #tpu.memory_space<vmem>>[vector<16xi32>, vector<16xi32>, vector<16xi32>, vector<16xi32>], vector<16xf32>, vector<16xi1>
        %shift_left3A_811 = arith.constant 14 : i32
        %shift_left3A_812 = vector.broadcast %shift_left3A_811 : i32 to vector<16xi32>
        %shift_left3A_813 = arith.shli %and3A_795, %shift_left3A_812 : vector<16xi32>
        %shift_left3A_814 = arith.constant 10 : i32
        %shift_left3A_815 = vector.broadcast %shift_left3A_814 : i32 to vector<16xi32>
        %shift_left3A_816 = arith.shli %and3A_801, %shift_left3A_815 : vector<16xi32>
        %or3A_817 = arith.ori %shift_left3A_813, %shift_left3A_816 : vector<16xi32>
        %shift_left3A_818 = arith.constant 7 : i32
        %shift_left3A_819 = vector.broadcast %shift_left3A_818 : i32 to vector<16xi32>
        %shift_left3A_820 = arith.shli %and3A_804, %shift_left3A_819 : vector<16xi32>
        %or3A_821 = arith.ori %or3A_817, %shift_left3A_820 : vector<16xi32>
        %or3A_822 = arith.ori %or3A_821, %and3A_807 : vector<16xi32>
        %swap3A_823 = arith.constant 1 : i32
        %swap3A_824 = arith.index_cast %swap3A_823 : i32 to index
        %swap3A_825 = arith.index_cast %add3A_767 : i32 to index
        %swap3A_826 = tpu.vector_load %arg6[%swap3A_824, %swap3A_825] masked %lt3A_789 {strides = array<i32>} : memref<2x2080xi32, #tpu.memory_space<vmem>>, vector<16xi32>, vector<16xi1>
        tpu.vector_store %arg6[%swap3A_824, %swap3A_825], %or3A_822 masked %lt3A_789 {strides = array<i32>} : memref<2x2080xi32, #tpu.memory_space<vmem>>, vector<16xi32>, vector<16xi1>
        %all_reduce_population_count3A_827 = tpu.all_reduce %lt3A_789 {dim = 0 : i64, kind = #tpu.reduction_kind<sum>} : vector<16xi1> -> vector<16xi32>
        %slice3A_828 = vector.extract_strided_slice %all_reduce_population_count3A_827 {offsets = [0], sizes = [1], strides = [1]} : vector<16xi32> to vector<1xi32>
        %squeeze3A_829 = vector.extract %slice3A_828[0] : i32 from vector<1xi32>
        %add3A_830 = arith.addi %add3A_767, %squeeze3A_829 : i32
        %mul3A_831 = arith.constant 128 : i32
        %mul3A_832 = arith.muli %and3A_603, %mul3A_831 : i32
        %mul3A_833 = arith.constant 4 : i32
        %mul3A_834 = arith.muli %scan3A_649, %mul3A_833 : i32
        %add3A_835 = arith.addi %mul3A_832, %mul3A_834 : i32
        %add3A_836 = arith.constant 3 : i32
        %add3A_837 = arith.addi %add3A_835, %add3A_836 : i32
        %mul3A_838 = arith.constant 16 : i32
        %mul3A_839 = arith.muli %add3A_837, %mul3A_838 : i32
        %get3A_840 = arith.index_cast %sub3A_604 : i32 to index
        %get3A_841 = arith.index_cast %mul3A_839 : i32 to index
        %get3A_842 = tpu.vector_load %arg4[%get3A_840, %get3A_841] {strides = array<i32>} : memref<2x4096xi32, #tpu.memory_space<vmem>>, vector<16xi32>,
        %mul3A_843 = arith.constant 16 : i32
        %mul3A_844 = arith.muli %add3A_837, %mul3A_843 : i32
        %iota3A_845 = tpu.iota {dimensions = array<i32: 0>} : vector<16xi32>
        %add3A_846 = vector.broadcast %mul3A_844 : i32 to vector<16xi32>
        %add3A_847 = arith.addi %add3A_846, %iota3A_845 : vector<16xi32>
        %sub3A_848 = vector.broadcast %mul3A_606 : i32 to vector<16xi32>
        %sub3A_849 = arith.subi %get3A_842, %sub3A_848 : vector<16xi32>
        %lt3A_850 = arith.constant 16 : i32
        %lt3A_851 = vector.broadcast %lt3A_850 : i32 to vector<16xi32>
        %lt3A_852 = arith.cmpi ult, %sub3A_849, %lt3A_851 : vector<16xi32>
        %shift_right_arithmetic3A_853 = arith.constant 3 : i32
        %shift_right_arithmetic3A_854 = vector.broadcast %shift_right_arithmetic3A_853 : i32 to vector<16xi32>
        %shift_right_arithmetic3A_855 = arith.shrsi %get3A_842, %shift_right_arithmetic3A_854 : vector<16xi32>
        %and3A_856 = arith.constant 1 : i32
        %and3A_857 = vector.broadcast %and3A_856 : i32 to vector<16xi32>
        %and3A_858 = arith.andi %shift_right_arithmetic3A_855, %and3A_857 : vector<16xi32>
        %shift_right_arithmetic3A_859 = arith.constant 7 : i32
        %shift_right_arithmetic3A_860 = vector.broadcast %shift_right_arithmetic3A_859 : i32 to vector<16xi32>
        %shift_right_arithmetic3A_861 = arith.shrsi %add3A_847, %shift_right_arithmetic3A_860 : vector<16xi32>
        %and3A_862 = arith.constant 15 : i32
        %and3A_863 = vector.broadcast %and3A_862 : i32 to vector<16xi32>
        %and3A_864 = arith.andi %shift_right_arithmetic3A_861, %and3A_863 : vector<16xi32>
        %and3A_865 = arith.constant 7 : i32
        %and3A_866 = vector.broadcast %and3A_865 : i32 to vector<16xi32>
        %and3A_867 = arith.andi %get3A_842, %and3A_866 : vector<16xi32>
        %and3A_868 = arith.constant 127 : i32
        %and3A_869 = vector.broadcast %and3A_868 : i32 to vector<16xi32>
        %and3A_870 = arith.andi %add3A_847, %and3A_869 : vector<16xi32>
        %add3A_871 = arith.constant 2 : i32
        %add3A_872 = vector.broadcast %add3A_871 : i32 to vector<16xi32>
        %add3A_873 = arith.addi %add3A_872, %and3A_858 : vector<16xi32>
        tpu.vector_store_idx %arg5[%add3A_873, %and3A_864, %and3A_867, %and3A_870], %broadcast_in_dim3A_608 masked %lt3A_852 : memref<4x16x8x128xf32, #tpu.memory_space<vmem>>[vector<16xi32>, vector<16xi32>, vector<16xi32>, vector<16xi32>], vector<16xf32>, vector<16xi1>
        %shift_left3A_874 = arith.constant 14 : i32
        %shift_left3A_875 = vector.broadcast %shift_left3A_874 : i32 to vector<16xi32>
        %shift_left3A_876 = arith.shli %and3A_858, %shift_left3A_875 : vector<16xi32>
        %shift_left3A_877 = arith.constant 10 : i32
        %shift_left3A_878 = vector.broadcast %shift_left3A_877 : i32 to vector<16xi32>
        %shift_left3A_879 = arith.shli %and3A_864, %shift_left3A_878 : vector<16xi32>
        %or3A_880 = arith.ori %shift_left3A_876, %shift_left3A_879 : vector<16xi32>
        %shift_left3A_881 = arith.constant 7 : i32
        %shift_left3A_882 = vector.broadcast %shift_left3A_881 : i32 to vector<16xi32>
        %shift_left3A_883 = arith.shli %and3A_867, %shift_left3A_882 : vector<16xi32>
        %or3A_884 = arith.ori %or3A_880, %shift_left3A_883 : vector<16xi32>
        %or3A_885 = arith.ori %or3A_884, %and3A_870 : vector<16xi32>
        %swap3A_886 = arith.constant 1 : i32
        %swap3A_887 = arith.index_cast %swap3A_886 : i32 to index
        %swap3A_888 = arith.index_cast %add3A_830 : i32 to index
        %swap3A_889 = tpu.vector_load %arg6[%swap3A_887, %swap3A_888] masked %lt3A_852 {strides = array<i32>} : memref<2x2080xi32, #tpu.memory_space<vmem>>, vector<16xi32>, vector<16xi1>
        tpu.vector_store %arg6[%swap3A_887, %swap3A_888], %or3A_885 masked %lt3A_852 {strides = array<i32>} : memref<2x2080xi32, #tpu.memory_space<vmem>>, vector<16xi32>, vector<16xi1>
        %all_reduce_population_count3A_890 = tpu.all_reduce %lt3A_852 {dim = 0 : i64, kind = #tpu.reduction_kind<sum>} : vector<16xi1> -> vector<16xi32>
        %slice3A_891 = vector.extract_strided_slice %all_reduce_population_count3A_890 {offsets = [0], sizes = [1], strides = [1]} : vector<16xi32> to vector<1xi32>
        %squeeze3A_892 = vector.extract %slice3A_891[0] : i32 from vector<1xi32>
        %add3A_893 = arith.addi %add3A_830, %squeeze3A_892 : i32
        scf.yield %add3A_893 : i32
      }
      %scan3A_615 = arith.constant 32 : i32
      %mul3A_616 = arith.constant 2 : i32
      %mul3A_617 = arith.muli %mul3A_616, %shift_right_arithmetic3A_601 : i32
      %mul3A_618 = arith.constant 16 : i32
      %mul3A_619 = arith.muli %mul3A_618, %and3A_603 : i32
      %dma_start3A_620 = arith.constant 2 : i32
      %dma_start3A_621 = arith.constant 0 : i32
      %dma_start3A_622 = arith.constant 0 : i32
      %dma_start3A_623 = arith.constant 0 : i32
      %dma_start3A_624 = tpu.memref_slice %arg5[%dma_start3A_620, %dma_start3A_621, %dma_start3A_622, %dma_start3A_623] : memref<4x16x8x128xf32, #tpu.memory_space<vmem>> -> memref<1x16x8x128xf32, #tpu.memory_space<vmem>>
      %dma_start3A_625 = tpu.memref_squeeze %dma_start3A_624 : memref<1x16x8x128xf32, #tpu.memory_space<vmem>> -> memref<16x8x128xf32, #tpu.memory_space<vmem>>
      %dma_start3A_626 = arith.constant 0 : i32
      %dma_start3A_627 = arith.constant 0 : i32
      %dma_start3A_628 = tpu.memref_slice %arg3[%select_n3A_596, %mul3A_617, %mul3A_619, %dma_start3A_626, %dma_start3A_627] : memref<26x125x32x8x128xf32, #tpu.memory_space<hbm>> -> memref<1x1x16x8x128xf32, #tpu.memory_space<hbm>>
      %dma_start3A_629 = tpu.memref_squeeze %dma_start3A_628 : memref<1x1x16x8x128xf32, #tpu.memory_space<hbm>> -> memref<16x8x128xf32, #tpu.memory_space<hbm>>
      %dma_start3A_630 = arith.constant 0 : i32
      %dma_start3A_631 = arith.constant 0 : i32
      %dma_start3A_632 = tpu.memref_slice %arg3[%select_n3A_596, %mul3A_617, %mul3A_619, %dma_start3A_630, %dma_start3A_631] : memref<26x125x32x8x128xf32, #tpu.memory_space<hbm>> -> memref<1x1x16x8x128xf32, #tpu.memory_space<hbm>>
      %dma_start3A_633 = tpu.memref_squeeze %dma_start3A_632 : memref<1x1x16x8x128xf32, #tpu.memory_space<hbm>> -> memref<16x8x128xf32, #tpu.memory_space<hbm>>
      %dma_start3A_634 = arith.constant 0 : i32
      %dma_start3A_635 = arith.constant 0 : i32
      %dma_start3A_636 = arith.constant 0 : i32
      %dma_start3A_637 = tpu.memref_slice %arg5[%dma_start3A_620, %dma_start3A_634, %dma_start3A_635, %dma_start3A_636] : memref<4x16x8x128xf32, #tpu.memory_space<vmem>> -> memref<1x16x8x128xf32, #tpu.memory_space<vmem>>
      %dma_start3A_638 = tpu.memref_squeeze %dma_start3A_637 : memref<1x16x8x128xf32, #tpu.memory_space<vmem>> -> memref<16x8x128xf32, #tpu.memory_space<vmem>>
      tpu.enqueue_dma source(%dma_start3A_638 : memref<16x8x128xf32, #tpu.memory_space<vmem>>) target(%dma_start3A_633 : memref<16x8x128xf32, #tpu.memory_space<hbm>>) target_semaphore(%arg9 : memref<!tpu.dma_semaphore, #tpu.memory_space<semaphore_mem>>)
      %eq3A_639 = arith.constant 62 : i32
      %eq3A_640 = arith.cmpi eq, %shift_right_arithmetic3A_601, %eq3A_639 : i32
      %not3A_641 = arith.constant true
      %not3A_642 = arith.xori %eq3A_640, %not3A_641 : i1
      %convert_element_type3A_643 = arith.extui %not3A_642 : i1 to i32
      %cond3A_644 = arith.constant 0 : i32
      %cond3A_645 = arith.cmpi ne, %convert_element_type3A_643, %cond3A_644 : i32
      scf.if %cond3A_645 {
        %add3A_649 = arith.constant 1 : i32
        %add3A_650 = arith.addi %mul3A_617, %add3A_649 : i32
        %dma_start3A_651 = arith.constant 3 : i32
        %dma_start3A_652 = arith.constant 0 : i32
        %dma_start3A_653 = arith.constant 0 : i32
        %dma_start3A_654 = arith.constant 0 : i32
        %dma_start3A_655 = tpu.memref_slice %arg5[%dma_start3A_651, %dma_start3A_652, %dma_start3A_653, %dma_start3A_654] : memref<4x16x8x128xf32, #tpu.memory_space<vmem>> -> memref<1x16x8x128xf32, #tpu.memory_space<vmem>>
        %dma_start3A_656 = tpu.memref_squeeze %dma_start3A_655 : memref<1x16x8x128xf32, #tpu.memory_space<vmem>> -> memref<16x8x128xf32, #tpu.memory_space<vmem>>
        %dma_start3A_657 = arith.constant 0 : i32
        %dma_start3A_658 = arith.constant 0 : i32
        %dma_start3A_659 = tpu.memref_slice %arg3[%select_n3A_596, %add3A_650, %mul3A_619, %dma_start3A_657, %dma_start3A_658] : memref<26x125x32x8x128xf32, #tpu.memory_space<hbm>> -> memref<1x1x16x8x128xf32, #tpu.memory_space<hbm>>
        %dma_start3A_660 = tpu.memref_squeeze %dma_start3A_659 : memref<1x1x16x8x128xf32, #tpu.memory_space<hbm>> -> memref<16x8x128xf32, #tpu.memory_space<hbm>>
        %dma_start3A_661 = arith.constant 0 : i32
        %dma_start3A_662 = arith.constant 0 : i32
        %dma_start3A_663 = tpu.memref_slice %arg3[%select_n3A_596, %add3A_650, %mul3A_619, %dma_start3A_661, %dma_start3A_662] : memref<26x125x32x8x128xf32, #tpu.memory_space<hbm>> -> memref<1x1x16x8x128xf32, #tpu.memory_space<hbm>>
        %dma_start3A_664 = tpu.memref_squeeze %dma_start3A_663 : memref<1x1x16x8x128xf32, #tpu.memory_space<hbm>> -> memref<16x8x128xf32, #tpu.memory_space<hbm>>
        %dma_start3A_665 = arith.constant 0 : i32
        %dma_start3A_666 = arith.constant 0 : i32
        %dma_start3A_667 = arith.constant 0 : i32
        %dma_start3A_668 = tpu.memref_slice %arg5[%dma_start3A_651, %dma_start3A_665, %dma_start3A_666, %dma_start3A_667] : memref<4x16x8x128xf32, #tpu.memory_space<vmem>> -> memref<1x16x8x128xf32, #tpu.memory_space<vmem>>
        %dma_start3A_669 = tpu.memref_squeeze %dma_start3A_668 : memref<1x16x8x128xf32, #tpu.memory_space<vmem>> -> memref<16x8x128xf32, #tpu.memory_space<vmem>>
        tpu.enqueue_dma source(%dma_start3A_669 : memref<16x8x128xf32, #tpu.memory_space<vmem>>) target(%dma_start3A_664 : memref<16x8x128xf32, #tpu.memory_space<hbm>>) target_semaphore(%arg10 : memref<!tpu.dma_semaphore, #tpu.memory_space<semaphore_mem>>)
      } else {
      }
      %convert_element_type3A_646 = arith.extui %eq3A_640 : i1 to i32
      %cond3A_647 = arith.constant 0 : i32
      %cond3A_648 = arith.cmpi ne, %convert_element_type3A_646, %cond3A_647 : i32
      scf.if %cond3A_648 {
        %dma_start3A_649 = arith.constant 2 : i32
        %dma_start3A_650 = arith.constant 0 : i32
        %dma_start3A_651 = arith.constant 0 : i32
        %dma_start3A_652 = arith.constant 0 : i32
        %dma_start3A_653 = tpu.memref_slice %arg5[%dma_start3A_649, %dma_start3A_650, %dma_start3A_651, %dma_start3A_652] : memref<4x16x8x128xf32, #tpu.memory_space<vmem>> -> memref<1x16x8x128xf32, #tpu.memory_space<vmem>>
        %dma_start3A_654 = tpu.memref_squeeze %dma_start3A_653 : memref<1x16x8x128xf32, #tpu.memory_space<vmem>> -> memref<16x8x128xf32, #tpu.memory_space<vmem>>
        %dma_start3A_655 = arith.constant 0 : i32
        %dma_start3A_656 = arith.constant 0 : i32
        %dma_start3A_657 = tpu.memref_slice %arg3[%select_n3A_596, %mul3A_617, %mul3A_619, %dma_start3A_655, %dma_start3A_656] : memref<26x125x32x8x128xf32, #tpu.memory_space<hbm>> -> memref<1x1x16x8x128xf32, #tpu.memory_space<hbm>>
        %dma_start3A_658 = tpu.memref_squeeze %dma_start3A_657 : memref<1x1x16x8x128xf32, #tpu.memory_space<hbm>> -> memref<16x8x128xf32, #tpu.memory_space<hbm>>
        %dma_start3A_659 = arith.constant 0 : i32
        %dma_start3A_660 = arith.constant 0 : i32
        %dma_start3A_661 = tpu.memref_slice %arg3[%select_n3A_596, %mul3A_617, %mul3A_619, %dma_start3A_659, %dma_start3A_660] : memref<26x125x32x8x128xf32, #tpu.memory_space<hbm>> -> memref<1x1x16x8x128xf32, #tpu.memory_space<hbm>>
        %dma_start3A_662 = tpu.memref_squeeze %dma_start3A_661 : memref<1x1x16x8x128xf32, #tpu.memory_space<hbm>> -> memref<16x8x128xf32, #tpu.memory_space<hbm>>
        %dma_start3A_663 = arith.constant 0 : i32
        %dma_start3A_664 = arith.constant 0 : i32
        %dma_start3A_665 = arith.constant 0 : i32
        %dma_start3A_666 = tpu.memref_slice %arg5[%dma_start3A_649, %dma_start3A_663, %dma_start3A_664, %dma_start3A_665] : memref<4x16x8x128xf32, #tpu.memory_space<vmem>> -> memref<1x16x8x128xf32, #tpu.memory_space<vmem>>
        %dma_start3A_667 = tpu.memref_squeeze %dma_start3A_666 : memref<1x16x8x128xf32, #tpu.memory_space<vmem>> -> memref<16x8x128xf32, #tpu.memory_space<vmem>>
        tpu.enqueue_dma source(%dma_start3A_667 : memref<16x8x128xf32, #tpu.memory_space<vmem>>) target(%dma_start3A_662 : memref<16x8x128xf32, #tpu.memory_space<hbm>>) target_semaphore(%arg10 : memref<!tpu.dma_semaphore, #tpu.memory_space<semaphore_mem>>)
      } else {
      }
      scf.yield %scan3A_469, %scan3A_614 : i32, i32
    }
    %scan3A_264 = arith.constant 51 : i32
    %dma_wait3A_265 = arith.constant 0 : i32
    %dma_wait3A_266 = arith.constant 0 : i32
    %dma_wait3A_267 = arith.constant 0 : i32
    %dma_wait3A_268 = arith.constant 0 : i32
    %dma_wait3A_269 = arith.constant 0 : i32
    %dma_wait3A_270 = arith.constant 0 : i32
    %dma_wait3A_271 = tpu.memref_slice %arg5[%dma_wait3A_265, %dma_wait3A_268, %dma_wait3A_269, %dma_wait3A_270] : memref<4x16x8x128xf32, #tpu.memory_space<vmem>> -> memref<1x16x8x128xf32, #tpu.memory_space<vmem>>
    %dma_wait3A_272 = tpu.memref_squeeze %dma_wait3A_271 : memref<1x16x8x128xf32, #tpu.memory_space<vmem>> -> memref<16x8x128xf32, #tpu.memory_space<vmem>>
    %dma_wait3A_273 = arith.constant 0 : i32
    %dma_wait3A_274 = arith.constant 0 : i32
    %dma_wait3A_275 = arith.constant 0 : i32
    %dma_wait3A_276 = tpu.memref_slice %arg3[%dma_wait3A_266, %dma_wait3A_267, %dma_wait3A_273, %dma_wait3A_274, %dma_wait3A_275] : memref<26x125x32x8x128xf32, #tpu.memory_space<hbm>> -> memref<1x1x16x8x128xf32, #tpu.memory_space<hbm>>
    %dma_wait3A_277 = tpu.memref_squeeze %dma_wait3A_276 : memref<1x1x16x8x128xf32, #tpu.memory_space<hbm>> -> memref<16x8x128xf32, #tpu.memory_space<hbm>>
    %dma_wait3A_278 = arith.constant 0 : i32
    %dma_wait3A_279 = arith.constant 0 : i32
    %dma_wait3A_280 = arith.constant 0 : i32
    %dma_wait3A_281 = tpu.memref_slice %arg3[%dma_wait3A_266, %dma_wait3A_267, %dma_wait3A_278, %dma_wait3A_279, %dma_wait3A_280] : memref<26x125x32x8x128xf32, #tpu.memory_space<hbm>> -> memref<1x1x16x8x128xf32, #tpu.memory_space<hbm>>
    %dma_wait3A_282 = tpu.memref_squeeze %dma_wait3A_281 : memref<1x1x16x8x128xf32, #tpu.memory_space<hbm>> -> memref<16x8x128xf32, #tpu.memory_space<hbm>>
    %dma_wait3A_283 = arith.constant 0 : i32
    %dma_wait3A_284 = arith.constant 0 : i32
    %dma_wait3A_285 = arith.constant 0 : i32
    %dma_wait3A_286 = tpu.memref_slice %arg5[%dma_wait3A_265, %dma_wait3A_283, %dma_wait3A_284, %dma_wait3A_285] : memref<4x16x8x128xf32, #tpu.memory_space<vmem>> -> memref<1x16x8x128xf32, #tpu.memory_space<vmem>>
    %dma_wait3A_287 = tpu.memref_squeeze %dma_wait3A_286 : memref<1x16x8x128xf32, #tpu.memory_space<vmem>> -> memref<16x8x128xf32, #tpu.memory_space<vmem>>
    tpu.wait_dma2 semaphore(%arg7 : memref<!tpu.dma_semaphore, #tpu.memory_space<semaphore_mem>>) src(%dma_wait3A_287 : memref<16x8x128xf32, #tpu.memory_space<vmem>>) dst(%dma_wait3A_282 : memref<16x8x128xf32, #tpu.memory_space<hbm>>)
    %dma_wait3A_288 = arith.constant 1 : i32
    %dma_wait3A_289 = arith.constant 0 : i32
    %dma_wait3A_290 = arith.constant 0 : i32
    %dma_wait3A_291 = arith.constant 0 : i32
    %dma_wait3A_292 = arith.constant 0 : i32
    %dma_wait3A_293 = arith.constant 0 : i32
    %dma_wait3A_294 = tpu.memref_slice %arg5[%dma_wait3A_288, %dma_wait3A_291, %dma_wait3A_292, %dma_wait3A_293] : memref<4x16x8x128xf32, #tpu.memory_space<vmem>> -> memref<1x16x8x128xf32, #tpu.memory_space<vmem>>
    %dma_wait3A_295 = tpu.memref_squeeze %dma_wait3A_294 : memref<1x16x8x128xf32, #tpu.memory_space<vmem>> -> memref<16x8x128xf32, #tpu.memory_space<vmem>>
    %dma_wait3A_296 = arith.constant 0 : i32
    %dma_wait3A_297 = arith.constant 0 : i32
    %dma_wait3A_298 = arith.constant 0 : i32
    %dma_wait3A_299 = tpu.memref_slice %arg3[%dma_wait3A_289, %dma_wait3A_290, %dma_wait3A_296, %dma_wait3A_297, %dma_wait3A_298] : memref<26x125x32x8x128xf32, #tpu.memory_space<hbm>> -> memref<1x1x16x8x128xf32, #tpu.memory_space<hbm>>
    %dma_wait3A_300 = tpu.memref_squeeze %dma_wait3A_299 : memref<1x1x16x8x128xf32, #tpu.memory_space<hbm>> -> memref<16x8x128xf32, #tpu.memory_space<hbm>>
    %dma_wait3A_301 = arith.constant 0 : i32
    %dma_wait3A_302 = arith.constant 0 : i32
    %dma_wait3A_303 = arith.constant 0 : i32
    %dma_wait3A_304 = tpu.memref_slice %arg3[%dma_wait3A_289, %dma_wait3A_290, %dma_wait3A_301, %dma_wait3A_302, %dma_wait3A_303] : memref<26x125x32x8x128xf32, #tpu.memory_space<hbm>> -> memref<1x1x16x8x128xf32, #tpu.memory_space<hbm>>
    %dma_wait3A_305 = tpu.memref_squeeze %dma_wait3A_304 : memref<1x1x16x8x128xf32, #tpu.memory_space<hbm>> -> memref<16x8x128xf32, #tpu.memory_space<hbm>>
    %dma_wait3A_306 = arith.constant 0 : i32
    %dma_wait3A_307 = arith.constant 0 : i32
    %dma_wait3A_308 = arith.constant 0 : i32
    %dma_wait3A_309 = tpu.memref_slice %arg5[%dma_wait3A_288, %dma_wait3A_306, %dma_wait3A_307, %dma_wait3A_308] : memref<4x16x8x128xf32, #tpu.memory_space<vmem>> -> memref<1x16x8x128xf32, #tpu.memory_space<vmem>>
    %dma_wait3A_310 = tpu.memref_squeeze %dma_wait3A_309 : memref<1x16x8x128xf32, #tpu.memory_space<vmem>> -> memref<16x8x128xf32, #tpu.memory_space<vmem>>
    tpu.wait_dma2 semaphore(%arg8 : memref<!tpu.dma_semaphore, #tpu.memory_space<semaphore_mem>>) src(%dma_wait3A_310 : memref<16x8x128xf32, #tpu.memory_space<vmem>>) dst(%dma_wait3A_305 : memref<16x8x128xf32, #tpu.memory_space<hbm>>)
    %dma_wait3A_311 = arith.constant 2 : i32
    %dma_wait3A_312 = arith.constant 0 : i32
    %dma_wait3A_313 = arith.constant 0 : i32
    %dma_wait3A_314 = arith.constant 0 : i32
    %dma_wait3A_315 = arith.constant 0 : i32
    %dma_wait3A_316 = arith.constant 0 : i32
    %dma_wait3A_317 = tpu.memref_slice %arg5[%dma_wait3A_311, %dma_wait3A_314, %dma_wait3A_315, %dma_wait3A_316] : memref<4x16x8x128xf32, #tpu.memory_space<vmem>> -> memref<1x16x8x128xf32, #tpu.memory_space<vmem>>
    %dma_wait3A_318 = tpu.memref_squeeze %dma_wait3A_317 : memref<1x16x8x128xf32, #tpu.memory_space<vmem>> -> memref<16x8x128xf32, #tpu.memory_space<vmem>>
    %dma_wait3A_319 = arith.constant 0 : i32
    %dma_wait3A_320 = arith.constant 0 : i32
    %dma_wait3A_321 = arith.constant 0 : i32
    %dma_wait3A_322 = tpu.memref_slice %arg3[%dma_wait3A_312, %dma_wait3A_313, %dma_wait3A_319, %dma_wait3A_320, %dma_wait3A_321] : memref<26x125x32x8x128xf32, #tpu.memory_space<hbm>> -> memref<1x1x16x8x128xf32, #tpu.memory_space<hbm>>
    %dma_wait3A_323 = tpu.memref_squeeze %dma_wait3A_322 : memref<1x1x16x8x128xf32, #tpu.memory_space<hbm>> -> memref<16x8x128xf32, #tpu.memory_space<hbm>>
    %dma_wait3A_324 = arith.constant 0 : i32
    %dma_wait3A_325 = arith.constant 0 : i32
    %dma_wait3A_326 = arith.constant 0 : i32
    %dma_wait3A_327 = tpu.memref_slice %arg3[%dma_wait3A_312, %dma_wait3A_313, %dma_wait3A_324, %dma_wait3A_325, %dma_wait3A_326] : memref<26x125x32x8x128xf32, #tpu.memory_space<hbm>> -> memref<1x1x16x8x128xf32, #tpu.memory_space<hbm>>
    %dma_wait3A_328 = tpu.memref_squeeze %dma_wait3A_327 : memref<1x1x16x8x128xf32, #tpu.memory_space<hbm>> -> memref<16x8x128xf32, #tpu.memory_space<hbm>>
    %dma_wait3A_329 = arith.constant 0 : i32
    %dma_wait3A_330 = arith.constant 0 : i32
    %dma_wait3A_331 = arith.constant 0 : i32
    %dma_wait3A_332 = tpu.memref_slice %arg5[%dma_wait3A_311, %dma_wait3A_329, %dma_wait3A_330, %dma_wait3A_331] : memref<4x16x8x128xf32, #tpu.memory_space<vmem>> -> memref<1x16x8x128xf32, #tpu.memory_space<vmem>>
    %dma_wait3A_333 = tpu.memref_squeeze %dma_wait3A_332 : memref<1x16x8x128xf32, #tpu.memory_space<vmem>> -> memref<16x8x128xf32, #tpu.memory_space<vmem>>
    tpu.wait_dma2 semaphore(%arg9 : memref<!tpu.dma_semaphore, #tpu.memory_space<semaphore_mem>>) src(%dma_wait3A_333 : memref<16x8x128xf32, #tpu.memory_space<vmem>>) dst(%dma_wait3A_328 : memref<16x8x128xf32, #tpu.memory_space<hbm>>)
    %dma_wait3A_334 = arith.constant 3 : i32
    %dma_wait3A_335 = arith.constant 0 : i32
    %dma_wait3A_336 = arith.constant 0 : i32
    %dma_wait3A_337 = arith.constant 0 : i32
    %dma_wait3A_338 = arith.constant 0 : i32
    %dma_wait3A_339 = arith.constant 0 : i32
    %dma_wait3A_340 = tpu.memref_slice %arg5[%dma_wait3A_334, %dma_wait3A_337, %dma_wait3A_338, %dma_wait3A_339] : memref<4x16x8x128xf32, #tpu.memory_space<vmem>> -> memref<1x16x8x128xf32, #tpu.memory_space<vmem>>
    %dma_wait3A_341 = tpu.memref_squeeze %dma_wait3A_340 : memref<1x16x8x128xf32, #tpu.memory_space<vmem>> -> memref<16x8x128xf32, #tpu.memory_space<vmem>>
    %dma_wait3A_342 = arith.constant 0 : i32
    %dma_wait3A_343 = arith.constant 0 : i32
    %dma_wait3A_344 = arith.constant 0 : i32
    %dma_wait3A_345 = tpu.memref_slice %arg3[%dma_wait3A_335, %dma_wait3A_336, %dma_wait3A_342, %dma_wait3A_343, %dma_wait3A_344] : memref<26x125x32x8x128xf32, #tpu.memory_space<hbm>> -> memref<1x1x16x8x128xf32, #tpu.memory_space<hbm>>
    %dma_wait3A_346 = tpu.memref_squeeze %dma_wait3A_345 : memref<1x1x16x8x128xf32, #tpu.memory_space<hbm>> -> memref<16x8x128xf32, #tpu.memory_space<hbm>>
    %dma_wait3A_347 = arith.constant 0 : i32
    %dma_wait3A_348 = arith.constant 0 : i32
    %dma_wait3A_349 = arith.constant 0 : i32
    %dma_wait3A_350 = tpu.memref_slice %arg3[%dma_wait3A_335, %dma_wait3A_336, %dma_wait3A_347, %dma_wait3A_348, %dma_wait3A_349] : memref<26x125x32x8x128xf32, #tpu.memory_space<hbm>> -> memref<1x1x16x8x128xf32, #tpu.memory_space<hbm>>
    %dma_wait3A_351 = tpu.memref_squeeze %dma_wait3A_350 : memref<1x1x16x8x128xf32, #tpu.memory_space<hbm>> -> memref<16x8x128xf32, #tpu.memory_space<hbm>>
    %dma_wait3A_352 = arith.constant 0 : i32
    %dma_wait3A_353 = arith.constant 0 : i32
    %dma_wait3A_354 = arith.constant 0 : i32
    %dma_wait3A_355 = tpu.memref_slice %arg5[%dma_wait3A_334, %dma_wait3A_352, %dma_wait3A_353, %dma_wait3A_354] : memref<4x16x8x128xf32, #tpu.memory_space<vmem>> -> memref<1x16x8x128xf32, #tpu.memory_space<vmem>>
    %dma_wait3A_356 = tpu.memref_squeeze %dma_wait3A_355 : memref<1x16x8x128xf32, #tpu.memory_space<vmem>> -> memref<16x8x128xf32, #tpu.memory_space<vmem>>
    tpu.wait_dma2 semaphore(%arg10 : memref<!tpu.dma_semaphore, #tpu.memory_space<semaphore_mem>>) src(%dma_wait3A_356 : memref<16x8x128xf32, #tpu.memory_space<vmem>>) dst(%dma_wait3A_351 : memref<16x8x128xf32, #tpu.memory_space<hbm>>)
    return
  }
}

</mosaic_0001>

<sc_bundles>
// kernel: kernel.3.cloned.1.call-start
scs
__scs_entry_jumppad:
0x0: {  	(pc) =	sbr.rel $0x88, $3  }
0x1: {  	(tag) =	ssettag $0x0;
	lr =	simm.s32 $0x1  }
0x2: {  	[smem:$0x3FA0] =	sst lr;
	_ =	strace $0xD0000000  }
0x3: {  	_ = 	snop  }
0x4: {  	_ = 	snop  }
0x5: {  	_ = 	snop  }
0x6: {  	_ = 	snop  }
0x7: {  	_ = 	snop  }
__scs_overlays_trampoline_lowered:
0x8: {  	[smem:$0x3FAF] =	sst s0  }
0x9: {  	[smem:$0x3FB0] =	sst s1  }
0xa: {  	[smem:$0x3FB1] =	sst s2  }
0xb: {  	[smem:$0x3FB2] =	sst s3  }
0xc: {  	[smem:$0x3FB3] =	sst s4  }
0xd: {  	[smem:$0x3FB4] =	sst s5  }
0xe: {  	[smem:$0x3FB5] =	sst s6  }
0xf: {  	[smem:$0x3FB6] =	sst s7  }
0x10: {  	[smem:$0x3FB7] =	sst s8  }
0x11: {  	[smem:$0x3FB8] =	sst s9;
	s0 =	simm.s32 @!p0 $0x0  }
0x12: {  	s1 =	sld [smem:$0x3F9E];
	s0 =	simm.s32 @p0 $0x1  }
0x13: {  	[smem:$0x3FB9] =	sst s0;
	s0 =	simm.s32 @!p1 $0x0  }
0x14: {  	s2 =	sld [smem:$0x3F9D];
	s0 =	simm.s32 @p1 $0x1  }
0x15: {  	[smem:$0x3FBA] =	sst s0;
	s0 =	simm.s32 @!p2 $0x0  }
0x16: {  	s3 =	sld [smem:$0x3FDB];
	s0 =	simm.s32 @p2 $0x1  }
0x17: {  	s4 =	simm.s32 $0x1BF5;
	[smem:$0x3FBC] =	sst s0  }
0x18: {  	s0 =	sld [smem:$0x3F9F];
	_ =	swait.ge [sflag:s4], $0x0  }
0x19: {  	s7 =	sld [smem:$0x3FA0]  }
0x1a: {  	s8 =	sadd.s32 $0xFFFFE003, lr  }
0x1b: {  	s9 =	sadd.s32 $0xFFFFFEF7, lr;
	s5 =	simm.s32 $0xFFFFFFFF;
	p2 =	slt.u32 s8, $0xFFFFF086  }
0x1c: {  	p1 =	slt.u32 s9, $0xF7A;
	s5 =	simm.s32 @!p2 $0x0  }
0x1d: {  	s5 =	simm.s32 @p1 $0x1;
	p0 =	seq.s32 s7, s2  }
0x1e: {  	s7 =	smul.u32 @!p0 $0xF7A, s2;
	p2 =	seq.s32 @!p0 s5, $0x0  }
0x1f: {  	s9 =	smul.u32 $0xF7A, s1;
	s8 =	simm.s32 @!p0 $0x1BF5;
	p2 =	por !p2, p0  }
0x20: {  	[sflag:s8] =	ssyncset.s32 @!p0 $0xFFFFF086;
	s6 =	sadd.s32 @!p0 s3, s7;
	s7 =	simm.s32 @!p0 $0x108  }
0x21: {  	s3 =	sadd.s32 s3, s9;
	s6 =	sadd.s32 @!p0 $0x88, s6;
	s7 =	simm.s32 @p2 $0x1082  }
0x22: {  	[simem:s7], [sflag:s8] =	dma.local @!p0 [hbm:s6], $0xF7A  }
0x23: {  	s9 =	sor.u32 $0xD0000000, s2;
	s6 =	simm.s32 $0x108;
	_ =	swait.ge @!p0 [sflag:s8], $0x0  }
0x24: {  	s3 =	sadd.s32 $0x88, s3;
	s6 =	simm.s32 @!p1 $0x1082;
	[sflag:s4] =	ssyncset.s32 $0xFFFFF086  }
0x25: {  	[simem:s6], [sflag:s4] =	dma.local [hbm:s3], $0xF7A  }
0x26: {  	[smem:$0x3FA0] =	sst s1;
	(tag) =	ssettag s2;
	_ =	strace s9  }
0x27: {  	s1 =	sld [smem:$0x3FB0]  }
0x28: {  	s2 =	sld [smem:$0x3FB1]  }
0x29: {  	s4 =	sld [smem:$0x3FB3]  }
0x2a: {  	p0 =	seq.s32 s5, $0x0;
	s5 =	sld [smem:$0x3FB4]  }
0x2b: {  	s6 =	sld [smem:$0x3FB5]  }
0x2c: {  	s7 =	sld [smem:$0x3FB6]  }
0x2d: {  	s3 =	simm.s32 $0x108;
	s8 =	sld [smem:$0x3FB7]  }
0x2e: {  	s3 =	simm.s32 @!p0 $0x1082;
	s9 =	sld [smem:$0x3FB8]  }
0x2f: {  	lr =	sadd.s32 s0, s3;
	s0 =	sld [smem:$0x3FAF]  }
0x30: {  	s3 =	sld [smem:$0x3FB2]  }
0x31: {  	[smem:$0x3FBB] =	sst s10  }
0x32: {  	s10 =	sld [smem:$0x3FB9];
	_ =	sdelay $0x3  }
0x33: {  	p0 =	seq.s32 s10, $0x1;
	s10 =	sld [smem:$0x3FBB];
	_ =	sdelay $0x3  }
0x34: {  	[smem:$0x3FBB] =	sst s10  }
0x35: {  	s10 =	sld [smem:$0x3FBA];
	_ =	sdelay $0x3  }
0x36: {  	p1 =	seq.s32 s10, $0x1;
	s10 =	sld [smem:$0x3FBB];
	_ =	sdelay $0x3  }
0x37: {  	[smem:$0x3FBB] =	sst s10  }
0x38: {  	s10 =	sld [smem:$0x3FBC]  }
0x39: {  	_ = 	snop;
	(pc) =	sbr.ind lr, $3  }
0x3a: {  	_ = 	snop  }
0x3b: {  	_ = 	snop  }
0x3c: {  	p2 =	seq.s32 s10, $0x1;
	s10 =	sld [smem:$0x3FBB]  }
0x3d: {  	_ =	shalt  }
0x3e: {  	_ =	shalt  }
0x3f: {  	_ =	shalt  }
0x40: {  	_ =	shalt  }
0x41: {  	_ =	shalt  }
0x42: {  	_ =	shalt  }
0x43: {  	_ =	shalt  }
0x44: {  	_ =	shalt  }
0x45: {  	_ =	shalt  }
0x46: {  	_ =	shalt  }
0x47: {  	_ =	shalt  }
0x48: {  	_ =	shalt  }
0x49: {  	_ =	shalt  }
0x4a: {  	_ =	shalt  }
0x4b: {  	_ =	shalt  }
0x4c: {  	_ =	shalt  }
0x4d: {  	_ =	shalt  }
0x4e: {  	_ =	shalt  }
0x4f: {  	_ =	shalt  }
0x50: {  	_ =	shalt  }
0x51: {  	_ =	shalt  }
0x52: {  	_ =	shalt  }
0x53: {  	_ =	shalt  }
0x54: {  	_ =	shalt  }
0x55: {  	_ =	shalt  }
0x56: {  	_ =	shalt  }
0x57: {  	_ =	shalt  }
0x58: {  	_ =	shalt  }
0x59: {  	_ =	shalt  }
0x5a: {  	_ =	shalt  }
0x5b: {  	_ =	shalt  }
0x5c: {  	_ =	shalt  }
0x5d: {  	_ =	shalt  }
0x5e: {  	_ =	shalt  }
0x5f: {  	_ =	shalt  }
0x60: {  	_ =	shalt  }
0x61: {  	_ =	shalt  }
0x62: {  	_ =	shalt  }
0x63: {  	_ =	shalt  }
0x64: {  	_ =	shalt  }
0x65: {  	_ =	shalt  }
0x66: {  	_ =	shalt  }
0x67: {  	_ =	shalt  }
0x68: {  	_ =	shalt  }
0x69: {  	_ =	shalt  }
0x6a: {  	_ =	shalt  }
0x6b: {  	_ =	shalt  }
0x6c: {  	_ =	shalt  }
0x6d: {  	_ =	shalt  }
0x6e: {  	_ =	shalt  }
0x6f: {  	_ =	shalt  }
0x70: {  	_ =	shalt  }
0x71: {  	_ =	shalt  }
0x72: {  	_ =	shalt  }
0x73: {  	_ =	shalt  }
0x74: {  	_ =	shalt  }
0x75: {  	_ =	shalt  }
0x76: {  	_ =	shalt  }
0x77: {  	_ =	shalt  }
0x78: {  	_ =	shalt  }
0x79: {  	_ =	shalt  }
0x7a: {  	_ =	shalt  }
0x7b: {  	_ =	shalt  }
0x7c: {  	_ =	shalt  }
0x7d: {  	_ =	shalt  }
0x7e: {  	_ =	shalt  }
0x7f: {  	_ =	shalt  }
0x80: {  	_ =	shalt  }
0x81: {  	_ =	shalt  }
0x82: {  	_ =	shalt  }
0x83: {  	_ =	shalt  }
0x84: {  	_ =	shalt  }
0x85: {  	_ =	shalt  }
0x86: {  	_ =	shalt  }
0x87: {  	_ =	shalt  }
.Lfunc_end0:
.L_simem_size_0:
called_computation_lowered:
.L_overlay_start_0:
0x88: {  	s2 =	sld [smem:$0x3FD9]  }
0x89: {  	s3 =	sld [smem:$0x3FFE];
	_ =	sdelay $0x1  }
0x8a: {  	s1 =	srdreg.scid  }
0x8b: {  	s0 =	sand.u32 $0x1, s1  }
0x8c: {  	s18 =	sshll.u32 s0, $0xA;
	s2 =	sadd.s32 s3, s2  }
0x8d: {  	s2 =	sadd.s32 s2, s18  }
0x8e: {  	[smem:$0x3FC7] =	sst s2  }
0x8f: {  	_ = 	snop  }
0x90: {  	s2 =	sld [smem:$0x3FC9]  }
0x91: {  	s19 =	sld [smem:$0x3FD0];
	(tm) =	ssettm $0x1  }
0x92: {  	s4 =	sld [smem:$0x3FFB];
	_ =	sdelay $0x3  }
0x93: {  	_ =	strace s4  }
0x94: {  	s4 =	sld [smem:$0x3FFC];
	_ =	sdelay $0x3  }
0x95: {  	_ =	strace s4  }
0x96: {  	s4 =	sld [smem:$0x3FFD];
	_ =	sdelay $0x3  }
0x97: {  	_ =	strace s4  }
0x98: {  	_ =	strace $0x8FFFFFFF  }
0x99: {  	s20 =	sld [smem:$0x3FDB];
	_ =	sdelay $0x1  }
0x9a: {  	s5 =	simm.s32 $_scs_section_size  }
0x9b: {  	s6 =	simm.s32 $_size__tile_overlayer_lowered;
	s7 =	simm.s32 $_tile_overlayer_lowered  }
0x9c: {  	s23 =	simm.s32 $0x1BFF;
	s22 =	sshll.u32 s7, $0x1;
	s4 =	sadd.s32 s5, s20  }
0x9d: {  	s8 =	simm.s32 $0x0;
	s21 =	sshll.u32 s6, $0x1;
	s6 =	sadd.s32 s22, s4  }
0x9e: {  	[timem:s8], [sflag:s23] =	dma.local [hbm:s6], s21  }
0x9f: {  	_ =	swait.ge [sflag:s23], s21  }
0xa0: {  	s5 =	ssub.s32 $0x0, s21;
	[sflag:s23] =	ssyncset.done $0x0  }
0xa1: {  	[sflag:s23] =	ssyncadd.s32 s5;
	_ =	sdelay $0x1  }
0xa2: {  	s24 =	simm.s32 $0x1B8B  }
0xa3: {  	_ =	swait.ge [sflag:s24], $0x1  }
0xa4: {  	[sflag:s24] =	ssyncset.done $0x0  }
0xa5: {  	s25 =	simm.s32 $0x1B8E;
	[sflag:s24] =	ssyncadd.s32 $0xFFFFFFFF  }
0xa6: {  	s26 =	simm.s32 $execute0_lowered;
	[smem:$0x3FD2] =	sst s25  }
0xa7: {  	s5 =	sshll.u32 s26, $0x1;
	_ =	strace $0x80000046;
	[dreg:$0x1] =	wrdreg $0xFFFFFFFF  }
0xa8: {  	s28 =	simm.s32 $_size_execute0_lowered;
	s4 =	sadd.s32 s4, s5;
	[dreg:$0x0] =	wrdreg $0x0  }
0xa9: {  	s5 =	sshll.u32 s28, $0x1;
	[dreg:$0x2] =	wrdreg s4  }
0xaa: {  	[dreg:$0x3] =	wrdreg s5  }
0xab: {  	[dreg:$0x4] =	wrdreg $0xC0  }
0xac: {  	_ =	task [dreg:s8], $0x5FFFF  }
0xad: {  	[dreg:$0x1] =	wrdreg $0xFFFFFFFF  }
0xae: {  	[dreg:$0x0] =	wrdreg $0x60  }
0xaf: {  	[dreg:$0x2] =	wrdreg s2  }
0xb0: {  	[dreg:$0x3] =	wrdreg s19  }
0xb1: {  	[dreg:$0x4] =	wrdreg $0x9  }
0xb2: {  	_ =	task.clear_ibuf [dreg:s8], $0x5FFFF;
	_ =	strace $0x90000046  }
0xb3: {  	s29 =	simm.s32 $0x9;
	_ =	strace $0x80000048  }
0xb4: {  	_ =	swait.ge [sflag:s29], $0x1  }
0xb5: {  	[sflag:s29] =	ssyncadd.s32 $0xFFFFFFFF  }
0xb6: {  	_ =	strace $0x90000048  }
0xb7: {  	_ =	sfence  }
0xb8: {  	s30 =	sld [smem:$0x0];
	_ =	sdelay $0x2  }
0xb9: {  	s31 =	sshll.u32 s1, $0xD;
	s1 =	sshrl.u32 s1, $0x2  }
0xba: {  	s3 =	sand.u32 $0x4000, s31;
	s1 =	sadd.s32 s1, s30  }
0xbb: {  	s0 =	sor.u32 s3, s0;
	s1 =	sshll.u32 s1, $0x11  }
0xbc: {  	s0 =	sor.u32 s1, s0  }
0xbd: {  	s0 =	sadd.s32 $0x8F2B, s0  }
0xbe: {  	[sflag:s0] =	ssyncadd.remote.s32 $0x1  }
0xbf: {  	_ =	sfence.sel $0xFFFF  }
0xc0: {  	[dreg:$0x0] =	wrdreg $0xFFFFFFFF;
	(pc) =	sbr.abs _section_cstart, $3  }
0xc1: {  	[dreg:$0x1] =	wrdreg $0xFFFFFFFF  }
0xc2: {  	_ =	task.clear_ibuf [dreg:s8], $0x2FFFF;
	_ =	strace $0x9FFFFFFF  }
0xc3: {  	(tm) =	ssettm $0x7FFFFFFF  }
tec
execute0_lowered:
.L_overlay_start_1:
0x0: {  	(tag) =	ssettag $0x1  }
0x1: {  	s0 =	srdreg.scid;
	s17 =	stileid.u32  }
0x2: {  	s0 =	sand.u32 $0x1, s0;
	s1 =	sshll.u32 s17, $0x1  }
0x3: {  	s2 =	sor.u32 s0, s1  }
0x4: {  	s5 =	smul.u32 $0xC64, s2  }
0x5: {  	s17 =	smul.u32 $0x18C8, s17  }
0x6: {  	s1 =	smulhi.u32 $0x8421085, s5  }
0x7: {  	s6 =	ssub.s32 $0x2, s0;
	s0 =	smul.u32 $0xC64, s0  }
0x8: {  	s3 =	smul.u32 $0xFFFFEFBF, s1  }
0x9: {  	s8 =	rddreg [dreg:$0x0];
	p0 =	seq.s32 s2, $0x0  }
0xa: {  	s7 =	sshrl.u32 s6, $0x1;
	s0 =	sadd.s32 s0, s17;
	s4 =	sand.u32 $0xFFFE, s3  }
0xb: {  	s18 =	smulhi.u32 $0x10C73F, s5;
	s3 =	sshll.u32 s3, $0xF;
	s4 =	sshrl.u32 s4, $0x1  }
0xc: {  	s5 =	simm.s32 $0x1;
	s25 =	sadd.s32 $0x1, s1;
	s3 =	sor.u32 s3, s4  }
0xd: {  	s0 =	smulhi.u32 $0x8421085, s0;
	s12 =	sand.u32 $0x3FFE, s25;
	s4 =	sand.u32 $0xFFFF, s3  }
0xe: {  	s28 =	sand.u32 $0x1, s1;
	s26 =	sshrl.u32 s12, $0x1;
	p1 =	sgt.u32 s4, $0x208  }
0xf: {  	s0 =	sand.u32 $0x1, s0;
	s16 =	smul.u32 $0x8209, s26;
	p0 =	por !p0, !p1  }
0x10: {  	p6 =	seq.s32 s0, $0x1;
	s3 =	rddreg [dreg:$0x1];
	p0 =	por !p0, !p0  }
0x11: {  	s30 =	sshrl.u32 s16, $0x15;
	s4 =	simm.s32 $0x0;
	s5 =	simm.s32 @!p0 $0x0  }
0x12: {  	s31 =	smul.u32 $0xFFFFFF82, s30;
	[smem:$0x7FF] =	sst s4;
	s5 =	ssub.s32 s18, s5  }
0x13: {  	_ =	strace $0x80000047;
	p0 =	slt.s32 s5, $0x18;
	s2 =	smov.u32 s5  }
0x14: {  	s9 =	sshll.u32 s5, $0xC;
	s10 =	sshll.u32 s5, $0x7;
	s23 =	smul.u32 $0xFFFFFF82, s5  }
0x15: {  	s13 =	smul.u32 $0x3E8000, s5;
	s2 =	simm.s32 @!p0 $0x18;
	s9 =	sand.u32 $0xFFFF8000, s9  }
0x16: {  	s11 =	sand.u32 $0x380, s10;
	s10 =	ssub.s32 s6, s7;
	p0 =	por !p6, !p6  }
0x17: {  	s2 =	sadd.s32 $0x1, s2;
	s19 =	sor.u32 s11, s9;
	s24 =	sadd.s32 s1, s23  }
0x18: {  	s9 =	sshll.u32 s28, $0xE;
	s11 =	sand.u32 $0x1, s25;
	s20 =	sshrl.u32 s19, $0x3  }
0x19: {  	s21 =	sshll.u32 s2, $0xC;
	s2 =	sshll.u32 s2, $0x7;
	s14 =	sshll.u32 s24, $0xF  }
0x1a: {  	s11 =	sshll.u32 s11, $0xE;
	s22 =	sand.u32 $0x7FFF8000, s21;
	s2 =	sand.u32 $0x380, s2  }
0x1b: {  	s7 =	sadd.s32 s8, s20;
	s15 =	sand.u32 $0xFFFF0000, s14;
	s14 =	sor.u32 $0x8000, s14  }
0x1c: {  	s20 =	sadd.s32 s25, s31;
	s2 =	sor.u32 s2, s22;
	s29 =	sadd.s32 s13, s15  }
0x1d: {  	s13 =	sadd.s32 s13, s14;
	s22 =	ssub.s32 s30, s5;
	s14 =	smul.u32 $0x3E8000, s30  }
0x1e: {  	s30 =	smax.u32 s10, $0x1;
	s10 =	simm.s32 $0x1;
	s2 =	sshrl.u32 s2, $0x3  }
0x1f: {  	s12 =	sor.u32 s9, s29;
	s13 =	sor.u32 s9, s13;
	s23 =	sshll.u32 s22, $0xC  }
0x20: {  	[dreg:$0xa] =	wrdreg s30;
	s10 =	simm.s32 @!p0 $0x0;
	s8 =	sadd.s32 s8, s2  }
0x21: {  	s2 =	sshra.s32 s24, $0x1;
	s12 =	sshrl.u32 s12, $0x3;
	s18 =	sshrl.u32 s13, $0x3  }
0x22: {  	s15 =	sand.u32 $0xFFFFE000, s23;
	s13 =	sshll.u32 s22, $0x7;
	s17 =	sshll.u32 s10, $0xC  }
0x23: {  	s31 =	sshll.u32 s10, $0xB;
	s23 =	simm.s32 $0x4;
	s16 =	sshll.u32 s2, $0x4  }
0x24: {  	s12 =	sadd.s32 s3, s12;
	s19 =	sadd.s32 s3, s18;
	[dreg:$0x3] =	wrdreg s15  }
0x25: {  	s18 =	sshra.s32 s20, $0x1;
	[dreg:$0x6] =	wrdreg s12;
	s12 =	sshll.u32 s20, $0xF  }
0x26: {  	s13 =	sand.u32 $0x80, s13;
	p0 =	seq.s32 s2, $0x3E;
	s24 =	sand.u32 $0xFFFF0000, s12  }
0x27: {  	s2 =	simm.s32 $0x0;
	s12 =	sor.u32 $0x8000, s12;
	s15 =	sadd.s32 s14, s24  }
0x28: {  	[dreg:$0x7] =	wrdreg s19;
	s12 =	sadd.s32 s14, s12;
	s25 =	sor.u32 s11, s15  }
0x29: {  	s11 =	sor.u32 s11, s12;
	s15 =	sshll.u32 s0, $0xC;
	s0 =	sshll.u32 s0, $0xB  }
.Ltmp0:
0x2a: {  	s26 =	sshrl.u32 s25, $0x3;
	s0 =	sor.u32 $0x30, s0;
	(pc) =	sbr.rel .LBB2_1-.Ltmp0, $4  }
0x2b: {  	s11 =	sshrl.u32 s11, $0x3;
	s28 =	sadd.s32 s3, s26;
	[dreg:$0xb] =	wrdreg s0  }
0x2c: {  	v2 =	vimm.f32 $0.0e+00;
	s21 =	sshll.u32 s18, $0x4;
	s29 =	sadd.s32 s3, s11;
	[dreg:$0x8] =	wrdreg s28  }
0x2d: {  	v3 =	vimm.s32 $0x0;
	v4 =	vlaneseq.u32;
	v5 =	vimm.f32 $1.000000000e+00;
	s19 =	simm.s32 $0x2;
	s0 =	sor.u32 $0x30, s31;
	[dreg:$0x9] =	wrdreg s29  }
0x2e: {  	v0 =	vmov s16;
	s20 =	simm.s32 $0x2000;
	p1 =	seq.s32 s18, $0x3E;
	v6 =	vmov s13;
	v1 =	vmov s21;
	[dreg:$0xc] =	wrdreg s0  }
.LBB2_31:
0x2f: {  	s0 =	simm.s32 $0x1  }
0x30: {  	_ =	swait.ge [sflag:s0], $0x4000  }
0x31: {  	[sflag:s0] =	ssyncset.done $0x0  }
0x32: {  	[sflag:s0] =	ssyncadd.s32 $0xFFFFC000  }
0x33: {  	_ =	swait.ge [sflag:s19], $0x4000  }
0x34: {  	[sflag:s19] =	ssyncset.done $0x0  }
0x35: {  	s30 =	simm.s32 $0x3;
	[sflag:s19] =	ssyncadd.s32 $0xFFFFC000  }
0x36: {  	_ =	swait.ge [sflag:s30], $0x4000  }
0x37: {  	[sflag:s30] =	ssyncset.done $0x0  }
0x38: {  	[sflag:s30] =	ssyncadd.s32 $0xFFFFC000  }
0x39: {  	_ =	swait.ge [sflag:s23], $0x4000  }
0x3a: {  	s2 =	rddreg [dreg:$0xd]  }
0x3b: {  	s31 =	rddreg [dreg:$0xa];
	s2 =	sadd.s32 $0x1, s2  }
0x3c: {  	p2 =	sne.s32 s2, s31  }
.Ltmp1:
0x3d: {  	_ = 	snop;
	(pc) =	sbr.rel @!p2 .LBB2_32-.Ltmp1, $3  }
0x3e: {  	_ =	sdelay $0x1  }
0x3f: {  	[sflag:s23] =	ssyncset.done $0x0  }
0x40: {  	[sflag:s23] =	ssyncadd.s32 $0xFFFFC000  }
.LBB2_1:
0x41: {  	[dreg:$0xd] =	wrdreg s2;
	s0 =	simm.s32 $0x80  }
0x42: {  	s11 =	sadd.s32 $0x0, s7;
	s2 =	simm.s32 $0x100;
	s10 =	simm.s32 $0x0  }
.LBB2_2:
0x43: {  	[tilespmem:s10], [sflag:$0x1] =	stream.linear.gather [hbm4b:s11+s4], $0x80, $0x38;
	[tilespmem:$0x13100] =	vst v63  }
0x44: {  	s11 =	smov.u32 s0;
	s10 =	smov.u32 s2;
	p2 =	sne.s32 s0, $0xF80  }
.Ltmp2:
0x45: {  	s0 =	sadd.s32 $0x80, s0;
	(pc) =	sbr.rel @p2 .LBB2_2-.Ltmp2, $2  }
0x46: {  	_ =	sdelay $0x2  }
0x47: {  	s2 =	sadd.s32 $0x100, s2;
	s11 =	sadd.s32 s11, s7  }
0x48: {  	[tilespmem:s10], [sflag:$0x1] =	stream.linear.gather [hbm4b:s11+s4], $0x80, $0x38;
	[tilespmem:$0x13100] =	vst v63  }
0x49: {  	s0 =	simm.s32 $0x0;
	s2 =	simm.s32 $0x80  }
0x4a: {  	s10 =	simm.s32 $0x80;
	s12 =	sadd.s32 $0x0, s8;
	s11 =	simm.s32 $0x180  }
.LBB2_4:
0x4b: {  	[tilespmem:s2], [sflag:$0x2] =	stream.linear.gather [hbm4b:s12+s0], $0x80, $0x38;
	[tilespmem:$0x13100] =	vst v63  }
0x4c: {  	s12 =	smov.u32 s10;
	s2 =	smov.u32 s11;
	p2 =	sne.s32 s10, $0xF80  }
.Ltmp3:
0x4d: {  	s10 =	sadd.s32 $0x80, s10;
	(pc) =	sbr.rel @p2 .LBB2_4-.Ltmp3, $2  }
0x4e: {  	_ =	sdelay $0x2  }
0x4f: {  	s11 =	sadd.s32 $0x100, s11;
	s12 =	sadd.s32 s12, s8  }
0x50: {  	[tilespmem:s2], [sflag:$0x2] =	stream.linear.gather [hbm4b:s12+s0], $0x80, $0x38;
	[tilespmem:$0x13100] =	vst v63  }
0x51: {  	s0 =	simm.s32 $0x0;
	s2 =	simm.s32 $0x1000  }
.LBB2_6:
0x52: {  	p2 =	sne.s32 s2, $0x3F000;
	[tilespmem:s0+$0x23F0] =	vst v2  }
0x53: {  	[tilespmem:s0+$0x2000] =	vst v2  }
0x54: {  	[tilespmem:s0+$0x2010] =	vst v2  }
0x55: {  	[tilespmem:s0+$0x2020] =	vst v2  }
0x56: {  	[tilespmem:s0+$0x2030] =	vst v2  }
0x57: {  	[tilespmem:s0+$0x2040] =	vst v2  }
0x58: {  	[tilespmem:s0+$0x2050] =	vst v2  }
0x59: {  	[tilespmem:s0+$0x2060] =	vst v2  }
0x5a: {  	[tilespmem:s0+$0x2070] =	vst v2  }
0x5b: {  	[tilespmem:s0+$0x2080] =	vst v2  }
0x5c: {  	[tilespmem:s0+$0x2090] =	vst v2  }
0x5d: {  	[tilespmem:s0+$0x20A0] =	vst v2  }
0x5e: {  	[tilespmem:s0+$0x20B0] =	vst v2  }
0x5f: {  	[tilespmem:s0+$0x20C0] =	vst v2  }
0x60: {  	[tilespmem:s0+$0x20D0] =	vst v2  }
0x61: {  	[tilespmem:s0+$0x20E0] =	vst v2  }
0x62: {  	[tilespmem:s0+$0x20F0] =	vst v2  }
0x63: {  	[tilespmem:s0+$0x2100] =	vst v2  }
0x64: {  	[tilespmem:s0+$0x2110] =	vst v2  }
0x65: {  	[tilespmem:s0+$0x2120] =	vst v2  }
0x66: {  	[tilespmem:s0+$0x2130] =	vst v2  }
0x67: {  	[tilespmem:s0+$0x2140] =	vst v2  }
0x68: {  	[tilespmem:s0+$0x2150] =	vst v2  }
0x69: {  	[tilespmem:s0+$0x2160] =	vst v2  }
0x6a: {  	[tilespmem:s0+$0x2170] =	vst v2  }
0x6b: {  	[tilespmem:s0+$0x2180] =	vst v2  }
0x6c: {  	[tilespmem:s0+$0x2190] =	vst v2  }
0x6d: {  	[tilespmem:s0+$0x21A0] =	vst v2  }
0x6e: {  	[tilespmem:s0+$0x21B0] =	vst v2  }
0x6f: {  	[tilespmem:s0+$0x21C0] =	vst v2  }
0x70: {  	[tilespmem:s0+$0x21D0] =	vst v2  }
0x71: {  	[tilespmem:s0+$0x21E0] =	vst v2  }
0x72: {  	[tilespmem:s0+$0x21F0] =	vst v2  }
0x73: {  	[tilespmem:s0+$0x2200] =	vst v2  }
0x74: {  	[tilespmem:s0+$0x2210] =	vst v2  }
0x75: {  	[tilespmem:s0+$0x2220] =	vst v2  }
0x76: {  	[tilespmem:s0+$0x2230] =	vst v2  }
0x77: {  	[tilespmem:s0+$0x2240] =	vst v2  }
0x78: {  	[tilespmem:s0+$0x2250] =	vst v2  }
0x79: {  	[tilespmem:s0+$0x2260] =	vst v2  }
0x7a: {  	[tilespmem:s0+$0x2270] =	vst v2  }
0x7b: {  	[tilespmem:s0+$0x2280] =	vst v2  }
0x7c: {  	[tilespmem:s0+$0x2290] =	vst v2  }
0x7d: {  	[tilespmem:s0+$0x22A0] =	vst v2  }
0x7e: {  	[tilespmem:s0+$0x22B0] =	vst v2  }
0x7f: {  	[tilespmem:s0+$0x22C0] =	vst v2  }
0x80: {  	[tilespmem:s0+$0x22D0] =	vst v2  }
0x81: {  	[tilespmem:s0+$0x22E0] =	vst v2  }
0x82: {  	[tilespmem:s0+$0x22F0] =	vst v2  }
0x83: {  	[tilespmem:s0+$0x2300] =	vst v2  }
0x84: {  	[tilespmem:s0+$0x2310] =	vst v2  }
0x85: {  	[tilespmem:s0+$0x2320] =	vst v2  }
0x86: {  	[tilespmem:s0+$0x2330] =	vst v2  }
0x87: {  	[tilespmem:s0+$0x2340] =	vst v2  }
0x88: {  	[tilespmem:s0+$0x2350] =	vst v2  }
0x89: {  	[tilespmem:s0+$0x2360] =	vst v2  }
0x8a: {  	[tilespmem:s0+$0x2370] =	vst v2  }
0x8b: {  	[tilespmem:s0+$0x2380] =	vst v2  }
0x8c: {  	[tilespmem:s0+$0x2390] =	vst v2  }
.Ltmp4:
0x8d: {  	[tilespmem:s0+$0x23A0] =	vst v2;
	(pc) =	sbr.rel @p2 .LBB2_6-.Ltmp4, $4  }
0x8e: {  	[tilespmem:s0+$0x23B0] =	vst v2  }
0x8f: {  	[tilespmem:s0+$0x23C0] =	vst v2  }
0x90: {  	[tilespmem:s0+$0x23D0] =	vst v2  }
0x91: {  	[tilespmem:s0+$0x23E0] =	vst v2;
	s0 =	sshra.s32 s2, $0x2;
	s2 =	sadd.s32 $0x1000, s2  }
0x92: {  	[tilespmem:s0+$0x23F0] =	vst v2  }
0x93: {  	[tilespmem:s0+$0x2000] =	vst v2  }
0x94: {  	[tilespmem:s0+$0x2010] =	vst v2  }
0x95: {  	[tilespmem:s0+$0x2020] =	vst v2  }
0x96: {  	[tilespmem:s0+$0x2030] =	vst v2  }
0x97: {  	[tilespmem:s0+$0x2040] =	vst v2  }
0x98: {  	[tilespmem:s0+$0x2050] =	vst v2  }
0x99: {  	[tilespmem:s0+$0x2060] =	vst v2  }
0x9a: {  	[tilespmem:s0+$0x2070] =	vst v2  }
0x9b: {  	[tilespmem:s0+$0x2080] =	vst v2  }
0x9c: {  	[tilespmem:s0+$0x2090] =	vst v2  }
0x9d: {  	[tilespmem:s0+$0x20A0] =	vst v2  }
0x9e: {  	[tilespmem:s0+$0x20B0] =	vst v2  }
0x9f: {  	[tilespmem:s0+$0x20C0] =	vst v2  }
0xa0: {  	[tilespmem:s0+$0x20D0] =	vst v2  }
0xa1: {  	[tilespmem:s0+$0x20E0] =	vst v2  }
0xa2: {  	[tilespmem:s0+$0x20F0] =	vst v2  }
0xa3: {  	[tilespmem:s0+$0x2100] =	vst v2  }
0xa4: {  	[tilespmem:s0+$0x2110] =	vst v2  }
0xa5: {  	[tilespmem:s0+$0x2120] =	vst v2  }
0xa6: {  	[tilespmem:s0+$0x2130] =	vst v2  }
0xa7: {  	[tilespmem:s0+$0x2140] =	vst v2  }
0xa8: {  	[tilespmem:s0+$0x2150] =	vst v2  }
0xa9: {  	[tilespmem:s0+$0x2160] =	vst v2  }
0xaa: {  	[tilespmem:s0+$0x2170] =	vst v2  }
0xab: {  	[tilespmem:s0+$0x2180] =	vst v2  }
0xac: {  	[tilespmem:s0+$0x2190] =	vst v2  }
0xad: {  	[tilespmem:s0+$0x21A0] =	vst v2  }
0xae: {  	[tilespmem:s0+$0x21B0] =	vst v2  }
0xaf: {  	[tilespmem:s0+$0x21C0] =	vst v2  }
0xb0: {  	[tilespmem:s0+$0x21D0] =	vst v2  }
0xb1: {  	[tilespmem:s0+$0x21E0] =	vst v2  }
0xb2: {  	[tilespmem:s0+$0x21F0] =	vst v2  }
0xb3: {  	[tilespmem:s0+$0x2200] =	vst v2  }
0xb4: {  	[tilespmem:s0+$0x2210] =	vst v2  }
0xb5: {  	[tilespmem:s0+$0x2220] =	vst v2  }
0xb6: {  	[tilespmem:s0+$0x2230] =	vst v2  }
0xb7: {  	[tilespmem:s0+$0x2240] =	vst v2  }
0xb8: {  	[tilespmem:s0+$0x2250] =	vst v2  }
0xb9: {  	[tilespmem:s0+$0x2260] =	vst v2  }
0xba: {  	[tilespmem:s0+$0x2270] =	vst v2  }
0xbb: {  	[tilespmem:s0+$0x2280] =	vst v2  }
0xbc: {  	[tilespmem:s0+$0x2290] =	vst v2  }
0xbd: {  	[tilespmem:s0+$0x22A0] =	vst v2  }
0xbe: {  	[tilespmem:s0+$0x22B0] =	vst v2  }
0xbf: {  	[tilespmem:s0+$0x22C0] =	vst v2  }
0xc0: {  	[tilespmem:s0+$0x22D0] =	vst v2  }
0xc1: {  	[tilespmem:s0+$0x22E0] =	vst v2  }
0xc2: {  	[tilespmem:s0+$0x22F0] =	vst v2  }
0xc3: {  	[tilespmem:s0+$0x2300] =	vst v2  }
0xc4: {  	[tilespmem:s0+$0x2310] =	vst v2  }
0xc5: {  	[tilespmem:s0+$0x2320] =	vst v2  }
0xc6: {  	[tilespmem:s0+$0x2330] =	vst v2  }
0xc7: {  	[tilespmem:s0+$0x2340] =	vst v2  }
0xc8: {  	[tilespmem:s0+$0x2350] =	vst v2  }
0xc9: {  	[tilespmem:s0+$0x2360] =	vst v2  }
0xca: {  	[tilespmem:s0+$0x2370] =	vst v2  }
0xcb: {  	[tilespmem:s0+$0x2380] =	vst v2  }
0xcc: {  	[tilespmem:s0+$0x2390] =	vst v2  }
0xcd: {  	[tilespmem:s0+$0x23A0] =	vst v2  }
0xce: {  	[tilespmem:s0+$0x23B0] =	vst v2  }
0xcf: {  	[tilespmem:s0+$0x23C0] =	vst v2  }
0xd0: {  	[tilespmem:s0+$0x23D0] =	vst v2  }
0xd1: {  	[tilespmem:s0+$0x23E0] =	vst v2;
	s30 =	simm.s32 $0x1  }
0xd2: {  	_ =	swait.ge [sflag:s30], $0x1000  }
0xd3: {  	[sflag:s30] =	ssyncset.done $0x0  }
0xd4: {  	[sflag:s30] =	ssyncadd.s32 $0xFFFFF000  }
0xd5: {  	s2 =	simm.s32 $0x0;
	_ =	swait.ge [sflag:s19], $0x1000  }
0xd6: {  	s31 =	sand.u32 $0x70, s2;
	s10 =	sand.u32 $0x1F00, s2;
	[sflag:s19] =	ssyncset.done $0x0  }
0xd7: {  	s10 =	sor.u32 s31, s10;
	[sflag:s19] =	ssyncadd.s32 $0xFFFFF000  }
0xd8: {  	[tilespmem:s10+$0x12080] =	vst v3  }
0xd9: {  	s0 =	simm.s32 $0x10;
	[tilespmem:s10+$0x12000] =	vst v3;
	s10 =	simm.s32 $0x0  }
.LBB2_8:
0xda: {  	p2 =	sne.s32 s0, $0x810  }
.Ltmp5:
0xdb: {  	s11 =	sand.u32 $0x70, s0;
	s10 =	sadd.s32 $0x20, s10;
	(pc) =	sbr.rel @p2 .LBB2_8-.Ltmp5, $4  }
0xdc: {  	s0 =	sadd.s32 $0x10, s0;
	s12 =	sand.u32 $0x1F00, s10  }
0xdd: {  	s11 =	sor.u32 s11, s12  }
0xde: {  	[tilespmem:s11+$0x12080] =	vst v3  }
0xdf: {  	[tilespmem:s11+$0x12000] =	vst v3  }
0xe0: {  	s6 =	rddreg [dreg:$0xb]  }
0xe1: {  	s0 =	sadd.s32 $0x0, s15;
	s10 =	sadd.s32 $0xFFFFFFD0, s6  }
0xe2: {  	s0 =	sand.u32 $0x1F00, s0;
	s11 =	sand.u32 $0x40, s10  }
0xe3: {  	[dreg:$0xe] =	wrdreg s11;
	s11 =	sor.u32 s11, s0  }
0xe4: {  	v8 =	vld [tilespmem:s11+$0x0];
	_ =	sdelay $0x1  }
0xe5: {  	v7 =	vmov s10  }
0xe6: {  	v9 =	vor.u32 s10, v4;
	v7 =	vshll.u32 v7, $0x3  }
0xe7: {  	v9 =	vand.u32 $0x4F, v9;
	v7 =	vand.u32 $0x3C00, v7  }
0xe8: {  	v7 =	vor.u32 v7, v9;
	v9 =	vsub.s32 v8, v0;
	v10 =	vshll.u32 v8, $0xB  }
0xe9: {  	v8 =	vshll.u32 v8, $0x7;
	vm0 =	vlt.u32 v9, $0x10;
	v9 =	vand.u32 $0x4000, v10  }
0xea: {  	v8 =	vand.u32 $0x380, v8;
	v9 =	vor.u32 v9, v7;
	v10 =	vmpcnt.ones.xlane vm0  }
0xeb: {  	v8 =	vor.u32 v8, v9  }
0xec: {  	(v2sf) =	vpush v10, $0x0;
	_ =	sdelay $0x1  }
0xed: {  	s29 =	simm.s32 $0x0  }
0xee: {  	s2 =	sand.u32 $0x7F, s2;
	s30 =	sadd.s32 $0xFFFFFFE0, s6;
	s10 =	sand.u32 $0xFFFFFF00, s29  }
0xef: {  	s12 =	sand.u32 $0x50, s30;
	s2 =	sor.u32 s2, s10;
	[tilespmem:v8+s20+$0x0] =	vst.idx.msk vm0, v5  }
0xf0: {  	s31 =	sor.u32 s12, s0;
	[tilespmem:s2+$0x12000] =	vst.msk vm0, v8  }
0xf1: {  	v9 =	vld [tilespmem:s31+$0x0];
	_ =	sdelay $0x1  }
0xf2: {  	v8 =	vmov s30  }
0xf3: {  	v10 =	vor.u32 s30, v4;
	v8 =	vshll.u32 v8, $0x3  }
0xf4: {  	v10 =	vand.u32 $0x7F, v10;
	v8 =	vand.u32 $0x3C00, v8  }
0xf5: {  	v8 =	vor.u32 v8, v10;
	v10 =	vsub.s32 v9, v0;
	v11 =	vshll.u32 v9, $0xB  }
0xf6: {  	v9 =	vshll.u32 v9, $0x7;
	vm0 =	vlt.u32 v10, $0x10;
	v10 =	vand.u32 $0x4000, v11  }
0xf7: {  	v9 =	vand.u32 $0x380, v9;
	v10 =	vor.u32 v10, v8;
	v11 =	vmpcnt.ones.xlane vm0  }
0xf8: {  	v9 =	vor.u32 v9, v10  }
0xf9: {  	[dreg:$0xf] =	wrdreg s12;
	s12 =	spop (v2sf);
	(v2sf) =	vpush v11, $0x0  }
0xfa: {  	s2 =	sadd.s32 $0x0, s12  }
0xfb: {  	s13 =	sshll.u32 s2, $0x1  }
0xfc: {  	s14 =	sadd.s32 $0xFFFFFFF0, s6;
	s16 =	sand.u32 $0x7F, s2;
	s10 =	sand.u32 $0xFFFFFF00, s13  }
0xfd: {  	s13 =	sand.u32 $0x60, s14;
	[tilespmem:v9+s20+$0x0] =	vst.idx.msk vm0, v5;
	s10 =	sor.u32 s16, s10  }
0xfe: {  	s18 =	sor.u32 s13, s0;
	[tilespmem:s10+$0x12000] =	vst.msk vm0, v9  }
0xff: {  	v10 =	vld [tilespmem:s18+$0x0];
	_ =	sdelay $0x1  }
0x100: {  	v9 =	vmov s14  }
0x101: {  	v11 =	vor.u32 s14, v4;
	v9 =	vshll.u32 v9, $0x3  }
0x102: {  	v11 =	vand.u32 $0x7F, v11;
	v9 =	vand.u32 $0x3C00, v9  }
0x103: {  	v9 =	vor.u32 v9, v11;
	v11 =	vsub.s32 v10, v0;
	v12 =	vshll.u32 v10, $0xB  }
0x104: {  	v10 =	vshll.u32 v10, $0x7;
	vm0 =	vlt.u32 v11, $0x10;
	v11 =	vand.u32 $0x4000, v12  }
0x105: {  	v10 =	vand.u32 $0x380, v10;
	v11 =	vor.u32 v11, v9  }
0x106: {  	v12 =	vmpcnt.ones.xlane vm0;
	v10 =	vor.u32 v10, v11  }
0x107: {  	s21 =	spop (v2sf)  }
0x108: {  	(v2sf) =	vpush v12, $0x0;
	s2 =	sadd.s32 s2, s21  }
0x109: {  	s10 =	sshll.u32 s2, $0x1  }
0x10a: {  	s22 =	sand.u32 $0x7F, s2;
	s10 =	sand.u32 $0xFFFFFF00, s10  }
0x10b: {  	s24 =	sand.u32 $0x70, s6;
	[tilespmem:v10+s20+$0x0] =	vst.idx.msk vm0, v5;
	s10 =	sor.u32 s22, s10  }
0x10c: {  	s0 =	sor.u32 s24, s0;
	[tilespmem:s10+$0x12000] =	vst.msk vm0, v10  }
0x10d: {  	v10 =	vld [tilespmem:s0+$0x0];
	_ =	sdelay $0x2  }
0x10e: {  	v11 =	vmov s6;
	v12 =	vor.u32 s6, v4  }
0x10f: {  	v11 =	vshll.u32 v11, $0x3;
	v12 =	vand.u32 $0x7F, v12  }
0x110: {  	v11 =	vand.u32 $0x3C00, v11;
	v13 =	vsub.s32 v10, v0;
	v14 =	vshll.u32 v10, $0xB  }
0x111: {  	v15 =	vshll.u32 v10, $0x7;
	v10 =	vor.u32 v11, v12;
	v14 =	vand.u32 $0x4000, v14  }
0x112: {  	vm0 =	vlt.u32 v13, $0x10;
	v11 =	vand.u32 $0x380, v15;
	v12 =	vor.u32 v14, v10  }
0x113: {  	v11 =	vor.u32 v11, v12;
	v12 =	vmpcnt.ones.xlane vm0;
	_ =	sdelay $0x1  }
0x114: {  	s25 =	spop (v2sf);
	(v2sf) =	vpush v12, $0x0  }
0x115: {  	s12 =	sadd.s32 s2, s25  }
0x116: {  	s28 =	sadd.s32 $0x80, s15;
	s0 =	sadd.s32 $0x40, s6;
	s2 =	sshll.u32 s12, $0x1  }
0x117: {  	s26 =	sadd.s32 $0xFFFFFFD0, s0;
	s29 =	sand.u32 $0x7F, s12;
	s14 =	sand.u32 $0xFFFFFF00, s2  }
0x118: {  	s16 =	sand.u32 $0x40, s26;
	s2 =	sand.u32 $0x1F00, s28;
	[tilespmem:v11+s20+$0x0] =	vst.idx.msk vm0, v5;
	s30 =	sor.u32 s29, s14  }
0x119: {  	s31 =	sor.u32 s16, s2;
	[tilespmem:s30+$0x12000] =	vst.msk vm0, v11  }
0x11a: {  	v11 =	vld [tilespmem:s31+$0x0];
	_ =	sdelay $0x1  }
0x11b: {  	v13 =	vmov s26  }
0x11c: {  	v14 =	vor.u32 s26, v4;
	v13 =	vshll.u32 v13, $0x3  }
0x11d: {  	v12 =	vand.u32 $0x3C00, v13;
	v13 =	vand.u32 $0x4F, v14  }
0x11e: {  	v12 =	vor.u32 v12, v13;
	v13 =	vsub.s32 v11, v0;
	v14 =	vshll.u32 v11, $0xB  }
0x11f: {  	[dreg:$0x11] =	wrdreg s24;
	v11 =	vshll.u32 v11, $0x7;
	vm0 =	vlt.u32 v13, $0x10;
	v13 =	vand.u32 $0x4000, v14  }
0x120: {  	[dreg:$0x10] =	wrdreg s13;
	s10 =	simm.s32 $0x100;
	v11 =	vand.u32 $0x380, v11;
	v13 =	vor.u32 v13, v12;
	v12 =	vmpcnt.ones.xlane vm0  }
.LBB2_10:
0x121: {  	p2 =	sne.s32 s10, $0xF80;
	v11 =	vor.u32 v11, v13;
	s11 =	smov.u32 s10;
	s10 =	sadd.s32 $0x80, s10  }
0x122: {  	(v2sf) =	vpush v12, $0x0;
	s13 =	spop (v2sf)  }
0x123: {  	s14 =	sadd.s32 $0xFFFFFFE0, s0;
	s12 =	sadd.s32 s12, s13  }
0x124: {  	s18 =	sand.u32 $0x50, s14;
	v12 =	vmov s14;
	v13 =	vor.u32 s14, v4;
	s13 =	sand.u32 $0x7F, s12;
	s16 =	sshll.u32 s12, $0x1  }
0x125: {  	v12 =	vshll.u32 v12, $0x3;
	s14 =	sand.u32 $0xFFFFFF00, s16;
	s16 =	sor.u32 s18, s2  }
0x126: {  	v12 =	vand.u32 $0x3C00, v12;
	[tilespmem:v11+s20+$0x0] =	vst.idx.msk vm0, v5;
	s13 =	sor.u32 s13, s14  }
0x127: {  	[tilespmem:s13+$0x12000] =	vst.msk vm0, v11  }
0x128: {  	v11 =	vld [tilespmem:s16+$0x0];
	_ =	sdelay $0x1  }
0x129: {  	v13 =	vand.u32 $0x7F, v13;
	_ =	sdelay $0x1  }
0x12a: {  	v12 =	vor.u32 v12, v13  }
0x12b: {  	v13 =	vsub.s32 v11, v0;
	v14 =	vshll.u32 v11, $0xB;
	v11 =	vshll.u32 v11, $0x7  }
0x12c: {  	vm0 =	vlt.u32 v13, $0x10;
	v13 =	vand.u32 $0x4000, v14;
	v11 =	vand.u32 $0x380, v11  }
0x12d: {  	v12 =	vor.u32 v13, v12;
	v13 =	vmpcnt.ones.xlane vm0  }
0x12e: {  	v11 =	vor.u32 v11, v12  }
0x12f: {  	s13 =	spop (v2sf);
	(v2sf) =	vpush v13, $0x0  }
0x130: {  	s12 =	sadd.s32 s12, s13;
	s13 =	sadd.s32 $0xFFFFFFF0, s0  }
0x131: {  	s14 =	sand.u32 $0x7F, s12;
	s16 =	sshll.u32 s12, $0x1;
	s18 =	sand.u32 $0x60, s13;
	v12 =	vmov s13;
	v13 =	vor.u32 s13, v4  }
0x132: {  	s13 =	sand.u32 $0xFFFFFF00, s16;
	s16 =	sor.u32 s18, s2;
	v12 =	vshll.u32 v12, $0x3  }
0x133: {  	[tilespmem:v11+s20+$0x0] =	vst.idx.msk vm0, v5;
	s13 =	sor.u32 s14, s13;
	v12 =	vand.u32 $0x3C00, v12  }
0x134: {  	[tilespmem:s13+$0x12000] =	vst.msk vm0, v11  }
0x135: {  	v11 =	vld [tilespmem:s16+$0x0];
	_ =	sdelay $0x1  }
0x136: {  	v13 =	vand.u32 $0x7F, v13;
	_ =	sdelay $0x1  }
0x137: {  	v12 =	vor.u32 v12, v13  }
0x138: {  	v13 =	vsub.s32 v11, v0;
	v14 =	vshll.u32 v11, $0xB;
	v11 =	vshll.u32 v11, $0x7  }
0x139: {  	vm0 =	vlt.u32 v13, $0x10;
	v13 =	vand.u32 $0x4000, v14;
	v11 =	vand.u32 $0x380, v11  }
0x13a: {  	v12 =	vor.u32 v13, v12;
	v13 =	vmpcnt.ones.xlane vm0  }
0x13b: {  	v11 =	vor.u32 v11, v12  }
0x13c: {  	s13 =	spop (v2sf);
	(v2sf) =	vpush v13, $0x0  }
0x13d: {  	s12 =	sadd.s32 s12, s13  }
0x13e: {  	s16 =	sand.u32 $0x70, s0;
	s13 =	sand.u32 $0x7F, s12;
	s14 =	sshll.u32 s12, $0x1  }
0x13f: {  	s2 =	sor.u32 s16, s2;
	s14 =	sand.u32 $0xFFFFFF00, s14  }
0x140: {  	[tilespmem:v11+s20+$0x0] =	vst.idx.msk vm0, v5;
	s13 =	sor.u32 s13, s14  }
0x141: {  	[tilespmem:s13+$0x12000] =	vst.msk vm0, v11  }
0x142: {  	v11 =	vld [tilespmem:s2+$0x0]  }
0x143: {  	v12 =	vmov s0  }
0x144: {  	v12 =	vshll.u32 v12, $0x3  }
0x145: {  	v13 =	vor.u32 s0, v4  }
0x146: {  	v13 =	vand.u32 $0x7F, v13;
	v12 =	vand.u32 $0x3C00, v12  }
0x147: {  	v14 =	vsub.s32 v11, v0;
	v15 =	vshll.u32 v11, $0xB;
	v11 =	vshll.u32 v11, $0x7  }
0x148: {  	v12 =	vor.u32 v12, v13;
	vm0 =	vlt.u32 v14, $0x10;
	v14 =	vand.u32 $0x4000, v15  }
0x149: {  	v11 =	vand.u32 $0x380, v11;
	v12 =	vor.u32 v14, v12;
	v13 =	vmpcnt.ones.xlane vm0  }
0x14a: {  	v11 =	vor.u32 v11, v12  }
0x14b: {  	s0 =	sadd.s32 $0x40, s0;
	s2 =	spop (v2sf);
	(v2sf) =	vpush v13, $0x0  }
0x14c: {  	s11 =	sadd.s32 s11, s15;
	s13 =	sadd.s32 $0xFFFFFFD0, s0;
	s12 =	sadd.s32 s12, s2  }
0x14d: {  	s14 =	sand.u32 $0x40, s13;
	v12 =	vmov s13;
	v13 =	vor.u32 s13, v4;
	s2 =	sand.u32 $0x1F00, s11;
	s11 =	sshll.u32 s12, $0x1  }
0x14e: {  	v12 =	vshll.u32 v12, $0x3;
	s13 =	sor.u32 s14, s2;
	s14 =	sand.u32 $0x7F, s12;
	s11 =	sand.u32 $0xFFFFFF00, s11  }
0x14f: {  	v12 =	vand.u32 $0x3C00, v12;
	[tilespmem:v11+s20+$0x0] =	vst.idx.msk vm0, v5;
	s11 =	sor.u32 s14, s11  }
0x150: {  	[tilespmem:s11+$0x12000] =	vst.msk vm0, v11  }
0x151: {  	v11 =	vld [tilespmem:s13+$0x0];
	_ =	sdelay $0x1  }
0x152: {  	v13 =	vand.u32 $0x4F, v13  }
.Ltmp6:
0x153: {  	(pc) =	sbr.rel @p2 .LBB2_10-.Ltmp6, $4  }
0x154: {  	v12 =	vor.u32 v12, v13  }
0x155: {  	v13 =	vsub.s32 v11, v0;
	v14 =	vshll.u32 v11, $0xB;
	v11 =	vshll.u32 v11, $0x7  }
0x156: {  	vm0 =	vlt.u32 v13, $0x10;
	v13 =	vand.u32 $0x4000, v14;
	v11 =	vand.u32 $0x380, v11  }
0x157: {  	v13 =	vor.u32 v13, v12;
	v12 =	vmpcnt.ones.xlane vm0  }
0x158: {  	v11 =	vor.u32 v11, v13  }
0x159: {  	(v2sf) =	vpush v12, $0x0;
	s10 =	spop (v2sf)  }
0x15a: {  	s10 =	sadd.s32 s12, s10  }
0x15b: {  	s11 =	sshll.u32 s10, $0x1  }
0x15c: {  	s16 =	sadd.s32 $0xFFFFFFE0, s0;
	s13 =	sand.u32 $0x7F, s10;
	s11 =	sand.u32 $0xFFFFFF00, s11  }
0x15d: {  	s14 =	sand.u32 $0x50, s16;
	[tilespmem:v11+s20+$0x0] =	vst.idx.msk vm0, v5;
	s11 =	sor.u32 s13, s11  }
0x15e: {  	s18 =	sor.u32 s14, s2;
	[tilespmem:s11+$0x12000] =	vst.msk vm0, v11  }
0x15f: {  	v11 =	vld [tilespmem:s18+$0x0];
	_ =	sdelay $0x1  }
0x160: {  	v12 =	vmov s16  }
0x161: {  	v13 =	vor.u32 s16, v4;
	v12 =	vshll.u32 v12, $0x3  }
0x162: {  	v13 =	vand.u32 $0x7F, v13;
	v12 =	vand.u32 $0x3C00, v12  }
0x163: {  	v12 =	vor.u32 v12, v13;
	v13 =	vsub.s32 v11, v0;
	v14 =	vshll.u32 v11, $0xB  }
0x164: {  	v11 =	vshll.u32 v11, $0x7;
	vm9 =	vlt.u32 v13, $0x10;
	v13 =	vand.u32 $0x4000, v14  }
0x165: {  	v11 =	vand.u32 $0x380, v11;
	v12 =	vor.u32 v13, v12;
	v13 =	vmpcnt.ones.xlane vm9  }
0x166: {  	v11 =	vor.u32 v11, v12  }
0x167: {  	s21 =	spop (v2sf);
	(v2sf) =	vpush v13, $0x0  }
0x168: {  	s10 =	sadd.s32 s10, s21  }
0x169: {  	s11 =	sshll.u32 s10, $0x1  }
0x16a: {  	s22 =	sadd.s32 $0xFFFFFFF0, s0;
	s24 =	sand.u32 $0x7F, s10;
	s11 =	sand.u32 $0xFFFFFF00, s11  }
0x16b: {  	s25 =	sand.u32 $0x60, s22;
	[tilespmem:v11+s20+$0x0] =	vst.idx.msk vm9, v5;
	s11 =	sor.u32 s24, s11  }
0x16c: {  	s26 =	sor.u32 s25, s2;
	[tilespmem:s11+$0x12000] =	vst.msk vm9, v11  }
0x16d: {  	v11 =	vld [tilespmem:s26+$0x0];
	_ =	sdelay $0x1  }
0x16e: {  	v12 =	vmov s22  }
0x16f: {  	v13 =	vor.u32 s22, v4;
	v12 =	vshll.u32 v12, $0x3  }
0x170: {  	v12 =	vand.u32 $0x3C00, v12;
	v13 =	vand.u32 $0x7F, v13  }
0x171: {  	v12 =	vor.u32 v12, v13;
	v13 =	vsub.s32 v11, v0;
	v14 =	vshll.u32 v11, $0xB  }
0x172: {  	v11 =	vshll.u32 v11, $0x7;
	vm10 =	vlt.u32 v13, $0x10;
	v13 =	vand.u32 $0x4000, v14  }
0x173: {  	v11 =	vand.u32 $0x380, v11;
	v12 =	vor.u32 v13, v12;
	v13 =	vmpcnt.ones.xlane vm10  }
0x174: {  	v11 =	vor.u32 v11, v12  }
0x175: {  	s28 =	spop (v2sf);
	(v2sf) =	vpush v13, $0x0  }
0x176: {  	s10 =	sadd.s32 s10, s28  }
0x177: {  	s11 =	sshll.u32 s10, $0x1  }
0x178: {  	s29 =	sand.u32 $0x7F, s10;
	s11 =	sand.u32 $0xFFFFFF00, s11  }
0x179: {  	s6 =	sand.u32 $0x70, s0;
	[tilespmem:v11+s20+$0x0] =	vst.idx.msk vm10, v5;
	s11 =	sor.u32 s29, s11  }
0x17a: {  	s14 =	sor.u32 s6, s2;
	[tilespmem:s11+$0x12000] =	vst.msk vm10, v11  }
0x17b: {  	v11 =	vld [tilespmem:s14+$0x0];
	_ =	sdelay $0x1  }
0x17c: {  	v12 =	vmov s0  }
0x17d: {  	v13 =	vor.u32 s0, v4;
	v12 =	vshll.u32 v12, $0x3  }
0x17e: {  	v13 =	vand.u32 $0x7F, v13;
	v12 =	vand.u32 $0x3C00, v12  }
0x17f: {  	v12 =	vor.u32 v12, v13;
	v15 =	vshll.u32 v11, $0xB  }
0x180: {  	v14 =	vsub.s32 v11, v0;
	v11 =	vshll.u32 v11, $0x7;
	v15 =	vand.u32 $0x4000, v15  }
0x181: {  	vm11 =	vlt.u32 v14, $0x10;
	v11 =	vand.u32 $0x380, v11;
	v12 =	vor.u32 v15, v12  }
0x182: {  	v11 =	vor.u32 v11, v12  }
0x183: {  	s16 =	spop (v2sf)  }
0x184: {  	s12 =	sadd.s32 s10, s16  }
0x185: {  	s0 =	sshll.u32 s12, $0x1  }
0x186: {  	s18 =	sand.u32 $0x7F, s12;
	s0 =	sand.u32 $0xFFFFFF00, s0  }
0x187: {  	[tilespmem:v11+s20+$0x0] =	vst.idx.msk vm11, v5;
	s0 =	sor.u32 s18, s0  }
0x188: {  	s6 =	rddreg [dreg:$0x6];
	[tilespmem:s0+$0x12000] =	vst.msk vm11, v11  }
0x189: {  	[hbm4b:s6+s4] =	stream.linear.scatter [tilespmem:s20], [sflag:$0x1], $0x4000, $0x38;
	[tilespmem:$0x13100] =	vst v63  }
0x18a: {  	s2 =	simm.s32 @p0 $0x2000;
	s0 =	simm.s32 @p0 $0x0  }
0x18b: {  	[hbm4b:s6+s0] =	stream.linear.scatter @p0 [tilespmem:s2], [sflag:$0x2], $0x4000, $0x38;
	[tilespmem:$0x13100] =	vst v63  }
0x18c: {  	s0 =	simm.s32 @!p0 $0x0;
	s2 =	simm.s32 @!p0 $0x6000;
	s6 =	rddreg [dreg:$0x7]  }
0x18d: {  	[hbm4b:s6+s0] =	stream.linear.scatter @!p0 [tilespmem:s2], [sflag:$0x2], $0x4000, $0x38;
	[tilespmem:$0x13100] =	vst v63  }
0x18e: {  	s22 =	sadd.s32 $0x0, s17;
	s6 =	rddreg [dreg:$0xc]  }
0x18f: {  	s21 =	rddreg [dreg:$0x3];
	s2 =	sand.u32 $0x1F00, s22;
	s24 =	sadd.s32 $0xFFFFFFD0, s6  }
0x190: {  	s25 =	sadd.s32 s2, s21;
	s30 =	sand.u32 $0x40, s24  }
0x191: {  	s0 =	sadd.s32 s30, s25  }
0x192: {  	v12 =	vld.idx.msk [tilespmem:v6+s0+$0x0 ss:$0x1], $0xffff;
	_ =	sdelay $0x2  }
0x193: {  	v11 =	vmov s24  }
0x194: {  	v13 =	vor.u32 s24, v4;
	v11 =	vshll.u32 v11, $0x3  }
0x195: {  	v13 =	vand.u32 $0x4F, v13;
	v11 =	vand.u32 $0x3C00, v11;
	v14 =	vshll.u32 v12, $0xB  }
0x196: {  	v11 =	vor.u32 v11, v13;
	v13 =	vshll.u32 v12, $0x7;
	v14 =	vand.u32 $0x4000, v14  }
0x197: {  	v12 =	vsub.s32 v12, v1;
	v13 =	vand.u32 $0x380, v13;
	v14 =	vor.u32 v14, v11  }
0x198: {  	v15 =	vmpcnt.ones.xlane vm11;
	vm12 =	vlt.u32 v12, $0x10;
	v12 =	vor.u32 v13, v14  }
0x199: {  	v13 =	vmpcnt.ones.xlane vm12;
	v14 =	vor.u32 $0x8000, v12  }
0x19a: {  	(v2sf) =	vpush v15, $0x0  }
0x19b: {  	(v2sf) =	vpush v13, $0x0  }
0x19c: {  	s26 =	simm.s32 $0x0;
	s28 =	simm.s32 $0x0  }
0x19d: {  	s2 =	sand.u32 $0xFFFFFF00, s28;
	s29 =	sadd.s32 $0xFFFFFFE0, s6;
	s0 =	sand.u32 $0x7F, s26  }
0x19e: {  	s31 =	sand.u32 $0x50, s29;
	s0 =	sor.u32 s0, s2;
	[tilespmem:v14+s20+$0x0] =	vst.idx.msk vm12, v5  }
0x19f: {  	s13 =	sadd.s32 s31, s25;
	[tilespmem:s0+$0x12080] =	vst.msk vm12, v12  }
0x1a0: {  	v13 =	vld.idx.msk [tilespmem:v6+s13+$0x0 ss:$0x1], $0xffff;
	_ =	sdelay $0x2  }
0x1a1: {  	v12 =	vmov s29  }
0x1a2: {  	v14 =	vor.u32 s29, v4;
	v12 =	vshll.u32 v12, $0x3  }
0x1a3: {  	v14 =	vand.u32 $0x7F, v14;
	v12 =	vand.u32 $0x3C00, v12;
	v15 =	vshll.u32 v13, $0xB  }
0x1a4: {  	v12 =	vor.u32 v12, v14;
	v14 =	vshll.u32 v13, $0x7;
	v15 =	vand.u32 $0x4000, v15  }
0x1a5: {  	v13 =	vsub.s32 v13, v1;
	v14 =	vand.u32 $0x380, v14;
	v15 =	vor.u32 v15, v12  }
0x1a6: {  	vm13 =	vlt.u32 v13, $0x10;
	v13 =	vor.u32 v14, v15  }
0x1a7: {  	s13 =	spop (v2sf);
	v14 =	vmpcnt.ones.xlane vm13;
	v15 =	vor.u32 $0x8000, v13  }
0x1a8: {  	s14 =	spop (v2sf)  }
0x1a9: {  	s0 =	sadd.s32 $0x0, s14;
	(v2sf) =	vpush v14, $0x0  }
0x1aa: {  	s16 =	sshll.u32 s0, $0x1  }
0x1ab: {  	s21 =	sadd.s32 $0xFFFFFFF0, s6;
	s18 =	sand.u32 $0x7F, s0;
	s2 =	sand.u32 $0xFFFFFF00, s16  }
0x1ac: {  	s11 =	sor.u32 s18, s2;
	s2 =	sand.u32 $0x60, s21;
	[tilespmem:v15+s20+$0x0] =	vst.idx.msk vm13, v5  }
0x1ad: {  	s16 =	sadd.s32 s2, s25;
	[tilespmem:s11+$0x12080] =	vst.msk vm13, v13  }
0x1ae: {  	v14 =	vld.idx.msk [tilespmem:v6+s16+$0x0 ss:$0x1], $0xffff;
	_ =	sdelay $0x1  }
0x1af: {  	v13 =	vmov s21  }
0x1b0: {  	v15 =	vor.u32 s21, v4;
	v13 =	vshll.u32 v13, $0x3  }
0x1b1: {  	v15 =	vand.u32 $0x7F, v15;
	v13 =	vand.u32 $0x3C00, v13  }
0x1b2: {  	v13 =	vor.u32 v13, v15;
	v15 =	vshll.u32 v14, $0xB  }
0x1b3: {  	v16 =	vsub.s32 v14, v1;
	v14 =	vshll.u32 v14, $0x7;
	v15 =	vand.u32 $0x4000, v15  }
0x1b4: {  	vm14 =	vlt.u32 v16, $0x10;
	v14 =	vand.u32 $0x380, v14;
	v15 =	vor.u32 v15, v13  }
0x1b5: {  	v16 =	vmpcnt.ones.xlane vm14;
	v14 =	vor.u32 v14, v15  }
0x1b6: {  	v15 =	vor.u32 $0x8000, v14  }
0x1b7: {  	s22 =	spop (v2sf);
	(v2sf) =	vpush v16, $0x0  }
0x1b8: {  	s11 =	sadd.s32 s0, s22  }
0x1b9: {  	s0 =	sshll.u32 s11, $0x1  }
0x1ba: {  	s24 =	sand.u32 $0x7F, s11;
	s0 =	sand.u32 $0xFFFFFF00, s0  }
0x1bb: {  	s14 =	sor.u32 s24, s0;
	s0 =	sand.u32 $0x70, s6;
	[tilespmem:v15+s20+$0x0] =	vst.idx.msk vm14, v5  }
0x1bc: {  	s10 =	sadd.s32 s0, s25;
	[tilespmem:s14+$0x12080] =	vst.msk vm14, v14  }
0x1bd: {  	v15 =	vld.idx.msk [tilespmem:v6+s10+$0x0 ss:$0x1], $0xffff;
	_ =	sdelay $0x2  }
0x1be: {  	v14 =	vmov s6  }
0x1bf: {  	v16 =	vor.u32 s6, v4;
	v14 =	vshll.u32 v14, $0x3  }
0x1c0: {  	v16 =	vand.u32 $0x7F, v16;
	v14 =	vand.u32 $0x3C00, v14;
	v17 =	vshll.u32 v15, $0xB  }
0x1c1: {  	v14 =	vor.u32 v14, v16;
	v18 =	vshll.u32 v15, $0x7;
	v17 =	vand.u32 $0x4000, v17  }
0x1c2: {  	v15 =	vsub.s32 v15, v1;
	v16 =	vand.u32 $0x380, v18;
	v17 =	vor.u32 v17, v14  }
0x1c3: {  	vm15 =	vlt.u32 v15, $0x10;
	v15 =	vor.u32 v16, v17  }
0x1c4: {  	s25 =	spop (v2sf);
	v16 =	vor.u32 $0x8000, v15  }
0x1c5: {  	s16 =	sadd.s32 s11, s25  }
0x1c6: {  	s28 =	sadd.s32 $0x80, s17;
	s10 =	sshll.u32 s16, $0x1  }
0x1c7: {  	s26 =	rddreg [dreg:$0x3];
	s18 =	sand.u32 $0xFFFFFF00, s10;
	s10 =	sadd.s32 $0x40, s6  }
0x1c8: {  	s14 =	sand.u32 $0x1F00, s28;
	s24 =	sand.u32 $0x7F, s16;
	s21 =	sadd.s32 $0xFFFFFFD0, s10  }
0x1c9: {  	s11 =	sadd.s32 s14, s26;
	s18 =	sor.u32 s24, s18;
	s29 =	sand.u32 $0x40, s21;
	[tilespmem:v16+s20+$0x0] =	vst.idx.msk vm15, v5  }
0x1ca: {  	s14 =	sadd.s32 s29, s11;
	v16 =	vmpcnt.ones.xlane vm15;
	[tilespmem:s18+$0x12080] =	vst.msk vm15, v15  }
0x1cb: {  	v17 =	vld.idx.msk [tilespmem:v6+s14+$0x0 ss:$0x1], $0xffff  }
0x1cc: {  	v15 =	vmov s21;
	(v2sf) =	vpush v16, $0x0  }
0x1cd: {  	v18 =	vor.u32 s21, v4;
	v15 =	vshll.u32 v15, $0x3  }
0x1ce: {  	v18 =	vand.u32 $0x4F, v18;
	v15 =	vand.u32 $0x3C00, v15  }
0x1cf: {  	v15 =	vor.u32 v15, v18  }
0x1d0: {  	s13 =	sadd.s32 s12, s13;
	s12 =	simm.s32 $0x100;
	v16 =	vsub.s32 v17, v1;
	v18 =	vshll.u32 v17, $0xB;
	v17 =	vshll.u32 v17, $0x7  }
.LBB2_12:
0x1d1: {  	_ =	sdelay $0x5  }
0x1d2: {  	v18 =	vand.u32 $0x4000, v18  }
0x1d3: {  	vm0 =	vlt.u32 v16, $0x10;
	v16 =	vand.u32 $0x380, v17;
	v15 =	vor.u32 v18, v15  }
0x1d4: {  	v15 =	vor.u32 v16, v15  }
0x1d5: {  	v16 =	vmpcnt.ones.xlane vm0;
	v17 =	vor.u32 $0x8000, v15  }
0x1d6: {  	s18 =	spop (v2sf)  }
0x1d7: {  	(v2sf) =	vpush v16, $0x0;
	s16 =	sadd.s32 s16, s18  }
0x1d8: {  	s18 =	sshll.u32 s16, $0x1  }
0x1d9: {  	s24 =	sadd.s32 $0xFFFFFFE0, s10;
	s21 =	sand.u32 $0x7F, s16;
	s18 =	sand.u32 $0xFFFFFF00, s18  }
0x1da: {  	s28 =	sand.u32 $0x50, s24;
	[tilespmem:v17+s20+$0x0] =	vst.idx.msk vm0, v5;
	s18 =	sor.u32 s21, s18  }
0x1db: {  	s21 =	sadd.s32 s28, s11;
	[tilespmem:s18+$0x12080] =	vst.msk vm0, v15  }
0x1dc: {  	v15 =	vld.idx.msk [tilespmem:v6+s21+$0x0 ss:$0x1], $0xffff;
	_ =	sdelay $0x1  }
0x1dd: {  	v16 =	vmov s24  }
0x1de: {  	v18 =	vor.u32 s24, v4;
	v16 =	vshll.u32 v16, $0x3  }
0x1df: {  	v17 =	vand.u32 $0x7F, v18;
	v16 =	vand.u32 $0x3C00, v16  }
0x1e0: {  	v16 =	vor.u32 v16, v17;
	v17 =	vsub.s32 v15, v1;
	v18 =	vshll.u32 v15, $0xB  }
0x1e1: {  	v15 =	vshll.u32 v15, $0x7;
	vm13 =	vlt.u32 v17, $0x10;
	v17 =	vand.u32 $0x4000, v18  }
0x1e2: {  	v15 =	vand.u32 $0x380, v15;
	v16 =	vor.u32 v17, v16  }
0x1e3: {  	v15 =	vor.u32 v15, v16  }
0x1e4: {  	v17 =	vmpcnt.ones.xlane vm13;
	v16 =	vor.u32 $0x8000, v15  }
0x1e5: {  	s29 =	spop (v2sf)  }
0x1e6: {  	(v2sf) =	vpush v17, $0x0;
	s16 =	sadd.s32 s16, s29  }
0x1e7: {  	s18 =	sshll.u32 s16, $0x1  }
0x1e8: {  	s22 =	sadd.s32 $0xFFFFFFF0, s10;
	s6 =	sand.u32 $0x7F, s16;
	s18 =	sand.u32 $0xFFFFFF00, s18  }
0x1e9: {  	s25 =	sand.u32 $0x60, s22;
	s18 =	sor.u32 s6, s18;
	[tilespmem:v16+s20+$0x0] =	vst.idx.msk vm13, v5  }
0x1ea: {  	s21 =	sadd.s32 s25, s11;
	[tilespmem:s18+$0x12080] =	vst.msk vm13, v15  }
0x1eb: {  	v15 =	vld.idx.msk [tilespmem:v6+s21+$0x0 ss:$0x1], $0xffff;
	_ =	sdelay $0x1  }
0x1ec: {  	v17 =	vmov s22  }
0x1ed: {  	v18 =	vor.u32 s22, v4;
	v17 =	vshll.u32 v17, $0x3  }
0x1ee: {  	v16 =	vand.u32 $0x3C00, v17;
	v17 =	vand.u32 $0x7F, v18  }
0x1ef: {  	v16 =	vor.u32 v16, v17;
	v17 =	vsub.s32 v15, v1;
	v18 =	vshll.u32 v15, $0xB  }
0x1f0: {  	v15 =	vshll.u32 v15, $0x7;
	vm14 =	vlt.u32 v17, $0x10;
	v17 =	vand.u32 $0x4000, v18  }
0x1f1: {  	v15 =	vand.u32 $0x380, v15;
	v16 =	vor.u32 v17, v16  }
0x1f2: {  	v15 =	vor.u32 v15, v16  }
0x1f3: {  	v17 =	vmpcnt.ones.xlane vm14;
	v16 =	vor.u32 $0x8000, v15  }
0x1f4: {  	s26 =	spop (v2sf)  }
0x1f5: {  	s16 =	sadd.s32 s16, s26;
	(v2sf) =	vpush v17, $0x0  }
0x1f6: {  	s18 =	sshll.u32 s16, $0x1  }
0x1f7: {  	s28 =	sand.u32 $0x7F, s16;
	s18 =	sand.u32 $0xFFFFFF00, s18  }
0x1f8: {  	s29 =	sand.u32 $0x70, s10;
	s18 =	sor.u32 s28, s18;
	[tilespmem:v16+s20+$0x0] =	vst.idx.msk vm14, v5  }
0x1f9: {  	s6 =	sadd.s32 s29, s11;
	[tilespmem:s18+$0x12080] =	vst.msk vm14, v15  }
0x1fa: {  	v15 =	vld.idx.msk [tilespmem:v6+s6+$0x0 ss:$0x1], $0xffff;
	_ =	sdelay $0x1  }
0x1fb: {  	v16 =	vmov s10  }
0x1fc: {  	v17 =	vor.u32 s10, v4;
	v16 =	vshll.u32 v16, $0x3  }
0x1fd: {  	v17 =	vand.u32 $0x7F, v17;
	v16 =	vand.u32 $0x3C00, v16  }
0x1fe: {  	v16 =	vor.u32 v16, v17;
	v18 =	vsub.s32 v15, v1;
	v19 =	vshll.u32 v15, $0xB  }
0x1ff: {  	v15 =	vshll.u32 v15, $0x7;
	vm15 =	vlt.u32 v18, $0x10;
	v18 =	vand.u32 $0x4000, v19  }
0x200: {  	v15 =	vand.u32 $0x380, v15;
	v16 =	vor.u32 v18, v16  }
0x201: {  	v15 =	vor.u32 v15, v16  }
0x202: {  	s14 =	smov.u32 s12;
	v16 =	vor.u32 $0x8000, v15  }
0x203: {  	s14 =	sadd.s32 s14, s17;
	s21 =	spop (v2sf)  }
0x204: {  	s14 =	sand.u32 $0x1F00, s14;
	s16 =	sadd.s32 s16, s21  }
0x205: {  	s22 =	rddreg [dreg:$0x3];
	s10 =	sadd.s32 $0x40, s10;
	s24 =	sshll.u32 s16, $0x1  }
0x206: {  	s25 =	sadd.s32 $0xFFFFFFD0, s10;
	s28 =	sand.u32 $0x7F, s16;
	s18 =	sand.u32 $0xFFFFFF00, s24  }
0x207: {  	s11 =	sadd.s32 s14, s22;
	s26 =	sand.u32 $0x40, s25;
	s14 =	sor.u32 s28, s18;
	[tilespmem:v16+s20+$0x0] =	vst.idx.msk vm15, v5  }
0x208: {  	s29 =	sadd.s32 s26, s11;
	v17 =	vmpcnt.ones.xlane vm15;
	[tilespmem:s14+$0x12080] =	vst.msk vm15, v15  }
0x209: {  	p2 =	sne.s32 s12, $0xF80;
	v19 =	vld.idx.msk [tilespmem:v6+s29+$0x0 ss:$0x1], $0xffff  }
.Ltmp7:
0x20a: {  	(v2sf) =	vpush v17, $0x0;
	v17 =	vmov s25;
	(pc) =	sbr.rel @p2 .LBB2_12-.Ltmp7, $4  }
0x20b: {  	v18 =	vor.u32 s25, v4;
	v17 =	vshll.u32 v17, $0x3  }
0x20c: {  	v17 =	vand.u32 $0x3C00, v17;
	v15 =	vand.u32 $0x4F, v18  }
0x20d: {  	v15 =	vor.u32 v17, v15  }
0x20e: {  	s12 =	sadd.s32 $0x80, s12;
	v16 =	vsub.s32 v19, v1;
	v18 =	vshll.u32 v19, $0xB;
	v17 =	vshll.u32 v19, $0x7  }
0x20f: {  	_ =	sdelay $0x5  }
0x210: {  	v18 =	vand.u32 $0x4000, v18  }
0x211: {  	v17 =	vand.u32 $0x380, v17;
	v15 =	vor.u32 v18, v15  }
0x212: {  	vm0 =	vlt.u32 v16, $0x10;
	v15 =	vor.u32 v17, v15  }
0x213: {  	v16 =	vmpcnt.ones.xlane vm0;
	v17 =	vor.u32 $0x8000, v15  }
0x214: {  	s12 =	spop (v2sf)  }
0x215: {  	(v2sf) =	vpush v16, $0x0;
	s12 =	sadd.s32 s16, s12  }
0x216: {  	s14 =	sshll.u32 s12, $0x1  }
0x217: {  	s18 =	sadd.s32 $0xFFFFFFE0, s10;
	s16 =	sand.u32 $0x7F, s12;
	s14 =	sand.u32 $0xFFFFFF00, s14  }
0x218: {  	s25 =	sand.u32 $0x50, s18;
	[tilespmem:v17+s20+$0x0] =	vst.idx.msk vm0, v5;
	s14 =	sor.u32 s16, s14  }
0x219: {  	s16 =	sadd.s32 s25, s11;
	[tilespmem:s14+$0x12080] =	vst.msk vm0, v15  }
0x21a: {  	v15 =	vld.idx.msk [tilespmem:v6+s16+$0x0 ss:$0x1], $0xffff;
	_ =	sdelay $0x2  }
0x21b: {  	v48 =	vmov s18  }
0x21c: {  	v49 =	vor.u32 s18, v4;
	v16 =	vshll.u32 v48, $0x3  }
0x21d: {  	v16 =	vand.u32 $0x3C00, v16;
	v17 =	vand.u32 $0x7F, v49;
	v50 =	vshll.u32 v15, $0xB  }
0x21e: {  	v16 =	vor.u32 v16, v17;
	v51 =	vshll.u32 v15, $0x7;
	v18 =	vand.u32 $0x4000, v50  }
0x21f: {  	v15 =	vsub.s32 v15, v1;
	v17 =	vand.u32 $0x380, v51;
	v16 =	vor.u32 v18, v16  }
0x220: {  	vm13 =	vlt.u32 v15, $0x10;
	v15 =	vor.u32 v17, v16  }
0x221: {  	v52 =	vmpcnt.ones.xlane vm13;
	v17 =	vor.u32 $0x8000, v15  }
0x222: {  	s26 =	spop (v2sf)  }
0x223: {  	s12 =	sadd.s32 s12, s26;
	(v2sf) =	vpush v52, $0x0  }
0x224: {  	s14 =	sshll.u32 s12, $0x1  }
0x225: {  	s29 =	sadd.s32 $0xFFFFFFF0, s10;
	s28 =	sand.u32 $0x7F, s12;
	s14 =	sand.u32 $0xFFFFFF00, s14  }
0x226: {  	s6 =	sand.u32 $0x60, s29;
	s14 =	sor.u32 s28, s14;
	[tilespmem:v17+s20+$0x0] =	vst.idx.msk vm13, v5  }
0x227: {  	s16 =	sadd.s32 s6, s11;
	[tilespmem:s14+$0x12080] =	vst.msk vm13, v15  }
0x228: {  	v15 =	vld.idx.msk [tilespmem:v6+s16+$0x0 ss:$0x1], $0xffff;
	_ =	sdelay $0x2  }
0x229: {  	v53 =	vmov s29  }
0x22a: {  	v54 =	vor.u32 s29, v4;
	v16 =	vshll.u32 v53, $0x3  }
0x22b: {  	v16 =	vand.u32 $0x3C00, v16;
	v17 =	vand.u32 $0x7F, v54;
	v55 =	vshll.u32 v15, $0xB  }
0x22c: {  	v16 =	vor.u32 v16, v17;
	v56 =	vshll.u32 v15, $0x7;
	v18 =	vand.u32 $0x4000, v55  }
0x22d: {  	v15 =	vsub.s32 v15, v1;
	v17 =	vand.u32 $0x380, v56;
	v16 =	vor.u32 v18, v16  }
0x22e: {  	vm14 =	vlt.u32 v15, $0x10;
	v15 =	vor.u32 v17, v16  }
0x22f: {  	v16 =	vor.u32 $0x8000, v15  }
0x230: {  	s18 =	spop (v2sf)  }
0x231: {  	s12 =	sadd.s32 s12, s18  }
0x232: {  	v57 =	vmpcnt.ones.xlane vm14;
	s14 =	sshll.u32 s12, $0x1  }
0x233: {  	s21 =	sand.u32 $0x7F, s12;
	s14 =	sand.u32 $0xFFFFFF00, s14  }
0x234: {  	s22 =	sand.u32 $0x70, s10;
	(v2sf) =	vpush v57, $0x0;
	s14 =	sor.u32 s21, s14;
	[tilespmem:v16+s20+$0x0] =	vst.idx.msk vm14, v5  }
0x235: {  	s24 =	sadd.s32 s22, s11;
	[tilespmem:s14+$0x12080] =	vst.msk vm14, v15  }
0x236: {  	v15 =	vld.idx.msk [tilespmem:v6+s24+$0x0 ss:$0x1], $0xffff;
	_ =	sdelay $0x4  }
0x237: {  	v58 =	vmov s10;
	v59 =	vsub.s32 v15, v1  }
0x238: {  	v60 =	vor.u32 s10, v4;
	v16 =	vshll.u32 v58, $0x3;
	vm15 =	vlt.u32 v59, $0x10  }
0x239: {  	v61 =	vand.u32 $0x7F, v60;
	v16 =	vand.u32 $0x3C00, v16;
	v62 =	vmpcnt.ones.xlane vm15  }
0x23a: {  	v16 =	vor.u32 v16, v61;
	v63 =	vshll.u32 v15, $0xB  }
0x23b: {  	v15 =	vshll.u32 v15, $0x7;
	v17 =	vand.u32 $0x4000, v63;
	(v2sf) =	vpush v62, $0x0  }
0x23c: {  	v15 =	vand.u32 $0x380, v15;
	v16 =	vor.u32 v17, v16  }
0x23d: {  	v15 =	vor.u32 v15, v16  }
0x23e: {  	v16 =	vor.u32 $0x8000, v15  }
0x23f: {  	s25 =	spop (v2sf)  }
0x240: {  	s10 =	sadd.s32 s12, s25  }
0x241: {  	s26 =	sshll.u32 s10, $0x1  }
0x242: {  	s12 =	sand.u32 $0x7F, s10;
	s11 =	sand.u32 $0xFFFFFF00, s26  }
0x243: {  	s11 =	sor.u32 s12, s11;
	[tilespmem:v16+s20+$0x0] =	vst.idx.msk vm15, v5  }
0x244: {  	s6 =	rddreg [dreg:$0x8];
	s28 =	simm.s32 $0xA000;
	[tilespmem:s11+$0x12080] =	vst.msk vm15, v15  }
0x245: {  	[hbm4b:s6+s4] =	stream.linear.scatter [tilespmem:s28], [sflag:$0x3], $0x4000, $0x38;
	[tilespmem:$0x13100] =	vst v63  }
0x246: {  	s12 =	simm.s32 @p1 $0xA000;
	s11 =	simm.s32 @p1 $0x0  }
0x247: {  	[hbm4b:s6+s11] =	stream.linear.scatter @p1 [tilespmem:s12], [sflag:$0x4], $0x4000, $0x38;
	[tilespmem:$0x13100] =	vst v63  }
0x248: {  	s11 =	simm.s32 @!p1 $0x0;
	s12 =	simm.s32 @!p1 $0xE000;
	s6 =	rddreg [dreg:$0x9]  }
0x249: {  	[hbm4b:s6+s11] =	stream.linear.scatter @!p1 [tilespmem:s12], [sflag:$0x4], $0x4000, $0x38;
	[tilespmem:$0x13100] =	vst v63  }
0x24a: {  	s29 =	spop (v2sf)  }
0x24b: {  	s11 =	simm.s32 $0x1;
	s14 =	sadd.s32 s10, s29  }
.LBB2_14:
0x24c: {  	s10 =	sadd.s32 $0xF, s13  }
0x24d: {  	s6 =	simm.s32 $0x1;
	s12 =	sshra.s32 s10, $0x4  }
0x24e: {  	_ =	swait.ge [sflag:s6], $0x4000;
	p2 =	slt.s32 s12, $0x1  }
.Ltmp8:
0x24f: {  	[sflag:s6] =	ssyncset.done $0x0;
	(pc) =	sbr.rel @p2 .LBB2_20-.Ltmp8, $4  }
0x250: {  	[sflag:s6] =	ssyncadd.s32 $0xFFFFC000  }
0x251: {  	_ =	swait.ge [sflag:s19], $0x4000  }
0x252: {  	[sflag:s19] =	ssyncset.done $0x0  }
0x253: {  	[sflag:s19] =	ssyncadd.s32 $0xFFFFC000  }
0x254: {  	p3 =	sne.s32 s12, $0x1  }
.Ltmp9:
0x255: {  	_ = 	snop;
	(pc) =	sbr.rel @!p3 .LBB2_16-.Ltmp9, $3  }
0x256: {  	_ =	sdelay $0x1  }
0x257: {  	s10 =	simm.s32 $0x0;
	v15 =	vmov s13;
	s13 =	sadd.s32 $0xFFFFFFFF, s12  }
0x258: {  	p2 =	por $0x0, $0x0;
	s16 =	sand.u32 $0x70, s10;
	s18 =	sand.u32 $0xFFFFFF00, s10  }
0x259: {  	s12 =	sor.u32 s16, s18  }
0x25a: {  	v16 =	vld [tilespmem:s12+$0x12000];
	_ =	sdelay $0x2  }
0x25b: {  	v17 =	vor.u32 s10, v4  }
0x25c: {  	p3 =	sne.s32 s13, $0x1;
	vm0 =	vlt.s32 v17, v15  }
.Ltmp10:
0x25d: {  	v16 =	vand.u32 $0x7FFF, v16;
	(pc) =	sbr.rel @!p3 .LBB2_19-.Ltmp10, $3  }
0x25e: {  	_ =	sdelay $0x1  }
0x25f: {  	s10 =	simm.s32 $0x10;
	s13 =	sadd.s32 $0xFFFFFFFF, s13;
	s12 =	simm.s32 $0x20  }
0x260: {  	p2 =	por $0x1, $0x1;
	s16 =	sand.u32 $0x70, s10;
	s18 =	sand.u32 $0xFFFFFF00, s12  }
.LBB2_18:
0x261: {  	p3 =	sne.s32 s13, $0x1;
	s16 =	sor.u32 s16, s18;
	[tilespmem:v16+s20+$0x0] =	vst.idx.msk vm0, v2  }
0x262: {  	v16 =	vld [tilespmem:s16+$0x12000];
	_ =	sdelay $0x2  }
0x263: {  	v17 =	vor.u32 s10, v4  }
0x264: {  	vm0 =	vlt.s32 v17, v15  }
.Ltmp11:
0x265: {  	v16 =	vand.u32 $0x7FFF, v16;
	(pc) =	sbr.rel @p3 .LBB2_18-.Ltmp11, $3  }
0x266: {  	_ =	sdelay $0x1  }
0x267: {  	s12 =	sadd.s32 $0x20, s12;
	s10 =	sadd.s32 $0x10, s10  }
0x268: {  	s13 =	sadd.s32 $0xFFFFFFFF, s13;
	s16 =	sand.u32 $0x70, s10;
	s18 =	sand.u32 $0xFFFFFF00, s12  }
.LBB2_19:
0x269: {  	_ =	sdelay $0x4  }
0x26a: {  	s12 =	sor.u32 s16, s18;
	[tilespmem:v16+s20+$0x0] =	vst.idx.msk @p2 vm0, v2  }
0x26b: {  	v16 =	vld [tilespmem:s12+$0x12000];
	_ =	sdelay $0x2  }
0x26c: {  	v17 =	vor.u32 s10, v4  }
0x26d: {  	vm15 =	vlt.s32 v17, v15  }
0x26e: {  	v15 =	vand.u32 $0x7FFF, v16;
	_ =	sdelay $0x4  }
0x26f: {  	[tilespmem:v15+s20+$0x0] =	vst.idx.msk vm15, v2  }
.LBB2_20:
0x270: {  	s10 =	sshll.u32 s11, $0x1  }
0x271: {  	s13 =	sadd.s32 s1, s10  }
0x272: {  	s12 =	smulhi.u32 $0x82082083, s13;
	_ =	sdelay $0x1  }
0x273: {  	s12 =	sshrl.u32 s12, $0x6  }
0x274: {  	s16 =	ssub.s32 s12, s5  }
0x275: {  	s18 =	sshll.u32 s16, $0xC;
	s16 =	sshll.u32 s16, $0x7  }
0x276: {  	s16 =	sand.u32 $0x80, s16  }
0x277: {  	s18 =	sand.u32 $0xFFFFE000, s18;
	v15 =	vmov s16  }
0x278: {  	s25 =	sadd.s32 $0x0, s15;
	[dreg:$0x4] =	wrdreg s18  }
0x279: {  	s18 =	sand.u32 $0x1F00, s25;
	s24 =	rddreg [dreg:$0x4]  }
0x27a: {  	s6 =	rddreg [dreg:$0xe];
	s16 =	sadd.s32 s18, s24  }
0x27b: {  	s26 =	smul.u32 $0xFFFFFF82, s12;
	s21 =	sadd.s32 s6, s16  }
0x27c: {  	v17 =	vld.idx.msk [tilespmem:v15+s21+$0x0 ss:$0x1], $0xffff  }
0x27d: {  	s24 =	sadd.s32 s13, s26  }
0x27e: {  	s13 =	sshra.s32 s24, $0x1  }
0x27f: {  	s28 =	sshll.u32 s13, $0x4  }
0x280: {  	v16 =	vmov s28  }
0x281: {  	v18 =	vsub.s32 v17, v16;
	v19 =	vshll.u32 v17, $0xB  }
0x282: {  	v17 =	vshll.u32 v17, $0x7;
	vm0 =	vlt.u32 v18, $0x10;
	v18 =	vand.u32 $0x4000, v19  }
0x283: {  	v17 =	vand.u32 $0x380, v17;
	v18 =	vor.u32 v18, v7;
	v19 =	vmpcnt.ones.xlane vm0  }
0x284: {  	v17 =	vor.u32 v17, v18  }
0x285: {  	(v2sf) =	vpush v19, $0x0;
	_ =	sdelay $0x1  }
0x286: {  	s29 =	simm.s32 $0x0;
	s6 =	simm.s32 $0x0  }
0x287: {  	s18 =	sand.u32 $0x7F, s29;
	s21 =	sand.u32 $0xFFFFFF00, s6  }
0x288: {  	s18 =	sor.u32 s18, s21;
	s21 =	rddreg [dreg:$0xf];
	[tilespmem:v17+s20+$0x0] =	vst.idx.msk vm0, v5  }
0x289: {  	s22 =	sadd.s32 s21, s16;
	[tilespmem:s18+$0x12000] =	vst.msk vm0, v17  }
0x28a: {  	v17 =	vld.idx.msk [tilespmem:v15+s22+$0x0 ss:$0x1], $0xffff;
	_ =	sdelay $0x4  }
0x28b: {  	v18 =	vsub.s32 v17, v16;
	v19 =	vshll.u32 v17, $0xB  }
0x28c: {  	v17 =	vshll.u32 v17, $0x7;
	vm0 =	vlt.u32 v18, $0x10;
	v18 =	vand.u32 $0x4000, v19  }
0x28d: {  	v17 =	vand.u32 $0x380, v17;
	v18 =	vor.u32 v18, v8;
	v19 =	vmpcnt.ones.xlane vm0  }
0x28e: {  	v17 =	vor.u32 v17, v18  }
0x28f: {  	s25 =	spop (v2sf);
	(v2sf) =	vpush v19, $0x0  }
0x290: {  	s18 =	sadd.s32 $0x0, s25  }
0x291: {  	s26 =	sshll.u32 s18, $0x1  }
0x292: {  	s25 =	sand.u32 $0x7F, s18;
	s21 =	sand.u32 $0xFFFFFF00, s26  }
0x293: {  	s28 =	rddreg [dreg:$0x10];
	s21 =	sor.u32 s25, s21;
	[tilespmem:v17+s20+$0x0] =	vst.idx.msk vm0, v5  }
0x294: {  	s29 =	sadd.s32 s28, s16;
	[tilespmem:s21+$0x12000] =	vst.msk vm0, v17  }
0x295: {  	v17 =	vld.idx.msk [tilespmem:v15+s29+$0x0 ss:$0x1], $0xffff;
	_ =	sdelay $0x4  }
0x296: {  	v18 =	vsub.s32 v17, v16;
	v19 =	vshll.u32 v17, $0xB  }
0x297: {  	v17 =	vshll.u32 v17, $0x7;
	vm0 =	vlt.u32 v18, $0x10;
	v18 =	vand.u32 $0x4000, v19  }
0x298: {  	v17 =	vand.u32 $0x380, v17;
	v18 =	vor.u32 v18, v9;
	v19 =	vmpcnt.ones.xlane vm0  }
0x299: {  	v17 =	vor.u32 v17, v18  }
0x29a: {  	s6 =	spop (v2sf);
	(v2sf) =	vpush v19, $0x0  }
0x29b: {  	s18 =	sadd.s32 s18, s6  }
0x29c: {  	s21 =	sshll.u32 s18, $0x1  }
0x29d: {  	s22 =	sand.u32 $0x7F, s18;
	s21 =	sand.u32 $0xFFFFFF00, s21  }
0x29e: {  	s26 =	rddreg [dreg:$0x11];
	s21 =	sor.u32 s22, s21;
	[tilespmem:v17+s20+$0x0] =	vst.idx.msk vm0, v5  }
0x29f: {  	s16 =	sadd.s32 s26, s16;
	[tilespmem:s21+$0x12000] =	vst.msk vm0, v17  }
0x2a0: {  	v17 =	vld.idx.msk [tilespmem:v15+s16+$0x0 ss:$0x1], $0xffff;
	_ =	sdelay $0x4  }
0x2a1: {  	v18 =	vshll.u32 v17, $0xB  }
0x2a2: {  	v19 =	vsub.s32 v17, v16;
	v17 =	vshll.u32 v17, $0x7;
	v18 =	vand.u32 $0x4000, v18  }
0x2a3: {  	vm0 =	vlt.u32 v19, $0x10;
	v17 =	vand.u32 $0x380, v17;
	v18 =	vor.u32 v18, v10  }
0x2a4: {  	v17 =	vor.u32 v17, v18  }
0x2a5: {  	s25 =	rddreg [dreg:$0x4];
	s28 =	spop (v2sf)  }
0x2a6: {  	s29 =	rddreg [dreg:$0xb];
	s6 =	sadd.s32 $0x80, s15;
	s26 =	sadd.s32 s18, s28  }
0x2a7: {  	s21 =	sadd.s32 $0x40, s29;
	s16 =	sand.u32 $0x1F00, s6;
	v19 =	vmpcnt.ones.xlane vm0;
	s28 =	sshll.u32 s26, $0x1  }
0x2a8: {  	s18 =	sadd.s32 $0xFFFFFFD0, s21;
	s29 =	sand.u32 $0x7F, s26;
	s28 =	sand.u32 $0xFFFFFF00, s28  }
0x2a9: {  	s16 =	sadd.s32 s16, s25;
	(v2sf) =	vpush v19, $0x0;
	s22 =	sand.u32 $0x40, s18;
	s29 =	sor.u32 s29, s28;
	[tilespmem:v17+s20+$0x0] =	vst.idx.msk vm0, v5  }
0x2aa: {  	s6 =	sadd.s32 s22, s16;
	[tilespmem:s29+$0x12000] =	vst.msk vm0, v17  }
0x2ab: {  	v18 =	vld.idx.msk [tilespmem:v15+s6+$0x0 ss:$0x1], $0xffff  }
0x2ac: {  	v17 =	vmov s18  }
0x2ad: {  	v20 =	vor.u32 s18, v4;
	v17 =	vshll.u32 v17, $0x3  }
0x2ae: {  	v20 =	vand.u32 $0x4F, v20;
	v17 =	vand.u32 $0x3C00, v17  }
0x2af: {  	v17 =	vor.u32 v17, v20  }
0x2b0: {  	v19 =	vsub.s32 v18, v16;
	v20 =	vshll.u32 v18, $0xB;
	v18 =	vshll.u32 v18, $0x7  }
0x2b1: {  	s18 =	simm.s32 $0x100;
	vm0 =	vlt.u32 v19, $0x10;
	v19 =	vand.u32 $0x4000, v20;
	v18 =	vand.u32 $0x380, v18  }
.LBB2_21:
0x2b2: {  	_ =	sdelay $0x3  }
0x2b3: {  	v17 =	vor.u32 v19, v17;
	v19 =	vmpcnt.ones.xlane vm0  }
0x2b4: {  	v17 =	vor.u32 v18, v17  }
0x2b5: {  	s6 =	spop (v2sf);
	(v2sf) =	vpush v19, $0x0  }
0x2b6: {  	s6 =	sadd.s32 s26, s6  }
0x2b7: {  	s26 =	sshll.u32 s6, $0x1  }
0x2b8: {  	s28 =	sadd.s32 $0xFFFFFFE0, s21;
	s29 =	sand.u32 $0x7F, s6;
	s26 =	sand.u32 $0xFFFFFF00, s26  }
0x2b9: {  	s22 =	sand.u32 $0x50, s28;
	[tilespmem:v17+s20+$0x0] =	vst.idx.msk vm0, v5;
	s26 =	sor.u32 s29, s26  }
0x2ba: {  	s22 =	sadd.s32 s22, s16;
	[tilespmem:s26+$0x12000] =	vst.msk vm0, v17  }
0x2bb: {  	v17 =	vld.idx.msk [tilespmem:v15+s22+$0x0 ss:$0x1], $0xffff;
	_ =	sdelay $0x1  }
0x2bc: {  	v18 =	vmov s28  }
0x2bd: {  	v18 =	vshll.u32 v18, $0x3;
	v19 =	vor.u32 s28, v4  }
0x2be: {  	v18 =	vand.u32 $0x3C00, v18;
	v19 =	vand.u32 $0x7F, v19  }
0x2bf: {  	v18 =	vor.u32 v18, v19;
	v19 =	vsub.s32 v17, v16;
	v20 =	vshll.u32 v17, $0xB  }
0x2c0: {  	v17 =	vshll.u32 v17, $0x7;
	vm0 =	vlt.u32 v19, $0x10;
	v19 =	vand.u32 $0x4000, v20  }
0x2c1: {  	v17 =	vand.u32 $0x380, v17;
	v18 =	vor.u32 v19, v18;
	v19 =	vmpcnt.ones.xlane vm0  }
0x2c2: {  	v17 =	vor.u32 v17, v18  }
0x2c3: {  	s28 =	spop (v2sf);
	(v2sf) =	vpush v19, $0x0  }
0x2c4: {  	s6 =	sadd.s32 s6, s28  }
0x2c5: {  	s22 =	sshll.u32 s6, $0x1  }
0x2c6: {  	s26 =	sadd.s32 $0xFFFFFFF0, s21;
	s28 =	sand.u32 $0x7F, s6;
	s22 =	sand.u32 $0xFFFFFF00, s22  }
0x2c7: {  	s29 =	sand.u32 $0x60, s26;
	s22 =	sor.u32 s28, s22;
	[tilespmem:v17+s20+$0x0] =	vst.idx.msk vm0, v5  }
0x2c8: {  	s29 =	sadd.s32 s29, s16;
	[tilespmem:s22+$0x12000] =	vst.msk vm0, v17  }
0x2c9: {  	v17 =	vld.idx.msk [tilespmem:v15+s29+$0x0 ss:$0x1], $0xffff;
	_ =	sdelay $0x1  }
0x2ca: {  	v18 =	vmov s26  }
0x2cb: {  	v19 =	vor.u32 s26, v4;
	v18 =	vshll.u32 v18, $0x3  }
0x2cc: {  	v18 =	vand.u32 $0x3C00, v18;
	v19 =	vand.u32 $0x7F, v19  }
0x2cd: {  	v18 =	vor.u32 v18, v19;
	v19 =	vsub.s32 v17, v16;
	v20 =	vshll.u32 v17, $0xB  }
0x2ce: {  	v17 =	vshll.u32 v17, $0x7;
	vm0 =	vlt.u32 v19, $0x10;
	v19 =	vand.u32 $0x4000, v20  }
0x2cf: {  	v17 =	vand.u32 $0x380, v17;
	v18 =	vor.u32 v19, v18;
	v19 =	vmpcnt.ones.xlane vm0  }
0x2d0: {  	v17 =	vor.u32 v17, v18  }
0x2d1: {  	s28 =	spop (v2sf);
	(v2sf) =	vpush v19, $0x0  }
0x2d2: {  	s6 =	sadd.s32 s6, s28  }
0x2d3: {  	s22 =	sshll.u32 s6, $0x1  }
0x2d4: {  	s26 =	sand.u32 $0x7F, s6;
	s22 =	sand.u32 $0xFFFFFF00, s22  }
0x2d5: {  	s29 =	sand.u32 $0x70, s21;
	s22 =	sor.u32 s26, s22;
	[tilespmem:v17+s20+$0x0] =	vst.idx.msk vm0, v5  }
0x2d6: {  	s28 =	sadd.s32 s29, s16;
	[tilespmem:s22+$0x12000] =	vst.msk vm0, v17  }
0x2d7: {  	v17 =	vld.idx.msk [tilespmem:v15+s28+$0x0 ss:$0x1], $0xffff;
	_ =	sdelay $0x1  }
0x2d8: {  	v18 =	vmov s21  }
0x2d9: {  	v18 =	vshll.u32 v18, $0x3;
	v19 =	vor.u32 s21, v4  }
0x2da: {  	v19 =	vand.u32 $0x7F, v19;
	v18 =	vand.u32 $0x3C00, v18  }
0x2db: {  	v18 =	vor.u32 v18, v19;
	v20 =	vsub.s32 v17, v16;
	v21 =	vshll.u32 v17, $0xB  }
0x2dc: {  	v17 =	vshll.u32 v17, $0x7;
	vm0 =	vlt.u32 v20, $0x10;
	v20 =	vand.u32 $0x4000, v21  }
0x2dd: {  	v17 =	vand.u32 $0x380, v17;
	v18 =	vor.u32 v20, v18  }
0x2de: {  	s25 =	smov.u32 s18;
	v17 =	vor.u32 v17, v18  }
0x2df: {  	s25 =	sadd.s32 s25, s15;
	s29 =	spop (v2sf)  }
0x2e0: {  	s25 =	sand.u32 $0x1F00, s25;
	s16 =	rddreg [dreg:$0x4];
	s26 =	sadd.s32 s6, s29  }
0x2e1: {  	s21 =	sadd.s32 $0x40, s21;
	s16 =	sadd.s32 s25, s16;
	v19 =	vmpcnt.ones.xlane vm0;
	s29 =	sshll.u32 s26, $0x1  }
0x2e2: {  	s28 =	sadd.s32 $0xFFFFFFD0, s21;
	s22 =	sand.u32 $0x7F, s26;
	s25 =	sand.u32 $0xFFFFFF00, s29  }
0x2e3: {  	v18 =	vmov s28;
	(v2sf) =	vpush v19, $0x0;
	v19 =	vor.u32 s28, v4;
	s28 =	sand.u32 $0x40, s28;
	s6 =	sor.u32 s22, s25;
	[tilespmem:v17+s20+$0x0] =	vst.idx.msk vm0, v5  }
0x2e4: {  	s29 =	sadd.s32 s28, s16;
	[tilespmem:s6+$0x12000] =	vst.msk vm0, v17  }
0x2e5: {  	v20 =	vld.idx.msk [tilespmem:v15+s29+$0x0 ss:$0x1], $0xffff  }
0x2e6: {  	p2 =	sne.s32 s18, $0xF80  }
.Ltmp12:
0x2e7: {  	v18 =	vshll.u32 v18, $0x3;
	(pc) =	sbr.rel @p2 .LBB2_21-.Ltmp12, $4  }
0x2e8: {  	v18 =	vand.u32 $0x3C00, v18;
	v17 =	vand.u32 $0x4F, v19  }
0x2e9: {  	v17 =	vor.u32 v18, v17  }
0x2ea: {  	v18 =	vsub.s32 v20, v16;
	v19 =	vshll.u32 v20, $0xB;
	v20 =	vshll.u32 v20, $0x7  }
0x2eb: {  	s18 =	sadd.s32 $0x80, s18;
	vm0 =	vlt.u32 v18, $0x10;
	v19 =	vand.u32 $0x4000, v19;
	v18 =	vand.u32 $0x380, v20  }
0x2ec: {  	_ =	sdelay $0x3  }
0x2ed: {  	v17 =	vor.u32 v19, v17;
	v47 =	vmpcnt.ones.xlane vm0  }
0x2ee: {  	v17 =	vor.u32 v18, v17  }
0x2ef: {  	(v2sf) =	vpush v47, $0x0;
	s6 =	spop (v2sf)  }
0x2f0: {  	s6 =	sadd.s32 s26, s6  }
0x2f1: {  	s18 =	sshll.u32 s6, $0x1  }
0x2f2: {  	s22 =	sadd.s32 $0xFFFFFFE0, s21;
	s25 =	sand.u32 $0x7F, s6;
	s18 =	sand.u32 $0xFFFFFF00, s18  }
0x2f3: {  	s28 =	sand.u32 $0x50, s22;
	[tilespmem:v17+s20+$0x0] =	vst.idx.msk vm0, v5;
	s18 =	sor.u32 s25, s18  }
0x2f4: {  	s29 =	sadd.s32 s28, s16;
	[tilespmem:s18+$0x12000] =	vst.msk vm0, v17  }
0x2f5: {  	v17 =	vld.idx.msk [tilespmem:v15+s29+$0x0 ss:$0x1], $0xffff;
	_ =	sdelay $0x1  }
0x2f6: {  	v48 =	vmov s22  }
0x2f7: {  	v49 =	vor.u32 s22, v4;
	v18 =	vshll.u32 v48, $0x3  }
0x2f8: {  	v19 =	vand.u32 $0x7F, v49;
	v18 =	vand.u32 $0x3C00, v18  }
0x2f9: {  	v18 =	vor.u32 v18, v19;
	v50 =	vsub.s32 v17, v16;
	v20 =	vshll.u32 v17, $0xB  }
0x2fa: {  	v17 =	vshll.u32 v17, $0x7;
	vm13 =	vlt.u32 v50, $0x10;
	v51 =	vand.u32 $0x4000, v20  }
0x2fb: {  	v17 =	vand.u32 $0x380, v17;
	v18 =	vor.u32 v51, v18;
	v52 =	vmpcnt.ones.xlane vm13  }
0x2fc: {  	v17 =	vor.u32 v17, v18  }
0x2fd: {  	s25 =	spop (v2sf);
	(v2sf) =	vpush v52, $0x0  }
0x2fe: {  	s6 =	sadd.s32 s6, s25  }
0x2ff: {  	s18 =	sshll.u32 s6, $0x1  }
0x300: {  	s22 =	sadd.s32 $0xFFFFFFF0, s21;
	s26 =	sand.u32 $0x7F, s6;
	s18 =	sand.u32 $0xFFFFFF00, s18  }
0x301: {  	s28 =	sand.u32 $0x60, s22;
	s18 =	sor.u32 s26, s18;
	[tilespmem:v17+s20+$0x0] =	vst.idx.msk vm13, v5  }
0x302: {  	s29 =	sadd.s32 s28, s16;
	[tilespmem:s18+$0x12000] =	vst.msk vm13, v17  }
0x303: {  	v17 =	vld.idx.msk [tilespmem:v15+s29+$0x0 ss:$0x1], $0xffff;
	_ =	sdelay $0x1  }
0x304: {  	v53 =	vmov s22  }
0x305: {  	v54 =	vor.u32 s22, v4;
	v18 =	vshll.u32 v53, $0x3  }
0x306: {  	v19 =	vand.u32 $0x7F, v54;
	v18 =	vand.u32 $0x3C00, v18  }
0x307: {  	v18 =	vor.u32 v18, v19;
	v55 =	vshll.u32 v17, $0xB;
	v56 =	vsub.s32 v17, v16  }
0x308: {  	v17 =	vshll.u32 v17, $0x7;
	v19 =	vand.u32 $0x4000, v55;
	vm14 =	vlt.u32 v56, $0x10  }
0x309: {  	v17 =	vand.u32 $0x380, v17;
	v18 =	vor.u32 v19, v18;
	v57 =	vmpcnt.ones.xlane vm14  }
0x30a: {  	v17 =	vor.u32 v17, v18  }
0x30b: {  	s25 =	spop (v2sf);
	(v2sf) =	vpush v57, $0x0  }
0x30c: {  	s6 =	sadd.s32 s6, s25  }
0x30d: {  	s18 =	sshll.u32 s6, $0x1  }
0x30e: {  	s26 =	sand.u32 $0x7F, s6;
	s18 =	sand.u32 $0xFFFFFF00, s18  }
0x30f: {  	s28 =	sand.u32 $0x70, s21;
	s18 =	sor.u32 s26, s18;
	[tilespmem:v17+s20+$0x0] =	vst.idx.msk vm14, v5  }
0x310: {  	s29 =	sadd.s32 s28, s16;
	[tilespmem:s18+$0x12000] =	vst.msk vm14, v17  }
0x311: {  	v15 =	vld.idx.msk [tilespmem:v15+s29+$0x0 ss:$0x1], $0xffff;
	_ =	sdelay $0x1  }
0x312: {  	v58 =	vmov s21  }
0x313: {  	v59 =	vor.u32 s21, v4;
	v17 =	vshll.u32 v58, $0x3  }
0x314: {  	v18 =	vand.u32 $0x7F, v59;
	v61 =	vand.u32 $0x3C00, v17  }
0x315: {  	v60 =	vsub.s32 v15, v16;
	v62 =	vshll.u32 v15, $0xB;
	v15 =	vshll.u32 v15, $0x7  }
0x316: {  	v16 =	vor.u32 v61, v18;
	vm15 =	vlt.u32 v60, $0x10;
	v17 =	vand.u32 $0x4000, v62  }
0x317: {  	v15 =	vand.u32 $0x380, v15;
	v63 =	vmpcnt.ones.xlane vm15;
	v16 =	vor.u32 v17, v16  }
0x318: {  	v15 =	vor.u32 v15, v16  }
0x319: {  	s12 =	smul.u32 $0x3E8000, s12;
	s18 =	sshll.u32 s24, $0xF;
	(v2sf) =	vpush v63, $0x0;
	s21 =	spop (v2sf)  }
0x31a: {  	s22 =	sand.u32 $0xFFFF0000, s18;
	s6 =	sadd.s32 s6, s21  }
0x31b: {  	s16 =	sadd.s32 s12, s22;
	s24 =	sshll.u32 s6, $0x1  }
0x31c: {  	s16 =	sor.u32 s9, s16;
	s25 =	sand.u32 $0x7F, s6;
	s21 =	sand.u32 $0xFFFFFF00, s24  }
0x31d: {  	s16 =	sshrl.u32 s16, $0x3;
	s21 =	sor.u32 s25, s21;
	[tilespmem:v15+s20+$0x0] =	vst.idx.msk vm15, v5  }
0x31e: {  	p2 =	seq.s32 s13, $0x3E;
	s16 =	sadd.s32 s3, s16;
	[tilespmem:s21+$0x12000] =	vst.msk vm15, v15  }
0x31f: {  	[hbm4b:s16+s4] =	stream.linear.scatter [tilespmem:s20], [sflag:$0x1], $0x4000, $0x38;
	[tilespmem:$0x13100] =	vst v63  }
0x320: {  	s13 =	simm.s32 @p2 $0x0;
	s21 =	simm.s32 @p2 $0x2000  }
0x321: {  	[hbm4b:s16+s13] =	stream.linear.scatter @p2 [tilespmem:s21], [sflag:$0x2], $0x4000, $0x38;
	[tilespmem:$0x13100] =	vst v63  }
0x322: {  	s13 =	sor.u32 @!p2 $0x8000, s18  }
0x323: {  	s12 =	sadd.s32 @!p2 s12, s13  }
0x324: {  	s12 =	sor.u32 @!p2 s9, s12  }
0x325: {  	s29 =	sadd.s32 $0xF, s14;
	s12 =	sshrl.u32 @!p2 s12, $0x3  }
0x326: {  	s16 =	simm.s32 @!p2 $0x0;
	s18 =	simm.s32 @!p2 $0x6000;
	s12 =	sadd.s32 @!p2 s3, s12  }
0x327: {  	[hbm4b:s12+s16] =	stream.linear.scatter @!p2 [tilespmem:s18], [sflag:$0x2], $0x4000, $0x38;
	[tilespmem:$0x13100] =	vst v63  }
0x328: {  	s28 =	simm.s32 $0x3;
	s16 =	sshra.s32 s29, $0x4;
	s26 =	spop (v2sf)  }
0x329: {  	p2 =	slt.s32 s16, $0x1;
	_ =	swait.ge [sflag:s28], $0x4000  }
.Ltmp13:
0x32a: {  	[sflag:s28] =	ssyncset.done $0x0;
	(pc) =	sbr.rel @p2 .LBB2_28-.Ltmp13, $4  }
0x32b: {  	[sflag:s28] =	ssyncadd.s32 $0xFFFFC000  }
0x32c: {  	_ =	swait.ge [sflag:s23], $0x4000  }
0x32d: {  	[sflag:s23] =	ssyncset.done $0x0  }
0x32e: {  	s13 =	sadd.s32 s6, s26;
	[sflag:s23] =	ssyncadd.s32 $0xFFFFC000  }
0x32f: {  	p3 =	sne.s32 s16, $0x1  }
.Ltmp14:
0x330: {  	_ = 	snop;
	(pc) =	sbr.rel @!p3 .LBB2_24-.Ltmp14, $3  }
0x331: {  	_ =	sdelay $0x1  }
0x332: {  	s12 =	simm.s32 $0x0;
	s16 =	sadd.s32 $0xFFFFFFFF, s16  }
0x333: {  	v15 =	vmov s14;
	p2 =	por $0x0, $0x0;
	s18 =	sand.u32 $0x70, s12;
	s21 =	sand.u32 $0xFFFFFF00, s12  }
0x334: {  	s6 =	sor.u32 s18, s21  }
0x335: {  	v16 =	vld [tilespmem:s6+$0x12080];
	_ =	sdelay $0x3  }
0x336: {  	v17 =	vor.u32 s12, v4  }
0x337: {  	p3 =	sne.s32 s16, $0x1;
	vm0 =	vlt.s32 v17, v15;
	v16 =	vand.u32 $0x7FFF, v16  }
.Ltmp15:
0x338: {  	v16 =	vor.u32 $0x8000, v16;
	(pc) =	sbr.rel @!p3 .LBB2_27-.Ltmp15, $3  }
0x339: {  	_ =	sdelay $0x1  }
0x33a: {  	s12 =	simm.s32 $0x10;
	s14 =	simm.s32 $0x20;
	s16 =	sadd.s32 $0xFFFFFFFF, s16  }
0x33b: {  	p2 =	por $0x1, $0x1;
	s18 =	sand.u32 $0x70, s12;
	s21 =	sand.u32 $0xFFFFFF00, s14  }
.LBB2_26:
0x33c: {  	p3 =	sne.s32 s16, $0x1;
	s6 =	sor.u32 s18, s21;
	[tilespmem:v16+s20+$0x0] =	vst.idx.msk vm0, v2  }
0x33d: {  	v16 =	vld [tilespmem:s6+$0x12080];
	_ =	sdelay $0x3  }
0x33e: {  	v17 =	vor.u32 s12, v4  }
0x33f: {  	vm0 =	vlt.s32 v17, v15;
	v16 =	vand.u32 $0x7FFF, v16  }
.Ltmp16:
0x340: {  	v16 =	vor.u32 $0x8000, v16;
	(pc) =	sbr.rel @p3 .LBB2_26-.Ltmp16, $3  }
0x341: {  	_ =	sdelay $0x1  }
0x342: {  	s14 =	sadd.s32 $0x20, s14;
	s12 =	sadd.s32 $0x10, s12  }
0x343: {  	s16 =	sadd.s32 $0xFFFFFFFF, s16;
	s18 =	sand.u32 $0x70, s12;
	s21 =	sand.u32 $0xFFFFFF00, s14  }
.LBB2_27:
0x344: {  	_ =	sdelay $0x4  }
0x345: {  	s6 =	sor.u32 s18, s21;
	[tilespmem:v16+s20+$0x0] =	vst.idx.msk @p2 vm0, v2  }
0x346: {  	v16 =	vld [tilespmem:s6+$0x12080];
	_ =	sdelay $0x3  }
0x347: {  	v17 =	vor.u32 s12, v4  }
0x348: {  	vm15 =	vlt.s32 v17, v15;
	v15 =	vand.u32 $0x7FFF, v16  }
0x349: {  	v15 =	vor.u32 $0x8000, v15;
	_ =	sdelay $0x4  }
0x34a: {  	[tilespmem:v15+s20+$0x0] =	vst.idx.msk vm15, v2  }
.LBB2_28:
0x34b: {  	s6 =	sor.u32 $0x1, s10  }
0x34c: {  	s18 =	sadd.s32 s1, s6  }
0x34d: {  	s6 =	smulhi.u32 $0x82082083, s18;
	_ =	sdelay $0x1  }
0x34e: {  	s14 =	sshrl.u32 s6, $0x6  }
0x34f: {  	s6 =	ssub.s32 s14, s5  }
0x350: {  	s12 =	sshll.u32 s6, $0xC;
	s6 =	sshll.u32 s6, $0x7  }
0x351: {  	s6 =	sand.u32 $0x80, s6  }
0x352: {  	s10 =	sand.u32 $0xFFFFE000, s12;
	v15 =	vmov s6  }
0x353: {  	s21 =	sadd.s32 $0x0, s17;
	[dreg:$0x5] =	wrdreg s10  }
0x354: {  	s10 =	sand.u32 $0x1F00, s21;
	s16 =	rddreg [dreg:$0x5]  }
0x355: {  	s16 =	sadd.s32 s10, s16  }
0x356: {  	s6 =	sadd.s32 s30, s16  }
0x357: {  	v17 =	vld.idx.msk [tilespmem:v15+s6+$0x0 ss:$0x1], $0xffff  }
0x358: {  	s22 =	smul.u32 $0xFFFFFF82, s14;
	_ =	sdelay $0x1  }
0x359: {  	s12 =	sadd.s32 s18, s22  }
0x35a: {  	s10 =	sshra.s32 s12, $0x1  }
0x35b: {  	s24 =	sshll.u32 s10, $0x4;
	v18 =	vshll.u32 v17, $0xB  }
0x35c: {  	v16 =	vmov s24;
	v19 =	vshll.u32 v17, $0x7;
	v18 =	vand.u32 $0x4000, v18  }
0x35d: {  	v17 =	vsub.s32 v17, v16;
	v19 =	vand.u32 $0x380, v19;
	v18 =	vor.u32 v18, v11  }
0x35e: {  	vm0 =	vlt.u32 v17, $0x10;
	v17 =	vor.u32 v19, v18  }
0x35f: {  	v18 =	vmpcnt.ones.xlane vm0;
	v19 =	vor.u32 $0x8000, v17;
	_ =	sdelay $0x1  }
0x360: {  	(v2sf) =	vpush v18, $0x0  }
0x361: {  	s25 =	simm.s32 $0x0;
	s21 =	simm.s32 $0x0  }
0x362: {  	s21 =	sand.u32 $0xFFFFFF00, s21;
	s6 =	sand.u32 $0x7F, s25  }
0x363: {  	s6 =	sor.u32 s6, s21;
	[tilespmem:v19+s20+$0x0] =	vst.idx.msk vm0, v5  }
0x364: {  	s26 =	sadd.s32 s31, s16;
	[tilespmem:s6+$0x12080] =	vst.msk vm0, v17  }
0x365: {  	v17 =	vld.idx.msk [tilespmem:v15+s26+$0x0 ss:$0x1], $0xffff;
	_ =	sdelay $0x4  }
0x366: {  	v18 =	vshll.u32 v17, $0xB  }
0x367: {  	v19 =	vshll.u32 v17, $0x7;
	v18 =	vand.u32 $0x4000, v18  }
0x368: {  	v17 =	vsub.s32 v17, v16;
	v19 =	vand.u32 $0x380, v19;
	v18 =	vor.u32 v18, v12  }
0x369: {  	vm13 =	vlt.u32 v17, $0x10;
	v17 =	vor.u32 v19, v18  }
0x36a: {  	v18 =	vmpcnt.ones.xlane vm13;
	v19 =	vor.u32 $0x8000, v17  }
0x36b: {  	s28 =	spop (v2sf)  }
0x36c: {  	s6 =	sadd.s32 $0x0, s28;
	(v2sf) =	vpush v18, $0x0  }
0x36d: {  	s29 =	sshll.u32 s6, $0x1  }
0x36e: {  	s22 =	sand.u32 $0x7F, s6;
	s21 =	sand.u32 $0xFFFFFF00, s29  }
0x36f: {  	s21 =	sor.u32 s22, s21;
	[tilespmem:v19+s20+$0x0] =	vst.idx.msk vm13, v5  }
0x370: {  	s24 =	sadd.s32 s2, s16;
	[tilespmem:s21+$0x12080] =	vst.msk vm13, v17  }
0x371: {  	v17 =	vld.idx.msk [tilespmem:v15+s24+$0x0 ss:$0x1], $0xffff;
	_ =	sdelay $0x4  }
0x372: {  	v18 =	vshll.u32 v17, $0xB  }
0x373: {  	v19 =	vsub.s32 v17, v16;
	v17 =	vshll.u32 v17, $0x7;
	v18 =	vand.u32 $0x4000, v18  }
0x374: {  	v17 =	vand.u32 $0x380, v17;
	v18 =	vor.u32 v18, v13  }
0x375: {  	vm14 =	vlt.u32 v19, $0x10;
	v17 =	vor.u32 v17, v18  }
0x376: {  	v19 =	vmpcnt.ones.xlane vm14;
	v18 =	vor.u32 $0x8000, v17  }
0x377: {  	s25 =	spop (v2sf)  }
0x378: {  	(v2sf) =	vpush v19, $0x0;
	s6 =	sadd.s32 s6, s25  }
0x379: {  	s21 =	sshll.u32 s6, $0x1  }
0x37a: {  	s26 =	sand.u32 $0x7F, s6;
	s21 =	sand.u32 $0xFFFFFF00, s21  }
0x37b: {  	s21 =	sor.u32 s26, s21;
	[tilespmem:v18+s20+$0x0] =	vst.idx.msk vm14, v5  }
0x37c: {  	s16 =	sadd.s32 s0, s16;
	[tilespmem:s21+$0x12080] =	vst.msk vm14, v17  }
0x37d: {  	v17 =	vld.idx.msk [tilespmem:v15+s16+$0x0 ss:$0x1], $0xffff;
	_ =	sdelay $0x4  }
0x37e: {  	v18 =	vshll.u32 v17, $0xB  }
0x37f: {  	v19 =	vshll.u32 v17, $0x7;
	v18 =	vand.u32 $0x4000, v18  }
0x380: {  	v17 =	vsub.s32 v17, v16;
	v19 =	vand.u32 $0x380, v19;
	v18 =	vor.u32 v18, v14  }
0x381: {  	vm15 =	vlt.u32 v17, $0x10;
	v17 =	vor.u32 v19, v18  }
0x382: {  	v18 =	vor.u32 $0x8000, v17  }
0x383: {  	s21 =	rddreg [dreg:$0xc];
	s28 =	spop (v2sf)  }
0x384: {  	s29 =	sadd.s32 $0x80, s17;
	s21 =	sadd.s32 $0x40, s21;
	s26 =	sadd.s32 s6, s28  }
0x385: {  	s22 =	sand.u32 $0x1F00, s29;
	s25 =	sadd.s32 $0xFFFFFFD0, s21;
	s16 =	sshll.u32 s26, $0x1  }
0x386: {  	s6 =	rddreg [dreg:$0x5];
	s29 =	sand.u32 $0x7F, s26;
	s24 =	sand.u32 $0xFFFFFF00, s16  }
0x387: {  	s28 =	sand.u32 $0x40, s25;
	s16 =	sadd.s32 s22, s6;
	s24 =	sor.u32 s29, s24;
	[tilespmem:v18+s20+$0x0] =	vst.idx.msk vm15, v5  }
0x388: {  	s29 =	sadd.s32 s28, s16;
	v18 =	vmpcnt.ones.xlane vm15;
	[tilespmem:s24+$0x12080] =	vst.msk vm15, v17  }
0x389: {  	v19 =	vld.idx.msk [tilespmem:v15+s29+$0x0 ss:$0x1], $0xffff  }
0x38a: {  	v17 =	vmov s25;
	(v2sf) =	vpush v18, $0x0  }
0x38b: {  	v20 =	vor.u32 s25, v4;
	v17 =	vshll.u32 v17, $0x3  }
0x38c: {  	v20 =	vand.u32 $0x4F, v20;
	v17 =	vand.u32 $0x3C00, v17  }
0x38d: {  	v17 =	vor.u32 v17, v20  }
0x38e: {  	s24 =	sand.u32 $0x1, s18;
	s18 =	simm.s32 $0x100;
	v18 =	vsub.s32 v19, v16;
	v20 =	vshll.u32 v19, $0xB;
	v19 =	vshll.u32 v19, $0x7  }
.LBB2_29:
0x38f: {  	_ =	sdelay $0x5  }
0x390: {  	v20 =	vand.u32 $0x4000, v20  }
0x391: {  	vm0 =	vlt.u32 v18, $0x10;
	v18 =	vand.u32 $0x380, v19;
	v17 =	vor.u32 v20, v17  }
0x392: {  	v17 =	vor.u32 v18, v17  }
0x393: {  	v18 =	vmpcnt.ones.xlane vm0;
	v19 =	vor.u32 $0x8000, v17  }
0x394: {  	s6 =	spop (v2sf)  }
0x395: {  	(v2sf) =	vpush v18, $0x0;
	s6 =	sadd.s32 s26, s6  }
0x396: {  	s22 =	sshll.u32 s6, $0x1  }
0x397: {  	s28 =	sadd.s32 $0xFFFFFFE0, s21;
	s26 =	sand.u32 $0x7F, s6;
	s22 =	sand.u32 $0xFFFFFF00, s22  }
0x398: {  	s29 =	sand.u32 $0x50, s28;
	[tilespmem:v19+s20+$0x0] =	vst.idx.msk vm0, v5;
	s22 =	sor.u32 s26, s22  }
0x399: {  	s26 =	sadd.s32 s29, s16;
	[tilespmem:s22+$0x12080] =	vst.msk vm0, v17  }
0x39a: {  	v17 =	vld.idx.msk [tilespmem:v15+s26+$0x0 ss:$0x1], $0xffff;
	_ =	sdelay $0x1  }
0x39b: {  	v18 =	vmov s28  }
0x39c: {  	v20 =	vor.u32 s28, v4;
	v18 =	vshll.u32 v18, $0x3  }
0x39d: {  	v19 =	vand.u32 $0x7F, v20;
	v18 =	vand.u32 $0x3C00, v18  }
0x39e: {  	v18 =	vor.u32 v18, v19;
	v19 =	vsub.s32 v17, v16;
	v20 =	vshll.u32 v17, $0xB  }
0x39f: {  	v17 =	vshll.u32 v17, $0x7;
	vm13 =	vlt.u32 v19, $0x10;
	v19 =	vand.u32 $0x4000, v20  }
0x3a0: {  	v17 =	vand.u32 $0x380, v17;
	v18 =	vor.u32 v19, v18  }
0x3a1: {  	v17 =	vor.u32 v17, v18  }
0x3a2: {  	v19 =	vmpcnt.ones.xlane vm13;
	v18 =	vor.u32 $0x8000, v17  }
0x3a3: {  	s28 =	spop (v2sf)  }
0x3a4: {  	(v2sf) =	vpush v19, $0x0;
	s6 =	sadd.s32 s6, s28  }
0x3a5: {  	s22 =	sshll.u32 s6, $0x1  }
0x3a6: {  	s28 =	sadd.s32 $0xFFFFFFF0, s21;
	s29 =	sand.u32 $0x7F, s6;
	s22 =	sand.u32 $0xFFFFFF00, s22  }
0x3a7: {  	s22 =	sor.u32 s29, s22;
	s29 =	sand.u32 $0x60, s28;
	[tilespmem:v18+s20+$0x0] =	vst.idx.msk vm13, v5  }
0x3a8: {  	s26 =	sadd.s32 s29, s16;
	[tilespmem:s22+$0x12080] =	vst.msk vm13, v17  }
0x3a9: {  	v17 =	vld.idx.msk [tilespmem:v15+s26+$0x0 ss:$0x1], $0xffff;
	_ =	sdelay $0x1  }
0x3aa: {  	v19 =	vmov s28  }
0x3ab: {  	v20 =	vor.u32 s28, v4;
	v19 =	vshll.u32 v19, $0x3  }
0x3ac: {  	v18 =	vand.u32 $0x3C00, v19;
	v19 =	vand.u32 $0x7F, v20  }
0x3ad: {  	v18 =	vor.u32 v18, v19;
	v19 =	vsub.s32 v17, v16;
	v20 =	vshll.u32 v17, $0xB  }
0x3ae: {  	v17 =	vshll.u32 v17, $0x7;
	vm14 =	vlt.u32 v19, $0x10;
	v19 =	vand.u32 $0x4000, v20  }
0x3af: {  	v17 =	vand.u32 $0x380, v17;
	v18 =	vor.u32 v19, v18  }
0x3b0: {  	v17 =	vor.u32 v17, v18  }
0x3b1: {  	v19 =	vmpcnt.ones.xlane vm14;
	v18 =	vor.u32 $0x8000, v17  }
0x3b2: {  	s26 =	spop (v2sf)  }
0x3b3: {  	s6 =	sadd.s32 s6, s26;
	(v2sf) =	vpush v19, $0x0  }
0x3b4: {  	s22 =	sshll.u32 s6, $0x1  }
0x3b5: {  	s28 =	sand.u32 $0x7F, s6;
	s22 =	sand.u32 $0xFFFFFF00, s22  }
0x3b6: {  	s29 =	sand.u32 $0x70, s21;
	s22 =	sor.u32 s28, s22;
	[tilespmem:v18+s20+$0x0] =	vst.idx.msk vm14, v5  }
0x3b7: {  	s26 =	sadd.s32 s29, s16;
	[tilespmem:s22+$0x12080] =	vst.msk vm14, v17  }
0x3b8: {  	v17 =	vld.idx.msk [tilespmem:v15+s26+$0x0 ss:$0x1], $0xffff;
	_ =	sdelay $0x1  }
0x3b9: {  	v18 =	vmov s21  }
0x3ba: {  	v19 =	vor.u32 s21, v4;
	v18 =	vshll.u32 v18, $0x3  }
0x3bb: {  	v19 =	vand.u32 $0x7F, v19;
	v18 =	vand.u32 $0x3C00, v18  }
0x3bc: {  	v18 =	vor.u32 v18, v19;
	v20 =	vsub.s32 v17, v16;
	v21 =	vshll.u32 v17, $0xB  }
0x3bd: {  	v17 =	vshll.u32 v17, $0x7;
	vm15 =	vlt.u32 v20, $0x10;
	v20 =	vand.u32 $0x4000, v21  }
0x3be: {  	v17 =	vand.u32 $0x380, v17;
	v18 =	vor.u32 v20, v18  }
0x3bf: {  	v17 =	vor.u32 v17, v18  }
0x3c0: {  	s25 =	smov.u32 s18;
	v18 =	vor.u32 $0x8000, v17  }
0x3c1: {  	s29 =	sadd.s32 s25, s17;
	s28 =	spop (v2sf)  }
0x3c2: {  	s29 =	sand.u32 $0x1F00, s29;
	s21 =	sadd.s32 $0x40, s21;
	s26 =	sadd.s32 s6, s28  }
0x3c3: {  	s6 =	rddreg [dreg:$0x5];
	s28 =	sadd.s32 $0xFFFFFFD0, s21;
	s16 =	sshll.u32 s26, $0x1  }
0x3c4: {  	s25 =	sand.u32 $0xFFFFFF00, s16;
	s16 =	sadd.s32 s29, s6;
	s29 =	sand.u32 $0x7F, s26  }
0x3c5: {  	s22 =	sand.u32 $0x40, s28;
	s6 =	sor.u32 s29, s25;
	[tilespmem:v18+s20+$0x0] =	vst.idx.msk vm15, v5  }
0x3c6: {  	v19 =	vmpcnt.ones.xlane vm15;
	s22 =	sadd.s32 s22, s16;
	[tilespmem:s6+$0x12080] =	vst.msk vm15, v17  }
0x3c7: {  	p2 =	sne.s32 s18, $0xF80;
	v21 =	vld.idx.msk [tilespmem:v15+s22+$0x0 ss:$0x1], $0xffff  }
.Ltmp17:
0x3c8: {  	(v2sf) =	vpush v19, $0x0;
	v19 =	vmov s28;
	(pc) =	sbr.rel @p2 .LBB2_29-.Ltmp17, $4  }
0x3c9: {  	v20 =	vor.u32 s28, v4;
	v19 =	vshll.u32 v19, $0x3  }
0x3ca: {  	v19 =	vand.u32 $0x3C00, v19;
	v17 =	vand.u32 $0x4F, v20  }
0x3cb: {  	v17 =	vor.u32 v19, v17  }
0x3cc: {  	s18 =	sadd.s32 $0x80, s18;
	v18 =	vsub.s32 v21, v16;
	v20 =	vshll.u32 v21, $0xB;
	v19 =	vshll.u32 v21, $0x7  }
0x3cd: {  	_ =	sdelay $0x5  }
0x3ce: {  	v20 =	vand.u32 $0x4000, v20  }
0x3cf: {  	v19 =	vand.u32 $0x380, v19;
	v17 =	vor.u32 v20, v17  }
0x3d0: {  	vm0 =	vlt.u32 v18, $0x10;
	v17 =	vor.u32 v19, v17  }
0x3d1: {  	v18 =	vmpcnt.ones.xlane vm0;
	v19 =	vor.u32 $0x8000, v17  }
0x3d2: {  	s6 =	spop (v2sf)  }
0x3d3: {  	(v2sf) =	vpush v18, $0x0;
	s6 =	sadd.s32 s26, s6  }
0x3d4: {  	s18 =	sshll.u32 s6, $0x1  }
0x3d5: {  	s25 =	sadd.s32 $0xFFFFFFE0, s21;
	s22 =	sand.u32 $0x7F, s6;
	s18 =	sand.u32 $0xFFFFFF00, s18  }
0x3d6: {  	s29 =	sand.u32 $0x50, s25;
	[tilespmem:v19+s20+$0x0] =	vst.idx.msk vm0, v5;
	s18 =	sor.u32 s22, s18  }
0x3d7: {  	s22 =	sadd.s32 s29, s16;
	[tilespmem:s18+$0x12080] =	vst.msk vm0, v17  }
0x3d8: {  	v17 =	vld.idx.msk [tilespmem:v15+s22+$0x0 ss:$0x1], $0xffff;
	_ =	sdelay $0x2  }
0x3d9: {  	v46 =	vmov s25  }
0x3da: {  	v47 =	vor.u32 s25, v4;
	v18 =	vshll.u32 v46, $0x3  }
0x3db: {  	v19 =	vand.u32 $0x7F, v47;
	v18 =	vand.u32 $0x3C00, v18;
	v48 =	vshll.u32 v17, $0xB  }
0x3dc: {  	v18 =	vor.u32 v18, v19;
	v49 =	vshll.u32 v17, $0x7;
	v20 =	vand.u32 $0x4000, v48  }
0x3dd: {  	v17 =	vsub.s32 v17, v16;
	v19 =	vand.u32 $0x380, v49;
	v18 =	vor.u32 v20, v18  }
0x3de: {  	vm13 =	vlt.u32 v17, $0x10;
	v50 =	vor.u32 v19, v18  }
0x3df: {  	v51 =	vmpcnt.ones.xlane vm13;
	v19 =	vor.u32 $0x8000, v50  }
0x3e0: {  	s25 =	spop (v2sf)  }
0x3e1: {  	(v2sf) =	vpush v51, $0x0;
	s6 =	sadd.s32 s6, s25  }
0x3e2: {  	s18 =	sshll.u32 s6, $0x1  }
0x3e3: {  	s28 =	sadd.s32 $0xFFFFFFF0, s21;
	s26 =	sand.u32 $0x7F, s6;
	s18 =	sand.u32 $0xFFFFFF00, s18  }
0x3e4: {  	s29 =	sand.u32 $0x60, s28;
	s18 =	sor.u32 s26, s18;
	[tilespmem:v19+s20+$0x0] =	vst.idx.msk vm13, v5  }
0x3e5: {  	s22 =	sadd.s32 s29, s16;
	[tilespmem:s18+$0x12080] =	vst.msk vm13, v50  }
0x3e6: {  	v17 =	vld.idx.msk [tilespmem:v15+s22+$0x0 ss:$0x1], $0xffff;
	_ =	sdelay $0x2  }
0x3e7: {  	v52 =	vmov s28  }
0x3e8: {  	v53 =	vor.u32 s28, v4;
	v18 =	vshll.u32 v52, $0x3  }
0x3e9: {  	v18 =	vand.u32 $0x3C00, v18;
	v19 =	vand.u32 $0x7F, v53;
	v54 =	vshll.u32 v17, $0xB  }
0x3ea: {  	v18 =	vor.u32 v18, v19;
	v55 =	vshll.u32 v17, $0x7;
	v20 =	vand.u32 $0x4000, v54  }
0x3eb: {  	v17 =	vsub.s32 v17, v16;
	v19 =	vand.u32 $0x380, v55;
	v18 =	vor.u32 v20, v18  }
0x3ec: {  	vm14 =	vlt.u32 v17, $0x10;
	v56 =	vor.u32 v19, v18  }
0x3ed: {  	v57 =	vmpcnt.ones.xlane vm14;
	v19 =	vor.u32 $0x8000, v56  }
0x3ee: {  	s25 =	spop (v2sf)  }
0x3ef: {  	s6 =	sadd.s32 s6, s25;
	(v2sf) =	vpush v57, $0x0  }
0x3f0: {  	s18 =	sshll.u32 s6, $0x1  }
0x3f1: {  	s26 =	sand.u32 $0x7F, s6;
	s18 =	sand.u32 $0xFFFFFF00, s18  }
0x3f2: {  	s28 =	sand.u32 $0x70, s21;
	s18 =	sor.u32 s26, s18;
	[tilespmem:v19+s20+$0x0] =	vst.idx.msk vm14, v5  }
0x3f3: {  	s29 =	sadd.s32 s28, s16;
	[tilespmem:s18+$0x12080] =	vst.msk vm14, v56  }
0x3f4: {  	v15 =	vld.idx.msk [tilespmem:v15+s29+$0x0 ss:$0x1], $0xffff;
	_ =	sdelay $0x2  }
0x3f5: {  	v58 =	vmov s21  }
0x3f6: {  	v59 =	vor.u32 s21, v4;
	v17 =	vshll.u32 v58, $0x3  }
0x3f7: {  	v17 =	vand.u32 $0x3C00, v17;
	v18 =	vand.u32 $0x7F, v59;
	v60 =	vshll.u32 v15, $0xB  }
0x3f8: {  	v17 =	vor.u32 v17, v18;
	v61 =	vshll.u32 v15, $0x7;
	v19 =	vand.u32 $0x4000, v60  }
0x3f9: {  	v15 =	vsub.s32 v15, v16;
	v62 =	vand.u32 $0x380, v61;
	v17 =	vor.u32 v19, v17  }
0x3fa: {  	vm15 =	vlt.u32 v15, $0x10;
	v15 =	vor.u32 v62, v17  }
0x3fb: {  	v16 =	vor.u32 $0x8000, v15  }
0x3fc: {  	s14 =	smul.u32 $0x3E8000, s14;
	s12 =	sshll.u32 s12, $0xF;
	s21 =	spop (v2sf)  }
0x3fd: {  	s22 =	sand.u32 $0xFFFF0000, s12;
	s6 =	sadd.s32 s6, s21  }
0x3fe: {  	s16 =	sadd.s32 s14, s22;
	v63 =	vmpcnt.ones.xlane vm15;
	s21 =	sshll.u32 s24, $0xE;
	s25 =	sshll.u32 s6, $0x1  }
0x3ff: {  	s26 =	sand.u32 $0x7F, s6;
	s16 =	sor.u32 s21, s16;
	s18 =	sand.u32 $0xFFFFFF00, s25  }
0x400: {  	(v2sf) =	vpush v63, $0x0;
	s16 =	sshrl.u32 s16, $0x3;
	s18 =	sor.u32 s26, s18;
	[tilespmem:v16+s20+$0x0] =	vst.idx.msk vm15, v5  }
0x401: {  	p2 =	seq.s32 s10, $0x3E;
	s28 =	simm.s32 $0xA000;
	s16 =	sadd.s32 s3, s16;
	[tilespmem:s18+$0x12080] =	vst.msk vm15, v15  }
0x402: {  	[hbm4b:s16+s4] =	stream.linear.scatter [tilespmem:s28], [sflag:$0x3], $0x4000, $0x38;
	[tilespmem:$0x13100] =	vst v63  }
0x403: {  	s10 =	simm.s32 @p2 $0x0;
	s18 =	simm.s32 @p2 $0xA000  }
0x404: {  	[hbm4b:s16+s10] =	stream.linear.scatter @p2 [tilespmem:s18], [sflag:$0x4], $0x4000, $0x38;
	[tilespmem:$0x13100] =	vst v63  }
0x405: {  	s10 =	sor.u32 @!p2 $0x8000, s12  }
0x406: {  	s10 =	sadd.s32 @!p2 s14, s10  }
0x407: {  	s10 =	sor.u32 @!p2 s21, s10  }
0x408: {  	s11 =	sadd.s32 $0x1, s11;
	s10 =	sshrl.u32 @!p2 s10, $0x3  }
0x409: {  	s12 =	simm.s32 @!p2 $0x0;
	s14 =	simm.s32 @!p2 $0xE000;
	s10 =	sadd.s32 @!p2 s3, s10  }
0x40a: {  	[hbm4b:s10+s12] =	stream.linear.scatter @!p2 [tilespmem:s14], [sflag:$0x4], $0x4000, $0x38;
	[tilespmem:$0x13100] =	vst v63  }
0x40b: {  	p2 =	sne.s32 s11, $0x34  }
.Ltmp18:
0x40c: {  	_ = 	snop;
	(pc) =	sbr.rel @p2 .LBB2_14-.Ltmp18, $4  }
.Ltmp19:
0x40d: {  	_ = 	snop;
	(pc) =	sbr.rel @!p2 .LBB2_31-.Ltmp19, $4  }
0x40e: {  	_ = 	snop  }
0x40f: {  	s29 =	spop (v2sf)  }
0x410: {  	s14 =	sadd.s32 s6, s29  }
0x411: {  	_ = 	snop  }
.LBB2_16:
.Ltmp20:
0x412: {  	(pc) =	sbr.rel .LBB2_19-.Ltmp20, $2  }
0x413: {  	_ =	sdelay $0x2  }
0x414: {  	_ = 	snop  }
.LBB2_24:
.Ltmp21:
0x415: {  	(pc) =	sbr.rel .LBB2_27-.Ltmp21, $2  }
0x416: {  	_ =	sdelay $0x2  }
0x417: {  	_ = 	snop  }
.LBB2_32:
0x418: {  	_ =	sfence.sel $0x180000  }
0x419: {  	[bflag:$0x0] =	sbarrier.arrive $0xFFFF  }
0x41a: {  	_ =	strace $0x90000047  }
0x41b: {  	s0 =	stileid.u32;
	[bflag:$0x2] =	sbarrier.arrive $0xFFFF  }
0x41c: {  	p0 =	sne.s32 s0, $0x0;
	s0 =	rddreg [dreg:$0x2]  }
0x41d: {  	s0 =	sadd.s32 @!p0 $0x100000, s0  }
0x41e: {  	[sflag:s0] =	ssyncadd.tile.s32 @!p0 $0x1;
	_ =	shalt  }
.Lfunc_end2:
_tile_overlayer_lowered:
.L_overlay_start_2:
0x41f: {  	(tag) =	ssettag $0x2  }
0x420: {  	s0 =	rddreg [dreg:$0x0];
	s2 =	stileid.u32  }
0x421: {  	s1 =	rddreg [dreg:$0x1];
	p0 =	sne.s32 s2, $0x0  }
0x422: {  	s3 =	rddreg [dreg:$0x2];
	[bflag:$0x3] =	sbarrier.arrive $0xFFFF;
	s2 =	simm.s32 @!p0 $0x1C05  }
0x423: {  	[timem:s3], [sflag:s2] =	dma.local @!p0 [hbm:s0], s1  }
0x424: {  	s0 =	simm.s32 @!p0 $0x5  }
0x425: {  	_ =	swait.ge @!p0 [sflag:s0], s1  }
0x426: {  	s1 =	ssub.s32 @!p0 $0x0, s1;
	[sflag:s0] =	ssyncset.done @!p0 $0x0  }
0x427: {  	[sflag:s0] =	ssyncadd.s32 @!p0 s1  }
0x428: {  	[bflag:$0x3] =	sbarrier.arrive $0xFFFF  }
0x429: {  	_ =	shalt  }

</sc_bundles>
